<compile_context>
chip_gen: v7x
topology: tpu7x:2x2x1
jax: 0.10.2.dev20260603
libtpu: 0.0.44.dev20260713+nightly
codegen_flags: <defaults>
</compile_context>

<pallas_src>
import functools

import jax
import jax.numpy as jnp
from jax import lax
from jax.experimental import pallas as pl
from jax.experimental.pallas import tpu as pltpu
from jax.experimental.pallas import tpu_sc as plsc

N = 10000
NP = 10240
E = 320000
F = 128
H = 32
C = 8

NC = 2
NS = 16
L = 16
CHUNK = 128
CPT = 80
EP = NC * NS * CHUNK * CPT
ER = EP // CHUNK
RPT = NP // NS

R = 2048
GRID = NP // R

_sc_mesh = plsc.VectorSubcoreMesh(core_axis_name="c", subcore_axis_name="s")
_sc_params = pltpu.CompilerParams(needs_layout_passes=False,
                                  use_tc_tiling_on_sc=False)



DR = ER // NS


@functools.partial(
    pl.kernel,
    out_type=(jax.ShapeDtypeStruct((NC, NP, H), jnp.float32),
              jax.ShapeDtypeStruct((NC, NP), jnp.float32)),
    mesh=_sc_mesh,
    scratch_types=[
        pltpu.VMEM((DR * CHUNK,), jnp.int32),
        pltpu.VMEM((DR * CHUNK,), jnp.float32),
        pltpu.VMEM((NP,), jnp.float32),
        pltpu.VMEM((NP,), jnp.float32),
        pltpu.VMEM((RPT,), jnp.float32),
        pltpu.VMEM((CHUNK,), jnp.int32),
        pltpu.VMEM((CHUNK,), jnp.int32),
        pltpu.VMEM((CHUNK,), jnp.int32),
        pltpu.VMEM((CHUNK,), jnp.int32),
        pltpu.VMEM((CHUNK,), jnp.float32),
        pltpu.VMEM((CHUNK,), jnp.float32),
        pltpu.VMEM((CHUNK, H), jnp.float32),
        pltpu.VMEM((CHUNK, H), jnp.float32),
        pltpu.VMEM((CHUNK, H), jnp.float32),
        pltpu.VMEM((CHUNK, H), jnp.float32),
        pltpu.VMEM_SHARED((NS, NP), jnp.float32),
        pltpu.VMEM_SHARED((NP, H), jnp.float32),
        pltpu.SemaphoreType.DMA,
        pltpu.SemaphoreType.DMA,
        pltpu.SemaphoreType.DMA,
        pltpu.SemaphoreType.DMA,
    ],
    compiler_params=_sc_params,
)
def _sc_deg_scatter(h_hbm, src_hbm, dst_hbm, ew_hbm,
                    out_hbm, dis_hbm,
                    gidx, gval, dacc, dtbl, red,
                    sidx0, sidx1, didx0, didx1, ewv0, ewv1,
                    rg0, rg1, rs0, rs1, shared, acc,
                    gsem0, gsem1, ssem0, ssem1):
    c = lax.axis_index("c")
    s = lax.axis_index("s")
    zero = jnp.zeros((L,), jnp.float32)
    ebase = (c * NS + s) * CPT * CHUNK

    pltpu.sync_copy(src_hbm.at[pl.ds(ebase, CHUNK)], sidx0)
    pltpu.async_copy(h_hbm.at[sidx0], rg0, gsem0)
    pltpu.sync_copy(src_hbm.at[pl.ds(ebase + CHUNK, CHUNK)], sidx1)
    pltpu.async_copy(h_hbm.at[sidx1], rg1, gsem1)

    def zdacc(i, carry):
        dacc[pl.ds(i * L, L)] = zero
        return carry

    lax.fori_loop(0, NP // L, zdacc, 0)
    pltpu.sync_copy(dst_hbm.at[pl.ds(s * DR * CHUNK, DR * CHUNK)], gidx)
    pltpu.sync_copy(ew_hbm.at[pl.ds(s * DR * CHUNK, DR * CHUNK)], gval)

    def dchunk(m, carry):
        for k in range(8):
            off = m * (8 * L) + k * L
            dvec = gidx[pl.ds(off, L)]
            wvec = gval[pl.ds(off, L)]
            plsc.addupdate_scatter(dacc, [dvec], wvec)
        return carry

    lax.fori_loop(0, DR * CHUNK // (8 * L), dchunk, 0)

    def zrow(e, carry):
        rs0[e, pl.ds(0, L)] = zero
        rs0[e, pl.ds(L, L)] = zero
        return carry

    lax.fori_loop(0, CHUNK, zrow, 0)

    def zacc(i, carry):
        pltpu.sync_copy(rs0, acc.at[pl.ds(s * RPT + i * CHUNK, CHUNK)])
        return carry

    lax.fori_loop(0, RPT // CHUNK, zacc, 0)

    pltpu.sync_copy(dacc, shared.at[s])
    plsc.subcore_barrier()

    def rinit(i, carry):
        red[pl.ds(i * L, L)] = zero
        return carry

    lax.fori_loop(0, RPT // L, rinit, 0)

    def raccum(t, carry):
        pltpu.sync_copy(shared.at[t, pl.ds(s * RPT, RPT)],
                        dacc.at[pl.ds(0, RPT)])

        def radd(i, icarry):
            red[pl.ds(i * L, L)] = (red[pl.ds(i * L, L)]
                                    + dacc[pl.ds(i * L, L)])
            return icarry

        lax.fori_loop(0, RPT // L, radd, 0)
        return carry

    lax.fori_loop(0, NS, raccum, 0)

    magic = jnp.full((L,), 0x5F3759DF, jnp.int32)

    def dis_slice(i, carry):
        d = red[pl.ds(i * L, L)] + 1.0
        iv = plsc.bitcast(d, jnp.int32)
        y = plsc.bitcast(magic - lax.shift_right_arithmetic(iv, 1),
                         jnp.float32)
        for _ in range(3):
            y = y * (1.5 - 0.5 * d * y * y)
        red[pl.ds(i * L, L)] = y
        return carry

    lax.fori_loop(0, RPT // L, dis_slice, 0)
    pltpu.sync_copy(red, dis_hbm.at[c, pl.ds(s * RPT, RPT)])
    pltpu.sync_copy(red, shared.at[0, pl.ds(s * RPT, RPT)])
    plsc.subcore_barrier()
    pltpu.sync_copy(shared.at[0], dtbl)

    sidxs = (sidx0, sidx1)
    didxs = (didx0, didx1)
    ewvs = (ewv0, ewv1)
    rgs = (rg0, rg1)
    rss = (rs0, rs1)
    gsems = (gsem0, gsem1)
    ssems = (ssem0, ssem1)

    def emit_pair(jj, with_sdrain, issue_next):
        for b in (0, 1):
            j = jj * 2 + b
            base = ebase + j * CHUNK
            sidxb, didxb, ewvb = sidxs[b], didxs[b], ewvs[b]
            rg, rs, gsem, ssem = rgs[b], rss[b], gsems[b], ssems[b]
            pltpu.make_async_copy(h_hbm.at[sidxb], rg, gsem).wait()
            if with_sdrain:
                pltpu.make_async_copy(rs, acc.at[didxb], ssem).wait()
            pltpu.sync_copy(ew_hbm.at[pl.ds(base, CHUNK)], ewvb)
            pltpu.sync_copy(dst_hbm.at[pl.ds(base, CHUNK)], didxb)

            for k in range(CHUNK // L):
                svec = sidxb[pl.ds(k * L, L)]
                disv = plsc.load_gather(dtbl, [svec])
                ewvb[pl.ds(k * L, L)] = ewvb[pl.ds(k * L, L)] * disv

            def escale(e, icarry):
                eidx = lax.broadcast(e, (L,))
                wv = plsc.load_gather(ewvb, [eidx])
                rs[e, pl.ds(0, L)] = rg[e, pl.ds(0, L)] * wv
                rs[e, pl.ds(L, L)] = rg[e, pl.ds(L, L)] * wv
                return icarry

            lax.fori_loop(0, CHUNK, escale, 0)
            pltpu.async_copy(rs, acc.at[didxb], ssem, add=True)
            if issue_next:
                base2 = ebase + (j + 2) * CHUNK
                pltpu.sync_copy(src_hbm.at[pl.ds(base2, CHUNK)], sidxb)
                pltpu.async_copy(h_hbm.at[sidxb], rg, gsem)

    emit_pair(0, False, True)

    def pair_body(jj, carry):
        emit_pair(jj, True, True)
        return carry

    lax.fori_loop(1, CPT // 2 - 1, pair_body, 0)
    emit_pair(CPT // 2 - 1, True, False)

    pltpu.make_async_copy(rs0, acc.at[didx0], ssem0).wait()
    pltpu.make_async_copy(rs1, acc.at[didx1], ssem1).wait()
    plsc.subcore_barrier()
    pltpu.sync_copy(acc.at[pl.ds(s * RPT, RPT)],
                    out_hbm.at[c, pl.ds(s * RPT, RPT)])


@functools.partial(
    pl.kernel,
    out_type=jax.ShapeDtypeStruct((NC, NP, H), jnp.float32),
    mesh=_sc_mesh,
    scratch_types=[
        pltpu.VMEM((CHUNK,), jnp.int32),
        pltpu.VMEM((CHUNK,), jnp.int32),
        pltpu.VMEM((CHUNK,), jnp.int32),
        pltpu.VMEM((CHUNK,), jnp.int32),
        pltpu.VMEM((CHUNK,), jnp.float32),
        pltpu.VMEM((CHUNK,), jnp.float32),
        pltpu.VMEM((CHUNK, H), jnp.float32),
        pltpu.VMEM((CHUNK, H), jnp.float32),
        pltpu.VMEM((CHUNK, H), jnp.float32),
        pltpu.VMEM((CHUNK, H), jnp.float32),
        pltpu.VMEM_SHARED((NP, H), jnp.float32),
        pltpu.SemaphoreType.DMA,
        pltpu.SemaphoreType.DMA,
        pltpu.SemaphoreType.DMA,
        pltpu.SemaphoreType.DMA,
    ],
    compiler_params=_sc_params,
)
def _sc_scatter(g_hbm, src_hbm, dst_hbm, ew_hbm, out_hbm,
                sidx0, sidx1, didx0, didx1, ewv0, ewv1,
                rg0, rg1, rs0, rs1, acc,
                gsem0, gsem1, ssem0, ssem1):
    c = lax.axis_index("c")
    s = lax.axis_index("s")
    zero = jnp.zeros((L,), jnp.float32)

    def zrow(e, carry):
        rs0[e, pl.ds(0, L)] = zero
        rs0[e, pl.ds(L, L)] = zero
        return carry

    lax.fori_loop(0, CHUNK, zrow, 0)

    def zacc(i, carry):
        pltpu.sync_copy(rs0, acc.at[pl.ds(s * RPT + i * CHUNK, CHUNK)])
        return carry

    ebase = (c * NS + s) * CPT * CHUNK
    sidxs = (sidx0, sidx1)
    didxs = (didx0, didx1)
    ewvs = (ewv0, ewv1)
    rgs = (rg0, rg1)
    rss = (rs0, rs1)
    gsems = (gsem0, gsem1)
    ssems = (ssem0, ssem1)

    pltpu.sync_copy(src_hbm.at[pl.ds(ebase, CHUNK)], sidx0)
    pltpu.async_copy(g_hbm.at[sidx0], rg0, gsem0)
    pltpu.sync_copy(src_hbm.at[pl.ds(ebase + CHUNK, CHUNK)], sidx1)
    pltpu.async_copy(g_hbm.at[sidx1], rg1, gsem1)

    lax.fori_loop(0, RPT // CHUNK, zacc, 0)
    plsc.subcore_barrier()

    def emit_pair(jj, with_sdrain, issue_next):
        for b in (0, 1):
            j = jj * 2 + b
            base = ebase + j * CHUNK
            sidxb, didxb, ewvb = sidxs[b], didxs[b], ewvs[b]
            rg, rs, gsem, ssem = rgs[b], rss[b], gsems[b], ssems[b]
            pltpu.make_async_copy(g_hbm.at[sidxb], rg, gsem).wait()
            if with_sdrain:
                pltpu.make_async_copy(rs, acc.at[didxb], ssem).wait()
            pltpu.sync_copy(ew_hbm.at[pl.ds(base, CHUNK)], ewvb)
            pltpu.sync_copy(dst_hbm.at[pl.ds(base, CHUNK)], didxb)

            def escale(e, icarry):
                eidx = lax.broadcast(e, (L,))
                wv = plsc.load_gather(ewvb, [eidx])
                rs[e, pl.ds(0, L)] = rg[e, pl.ds(0, L)] * wv
                rs[e, pl.ds(L, L)] = rg[e, pl.ds(L, L)] * wv
                return icarry

            lax.fori_loop(0, CHUNK, escale, 0)
            pltpu.async_copy(rs, acc.at[didxb], ssem, add=True)
            if issue_next:
                base2 = ebase + (j + 2) * CHUNK
                pltpu.sync_copy(src_hbm.at[pl.ds(base2, CHUNK)], sidxb)
                pltpu.async_copy(g_hbm.at[sidxb], rg, gsem)

    emit_pair(0, False, True)

    def pair_body(jj, carry):
        emit_pair(jj, True, True)
        return carry

    lax.fori_loop(1, CPT // 2 - 1, pair_body, 0)
    emit_pair(CPT // 2 - 1, True, False)

    pltpu.make_async_copy(rs0, acc.at[didx0], ssem0).wait()
    pltpu.make_async_copy(rs1, acc.at[didx1], ssem1).wait()
    plsc.subcore_barrier()
    pltpu.sync_copy(acc.at[pl.ds(s * RPT, RPT)],
                    out_hbm.at[c, pl.ds(s * RPT, RPT)])



def _tc_h1_body(x, w, h):
    h[...] = jnp.dot(x[...], w[...], preferred_element_type=jnp.float32)


_tc_h1 = pl.pallas_call(
    _tc_h1_body,
    grid=(GRID,),
    in_specs=[pl.BlockSpec((R, F), lambda i: (i, 0)),
              pl.BlockSpec((F, H), lambda i: (0, 0))],
    out_specs=pl.BlockSpec((R, H), lambda i: (i, 0)),
    out_shape=jax.ShapeDtypeStruct((NP, H), jnp.float32),
)


def _postact(s0, s1, gpv, dis, b):
    pre = dis * (s0[...] + s1[...] + gpv) + b[...]
    ss = jnp.sum(pre * pre, axis=1, keepdims=True)
    o = pre / jnp.maximum(jnp.sqrt(ss), 1e-12)
    return jnp.maximum(o, 0.0)


_layer_specs = [pl.BlockSpec((R, H), lambda i: (i, 0)),
                pl.BlockSpec((R, H), lambda i: (i, 0)),
                pl.BlockSpec((R, H), lambda i: (i, 0)),
                pl.BlockSpec((R, 1), lambda i: (i, 0)),
                pl.BlockSpec((1, H), lambda i: (0, 0)),
                pl.BlockSpec((H, H), lambda i: (0, 0))]
_layer_outs = [pl.BlockSpec((R, H), lambda i: (i, 0)),
               pl.BlockSpec((R, H), lambda i: (i, 0))]
_layer_shapes = [jax.ShapeDtypeStruct((NP, H), jnp.float32),
                 jax.ShapeDtypeStruct((NP, H), jnp.float32)]


def _tc_layer_body(s0, s1, gp, dis, b, w, out, gn):
    d = dis[...]
    o = _postact(s0, s1, gp[...], d, b)
    out[...] = o
    gn[...] = d * jnp.dot(o, w[...], preferred_element_type=jnp.float32)


_tc_layer = pl.pallas_call(
    _tc_layer_body, grid=(GRID,),
    in_specs=_layer_specs, out_specs=_layer_outs, out_shape=_layer_shapes,
)


def _tc_layer1_body(s0, s1, hp, dis, b, w, out, gn):
    d = dis[...]
    o = _postact(s0, s1, d * hp[...], d, b)
    out[...] = o
    gn[...] = d * jnp.dot(o, w[...], preferred_element_type=jnp.float32)


_tc_layer1 = pl.pallas_call(
    _tc_layer1_body, grid=(GRID,),
    in_specs=_layer_specs, out_specs=_layer_outs, out_shape=_layer_shapes,
)


def _tc_final_body(s0, s1, g3, dis, b, o1, o2, wlin, blin, out):
    o3 = _postact(s0, s1, g3[...], dis[...], b)
    w = wlin[...]
    acc = jnp.dot(o1[...], w[0:H], preferred_element_type=jnp.float32)
    acc = acc + jnp.dot(o2[...], w[H:2 * H], preferred_element_type=jnp.float32)
    acc = acc + jnp.dot(o3, w[2 * H:3 * H], preferred_element_type=jnp.float32)
    out[...] = acc + blin[...]


_tc_final = pl.pallas_call(
    _tc_final_body,
    grid=(GRID,),
    in_specs=[pl.BlockSpec((R, H), lambda i: (i, 0)),
              pl.BlockSpec((R, H), lambda i: (i, 0)),
              pl.BlockSpec((R, H), lambda i: (i, 0)),
              pl.BlockSpec((R, 1), lambda i: (i, 0)),
              pl.BlockSpec((1, H), lambda i: (0, 0)),
              pl.BlockSpec((R, H), lambda i: (i, 0)),
              pl.BlockSpec((R, H), lambda i: (i, 0)),
              pl.BlockSpec((3 * H, C), lambda i: (0, 0)),
              pl.BlockSpec((1, C), lambda i: (0, 0))],
    out_specs=pl.BlockSpec((R, C), lambda i: (i, 0)),
    out_shape=jax.ShapeDtypeStruct((NP, C), jnp.float32),
)



def kernel(x, edge_index, edge_weights, W1, b1, W2, b2, W3, b3, Wlin, blin):
    src = edge_index[0]
    dst = edge_index[1]
    pad_e = EP - E
    pad_idx = (jnp.arange(pad_e, dtype=jnp.int32) * 997) % N
    src_p = jnp.concatenate([src, pad_idx])
    dst_p = jnp.concatenate([dst, pad_idx])
    ew_p = jnp.concatenate([edge_weights, jnp.zeros((pad_e,), jnp.float32)])
    x_p = jnp.pad(x, ((0, NP - N), (0, 0)))

    h1 = _tc_h1(x_p, W1)
    s1, disc = _sc_deg_scatter(h1, src_p, dst_p, ew_p)
    dis = disc[0].reshape(NP, 1)
    out1, g2 = _tc_layer1(s1[0], s1[1], h1, dis, b1.reshape(1, H), W2)
    s2 = _sc_scatter(g2, src_p, dst_p, ew_p)
    out2, g3 = _tc_layer(s2[0], s2[1], g2, dis, b2.reshape(1, H), W3)
    s3 = _sc_scatter(g3, src_p, dst_p, ew_p)
    logits = _tc_final(s3[0], s3[1], g3, dis, b3.reshape(1, H),
                       out1, out2, Wlin, blin.reshape(1, C))
    return logits[:N]

# --- scband reference (transcript-rebuilt; emitter-appended) ---
"""Pipeline reference for scband-node-predictor-75041668596277 (READ-ONLY COPY).

The authoritative reference and input builder live on the scoring server;
editing this copy changes nothing except your own understanding.
"""

import jax, jax.numpy as jnp
import numpy as np

N_NODES = 10000
N_EDGES = 320000
NUM_FEATURES = 128
NUM_CLASSES = 8
HIDDEN = 32


def _gcn_conv(x, src, dst, ew, W, b):
    n = x.shape[0]
    loop = jnp.arange(n, dtype=src.dtype)
    s = jnp.concatenate([src, loop])
    d = jnp.concatenate([dst, loop])
    w = jnp.concatenate([ew, jnp.ones((n,), dtype=ew.dtype)])
    deg = jnp.zeros((n,), dtype=ew.dtype).at[d].add(w)
    dis = jnp.where(deg > 0, deg ** -0.5, 0.0)
    norm = dis[s] * w * dis[d]
    h = x @ W
    out = jnp.zeros((n, h.shape[1]), dtype=h.dtype).at[d].add(h[s] * norm[:, None])
    return out + b


def _l2norm(x):
    nrm = jnp.sqrt(jnp.sum(x * x, axis=1, keepdims=True))
    return x / jnp.maximum(nrm, 1e-12)


def setup_inputs(seed: int = 0) -> dict:
    key = jax.random.key(seed)
    ks = jax.random.split(key, 12)
    x = jax.random.normal(ks[0], (N_NODES, NUM_FEATURES), dtype=jnp.float32)
    edge_index = jax.random.randint(ks[1], (2, N_EDGES), 0, N_NODES, dtype=jnp.int32)
    edge_weights = jax.random.uniform(ks[2], (N_EDGES,), dtype=jnp.float32)
    W1 = jax.random.normal(ks[3], (NUM_FEATURES, HIDDEN), dtype=jnp.float32) * 0.08
    b1 = jnp.zeros((HIDDEN,), dtype=jnp.float32)
    W2 = jax.random.normal(ks[4], (HIDDEN, HIDDEN), dtype=jnp.float32) * 0.17
    b2 = jnp.zeros((HIDDEN,), dtype=jnp.float32)
    W3 = jax.random.normal(ks[5], (HIDDEN, HIDDEN), dtype=jnp.float32) * 0.17
    b3 = jnp.zeros((HIDDEN,), dtype=jnp.float32)
    Wlin = jax.random.normal(ks[6], (3 * HIDDEN, NUM_CLASSES), dtype=jnp.float32) * 0.1
    blin = jnp.zeros((NUM_CLASSES,), dtype=jnp.float32)
    return {"x": x, "edge_index": edge_index, "edge_weights": edge_weights, "W1": W1, "b1": b1, "W2": W2, "b2": b2, "W3": W3, "b3": b3, "Wlin": Wlin, "blin": blin}


def reference(x, edge_index, edge_weights, W1, b1, W2, b2, W3, b3, Wlin, blin):
    src, dst = edge_index[0], edge_index[1]
    out1 = jax.nn.relu(_l2norm(_gcn_conv(x, src, dst, edge_weights, W1, b1)))
    out2 = jax.nn.relu(_l2norm(_gcn_conv(out1, src, dst, edge_weights, W2, b2)))
    out3 = jax.nn.relu(_l2norm(_gcn_conv(out2, src, dst, edge_weights, W3, b3)))
    feat = jnp.concatenate([out1, out2, out3], axis=1)
    return feat @ Wlin + blin

if __name__ == "__main__":
    import jax
    _d = setup_inputs()
    print(jax.jit(kernel)(*tuple(_d.values())))

</pallas_src>

<mosaic_0001>
#map = affine_map<(d0, d1) -> (0, 0)>
#map1 = affine_map<(d0, d1) -> (0)>
#map2 = affine_map<(d0, d1) -> (0, 0, 0)>
module attributes {stable_mosaic.version = 14 : i64} {
  func.func @_sc_deg_scatter(%arg0: i32, %arg1: i32, %arg2: memref<10240x32xf32, #tpu.memory_space<hbm>>, %arg3: memref<327680xi32, #tpu.memory_space<hbm>>, %arg4: memref<327680xi32, #tpu.memory_space<hbm>>, %arg5: memref<327680xf32, #tpu.memory_space<hbm>>, %arg6: memref<2x10240x32xf32, #tpu.memory_space<hbm>>, %arg7: memref<2x10240xf32, #tpu.memory_space<hbm>>, %arg8: memref<20480xi32, #tpu.memory_space<vmem>>, %arg9: memref<20480xf32, #tpu.memory_space<vmem>>, %arg10: memref<10240xf32, #tpu.memory_space<vmem>>, %arg11: memref<10240xf32, #tpu.memory_space<vmem>>, %arg12: memref<640xf32, #tpu.memory_space<vmem>>, %arg13: memref<128xi32, #tpu.memory_space<vmem>>, %arg14: memref<128xi32, #tpu.memory_space<vmem>>, %arg15: memref<128xi32, #tpu.memory_space<vmem>>, %arg16: memref<128xi32, #tpu.memory_space<vmem>>, %arg17: memref<128xf32, #tpu.memory_space<vmem>>, %arg18: memref<128xf32, #tpu.memory_space<vmem>>, %arg19: memref<128x32xf32, #tpu.memory_space<vmem>>, %arg20: memref<128x32xf32, #tpu.memory_space<vmem>>, %arg21: memref<128x32xf32, #tpu.memory_space<vmem>>, %arg22: memref<128x32xf32, #tpu.memory_space<vmem>>, %arg23: memref<16x10240xf32, #tpu.memory_space<vmem_shared>>, %arg24: memref<10240x32xf32, #tpu.memory_space<vmem_shared>>, %arg25: memref<!tpu.dma_semaphore, #tpu.memory_space<semaphore_mem>>, %arg26: memref<!tpu.dma_semaphore, #tpu.memory_space<semaphore_mem>>, %arg27: memref<!tpu.dma_semaphore, #tpu.memory_space<semaphore_mem>>, %arg28: memref<!tpu.dma_semaphore, #tpu.memory_space<semaphore_mem>>) attributes {dimension_semantics = [#tpu.dimension_semantics<core_parallel>, #tpu.dimension_semantics<subcore_parallel>], iteration_bounds = array<i64: 2, 16>, scalar_prefetch = 0 : i64, scratch_operands = 21 : i64, tpu.core_type = #tpu.core_type<sc_vector_subcore>, window_params = [{transform_indices = #map}, {transform_indices = #map1}, {transform_indices = #map1}, {transform_indices = #map1}, {transform_indices = #map2}, {transform_indices = #map}]} {
    %broadcast_in_dim3A = arith.constant 0.000000e+00 : f32
    %broadcast_in_dim3A_0 = vector.broadcast %broadcast_in_dim3A : f32 to vector<16xf32>
    %mul3A = arith.constant 16 : i32
    %mul3A_1 = arith.muli %arg0, %mul3A : i32
    %add3A = arith.addi %mul3A_1, %arg1 : i32
    %mul3A_2 = arith.constant 80 : i32
    %mul3A_3 = arith.muli %add3A, %mul3A_2 : i32
    %mul3A_4 = arith.constant 128 : i32
    %mul3A_5 = arith.muli %mul3A_3, %mul3A_4 : i32
    "tpu.region"() ({
      %run_scoped3A_411 = tpu.sem_alloc : memref<!tpu.dma_semaphore, #tpu.memory_space<semaphore_mem>>
      %dma_start3A_412 = tpu.memref_slice %arg3[%mul3A_5] : memref<327680xi32, #tpu.memory_space<hbm>> -> memref<128xi32, #tpu.memory_space<hbm>>
      %dma_start3A_413 = tpu.memref_slice %arg3[%mul3A_5] : memref<327680xi32, #tpu.memory_space<hbm>> -> memref<128xi32, #tpu.memory_space<hbm>>
      tpu.enqueue_dma source(%dma_start3A_413 : memref<128xi32, #tpu.memory_space<hbm>>) target(%arg13 : memref<128xi32, #tpu.memory_space<vmem>>) target_semaphore(%run_scoped3A_411 : memref<!tpu.dma_semaphore, #tpu.memory_space<semaphore_mem>>)
      %dma_wait3A_414 = tpu.memref_slice %arg3[%mul3A_5] : memref<327680xi32, #tpu.memory_space<hbm>> -> memref<128xi32, #tpu.memory_space<hbm>>
      %dma_wait3A_415 = tpu.memref_slice %arg3[%mul3A_5] : memref<327680xi32, #tpu.memory_space<hbm>> -> memref<128xi32, #tpu.memory_space<hbm>>
      tpu.wait_dma2 semaphore(%run_scoped3A_411 : memref<!tpu.dma_semaphore, #tpu.memory_space<semaphore_mem>>) src(%dma_wait3A_415 : memref<128xi32, #tpu.memory_space<hbm>>) dst(%arg13 : memref<128xi32, #tpu.memory_space<vmem>>)
      tpu.yield
    }) : () -> ()
    %dma_start3A = arith.constant 0 : i32
    %dma_start3A_6 = arith.constant 0 : i32
    %dma_start3A_7 = tpu.memref_slice %arg2[%dma_start3A, %dma_start3A_6] : memref<10240x32xf32, #tpu.memory_space<hbm>> -> memref<10240x32xf32, #tpu.memory_space<hbm>>
    tpu.enqueue_indirect_dma source(%dma_start3A_7 : memref<10240x32xf32, #tpu.memory_space<hbm>>) target(%arg19 : memref<128x32xf32, #tpu.memory_space<vmem>>) offsets(%arg13 : memref<128xi32, #tpu.memory_space<vmem>>) semaphore(%arg25 : memref<!tpu.dma_semaphore, #tpu.memory_space<semaphore_mem>>)
    %add3A_8 = arith.constant 128 : i32
    %add3A_9 = arith.addi %mul3A_5, %add3A_8 : i32
    "tpu.region"() ({
      %run_scoped3A_411 = tpu.sem_alloc : memref<!tpu.dma_semaphore, #tpu.memory_space<semaphore_mem>>
      %dma_start3A_412 = tpu.memref_slice %arg3[%add3A_9] : memref<327680xi32, #tpu.memory_space<hbm>> -> memref<128xi32, #tpu.memory_space<hbm>>
      %dma_start3A_413 = tpu.memref_slice %arg3[%add3A_9] : memref<327680xi32, #tpu.memory_space<hbm>> -> memref<128xi32, #tpu.memory_space<hbm>>
      tpu.enqueue_dma source(%dma_start3A_413 : memref<128xi32, #tpu.memory_space<hbm>>) target(%arg14 : memref<128xi32, #tpu.memory_space<vmem>>) target_semaphore(%run_scoped3A_411 : memref<!tpu.dma_semaphore, #tpu.memory_space<semaphore_mem>>)
      %dma_wait3A_414 = tpu.memref_slice %arg3[%add3A_9] : memref<327680xi32, #tpu.memory_space<hbm>> -> memref<128xi32, #tpu.memory_space<hbm>>
      %dma_wait3A_415 = tpu.memref_slice %arg3[%add3A_9] : memref<327680xi32, #tpu.memory_space<hbm>> -> memref<128xi32, #tpu.memory_space<hbm>>
      tpu.wait_dma2 semaphore(%run_scoped3A_411 : memref<!tpu.dma_semaphore, #tpu.memory_space<semaphore_mem>>) src(%dma_wait3A_415 : memref<128xi32, #tpu.memory_space<hbm>>) dst(%arg14 : memref<128xi32, #tpu.memory_space<vmem>>)
      tpu.yield
    }) : () -> ()
    %dma_start3A_10 = arith.constant 0 : i32
    %dma_start3A_11 = arith.constant 0 : i32
    %dma_start3A_12 = tpu.memref_slice %arg2[%dma_start3A_10, %dma_start3A_11] : memref<10240x32xf32, #tpu.memory_space<hbm>> -> memref<10240x32xf32, #tpu.memory_space<hbm>>
    tpu.enqueue_indirect_dma source(%dma_start3A_12 : memref<10240x32xf32, #tpu.memory_space<hbm>>) target(%arg20 : memref<128x32xf32, #tpu.memory_space<vmem>>) offsets(%arg14 : memref<128xi32, #tpu.memory_space<vmem>>) semaphore(%arg26 : memref<!tpu.dma_semaphore, #tpu.memory_space<semaphore_mem>>)
    %scan3A = arith.constant 0 : i32
    %scan3A_13 = arith.constant 0 : i32
    %scan3A_14 = arith.constant 640 : i32
    %scan3A_15 = arith.addi %scan3A_13, %scan3A_14 : i32
    %scan3A_16 = arith.constant 1 : i32
    scf.for %scan3A_411 = %scan3A_13 to %scan3A_15 step %scan3A_16  : i32 {
      %mul3A_412 = arith.constant 16 : i32
      %mul3A_413 = arith.muli %scan3A_411, %mul3A_412 : i32
      %swap3A_414 = arith.index_cast %mul3A_413 : i32 to index
      %swap3A_415 = tpu.vector_load %arg10[%swap3A_414] {strides = array<i32>} : memref<10240xf32, #tpu.memory_space<vmem>>, vector<16xf32>,
      tpu.vector_store %arg10[%swap3A_414], %broadcast_in_dim3A_0 {strides = array<i32>} : memref<10240xf32, #tpu.memory_space<vmem>>, vector<16xf32>,
    }
    %scan3A_17 = arith.constant 640 : i32
    %mul3A_18 = arith.constant 160 : i32
    %mul3A_19 = arith.muli %arg1, %mul3A_18 : i32
    %mul3A_20 = arith.constant 128 : i32
    %mul3A_21 = arith.muli %mul3A_19, %mul3A_20 : i32
    "tpu.region"() ({
      %run_scoped3A_411 = tpu.sem_alloc : memref<!tpu.dma_semaphore, #tpu.memory_space<semaphore_mem>>
      %dma_start3A_412 = tpu.memref_slice %arg4[%mul3A_21] : memref<327680xi32, #tpu.memory_space<hbm>> -> memref<20480xi32, #tpu.memory_space<hbm>>
      %dma_start3A_413 = tpu.memref_slice %arg4[%mul3A_21] : memref<327680xi32, #tpu.memory_space<hbm>> -> memref<20480xi32, #tpu.memory_space<hbm>>
      tpu.enqueue_dma source(%dma_start3A_413 : memref<20480xi32, #tpu.memory_space<hbm>>) target(%arg8 : memref<20480xi32, #tpu.memory_space<vmem>>) target_semaphore(%run_scoped3A_411 : memref<!tpu.dma_semaphore, #tpu.memory_space<semaphore_mem>>)
      %dma_wait3A_414 = tpu.memref_slice %arg4[%mul3A_21] : memref<327680xi32, #tpu.memory_space<hbm>> -> memref<20480xi32, #tpu.memory_space<hbm>>
      %dma_wait3A_415 = tpu.memref_slice %arg4[%mul3A_21] : memref<327680xi32, #tpu.memory_space<hbm>> -> memref<20480xi32, #tpu.memory_space<hbm>>
      tpu.wait_dma2 semaphore(%run_scoped3A_411 : memref<!tpu.dma_semaphore, #tpu.memory_space<semaphore_mem>>) src(%dma_wait3A_415 : memref<20480xi32, #tpu.memory_space<hbm>>) dst(%arg8 : memref<20480xi32, #tpu.memory_space<vmem>>)
      tpu.yield
    }) : () -> ()
    %mul3A_22 = arith.constant 160 : i32
    %mul3A_23 = arith.muli %arg1, %mul3A_22 : i32
    %mul3A_24 = arith.constant 128 : i32
    %mul3A_25 = arith.muli %mul3A_23, %mul3A_24 : i32
    "tpu.region"() ({
      %run_scoped3A_411 = tpu.sem_alloc : memref<!tpu.dma_semaphore, #tpu.memory_space<semaphore_mem>>
      %dma_start3A_412 = tpu.memref_slice %arg5[%mul3A_25] : memref<327680xf32, #tpu.memory_space<hbm>> -> memref<20480xf32, #tpu.memory_space<hbm>>
      %dma_start3A_413 = tpu.memref_slice %arg5[%mul3A_25] : memref<327680xf32, #tpu.memory_space<hbm>> -> memref<20480xf32, #tpu.memory_space<hbm>>
      tpu.enqueue_dma source(%dma_start3A_413 : memref<20480xf32, #tpu.memory_space<hbm>>) target(%arg9 : memref<20480xf32, #tpu.memory_space<vmem>>) target_semaphore(%run_scoped3A_411 : memref<!tpu.dma_semaphore, #tpu.memory_space<semaphore_mem>>)
      %dma_wait3A_414 = tpu.memref_slice %arg5[%mul3A_25] : memref<327680xf32, #tpu.memory_space<hbm>> -> memref<20480xf32, #tpu.memory_space<hbm>>
      %dma_wait3A_415 = tpu.memref_slice %arg5[%mul3A_25] : memref<327680xf32, #tpu.memory_space<hbm>> -> memref<20480xf32, #tpu.memory_space<hbm>>
      tpu.wait_dma2 semaphore(%run_scoped3A_411 : memref<!tpu.dma_semaphore, #tpu.memory_space<semaphore_mem>>) src(%dma_wait3A_415 : memref<20480xf32, #tpu.memory_space<hbm>>) dst(%arg9 : memref<20480xf32, #tpu.memory_space<vmem>>)
      tpu.yield
    }) : () -> ()
    %scan3A_26 = arith.constant 0 : i32
    %scan3A_27 = arith.constant 0 : i32
    %scan3A_28 = arith.constant 160 : i32
    %scan3A_29 = arith.addi %scan3A_27, %scan3A_28 : i32
    %scan3A_30 = arith.constant 1 : i32
    scf.for %scan3A_411 = %scan3A_27 to %scan3A_29 step %scan3A_30  : i32 {
      %mul3A_412 = arith.constant 128 : i32
      %mul3A_413 = arith.muli %scan3A_411, %mul3A_412 : i32
      %add3A_414 = arith.constant 0 : i32
      %add3A_415 = arith.addi %mul3A_413, %add3A_414 : i32
      %get3A_416 = arith.index_cast %add3A_415 : i32 to index
      %get3A_417 = tpu.vector_load %arg8[%get3A_416] {strides = array<i32>} : memref<20480xi32, #tpu.memory_space<vmem>>, vector<16xi32>,
      %get3A_418 = arith.index_cast %add3A_415 : i32 to index
      %get3A_419 = tpu.vector_load %arg9[%get3A_418] {strides = array<i32>} : memref<20480xf32, #tpu.memory_space<vmem>>, vector<16xf32>,
      tpu.vector_store_idx %arg10[%get3A_417], %get3A_419 {add = true} : memref<10240xf32, #tpu.memory_space<vmem>>[vector<16xi32>], vector<16xf32>,
      %mul3A_420 = arith.constant 128 : i32
      %mul3A_421 = arith.muli %scan3A_411, %mul3A_420 : i32
      %add3A_422 = arith.constant 16 : i32
      %add3A_423 = arith.addi %mul3A_421, %add3A_422 : i32
      %get3A_424 = arith.index_cast %add3A_423 : i32 to index
      %get3A_425 = tpu.vector_load %arg8[%get3A_424] {strides = array<i32>} : memref<20480xi32, #tpu.memory_space<vmem>>, vector<16xi32>,
      %get3A_426 = arith.index_cast %add3A_423 : i32 to index
      %get3A_427 = tpu.vector_load %arg9[%get3A_426] {strides = array<i32>} : memref<20480xf32, #tpu.memory_space<vmem>>, vector<16xf32>,
      tpu.vector_store_idx %arg10[%get3A_425], %get3A_427 {add = true} : memref<10240xf32, #tpu.memory_space<vmem>>[vector<16xi32>], vector<16xf32>,
      %mul3A_428 = arith.constant 128 : i32
      %mul3A_429 = arith.muli %scan3A_411, %mul3A_428 : i32
      %add3A_430 = arith.constant 32 : i32
      %add3A_431 = arith.addi %mul3A_429, %add3A_430 : i32
      %get3A_432 = arith.index_cast %add3A_431 : i32 to index
      %get3A_433 = tpu.vector_load %arg8[%get3A_432] {strides = array<i32>} : memref<20480xi32, #tpu.memory_space<vmem>>, vector<16xi32>,
      %get3A_434 = arith.index_cast %add3A_431 : i32 to index
      %get3A_435 = tpu.vector_load %arg9[%get3A_434] {strides = array<i32>} : memref<20480xf32, #tpu.memory_space<vmem>>, vector<16xf32>,
      tpu.vector_store_idx %arg10[%get3A_433], %get3A_435 {add = true} : memref<10240xf32, #tpu.memory_space<vmem>>[vector<16xi32>], vector<16xf32>,
      %mul3A_436 = arith.constant 128 : i32
      %mul3A_437 = arith.muli %scan3A_411, %mul3A_436 : i32
      %add3A_438 = arith.constant 48 : i32
      %add3A_439 = arith.addi %mul3A_437, %add3A_438 : i32
      %get3A_440 = arith.index_cast %add3A_439 : i32 to index
      %get3A_441 = tpu.vector_load %arg8[%get3A_440] {strides = array<i32>} : memref<20480xi32, #tpu.memory_space<vmem>>, vector<16xi32>,
      %get3A_442 = arith.index_cast %add3A_439 : i32 to index
      %get3A_443 = tpu.vector_load %arg9[%get3A_442] {strides = array<i32>} : memref<20480xf32, #tpu.memory_space<vmem>>, vector<16xf32>,
      tpu.vector_store_idx %arg10[%get3A_441], %get3A_443 {add = true} : memref<10240xf32, #tpu.memory_space<vmem>>[vector<16xi32>], vector<16xf32>,
      %mul3A_444 = arith.constant 128 : i32
      %mul3A_445 = arith.muli %scan3A_411, %mul3A_444 : i32
      %add3A_446 = arith.constant 64 : i32
      %add3A_447 = arith.addi %mul3A_445, %add3A_446 : i32
      %get3A_448 = arith.index_cast %add3A_447 : i32 to index
      %get3A_449 = tpu.vector_load %arg8[%get3A_448] {strides = array<i32>} : memref<20480xi32, #tpu.memory_space<vmem>>, vector<16xi32>,
      %get3A_450 = arith.index_cast %add3A_447 : i32 to index
      %get3A_451 = tpu.vector_load %arg9[%get3A_450] {strides = array<i32>} : memref<20480xf32, #tpu.memory_space<vmem>>, vector<16xf32>,
      tpu.vector_store_idx %arg10[%get3A_449], %get3A_451 {add = true} : memref<10240xf32, #tpu.memory_space<vmem>>[vector<16xi32>], vector<16xf32>,
      %mul3A_452 = arith.constant 128 : i32
      %mul3A_453 = arith.muli %scan3A_411, %mul3A_452 : i32
      %add3A_454 = arith.constant 80 : i32
      %add3A_455 = arith.addi %mul3A_453, %add3A_454 : i32
      %get3A_456 = arith.index_cast %add3A_455 : i32 to index
      %get3A_457 = tpu.vector_load %arg8[%get3A_456] {strides = array<i32>} : memref<20480xi32, #tpu.memory_space<vmem>>, vector<16xi32>,
      %get3A_458 = arith.index_cast %add3A_455 : i32 to index
      %get3A_459 = tpu.vector_load %arg9[%get3A_458] {strides = array<i32>} : memref<20480xf32, #tpu.memory_space<vmem>>, vector<16xf32>,
      tpu.vector_store_idx %arg10[%get3A_457], %get3A_459 {add = true} : memref<10240xf32, #tpu.memory_space<vmem>>[vector<16xi32>], vector<16xf32>,
      %mul3A_460 = arith.constant 128 : i32
      %mul3A_461 = arith.muli %scan3A_411, %mul3A_460 : i32
      %add3A_462 = arith.constant 96 : i32
      %add3A_463 = arith.addi %mul3A_461, %add3A_462 : i32
      %get3A_464 = arith.index_cast %add3A_463 : i32 to index
      %get3A_465 = tpu.vector_load %arg8[%get3A_464] {strides = array<i32>} : memref<20480xi32, #tpu.memory_space<vmem>>, vector<16xi32>,
      %get3A_466 = arith.index_cast %add3A_463 : i32 to index
      %get3A_467 = tpu.vector_load %arg9[%get3A_466] {strides = array<i32>} : memref<20480xf32, #tpu.memory_space<vmem>>, vector<16xf32>,
      tpu.vector_store_idx %arg10[%get3A_465], %get3A_467 {add = true} : memref<10240xf32, #tpu.memory_space<vmem>>[vector<16xi32>], vector<16xf32>,
      %mul3A_468 = arith.constant 128 : i32
      %mul3A_469 = arith.muli %scan3A_411, %mul3A_468 : i32
      %add3A_470 = arith.constant 112 : i32
      %add3A_471 = arith.addi %mul3A_469, %add3A_470 : i32
      %get3A_472 = arith.index_cast %add3A_471 : i32 to index
      %get3A_473 = tpu.vector_load %arg8[%get3A_472] {strides = array<i32>} : memref<20480xi32, #tpu.memory_space<vmem>>, vector<16xi32>,
      %get3A_474 = arith.index_cast %add3A_471 : i32 to index
      %get3A_475 = tpu.vector_load %arg9[%get3A_474] {strides = array<i32>} : memref<20480xf32, #tpu.memory_space<vmem>>, vector<16xf32>,
      tpu.vector_store_idx %arg10[%get3A_473], %get3A_475 {add = true} : memref<10240xf32, #tpu.memory_space<vmem>>[vector<16xi32>], vector<16xf32>,
    }
    %scan3A_31 = arith.constant 160 : i32
    %scan3A_32 = arith.constant 0 : i32
    %scan3A_33 = arith.constant 0 : i32
    %scan3A_34 = arith.constant 128 : i32
    %scan3A_35 = arith.addi %scan3A_33, %scan3A_34 : i32
    %scan3A_36 = arith.constant 1 : i32
    scf.for %scan3A_411 = %scan3A_33 to %scan3A_35 step %scan3A_36  : i32 {
      %swap3A_412 = arith.index_cast %scan3A_411 : i32 to index
      %swap3A_413 = arith.constant 0 : index
      %swap3A_414 = tpu.vector_load %arg21[%swap3A_412, %swap3A_413] {strides = array<i32>} : memref<128x32xf32, #tpu.memory_space<vmem>>, vector<16xf32>,
      tpu.vector_store %arg21[%swap3A_412, %swap3A_413], %broadcast_in_dim3A_0 {strides = array<i32>} : memref<128x32xf32, #tpu.memory_space<vmem>>, vector<16xf32>,
      %swap3A_415 = arith.index_cast %scan3A_411 : i32 to index
      %swap3A_416 = arith.constant 16 : index
      %swap3A_417 = tpu.vector_load %arg21[%swap3A_415, %swap3A_416] {strides = array<i32>} : memref<128x32xf32, #tpu.memory_space<vmem>>, vector<16xf32>,
      tpu.vector_store %arg21[%swap3A_415, %swap3A_416], %broadcast_in_dim3A_0 {strides = array<i32>} : memref<128x32xf32, #tpu.memory_space<vmem>>, vector<16xf32>,
    }
    %scan3A_37 = arith.constant 128 : i32
    %scan3A_38 = arith.constant 0 : i32
    %scan3A_39 = arith.constant 0 : i32
    %scan3A_40 = arith.constant 5 : i32
    %scan3A_41 = arith.addi %scan3A_39, %scan3A_40 : i32
    %scan3A_42 = arith.constant 1 : i32
    scf.for %scan3A_411 = %scan3A_39 to %scan3A_41 step %scan3A_42  : i32 {
      %mul3A_412 = arith.constant 640 : i32
      %mul3A_413 = arith.muli %arg1, %mul3A_412 : i32
      %mul3A_414 = arith.constant 128 : i32
      %mul3A_415 = arith.muli %scan3A_411, %mul3A_414 : i32
      %add3A_416 = arith.addi %mul3A_413, %mul3A_415 : i32
      "tpu.region"() ({
        %run_scoped3A_417 = tpu.sem_alloc : memref<!tpu.dma_semaphore, #tpu.memory_space<semaphore_mem>>
        %dma_start3A_418 = arith.constant 0 : i32
        %dma_start3A_419 = tpu.memref_slice %arg24[%add3A_416, %dma_start3A_418] : memref<10240x32xf32, #tpu.memory_space<vmem_shared>> -> memref<128x32xf32, #tpu.memory_space<vmem_shared>>
        %dma_start3A_420 = arith.constant 0 : i32
        %dma_start3A_421 = tpu.memref_slice %arg24[%add3A_416, %dma_start3A_420] : memref<10240x32xf32, #tpu.memory_space<vmem_shared>> -> memref<128x32xf32, #tpu.memory_space<vmem_shared>>
        tpu.enqueue_dma source(%arg21 : memref<128x32xf32, #tpu.memory_space<vmem>>) target(%dma_start3A_421 : memref<128x32xf32, #tpu.memory_space<vmem_shared>>) target_semaphore(%run_scoped3A_417 : memref<!tpu.dma_semaphore, #tpu.memory_space<semaphore_mem>>)
        %dma_wait3A_422 = arith.constant 0 : i32
        %dma_wait3A_423 = tpu.memref_slice %arg24[%add3A_416, %dma_wait3A_422] : memref<10240x32xf32, #tpu.memory_space<vmem_shared>> -> memref<128x32xf32, #tpu.memory_space<vmem_shared>>
        %dma_wait3A_424 = arith.constant 0 : i32
        %dma_wait3A_425 = tpu.memref_slice %arg24[%add3A_416, %dma_wait3A_424] : memref<10240x32xf32, #tpu.memory_space<vmem_shared>> -> memref<128x32xf32, #tpu.memory_space<vmem_shared>>
        tpu.wait_dma2 semaphore(%run_scoped3A_417 : memref<!tpu.dma_semaphore, #tpu.memory_space<semaphore_mem>>) src(%arg21 : memref<128x32xf32, #tpu.memory_space<vmem>>) dst(%dma_wait3A_425 : memref<128x32xf32, #tpu.memory_space<vmem_shared>>)
        tpu.yield
      }) : () -> ()
    }
    %scan3A_43 = arith.constant 5 : i32
    "tpu.region"() ({
      %run_scoped3A_411 = tpu.sem_alloc : memref<!tpu.dma_semaphore, #tpu.memory_space<semaphore_mem>>
      %dma_start3A_412 = arith.constant 0 : i32
      %dma_start3A_413 = tpu.memref_slice %arg23[%arg1, %dma_start3A_412] : memref<16x10240xf32, #tpu.memory_space<vmem_shared>> -> memref<1x10240xf32, #tpu.memory_space<vmem_shared>>
      %dma_start3A_414 = tpu.memref_squeeze %dma_start3A_413 : memref<1x10240xf32, #tpu.memory_space<vmem_shared>> -> memref<10240xf32, #tpu.memory_space<vmem_shared>>
      %dma_start3A_415 = arith.constant 0 : i32
      %dma_start3A_416 = tpu.memref_slice %arg23[%arg1, %dma_start3A_415] : memref<16x10240xf32, #tpu.memory_space<vmem_shared>> -> memref<1x10240xf32, #tpu.memory_space<vmem_shared>>
      %dma_start3A_417 = tpu.memref_squeeze %dma_start3A_416 : memref<1x10240xf32, #tpu.memory_space<vmem_shared>> -> memref<10240xf32, #tpu.memory_space<vmem_shared>>
      tpu.enqueue_dma source(%arg10 : memref<10240xf32, #tpu.memory_space<vmem>>) target(%dma_start3A_417 : memref<10240xf32, #tpu.memory_space<vmem_shared>>) target_semaphore(%run_scoped3A_411 : memref<!tpu.dma_semaphore, #tpu.memory_space<semaphore_mem>>)
      %dma_wait3A_418 = arith.constant 0 : i32
      %dma_wait3A_419 = tpu.memref_slice %arg23[%arg1, %dma_wait3A_418] : memref<16x10240xf32, #tpu.memory_space<vmem_shared>> -> memref<1x10240xf32, #tpu.memory_space<vmem_shared>>
      %dma_wait3A_420 = tpu.memref_squeeze %dma_wait3A_419 : memref<1x10240xf32, #tpu.memory_space<vmem_shared>> -> memref<10240xf32, #tpu.memory_space<vmem_shared>>
      %dma_wait3A_421 = arith.constant 0 : i32
      %dma_wait3A_422 = tpu.memref_slice %arg23[%arg1, %dma_wait3A_421] : memref<16x10240xf32, #tpu.memory_space<vmem_shared>> -> memref<1x10240xf32, #tpu.memory_space<vmem_shared>>
      %dma_wait3A_423 = tpu.memref_squeeze %dma_wait3A_422 : memref<1x10240xf32, #tpu.memory_space<vmem_shared>> -> memref<10240xf32, #tpu.memory_space<vmem_shared>>
      tpu.wait_dma2 semaphore(%run_scoped3A_411 : memref<!tpu.dma_semaphore, #tpu.memory_space<semaphore_mem>>) src(%arg10 : memref<10240xf32, #tpu.memory_space<vmem>>) dst(%dma_wait3A_423 : memref<10240xf32, #tpu.memory_space<vmem_shared>>)
      tpu.yield
    }) : () -> ()
    %barrier3A = arith.constant 0 : index
    tpu.barrier barrier_id(%barrier3A)
    %scan3A_44 = arith.constant 0 : i32
    %scan3A_45 = arith.constant 0 : i32
    %scan3A_46 = arith.constant 40 : i32
    %scan3A_47 = arith.addi %scan3A_45, %scan3A_46 : i32
    %scan3A_48 = arith.constant 1 : i32
    scf.for %scan3A_411 = %scan3A_45 to %scan3A_47 step %scan3A_48  : i32 {
      %mul3A_412 = arith.constant 16 : i32
      %mul3A_413 = arith.muli %scan3A_411, %mul3A_412 : i32
      %swap3A_414 = arith.index_cast %mul3A_413 : i32 to index
      %swap3A_415 = tpu.vector_load %arg12[%swap3A_414] {strides = array<i32>} : memref<640xf32, #tpu.memory_space<vmem>>, vector<16xf32>,
      tpu.vector_store %arg12[%swap3A_414], %broadcast_in_dim3A_0 {strides = array<i32>} : memref<640xf32, #tpu.memory_space<vmem>>, vector<16xf32>,
    }
    %scan3A_49 = arith.constant 40 : i32
    %scan3A_50 = arith.constant 0 : i32
    %scan3A_51 = arith.constant 0 : i32
    %scan3A_52 = arith.constant 16 : i32
    %scan3A_53 = arith.addi %scan3A_51, %scan3A_52 : i32
    %scan3A_54 = arith.constant 1 : i32
    scf.for %scan3A_411 = %scan3A_51 to %scan3A_53 step %scan3A_54  : i32 {
      %mul3A_412 = arith.constant 640 : i32
      %mul3A_413 = arith.muli %arg1, %mul3A_412 : i32
      "tpu.region"() ({
        %run_scoped3A_420 = tpu.sem_alloc : memref<!tpu.dma_semaphore, #tpu.memory_space<semaphore_mem>>
        %dma_start3A_421 = arith.constant 0 : i32
        %dma_start3A_422 = tpu.memref_slice %arg10[%dma_start3A_421] : memref<10240xf32, #tpu.memory_space<vmem>> -> memref<640xf32, #tpu.memory_space<vmem>>
        %dma_start3A_423 = tpu.memref_slice %arg23[%scan3A_411, %mul3A_413] : memref<16x10240xf32, #tpu.memory_space<vmem_shared>> -> memref<1x640xf32, #tpu.memory_space<vmem_shared>>
        %dma_start3A_424 = tpu.memref_squeeze %dma_start3A_423 : memref<1x640xf32, #tpu.memory_space<vmem_shared>> -> memref<640xf32, #tpu.memory_space<vmem_shared>>
        %dma_start3A_425 = arith.constant 0 : i32
        %dma_start3A_426 = tpu.memref_slice %arg10[%dma_start3A_425] : memref<10240xf32, #tpu.memory_space<vmem>> -> memref<640xf32, #tpu.memory_space<vmem>>
        %dma_start3A_427 = tpu.memref_slice %arg23[%scan3A_411, %mul3A_413] : memref<16x10240xf32, #tpu.memory_space<vmem_shared>> -> memref<1x640xf32, #tpu.memory_space<vmem_shared>>
        %dma_start3A_428 = tpu.memref_squeeze %dma_start3A_427 : memref<1x640xf32, #tpu.memory_space<vmem_shared>> -> memref<640xf32, #tpu.memory_space<vmem_shared>>
        tpu.enqueue_dma source(%dma_start3A_428 : memref<640xf32, #tpu.memory_space<vmem_shared>>) target(%dma_start3A_426 : memref<640xf32, #tpu.memory_space<vmem>>) target_semaphore(%run_scoped3A_420 : memref<!tpu.dma_semaphore, #tpu.memory_space<semaphore_mem>>)
        %dma_wait3A_429 = arith.constant 0 : i32
        %dma_wait3A_430 = tpu.memref_slice %arg10[%dma_wait3A_429] : memref<10240xf32, #tpu.memory_space<vmem>> -> memref<640xf32, #tpu.memory_space<vmem>>
        %dma_wait3A_431 = tpu.memref_slice %arg23[%scan3A_411, %mul3A_413] : memref<16x10240xf32, #tpu.memory_space<vmem_shared>> -> memref<1x640xf32, #tpu.memory_space<vmem_shared>>
        %dma_wait3A_432 = tpu.memref_squeeze %dma_wait3A_431 : memref<1x640xf32, #tpu.memory_space<vmem_shared>> -> memref<640xf32, #tpu.memory_space<vmem_shared>>
        %dma_wait3A_433 = arith.constant 0 : i32
        %dma_wait3A_434 = tpu.memref_slice %arg10[%dma_wait3A_433] : memref<10240xf32, #tpu.memory_space<vmem>> -> memref<640xf32, #tpu.memory_space<vmem>>
        %dma_wait3A_435 = tpu.memref_slice %arg23[%scan3A_411, %mul3A_413] : memref<16x10240xf32, #tpu.memory_space<vmem_shared>> -> memref<1x640xf32, #tpu.memory_space<vmem_shared>>
        %dma_wait3A_436 = tpu.memref_squeeze %dma_wait3A_435 : memref<1x640xf32, #tpu.memory_space<vmem_shared>> -> memref<640xf32, #tpu.memory_space<vmem_shared>>
        tpu.wait_dma2 semaphore(%run_scoped3A_420 : memref<!tpu.dma_semaphore, #tpu.memory_space<semaphore_mem>>) src(%dma_wait3A_436 : memref<640xf32, #tpu.memory_space<vmem_shared>>) dst(%dma_wait3A_434 : memref<640xf32, #tpu.memory_space<vmem>>)
        tpu.yield
      }) : () -> ()
      %scan3A_414 = arith.constant 0 : i32
      %scan3A_415 = arith.constant 0 : i32
      %scan3A_416 = arith.constant 40 : i32
      %scan3A_417 = arith.addi %scan3A_415, %scan3A_416 : i32
      %scan3A_418 = arith.constant 1 : i32
      scf.for %scan3A_420 = %scan3A_415 to %scan3A_417 step %scan3A_418  : i32 {
        %mul3A_421 = arith.constant 16 : i32
        %mul3A_422 = arith.muli %scan3A_420, %mul3A_421 : i32
        %get3A_423 = arith.index_cast %mul3A_422 : i32 to index
        %get3A_424 = tpu.vector_load %arg12[%get3A_423] {strides = array<i32>} : memref<640xf32, #tpu.memory_space<vmem>>, vector<16xf32>,
        %mul3A_425 = arith.constant 16 : i32
        %mul3A_426 = arith.muli %scan3A_420, %mul3A_425 : i32
        %get3A_427 = arith.index_cast %mul3A_426 : i32 to index
        %get3A_428 = tpu.vector_load %arg10[%get3A_427] {strides = array<i32>} : memref<10240xf32, #tpu.memory_space<vmem>>, vector<16xf32>,
        %add3A_429 = arith.addf %get3A_424, %get3A_428 : vector<16xf32>
        %mul3A_430 = arith.constant 16 : i32
        %mul3A_431 = arith.muli %scan3A_420, %mul3A_430 : i32
        %swap3A_432 = arith.index_cast %mul3A_431 : i32 to index
        %swap3A_433 = tpu.vector_load %arg12[%swap3A_432] {strides = array<i32>} : memref<640xf32, #tpu.memory_space<vmem>>, vector<16xf32>,
        tpu.vector_store %arg12[%swap3A_432], %add3A_429 {strides = array<i32>} : memref<640xf32, #tpu.memory_space<vmem>>, vector<16xf32>,
      }
      %scan3A_419 = arith.constant 40 : i32
    }
    %scan3A_55 = arith.constant 16 : i32
    %broadcast_in_dim3A_56 = arith.constant 1597463007 : i32
    %broadcast_in_dim3A_57 = vector.broadcast %broadcast_in_dim3A_56 : i32 to vector<16xi32>
    %scan3A_58 = arith.constant 0 : i32
    %scan3A_59 = arith.constant 0 : i32
    %scan3A_60 = arith.constant 40 : i32
    %scan3A_61 = arith.addi %scan3A_59, %scan3A_60 : i32
    %scan3A_62 = arith.constant 1 : i32
    scf.for %scan3A_411 = %scan3A_59 to %scan3A_61 step %scan3A_62  : i32 {
      %mul3A_412 = arith.constant 16 : i32
      %mul3A_413 = arith.muli %scan3A_411, %mul3A_412 : i32
      %get3A_414 = arith.index_cast %mul3A_413 : i32 to index
      %get3A_415 = tpu.vector_load %arg12[%get3A_414] {strides = array<i32>} : memref<640xf32, #tpu.memory_space<vmem>>, vector<16xf32>,
      %add3A_416 = arith.constant 1.000000e+00 : f32
      %add3A_417 = vector.broadcast %add3A_416 : f32 to vector<16xf32>
      %add3A_418 = arith.addf %get3A_415, %add3A_417 : vector<16xf32>
      %bitcast3A = vector.bitcast %add3A_418 : vector<16xf32> to vector<16xi32>
      %shift_right_arithmetic3A = arith.constant 1 : i32
      %shift_right_arithmetic3A_419 = vector.broadcast %shift_right_arithmetic3A : i32 to vector<16xi32>
      %shift_right_arithmetic3A_420 = arith.shrsi %bitcast3A, %shift_right_arithmetic3A_419 : vector<16xi32>
      %sub3A = arith.subi %broadcast_in_dim3A_57, %shift_right_arithmetic3A_420 : vector<16xi32>
      %bitcast3A_421 = vector.bitcast %sub3A : vector<16xi32> to vector<16xf32>
      %mul3A_422 = arith.constant 5.000000e-01 : f32
      %mul3A_423 = vector.broadcast %mul3A_422 : f32 to vector<16xf32>
      %mul3A_424 = arith.mulf %mul3A_423, %add3A_418 : vector<16xf32>
      %mul3A_425 = arith.mulf %mul3A_424, %bitcast3A_421 : vector<16xf32>
      %mul3A_426 = arith.mulf %mul3A_425, %bitcast3A_421 : vector<16xf32>
      %sub3A_427 = arith.constant 1.500000e+00 : f32
      %sub3A_428 = vector.broadcast %sub3A_427 : f32 to vector<16xf32>
      %sub3A_429 = arith.subf %sub3A_428, %mul3A_426 : vector<16xf32>
      %mul3A_430 = arith.mulf %bitcast3A_421, %sub3A_429 : vector<16xf32>
      %mul3A_431 = arith.constant 5.000000e-01 : f32
      %mul3A_432 = vector.broadcast %mul3A_431 : f32 to vector<16xf32>
      %mul3A_433 = arith.mulf %mul3A_432, %add3A_418 : vector<16xf32>
      %mul3A_434 = arith.mulf %mul3A_433, %mul3A_430 : vector<16xf32>
      %mul3A_435 = arith.mulf %mul3A_434, %mul3A_430 : vector<16xf32>
      %sub3A_436 = arith.constant 1.500000e+00 : f32
      %sub3A_437 = vector.broadcast %sub3A_436 : f32 to vector<16xf32>
      %sub3A_438 = arith.subf %sub3A_437, %mul3A_435 : vector<16xf32>
      %mul3A_439 = arith.mulf %mul3A_430, %sub3A_438 : vector<16xf32>
      %mul3A_440 = arith.constant 5.000000e-01 : f32
      %mul3A_441 = vector.broadcast %mul3A_440 : f32 to vector<16xf32>
      %mul3A_442 = arith.mulf %mul3A_441, %add3A_418 : vector<16xf32>
      %mul3A_443 = arith.mulf %mul3A_442, %mul3A_439 : vector<16xf32>
      %mul3A_444 = arith.mulf %mul3A_443, %mul3A_439 : vector<16xf32>
      %sub3A_445 = arith.constant 1.500000e+00 : f32
      %sub3A_446 = vector.broadcast %sub3A_445 : f32 to vector<16xf32>
      %sub3A_447 = arith.subf %sub3A_446, %mul3A_444 : vector<16xf32>
      %mul3A_448 = arith.mulf %mul3A_439, %sub3A_447 : vector<16xf32>
      %mul3A_449 = arith.constant 16 : i32
      %mul3A_450 = arith.muli %scan3A_411, %mul3A_449 : i32
      %swap3A_451 = arith.index_cast %mul3A_450 : i32 to index
      %swap3A_452 = tpu.vector_load %arg12[%swap3A_451] {strides = array<i32>} : memref<640xf32, #tpu.memory_space<vmem>>, vector<16xf32>,
      tpu.vector_store %arg12[%swap3A_451], %mul3A_448 {strides = array<i32>} : memref<640xf32, #tpu.memory_space<vmem>>, vector<16xf32>,
    }
    %scan3A_63 = arith.constant 40 : i32
    %mul3A_64 = arith.constant 640 : i32
    %mul3A_65 = arith.muli %arg1, %mul3A_64 : i32
    "tpu.region"() ({
      %run_scoped3A_411 = tpu.sem_alloc : memref<!tpu.dma_semaphore, #tpu.memory_space<semaphore_mem>>
      %dma_start3A_412 = tpu.memref_slice %arg7[%arg0, %mul3A_65] : memref<2x10240xf32, #tpu.memory_space<hbm>> -> memref<1x640xf32, #tpu.memory_space<hbm>>
      %dma_start3A_413 = tpu.memref_squeeze %dma_start3A_412 : memref<1x640xf32, #tpu.memory_space<hbm>> -> memref<640xf32, #tpu.memory_space<hbm>>
      %dma_start3A_414 = tpu.memref_slice %arg7[%arg0, %mul3A_65] : memref<2x10240xf32, #tpu.memory_space<hbm>> -> memref<1x640xf32, #tpu.memory_space<hbm>>
      %dma_start3A_415 = tpu.memref_squeeze %dma_start3A_414 : memref<1x640xf32, #tpu.memory_space<hbm>> -> memref<640xf32, #tpu.memory_space<hbm>>
      tpu.enqueue_dma source(%arg12 : memref<640xf32, #tpu.memory_space<vmem>>) target(%dma_start3A_415 : memref<640xf32, #tpu.memory_space<hbm>>) target_semaphore(%run_scoped3A_411 : memref<!tpu.dma_semaphore, #tpu.memory_space<semaphore_mem>>)
      %dma_wait3A_416 = tpu.memref_slice %arg7[%arg0, %mul3A_65] : memref<2x10240xf32, #tpu.memory_space<hbm>> -> memref<1x640xf32, #tpu.memory_space<hbm>>
      %dma_wait3A_417 = tpu.memref_squeeze %dma_wait3A_416 : memref<1x640xf32, #tpu.memory_space<hbm>> -> memref<640xf32, #tpu.memory_space<hbm>>
      %dma_wait3A_418 = tpu.memref_slice %arg7[%arg0, %mul3A_65] : memref<2x10240xf32, #tpu.memory_space<hbm>> -> memref<1x640xf32, #tpu.memory_space<hbm>>
      %dma_wait3A_419 = tpu.memref_squeeze %dma_wait3A_418 : memref<1x640xf32, #tpu.memory_space<hbm>> -> memref<640xf32, #tpu.memory_space<hbm>>
      tpu.wait_dma2 semaphore(%run_scoped3A_411 : memref<!tpu.dma_semaphore, #tpu.memory_space<semaphore_mem>>) src(%arg12 : memref<640xf32, #tpu.memory_space<vmem>>) dst(%dma_wait3A_419 : memref<640xf32, #tpu.memory_space<hbm>>)
      tpu.yield
    }) : () -> ()
    %mul3A_66 = arith.constant 640 : i32
    %mul3A_67 = arith.muli %arg1, %mul3A_66 : i32
    %run_scoped3A = arith.constant 0 : i32
    "tpu.region"() ({
      %run_scoped3A_411 = tpu.sem_alloc : memref<!tpu.dma_semaphore, #tpu.memory_space<semaphore_mem>>
      %dma_start3A_412 = tpu.memref_slice %arg23[%run_scoped3A, %mul3A_67] : memref<16x10240xf32, #tpu.memory_space<vmem_shared>> -> memref<1x640xf32, #tpu.memory_space<vmem_shared>>
      %dma_start3A_413 = tpu.memref_squeeze %dma_start3A_412 : memref<1x640xf32, #tpu.memory_space<vmem_shared>> -> memref<640xf32, #tpu.memory_space<vmem_shared>>
      %dma_start3A_414 = tpu.memref_slice %arg23[%run_scoped3A, %mul3A_67] : memref<16x10240xf32, #tpu.memory_space<vmem_shared>> -> memref<1x640xf32, #tpu.memory_space<vmem_shared>>
      %dma_start3A_415 = tpu.memref_squeeze %dma_start3A_414 : memref<1x640xf32, #tpu.memory_space<vmem_shared>> -> memref<640xf32, #tpu.memory_space<vmem_shared>>
      tpu.enqueue_dma source(%arg12 : memref<640xf32, #tpu.memory_space<vmem>>) target(%dma_start3A_415 : memref<640xf32, #tpu.memory_space<vmem_shared>>) target_semaphore(%run_scoped3A_411 : memref<!tpu.dma_semaphore, #tpu.memory_space<semaphore_mem>>)
      %dma_wait3A_416 = tpu.memref_slice %arg23[%run_scoped3A, %mul3A_67] : memref<16x10240xf32, #tpu.memory_space<vmem_shared>> -> memref<1x640xf32, #tpu.memory_space<vmem_shared>>
      %dma_wait3A_417 = tpu.memref_squeeze %dma_wait3A_416 : memref<1x640xf32, #tpu.memory_space<vmem_shared>> -> memref<640xf32, #tpu.memory_space<vmem_shared>>
      %dma_wait3A_418 = tpu.memref_slice %arg23[%run_scoped3A, %mul3A_67] : memref<16x10240xf32, #tpu.memory_space<vmem_shared>> -> memref<1x640xf32, #tpu.memory_space<vmem_shared>>
      %dma_wait3A_419 = tpu.memref_squeeze %dma_wait3A_418 : memref<1x640xf32, #tpu.memory_space<vmem_shared>> -> memref<640xf32, #tpu.memory_space<vmem_shared>>
      tpu.wait_dma2 semaphore(%run_scoped3A_411 : memref<!tpu.dma_semaphore, #tpu.memory_space<semaphore_mem>>) src(%arg12 : memref<640xf32, #tpu.memory_space<vmem>>) dst(%dma_wait3A_419 : memref<640xf32, #tpu.memory_space<vmem_shared>>)
      tpu.yield
    }) : () -> ()
    %barrier3A_68 = arith.constant 0 : index
    tpu.barrier barrier_id(%barrier3A_68)
    %run_scoped3A_69 = arith.constant 0 : i32
    "tpu.region"() ({
      %run_scoped3A_411 = tpu.sem_alloc : memref<!tpu.dma_semaphore, #tpu.memory_space<semaphore_mem>>
      %dma_start3A_412 = arith.constant 0 : i32
      %dma_start3A_413 = tpu.memref_slice %arg23[%run_scoped3A_69, %dma_start3A_412] : memref<16x10240xf32, #tpu.memory_space<vmem_shared>> -> memref<1x10240xf32, #tpu.memory_space<vmem_shared>>
      %dma_start3A_414 = tpu.memref_squeeze %dma_start3A_413 : memref<1x10240xf32, #tpu.memory_space<vmem_shared>> -> memref<10240xf32, #tpu.memory_space<vmem_shared>>
      %dma_start3A_415 = arith.constant 0 : i32
      %dma_start3A_416 = tpu.memref_slice %arg23[%run_scoped3A_69, %dma_start3A_415] : memref<16x10240xf32, #tpu.memory_space<vmem_shared>> -> memref<1x10240xf32, #tpu.memory_space<vmem_shared>>
      %dma_start3A_417 = tpu.memref_squeeze %dma_start3A_416 : memref<1x10240xf32, #tpu.memory_space<vmem_shared>> -> memref<10240xf32, #tpu.memory_space<vmem_shared>>
      tpu.enqueue_dma source(%dma_start3A_417 : memref<10240xf32, #tpu.memory_space<vmem_shared>>) target(%arg11 : memref<10240xf32, #tpu.memory_space<vmem>>) target_semaphore(%run_scoped3A_411 : memref<!tpu.dma_semaphore, #tpu.memory_space<semaphore_mem>>)
      %dma_wait3A_418 = arith.constant 0 : i32
      %dma_wait3A_419 = tpu.memref_slice %arg23[%run_scoped3A_69, %dma_wait3A_418] : memref<16x10240xf32, #tpu.memory_space<vmem_shared>> -> memref<1x10240xf32, #tpu.memory_space<vmem_shared>>
      %dma_wait3A_420 = tpu.memref_squeeze %dma_wait3A_419 : memref<1x10240xf32, #tpu.memory_space<vmem_shared>> -> memref<10240xf32, #tpu.memory_space<vmem_shared>>
      %dma_wait3A_421 = arith.constant 0 : i32
      %dma_wait3A_422 = tpu.memref_slice %arg23[%run_scoped3A_69, %dma_wait3A_421] : memref<16x10240xf32, #tpu.memory_space<vmem_shared>> -> memref<1x10240xf32, #tpu.memory_space<vmem_shared>>
      %dma_wait3A_423 = tpu.memref_squeeze %dma_wait3A_422 : memref<1x10240xf32, #tpu.memory_space<vmem_shared>> -> memref<10240xf32, #tpu.memory_space<vmem_shared>>
      tpu.wait_dma2 semaphore(%run_scoped3A_411 : memref<!tpu.dma_semaphore, #tpu.memory_space<semaphore_mem>>) src(%dma_wait3A_423 : memref<10240xf32, #tpu.memory_space<vmem_shared>>) dst(%arg11 : memref<10240xf32, #tpu.memory_space<vmem>>)
      tpu.yield
    }) : () -> ()
    %add3A_70 = arith.constant 0 : i32
    %add3A_71 = arith.addi %mul3A_5, %add3A_70 : i32
    %dma_wait3A = arith.constant 0 : i32
    %dma_wait3A_72 = arith.constant 0 : i32
    %dma_wait3A_73 = tpu.memref_slice %arg2[%dma_wait3A, %dma_wait3A_72] : memref<10240x32xf32, #tpu.memory_space<hbm>> -> memref<10240x32xf32, #tpu.memory_space<hbm>>
    tpu.wait_indirect_dma semaphore(%arg25 : memref<!tpu.dma_semaphore, #tpu.memory_space<semaphore_mem>>) src(%dma_wait3A_73 : memref<10240x32xf32, #tpu.memory_space<hbm>>) dst(%arg19 : memref<128x32xf32, #tpu.memory_space<vmem>>)
    "tpu.region"() ({
      %run_scoped3A_411 = tpu.sem_alloc : memref<!tpu.dma_semaphore, #tpu.memory_space<semaphore_mem>>
      %dma_start3A_412 = tpu.memref_slice %arg5[%add3A_71] : memref<327680xf32, #tpu.memory_space<hbm>> -> memref<128xf32, #tpu.memory_space<hbm>>
      %dma_start3A_413 = tpu.memref_slice %arg5[%add3A_71] : memref<327680xf32, #tpu.memory_space<hbm>> -> memref<128xf32, #tpu.memory_space<hbm>>
      tpu.enqueue_dma source(%dma_start3A_413 : memref<128xf32, #tpu.memory_space<hbm>>) target(%arg17 : memref<128xf32, #tpu.memory_space<vmem>>) target_semaphore(%run_scoped3A_411 : memref<!tpu.dma_semaphore, #tpu.memory_space<semaphore_mem>>)
      %dma_wait3A_414 = tpu.memref_slice %arg5[%add3A_71] : memref<327680xf32, #tpu.memory_space<hbm>> -> memref<128xf32, #tpu.memory_space<hbm>>
      %dma_wait3A_415 = tpu.memref_slice %arg5[%add3A_71] : memref<327680xf32, #tpu.memory_space<hbm>> -> memref<128xf32, #tpu.memory_space<hbm>>
      tpu.wait_dma2 semaphore(%run_scoped3A_411 : memref<!tpu.dma_semaphore, #tpu.memory_space<semaphore_mem>>) src(%dma_wait3A_415 : memref<128xf32, #tpu.memory_space<hbm>>) dst(%arg17 : memref<128xf32, #tpu.memory_space<vmem>>)
      tpu.yield
    }) : () -> ()
    "tpu.region"() ({
      %run_scoped3A_411 = tpu.sem_alloc : memref<!tpu.dma_semaphore, #tpu.memory_space<semaphore_mem>>
      %dma_start3A_412 = tpu.memref_slice %arg4[%add3A_71] : memref<327680xi32, #tpu.memory_space<hbm>> -> memref<128xi32, #tpu.memory_space<hbm>>
      %dma_start3A_413 = tpu.memref_slice %arg4[%add3A_71] : memref<327680xi32, #tpu.memory_space<hbm>> -> memref<128xi32, #tpu.memory_space<hbm>>
      tpu.enqueue_dma source(%dma_start3A_413 : memref<128xi32, #tpu.memory_space<hbm>>) target(%arg15 : memref<128xi32, #tpu.memory_space<vmem>>) target_semaphore(%run_scoped3A_411 : memref<!tpu.dma_semaphore, #tpu.memory_space<semaphore_mem>>)
      %dma_wait3A_414 = tpu.memref_slice %arg4[%add3A_71] : memref<327680xi32, #tpu.memory_space<hbm>> -> memref<128xi32, #tpu.memory_space<hbm>>
      %dma_wait3A_415 = tpu.memref_slice %arg4[%add3A_71] : memref<327680xi32, #tpu.memory_space<hbm>> -> memref<128xi32, #tpu.memory_space<hbm>>
      tpu.wait_dma2 semaphore(%run_scoped3A_411 : memref<!tpu.dma_semaphore, #tpu.memory_space<semaphore_mem>>) src(%dma_wait3A_415 : memref<128xi32, #tpu.memory_space<hbm>>) dst(%arg15 : memref<128xi32, #tpu.memory_space<vmem>>)
      tpu.yield
    }) : () -> ()
    %get3A = arith.constant 0 : index
    %get3A_74 = tpu.vector_load %arg13[%get3A] {strides = array<i32>} : memref<128xi32, #tpu.memory_space<vmem>>, vector<16xi32>,
    %gather3A = tpu.vector_load_idx %arg11[%get3A_74] : memref<10240xf32, #tpu.memory_space<vmem>>[vector<16xi32>], vector<16xf32>,
    %get3A_75 = arith.constant 0 : index
    %get3A_76 = tpu.vector_load %arg17[%get3A_75] {strides = array<i32>} : memref<128xf32, #tpu.memory_space<vmem>>, vector<16xf32>,
    %mul3A_77 = arith.mulf %get3A_76, %gather3A : vector<16xf32>
    %swap3A = arith.constant 0 : index
    %swap3A_78 = tpu.vector_load %arg17[%swap3A] {strides = array<i32>} : memref<128xf32, #tpu.memory_space<vmem>>, vector<16xf32>,
    tpu.vector_store %arg17[%swap3A], %mul3A_77 {strides = array<i32>} : memref<128xf32, #tpu.memory_space<vmem>>, vector<16xf32>,
    %get3A_79 = arith.constant 16 : index
    %get3A_80 = tpu.vector_load %arg13[%get3A_79] {strides = array<i32>} : memref<128xi32, #tpu.memory_space<vmem>>, vector<16xi32>,
    %gather3A_81 = tpu.vector_load_idx %arg11[%get3A_80] : memref<10240xf32, #tpu.memory_space<vmem>>[vector<16xi32>], vector<16xf32>,
    %get3A_82 = arith.constant 16 : index
    %get3A_83 = tpu.vector_load %arg17[%get3A_82] {strides = array<i32>} : memref<128xf32, #tpu.memory_space<vmem>>, vector<16xf32>,
    %mul3A_84 = arith.mulf %get3A_83, %gather3A_81 : vector<16xf32>
    %swap3A_85 = arith.constant 16 : index
    %swap3A_86 = tpu.vector_load %arg17[%swap3A_85] {strides = array<i32>} : memref<128xf32, #tpu.memory_space<vmem>>, vector<16xf32>,
    tpu.vector_store %arg17[%swap3A_85], %mul3A_84 {strides = array<i32>} : memref<128xf32, #tpu.memory_space<vmem>>, vector<16xf32>,
    %get3A_87 = arith.constant 32 : index
    %get3A_88 = tpu.vector_load %arg13[%get3A_87] {strides = array<i32>} : memref<128xi32, #tpu.memory_space<vmem>>, vector<16xi32>,
    %gather3A_89 = tpu.vector_load_idx %arg11[%get3A_88] : memref<10240xf32, #tpu.memory_space<vmem>>[vector<16xi32>], vector<16xf32>,
    %get3A_90 = arith.constant 32 : index
    %get3A_91 = tpu.vector_load %arg17[%get3A_90] {strides = array<i32>} : memref<128xf32, #tpu.memory_space<vmem>>, vector<16xf32>,
    %mul3A_92 = arith.mulf %get3A_91, %gather3A_89 : vector<16xf32>
    %swap3A_93 = arith.constant 32 : index
    %swap3A_94 = tpu.vector_load %arg17[%swap3A_93] {strides = array<i32>} : memref<128xf32, #tpu.memory_space<vmem>>, vector<16xf32>,
    tpu.vector_store %arg17[%swap3A_93], %mul3A_92 {strides = array<i32>} : memref<128xf32, #tpu.memory_space<vmem>>, vector<16xf32>,
    %get3A_95 = arith.constant 48 : index
    %get3A_96 = tpu.vector_load %arg13[%get3A_95] {strides = array<i32>} : memref<128xi32, #tpu.memory_space<vmem>>, vector<16xi32>,
    %gather3A_97 = tpu.vector_load_idx %arg11[%get3A_96] : memref<10240xf32, #tpu.memory_space<vmem>>[vector<16xi32>], vector<16xf32>,
    %get3A_98 = arith.constant 48 : index
    %get3A_99 = tpu.vector_load %arg17[%get3A_98] {strides = array<i32>} : memref<128xf32, #tpu.memory_space<vmem>>, vector<16xf32>,
    %mul3A_100 = arith.mulf %get3A_99, %gather3A_97 : vector<16xf32>
    %swap3A_101 = arith.constant 48 : index
    %swap3A_102 = tpu.vector_load %arg17[%swap3A_101] {strides = array<i32>} : memref<128xf32, #tpu.memory_space<vmem>>, vector<16xf32>,
    tpu.vector_store %arg17[%swap3A_101], %mul3A_100 {strides = array<i32>} : memref<128xf32, #tpu.memory_space<vmem>>, vector<16xf32>,
    %get3A_103 = arith.constant 64 : index
    %get3A_104 = tpu.vector_load %arg13[%get3A_103] {strides = array<i32>} : memref<128xi32, #tpu.memory_space<vmem>>, vector<16xi32>,
    %gather3A_105 = tpu.vector_load_idx %arg11[%get3A_104] : memref<10240xf32, #tpu.memory_space<vmem>>[vector<16xi32>], vector<16xf32>,
    %get3A_106 = arith.constant 64 : index
    %get3A_107 = tpu.vector_load %arg17[%get3A_106] {strides = array<i32>} : memref<128xf32, #tpu.memory_space<vmem>>, vector<16xf32>,
    %mul3A_108 = arith.mulf %get3A_107, %gather3A_105 : vector<16xf32>
    %swap3A_109 = arith.constant 64 : index
    %swap3A_110 = tpu.vector_load %arg17[%swap3A_109] {strides = array<i32>} : memref<128xf32, #tpu.memory_space<vmem>>, vector<16xf32>,
    tpu.vector_store %arg17[%swap3A_109], %mul3A_108 {strides = array<i32>} : memref<128xf32, #tpu.memory_space<vmem>>, vector<16xf32>,
    %get3A_111 = arith.constant 80 : index
    %get3A_112 = tpu.vector_load %arg13[%get3A_111] {strides = array<i32>} : memref<128xi32, #tpu.memory_space<vmem>>, vector<16xi32>,
    %gather3A_113 = tpu.vector_load_idx %arg11[%get3A_112] : memref<10240xf32, #tpu.memory_space<vmem>>[vector<16xi32>], vector<16xf32>,
    %get3A_114 = arith.constant 80 : index
    %get3A_115 = tpu.vector_load %arg17[%get3A_114] {strides = array<i32>} : memref<128xf32, #tpu.memory_space<vmem>>, vector<16xf32>,
    %mul3A_116 = arith.mulf %get3A_115, %gather3A_113 : vector<16xf32>
    %swap3A_117 = arith.constant 80 : index
    %swap3A_118 = tpu.vector_load %arg17[%swap3A_117] {strides = array<i32>} : memref<128xf32, #tpu.memory_space<vmem>>, vector<16xf32>,
    tpu.vector_store %arg17[%swap3A_117], %mul3A_116 {strides = array<i32>} : memref<128xf32, #tpu.memory_space<vmem>>, vector<16xf32>,
    %get3A_119 = arith.constant 96 : index
    %get3A_120 = tpu.vector_load %arg13[%get3A_119] {strides = array<i32>} : memref<128xi32, #tpu.memory_space<vmem>>, vector<16xi32>,
    %gather3A_121 = tpu.vector_load_idx %arg11[%get3A_120] : memref<10240xf32, #tpu.memory_space<vmem>>[vector<16xi32>], vector<16xf32>,
    %get3A_122 = arith.constant 96 : index
    %get3A_123 = tpu.vector_load %arg17[%get3A_122] {strides = array<i32>} : memref<128xf32, #tpu.memory_space<vmem>>, vector<16xf32>,
    %mul3A_124 = arith.mulf %get3A_123, %gather3A_121 : vector<16xf32>
    %swap3A_125 = arith.constant 96 : index
    %swap3A_126 = tpu.vector_load %arg17[%swap3A_125] {strides = array<i32>} : memref<128xf32, #tpu.memory_space<vmem>>, vector<16xf32>,
    tpu.vector_store %arg17[%swap3A_125], %mul3A_124 {strides = array<i32>} : memref<128xf32, #tpu.memory_space<vmem>>, vector<16xf32>,
    %get3A_127 = arith.constant 112 : index
    %get3A_128 = tpu.vector_load %arg13[%get3A_127] {strides = array<i32>} : memref<128xi32, #tpu.memory_space<vmem>>, vector<16xi32>,
    %gather3A_129 = tpu.vector_load_idx %arg11[%get3A_128] : memref<10240xf32, #tpu.memory_space<vmem>>[vector<16xi32>], vector<16xf32>,
    %get3A_130 = arith.constant 112 : index
    %get3A_131 = tpu.vector_load %arg17[%get3A_130] {strides = array<i32>} : memref<128xf32, #tpu.memory_space<vmem>>, vector<16xf32>,
    %mul3A_132 = arith.mulf %get3A_131, %gather3A_129 : vector<16xf32>
    %swap3A_133 = arith.constant 112 : index
    %swap3A_134 = tpu.vector_load %arg17[%swap3A_133] {strides = array<i32>} : memref<128xf32, #tpu.memory_space<vmem>>, vector<16xf32>,
    tpu.vector_store %arg17[%swap3A_133], %mul3A_132 {strides = array<i32>} : memref<128xf32, #tpu.memory_space<vmem>>, vector<16xf32>,
    %scan3A_135 = arith.constant 0 : i32
    %scan3A_136 = arith.constant 0 : i32
    %scan3A_137 = arith.constant 128 : i32
    %scan3A_138 = arith.addi %scan3A_136, %scan3A_137 : i32
    %scan3A_139 = arith.constant 1 : i32
    scf.for %scan3A_411 = %scan3A_136 to %scan3A_138 step %scan3A_139  : i32 {
      %broadcast_in_dim3A_412 = vector.broadcast %scan3A_411 : i32 to vector<16xi32>
      %gather3A_413 = tpu.vector_load_idx %arg17[%broadcast_in_dim3A_412] : memref<128xf32, #tpu.memory_space<vmem>>[vector<16xi32>], vector<16xf32>,
      %get3A_414 = arith.index_cast %scan3A_411 : i32 to index
      %get3A_415 = arith.constant 0 : index
      %get3A_416 = tpu.vector_load %arg19[%get3A_414, %get3A_415] {strides = array<i32>} : memref<128x32xf32, #tpu.memory_space<vmem>>, vector<16xf32>,
      %mul3A_417 = arith.mulf %get3A_416, %gather3A_413 : vector<16xf32>
      %swap3A_418 = arith.index_cast %scan3A_411 : i32 to index
      %swap3A_419 = arith.constant 0 : index
      %swap3A_420 = tpu.vector_load %arg21[%swap3A_418, %swap3A_419] {strides = array<i32>} : memref<128x32xf32, #tpu.memory_space<vmem>>, vector<16xf32>,
      tpu.vector_store %arg21[%swap3A_418, %swap3A_419], %mul3A_417 {strides = array<i32>} : memref<128x32xf32, #tpu.memory_space<vmem>>, vector<16xf32>,
      %get3A_421 = arith.index_cast %scan3A_411 : i32 to index
      %get3A_422 = arith.constant 16 : index
      %get3A_423 = tpu.vector_load %arg19[%get3A_421, %get3A_422] {strides = array<i32>} : memref<128x32xf32, #tpu.memory_space<vmem>>, vector<16xf32>,
      %mul3A_424 = arith.mulf %get3A_423, %gather3A_413 : vector<16xf32>
      %swap3A_425 = arith.index_cast %scan3A_411 : i32 to index
      %swap3A_426 = arith.constant 16 : index
      %swap3A_427 = tpu.vector_load %arg21[%swap3A_425, %swap3A_426] {strides = array<i32>} : memref<128x32xf32, #tpu.memory_space<vmem>>, vector<16xf32>,
      tpu.vector_store %arg21[%swap3A_425, %swap3A_426], %mul3A_424 {strides = array<i32>} : memref<128x32xf32, #tpu.memory_space<vmem>>, vector<16xf32>,
    }
    %scan3A_140 = arith.constant 128 : i32
    %dma_start3A_141 = arith.constant 0 : i32
    %dma_start3A_142 = arith.constant 0 : i32
    %dma_start3A_143 = tpu.memref_slice %arg24[%dma_start3A_141, %dma_start3A_142] : memref<10240x32xf32, #tpu.memory_space<vmem_shared>> -> memref<10240x32xf32, #tpu.memory_space<vmem_shared>>
    tpu.enqueue_indirect_dma source(%arg21 : memref<128x32xf32, #tpu.memory_space<vmem>>) target(%dma_start3A_143 : memref<10240x32xf32, #tpu.memory_space<vmem_shared>>) offsets(%arg15 : memref<128xi32, #tpu.memory_space<vmem>>) semaphore(%arg27 : memref<!tpu.dma_semaphore, #tpu.memory_space<semaphore_mem>>) {add = true}
    %add3A_144 = arith.constant 256 : i32
    %add3A_145 = arith.addi %mul3A_5, %add3A_144 : i32
    "tpu.region"() ({
      %run_scoped3A_411 = tpu.sem_alloc : memref<!tpu.dma_semaphore, #tpu.memory_space<semaphore_mem>>
      %dma_start3A_412 = tpu.memref_slice %arg3[%add3A_145] : memref<327680xi32, #tpu.memory_space<hbm>> -> memref<128xi32, #tpu.memory_space<hbm>>
      %dma_start3A_413 = tpu.memref_slice %arg3[%add3A_145] : memref<327680xi32, #tpu.memory_space<hbm>> -> memref<128xi32, #tpu.memory_space<hbm>>
      tpu.enqueue_dma source(%dma_start3A_413 : memref<128xi32, #tpu.memory_space<hbm>>) target(%arg13 : memref<128xi32, #tpu.memory_space<vmem>>) target_semaphore(%run_scoped3A_411 : memref<!tpu.dma_semaphore, #tpu.memory_space<semaphore_mem>>)
      %dma_wait3A_414 = tpu.memref_slice %arg3[%add3A_145] : memref<327680xi32, #tpu.memory_space<hbm>> -> memref<128xi32, #tpu.memory_space<hbm>>
      %dma_wait3A_415 = tpu.memref_slice %arg3[%add3A_145] : memref<327680xi32, #tpu.memory_space<hbm>> -> memref<128xi32, #tpu.memory_space<hbm>>
      tpu.wait_dma2 semaphore(%run_scoped3A_411 : memref<!tpu.dma_semaphore, #tpu.memory_space<semaphore_mem>>) src(%dma_wait3A_415 : memref<128xi32, #tpu.memory_space<hbm>>) dst(%arg13 : memref<128xi32, #tpu.memory_space<vmem>>)
      tpu.yield
    }) : () -> ()
    %dma_start3A_146 = arith.constant 0 : i32
    %dma_start3A_147 = arith.constant 0 : i32
    %dma_start3A_148 = tpu.memref_slice %arg2[%dma_start3A_146, %dma_start3A_147] : memref<10240x32xf32, #tpu.memory_space<hbm>> -> memref<10240x32xf32, #tpu.memory_space<hbm>>
    tpu.enqueue_indirect_dma source(%dma_start3A_148 : memref<10240x32xf32, #tpu.memory_space<hbm>>) target(%arg19 : memref<128x32xf32, #tpu.memory_space<vmem>>) offsets(%arg13 : memref<128xi32, #tpu.memory_space<vmem>>) semaphore(%arg25 : memref<!tpu.dma_semaphore, #tpu.memory_space<semaphore_mem>>)
    %add3A_149 = arith.constant 128 : i32
    %add3A_150 = arith.addi %mul3A_5, %add3A_149 : i32
    %dma_wait3A_151 = arith.constant 0 : i32
    %dma_wait3A_152 = arith.constant 0 : i32
    %dma_wait3A_153 = tpu.memref_slice %arg2[%dma_wait3A_151, %dma_wait3A_152] : memref<10240x32xf32, #tpu.memory_space<hbm>> -> memref<10240x32xf32, #tpu.memory_space<hbm>>
    tpu.wait_indirect_dma semaphore(%arg26 : memref<!tpu.dma_semaphore, #tpu.memory_space<semaphore_mem>>) src(%dma_wait3A_153 : memref<10240x32xf32, #tpu.memory_space<hbm>>) dst(%arg20 : memref<128x32xf32, #tpu.memory_space<vmem>>)
    "tpu.region"() ({
      %run_scoped3A_411 = tpu.sem_alloc : memref<!tpu.dma_semaphore, #tpu.memory_space<semaphore_mem>>
      %dma_start3A_412 = tpu.memref_slice %arg5[%add3A_150] : memref<327680xf32, #tpu.memory_space<hbm>> -> memref<128xf32, #tpu.memory_space<hbm>>
      %dma_start3A_413 = tpu.memref_slice %arg5[%add3A_150] : memref<327680xf32, #tpu.memory_space<hbm>> -> memref<128xf32, #tpu.memory_space<hbm>>
      tpu.enqueue_dma source(%dma_start3A_413 : memref<128xf32, #tpu.memory_space<hbm>>) target(%arg18 : memref<128xf32, #tpu.memory_space<vmem>>) target_semaphore(%run_scoped3A_411 : memref<!tpu.dma_semaphore, #tpu.memory_space<semaphore_mem>>)
      %dma_wait3A_414 = tpu.memref_slice %arg5[%add3A_150] : memref<327680xf32, #tpu.memory_space<hbm>> -> memref<128xf32, #tpu.memory_space<hbm>>
      %dma_wait3A_415 = tpu.memref_slice %arg5[%add3A_150] : memref<327680xf32, #tpu.memory_space<hbm>> -> memref<128xf32, #tpu.memory_space<hbm>>
      tpu.wait_dma2 semaphore(%run_scoped3A_411 : memref<!tpu.dma_semaphore, #tpu.memory_space<semaphore_mem>>) src(%dma_wait3A_415 : memref<128xf32, #tpu.memory_space<hbm>>) dst(%arg18 : memref<128xf32, #tpu.memory_space<vmem>>)
      tpu.yield
    }) : () -> ()
    "tpu.region"() ({
      %run_scoped3A_411 = tpu.sem_alloc : memref<!tpu.dma_semaphore, #tpu.memory_space<semaphore_mem>>
      %dma_start3A_412 = tpu.memref_slice %arg4[%add3A_150] : memref<327680xi32, #tpu.memory_space<hbm>> -> memref<128xi32, #tpu.memory_space<hbm>>
      %dma_start3A_413 = tpu.memref_slice %arg4[%add3A_150] : memref<327680xi32, #tpu.memory_space<hbm>> -> memref<128xi32, #tpu.memory_space<hbm>>
      tpu.enqueue_dma source(%dma_start3A_413 : memref<128xi32, #tpu.memory_space<hbm>>) target(%arg16 : memref<128xi32, #tpu.memory_space<vmem>>) target_semaphore(%run_scoped3A_411 : memref<!tpu.dma_semaphore, #tpu.memory_space<semaphore_mem>>)
      %dma_wait3A_414 = tpu.memref_slice %arg4[%add3A_150] : memref<327680xi32, #tpu.memory_space<hbm>> -> memref<128xi32, #tpu.memory_space<hbm>>
      %dma_wait3A_415 = tpu.memref_slice %arg4[%add3A_150] : memref<327680xi32, #tpu.memory_space<hbm>> -> memref<128xi32, #tpu.memory_space<hbm>>
      tpu.wait_dma2 semaphore(%run_scoped3A_411 : memref<!tpu.dma_semaphore, #tpu.memory_space<semaphore_mem>>) src(%dma_wait3A_415 : memref<128xi32, #tpu.memory_space<hbm>>) dst(%arg16 : memref<128xi32, #tpu.memory_space<vmem>>)
      tpu.yield
    }) : () -> ()
    %get3A_154 = arith.constant 0 : index
    %get3A_155 = tpu.vector_load %arg14[%get3A_154] {strides = array<i32>} : memref<128xi32, #tpu.memory_space<vmem>>, vector<16xi32>,
    %gather3A_156 = tpu.vector_load_idx %arg11[%get3A_155] : memref<10240xf32, #tpu.memory_space<vmem>>[vector<16xi32>], vector<16xf32>,
    %get3A_157 = arith.constant 0 : index
    %get3A_158 = tpu.vector_load %arg18[%get3A_157] {strides = array<i32>} : memref<128xf32, #tpu.memory_space<vmem>>, vector<16xf32>,
    %mul3A_159 = arith.mulf %get3A_158, %gather3A_156 : vector<16xf32>
    %swap3A_160 = arith.constant 0 : index
    %swap3A_161 = tpu.vector_load %arg18[%swap3A_160] {strides = array<i32>} : memref<128xf32, #tpu.memory_space<vmem>>, vector<16xf32>,
    tpu.vector_store %arg18[%swap3A_160], %mul3A_159 {strides = array<i32>} : memref<128xf32, #tpu.memory_space<vmem>>, vector<16xf32>,
    %get3A_162 = arith.constant 16 : index
    %get3A_163 = tpu.vector_load %arg14[%get3A_162] {strides = array<i32>} : memref<128xi32, #tpu.memory_space<vmem>>, vector<16xi32>,
    %gather3A_164 = tpu.vector_load_idx %arg11[%get3A_163] : memref<10240xf32, #tpu.memory_space<vmem>>[vector<16xi32>], vector<16xf32>,
    %get3A_165 = arith.constant 16 : index
    %get3A_166 = tpu.vector_load %arg18[%get3A_165] {strides = array<i32>} : memref<128xf32, #tpu.memory_space<vmem>>, vector<16xf32>,
    %mul3A_167 = arith.mulf %get3A_166, %gather3A_164 : vector<16xf32>
    %swap3A_168 = arith.constant 16 : index
    %swap3A_169 = tpu.vector_load %arg18[%swap3A_168] {strides = array<i32>} : memref<128xf32, #tpu.memory_space<vmem>>, vector<16xf32>,
    tpu.vector_store %arg18[%swap3A_168], %mul3A_167 {strides = array<i32>} : memref<128xf32, #tpu.memory_space<vmem>>, vector<16xf32>,
    %get3A_170 = arith.constant 32 : index
    %get3A_171 = tpu.vector_load %arg14[%get3A_170] {strides = array<i32>} : memref<128xi32, #tpu.memory_space<vmem>>, vector<16xi32>,
    %gather3A_172 = tpu.vector_load_idx %arg11[%get3A_171] : memref<10240xf32, #tpu.memory_space<vmem>>[vector<16xi32>], vector<16xf32>,
    %get3A_173 = arith.constant 32 : index
    %get3A_174 = tpu.vector_load %arg18[%get3A_173] {strides = array<i32>} : memref<128xf32, #tpu.memory_space<vmem>>, vector<16xf32>,
    %mul3A_175 = arith.mulf %get3A_174, %gather3A_172 : vector<16xf32>
    %swap3A_176 = arith.constant 32 : index
    %swap3A_177 = tpu.vector_load %arg18[%swap3A_176] {strides = array<i32>} : memref<128xf32, #tpu.memory_space<vmem>>, vector<16xf32>,
    tpu.vector_store %arg18[%swap3A_176], %mul3A_175 {strides = array<i32>} : memref<128xf32, #tpu.memory_space<vmem>>, vector<16xf32>,
    %get3A_178 = arith.constant 48 : index
    %get3A_179 = tpu.vector_load %arg14[%get3A_178] {strides = array<i32>} : memref<128xi32, #tpu.memory_space<vmem>>, vector<16xi32>,
    %gather3A_180 = tpu.vector_load_idx %arg11[%get3A_179] : memref<10240xf32, #tpu.memory_space<vmem>>[vector<16xi32>], vector<16xf32>,
    %get3A_181 = arith.constant 48 : index
    %get3A_182 = tpu.vector_load %arg18[%get3A_181] {strides = array<i32>} : memref<128xf32, #tpu.memory_space<vmem>>, vector<16xf32>,
    %mul3A_183 = arith.mulf %get3A_182, %gather3A_180 : vector<16xf32>
    %swap3A_184 = arith.constant 48 : index
    %swap3A_185 = tpu.vector_load %arg18[%swap3A_184] {strides = array<i32>} : memref<128xf32, #tpu.memory_space<vmem>>, vector<16xf32>,
    tpu.vector_store %arg18[%swap3A_184], %mul3A_183 {strides = array<i32>} : memref<128xf32, #tpu.memory_space<vmem>>, vector<16xf32>,
    %get3A_186 = arith.constant 64 : index
    %get3A_187 = tpu.vector_load %arg14[%get3A_186] {strides = array<i32>} : memref<128xi32, #tpu.memory_space<vmem>>, vector<16xi32>,
    %gather3A_188 = tpu.vector_load_idx %arg11[%get3A_187] : memref<10240xf32, #tpu.memory_space<vmem>>[vector<16xi32>], vector<16xf32>,
    %get3A_189 = arith.constant 64 : index
    %get3A_190 = tpu.vector_load %arg18[%get3A_189] {strides = array<i32>} : memref<128xf32, #tpu.memory_space<vmem>>, vector<16xf32>,
    %mul3A_191 = arith.mulf %get3A_190, %gather3A_188 : vector<16xf32>
    %swap3A_192 = arith.constant 64 : index
    %swap3A_193 = tpu.vector_load %arg18[%swap3A_192] {strides = array<i32>} : memref<128xf32, #tpu.memory_space<vmem>>, vector<16xf32>,
    tpu.vector_store %arg18[%swap3A_192], %mul3A_191 {strides = array<i32>} : memref<128xf32, #tpu.memory_space<vmem>>, vector<16xf32>,
    %get3A_194 = arith.constant 80 : index
    %get3A_195 = tpu.vector_load %arg14[%get3A_194] {strides = array<i32>} : memref<128xi32, #tpu.memory_space<vmem>>, vector<16xi32>,
    %gather3A_196 = tpu.vector_load_idx %arg11[%get3A_195] : memref<10240xf32, #tpu.memory_space<vmem>>[vector<16xi32>], vector<16xf32>,
    %get3A_197 = arith.constant 80 : index
    %get3A_198 = tpu.vector_load %arg18[%get3A_197] {strides = array<i32>} : memref<128xf32, #tpu.memory_space<vmem>>, vector<16xf32>,
    %mul3A_199 = arith.mulf %get3A_198, %gather3A_196 : vector<16xf32>
    %swap3A_200 = arith.constant 80 : index
    %swap3A_201 = tpu.vector_load %arg18[%swap3A_200] {strides = array<i32>} : memref<128xf32, #tpu.memory_space<vmem>>, vector<16xf32>,
    tpu.vector_store %arg18[%swap3A_200], %mul3A_199 {strides = array<i32>} : memref<128xf32, #tpu.memory_space<vmem>>, vector<16xf32>,
    %get3A_202 = arith.constant 96 : index
    %get3A_203 = tpu.vector_load %arg14[%get3A_202] {strides = array<i32>} : memref<128xi32, #tpu.memory_space<vmem>>, vector<16xi32>,
    %gather3A_204 = tpu.vector_load_idx %arg11[%get3A_203] : memref<10240xf32, #tpu.memory_space<vmem>>[vector<16xi32>], vector<16xf32>,
    %get3A_205 = arith.constant 96 : index
    %get3A_206 = tpu.vector_load %arg18[%get3A_205] {strides = array<i32>} : memref<128xf32, #tpu.memory_space<vmem>>, vector<16xf32>,
    %mul3A_207 = arith.mulf %get3A_206, %gather3A_204 : vector<16xf32>
    %swap3A_208 = arith.constant 96 : index
    %swap3A_209 = tpu.vector_load %arg18[%swap3A_208] {strides = array<i32>} : memref<128xf32, #tpu.memory_space<vmem>>, vector<16xf32>,
    tpu.vector_store %arg18[%swap3A_208], %mul3A_207 {strides = array<i32>} : memref<128xf32, #tpu.memory_space<vmem>>, vector<16xf32>,
    %get3A_210 = arith.constant 112 : index
    %get3A_211 = tpu.vector_load %arg14[%get3A_210] {strides = array<i32>} : memref<128xi32, #tpu.memory_space<vmem>>, vector<16xi32>,
    %gather3A_212 = tpu.vector_load_idx %arg11[%get3A_211] : memref<10240xf32, #tpu.memory_space<vmem>>[vector<16xi32>], vector<16xf32>,
    %get3A_213 = arith.constant 112 : index
    %get3A_214 = tpu.vector_load %arg18[%get3A_213] {strides = array<i32>} : memref<128xf32, #tpu.memory_space<vmem>>, vector<16xf32>,
    %mul3A_215 = arith.mulf %get3A_214, %gather3A_212 : vector<16xf32>
    %swap3A_216 = arith.constant 112 : index
    %swap3A_217 = tpu.vector_load %arg18[%swap3A_216] {strides = array<i32>} : memref<128xf32, #tpu.memory_space<vmem>>, vector<16xf32>,
    tpu.vector_store %arg18[%swap3A_216], %mul3A_215 {strides = array<i32>} : memref<128xf32, #tpu.memory_space<vmem>>, vector<16xf32>,
    %scan3A_218 = arith.constant 0 : i32
    %scan3A_219 = arith.constant 0 : i32
    %scan3A_220 = arith.constant 128 : i32
    %scan3A_221 = arith.addi %scan3A_219, %scan3A_220 : i32
    %scan3A_222 = arith.constant 1 : i32
    scf.for %scan3A_411 = %scan3A_219 to %scan3A_221 step %scan3A_222  : i32 {
      %broadcast_in_dim3A_412 = vector.broadcast %scan3A_411 : i32 to vector<16xi32>
      %gather3A_413 = tpu.vector_load_idx %arg18[%broadcast_in_dim3A_412] : memref<128xf32, #tpu.memory_space<vmem>>[vector<16xi32>], vector<16xf32>,
      %get3A_414 = arith.index_cast %scan3A_411 : i32 to index
      %get3A_415 = arith.constant 0 : index
      %get3A_416 = tpu.vector_load %arg20[%get3A_414, %get3A_415] {strides = array<i32>} : memref<128x32xf32, #tpu.memory_space<vmem>>, vector<16xf32>,
      %mul3A_417 = arith.mulf %get3A_416, %gather3A_413 : vector<16xf32>
      %swap3A_418 = arith.index_cast %scan3A_411 : i32 to index
      %swap3A_419 = arith.constant 0 : index
      %swap3A_420 = tpu.vector_load %arg22[%swap3A_418, %swap3A_419] {strides = array<i32>} : memref<128x32xf32, #tpu.memory_space<vmem>>, vector<16xf32>,
      tpu.vector_store %arg22[%swap3A_418, %swap3A_419], %mul3A_417 {strides = array<i32>} : memref<128x32xf32, #tpu.memory_space<vmem>>, vector<16xf32>,
      %get3A_421 = arith.index_cast %scan3A_411 : i32 to index
      %get3A_422 = arith.constant 16 : index
      %get3A_423 = tpu.vector_load %arg20[%get3A_421, %get3A_422] {strides = array<i32>} : memref<128x32xf32, #tpu.memory_space<vmem>>, vector<16xf32>,
      %mul3A_424 = arith.mulf %get3A_423, %gather3A_413 : vector<16xf32>
      %swap3A_425 = arith.index_cast %scan3A_411 : i32 to index
      %swap3A_426 = arith.constant 16 : index
      %swap3A_427 = tpu.vector_load %arg22[%swap3A_425, %swap3A_426] {strides = array<i32>} : memref<128x32xf32, #tpu.memory_space<vmem>>, vector<16xf32>,
      tpu.vector_store %arg22[%swap3A_425, %swap3A_426], %mul3A_424 {strides = array<i32>} : memref<128x32xf32, #tpu.memory_space<vmem>>, vector<16xf32>,
    }
    %scan3A_223 = arith.constant 128 : i32
    %dma_start3A_224 = arith.constant 0 : i32
    %dma_start3A_225 = arith.constant 0 : i32
    %dma_start3A_226 = tpu.memref_slice %arg24[%dma_start3A_224, %dma_start3A_225] : memref<10240x32xf32, #tpu.memory_space<vmem_shared>> -> memref<10240x32xf32, #tpu.memory_space<vmem_shared>>
    tpu.enqueue_indirect_dma source(%arg22 : memref<128x32xf32, #tpu.memory_space<vmem>>) target(%dma_start3A_226 : memref<10240x32xf32, #tpu.memory_space<vmem_shared>>) offsets(%arg16 : memref<128xi32, #tpu.memory_space<vmem>>) semaphore(%arg28 : memref<!tpu.dma_semaphore, #tpu.memory_space<semaphore_mem>>) {add = true}
    %add3A_227 = arith.constant 384 : i32
    %add3A_228 = arith.addi %mul3A_5, %add3A_227 : i32
    "tpu.region"() ({
      %run_scoped3A_411 = tpu.sem_alloc : memref<!tpu.dma_semaphore, #tpu.memory_space<semaphore_mem>>
      %dma_start3A_412 = tpu.memref_slice %arg3[%add3A_228] : memref<327680xi32, #tpu.memory_space<hbm>> -> memref<128xi32, #tpu.memory_space<hbm>>
      %dma_start3A_413 = tpu.memref_slice %arg3[%add3A_228] : memref<327680xi32, #tpu.memory_space<hbm>> -> memref<128xi32, #tpu.memory_space<hbm>>
      tpu.enqueue_dma source(%dma_start3A_413 : memref<128xi32, #tpu.memory_space<hbm>>) target(%arg14 : memref<128xi32, #tpu.memory_space<vmem>>) target_semaphore(%run_scoped3A_411 : memref<!tpu.dma_semaphore, #tpu.memory_space<semaphore_mem>>)
      %dma_wait3A_414 = tpu.memref_slice %arg3[%add3A_228] : memref<327680xi32, #tpu.memory_space<hbm>> -> memref<128xi32, #tpu.memory_space<hbm>>
      %dma_wait3A_415 = tpu.memref_slice %arg3[%add3A_228] : memref<327680xi32, #tpu.memory_space<hbm>> -> memref<128xi32, #tpu.memory_space<hbm>>
      tpu.wait_dma2 semaphore(%run_scoped3A_411 : memref<!tpu.dma_semaphore, #tpu.memory_space<semaphore_mem>>) src(%dma_wait3A_415 : memref<128xi32, #tpu.memory_space<hbm>>) dst(%arg14 : memref<128xi32, #tpu.memory_space<vmem>>)
      tpu.yield
    }) : () -> ()
    %dma_start3A_229 = arith.constant 0 : i32
    %dma_start3A_230 = arith.constant 0 : i32
    %dma_start3A_231 = tpu.memref_slice %arg2[%dma_start3A_229, %dma_start3A_230] : memref<10240x32xf32, #tpu.memory_space<hbm>> -> memref<10240x32xf32, #tpu.memory_space<hbm>>
    tpu.enqueue_indirect_dma source(%dma_start3A_231 : memref<10240x32xf32, #tpu.memory_space<hbm>>) target(%arg20 : memref<128x32xf32, #tpu.memory_space<vmem>>) offsets(%arg14 : memref<128xi32, #tpu.memory_space<vmem>>) semaphore(%arg26 : memref<!tpu.dma_semaphore, #tpu.memory_space<semaphore_mem>>)
    %scan3A_232 = arith.constant 0 : i32
    %scan3A_233 = arith.constant 1 : i32
    %scan3A_234 = arith.constant 38 : i32
    %scan3A_235 = arith.addi %scan3A_233, %scan3A_234 : i32
    %scan3A_236 = arith.constant 1 : i32
    scf.for %scan3A_411 = %scan3A_233 to %scan3A_235 step %scan3A_236  : i32 {
      %mul3A_412 = arith.constant 2 : i32
      %mul3A_413 = arith.muli %scan3A_411, %mul3A_412 : i32
      %add3A_414 = arith.constant 0 : i32
      %add3A_415 = arith.addi %mul3A_413, %add3A_414 : i32
      %mul3A_416 = arith.constant 128 : i32
      %mul3A_417 = arith.muli %add3A_415, %mul3A_416 : i32
      %add3A_418 = arith.addi %mul3A_5, %mul3A_417 : i32
      %dma_wait3A_419 = arith.constant 0 : i32
      %dma_wait3A_420 = arith.constant 0 : i32
      %dma_wait3A_421 = tpu.memref_slice %arg2[%dma_wait3A_419, %dma_wait3A_420] : memref<10240x32xf32, #tpu.memory_space<hbm>> -> memref<10240x32xf32, #tpu.memory_space<hbm>>
      tpu.wait_indirect_dma semaphore(%arg25 : memref<!tpu.dma_semaphore, #tpu.memory_space<semaphore_mem>>) src(%dma_wait3A_421 : memref<10240x32xf32, #tpu.memory_space<hbm>>) dst(%arg19 : memref<128x32xf32, #tpu.memory_space<vmem>>)
      %dma_wait3A_422 = arith.constant 0 : i32
      %dma_wait3A_423 = arith.constant 0 : i32
      %dma_wait3A_424 = tpu.memref_slice %arg24[%dma_wait3A_422, %dma_wait3A_423] : memref<10240x32xf32, #tpu.memory_space<vmem_shared>> -> memref<10240x32xf32, #tpu.memory_space<vmem_shared>>
      tpu.wait_indirect_dma semaphore(%arg27 : memref<!tpu.dma_semaphore, #tpu.memory_space<semaphore_mem>>) src(%arg21 : memref<128x32xf32, #tpu.memory_space<vmem>>) dst(%dma_wait3A_424 : memref<10240x32xf32, #tpu.memory_space<vmem_shared>>)
      "tpu.region"() ({
        %run_scoped3A_600 = tpu.sem_alloc : memref<!tpu.dma_semaphore, #tpu.memory_space<semaphore_mem>>
        %dma_start3A_601 = tpu.memref_slice %arg5[%add3A_418] : memref<327680xf32, #tpu.memory_space<hbm>> -> memref<128xf32, #tpu.memory_space<hbm>>
        %dma_start3A_602 = tpu.memref_slice %arg5[%add3A_418] : memref<327680xf32, #tpu.memory_space<hbm>> -> memref<128xf32, #tpu.memory_space<hbm>>
        tpu.enqueue_dma source(%dma_start3A_602 : memref<128xf32, #tpu.memory_space<hbm>>) target(%arg17 : memref<128xf32, #tpu.memory_space<vmem>>) target_semaphore(%run_scoped3A_600 : memref<!tpu.dma_semaphore, #tpu.memory_space<semaphore_mem>>)
        %dma_wait3A_603 = tpu.memref_slice %arg5[%add3A_418] : memref<327680xf32, #tpu.memory_space<hbm>> -> memref<128xf32, #tpu.memory_space<hbm>>
        %dma_wait3A_604 = tpu.memref_slice %arg5[%add3A_418] : memref<327680xf32, #tpu.memory_space<hbm>> -> memref<128xf32, #tpu.memory_space<hbm>>
        tpu.wait_dma2 semaphore(%run_scoped3A_600 : memref<!tpu.dma_semaphore, #tpu.memory_space<semaphore_mem>>) src(%dma_wait3A_604 : memref<128xf32, #tpu.memory_space<hbm>>) dst(%arg17 : memref<128xf32, #tpu.memory_space<vmem>>)
        tpu.yield
      }) : () -> ()
      "tpu.region"() ({
        %run_scoped3A_600 = tpu.sem_alloc : memref<!tpu.dma_semaphore, #tpu.memory_space<semaphore_mem>>
        %dma_start3A_601 = tpu.memref_slice %arg4[%add3A_418] : memref<327680xi32, #tpu.memory_space<hbm>> -> memref<128xi32, #tpu.memory_space<hbm>>
        %dma_start3A_602 = tpu.memref_slice %arg4[%add3A_418] : memref<327680xi32, #tpu.memory_space<hbm>> -> memref<128xi32, #tpu.memory_space<hbm>>
        tpu.enqueue_dma source(%dma_start3A_602 : memref<128xi32, #tpu.memory_space<hbm>>) target(%arg15 : memref<128xi32, #tpu.memory_space<vmem>>) target_semaphore(%run_scoped3A_600 : memref<!tpu.dma_semaphore, #tpu.memory_space<semaphore_mem>>)
        %dma_wait3A_603 = tpu.memref_slice %arg4[%add3A_418] : memref<327680xi32, #tpu.memory_space<hbm>> -> memref<128xi32, #tpu.memory_space<hbm>>
        %dma_wait3A_604 = tpu.memref_slice %arg4[%add3A_418] : memref<327680xi32, #tpu.memory_space<hbm>> -> memref<128xi32, #tpu.memory_space<hbm>>
        tpu.wait_dma2 semaphore(%run_scoped3A_600 : memref<!tpu.dma_semaphore, #tpu.memory_space<semaphore_mem>>) src(%dma_wait3A_604 : memref<128xi32, #tpu.memory_space<hbm>>) dst(%arg15 : memref<128xi32, #tpu.memory_space<vmem>>)
        tpu.yield
      }) : () -> ()
      %get3A_425 = arith.constant 0 : index
      %get3A_426 = tpu.vector_load %arg13[%get3A_425] {strides = array<i32>} : memref<128xi32, #tpu.memory_space<vmem>>, vector<16xi32>,
      %gather3A_427 = tpu.vector_load_idx %arg11[%get3A_426] : memref<10240xf32, #tpu.memory_space<vmem>>[vector<16xi32>], vector<16xf32>,
      %get3A_428 = arith.constant 0 : index
      %get3A_429 = tpu.vector_load %arg17[%get3A_428] {strides = array<i32>} : memref<128xf32, #tpu.memory_space<vmem>>, vector<16xf32>,
      %mul3A_430 = arith.mulf %get3A_429, %gather3A_427 : vector<16xf32>
      %swap3A_431 = arith.constant 0 : index
      %swap3A_432 = tpu.vector_load %arg17[%swap3A_431] {strides = array<i32>} : memref<128xf32, #tpu.memory_space<vmem>>, vector<16xf32>,
      tpu.vector_store %arg17[%swap3A_431], %mul3A_430 {strides = array<i32>} : memref<128xf32, #tpu.memory_space<vmem>>, vector<16xf32>,
      %get3A_433 = arith.constant 16 : index
      %get3A_434 = tpu.vector_load %arg13[%get3A_433] {strides = array<i32>} : memref<128xi32, #tpu.memory_space<vmem>>, vector<16xi32>,
      %gather3A_435 = tpu.vector_load_idx %arg11[%get3A_434] : memref<10240xf32, #tpu.memory_space<vmem>>[vector<16xi32>], vector<16xf32>,
      %get3A_436 = arith.constant 16 : index
      %get3A_437 = tpu.vector_load %arg17[%get3A_436] {strides = array<i32>} : memref<128xf32, #tpu.memory_space<vmem>>, vector<16xf32>,
      %mul3A_438 = arith.mulf %get3A_437, %gather3A_435 : vector<16xf32>
      %swap3A_439 = arith.constant 16 : index
      %swap3A_440 = tpu.vector_load %arg17[%swap3A_439] {strides = array<i32>} : memref<128xf32, #tpu.memory_space<vmem>>, vector<16xf32>,
      tpu.vector_store %arg17[%swap3A_439], %mul3A_438 {strides = array<i32>} : memref<128xf32, #tpu.memory_space<vmem>>, vector<16xf32>,
      %get3A_441 = arith.constant 32 : index
      %get3A_442 = tpu.vector_load %arg13[%get3A_441] {strides = array<i32>} : memref<128xi32, #tpu.memory_space<vmem>>, vector<16xi32>,
      %gather3A_443 = tpu.vector_load_idx %arg11[%get3A_442] : memref<10240xf32, #tpu.memory_space<vmem>>[vector<16xi32>], vector<16xf32>,
      %get3A_444 = arith.constant 32 : index
      %get3A_445 = tpu.vector_load %arg17[%get3A_444] {strides = array<i32>} : memref<128xf32, #tpu.memory_space<vmem>>, vector<16xf32>,
      %mul3A_446 = arith.mulf %get3A_445, %gather3A_443 : vector<16xf32>
      %swap3A_447 = arith.constant 32 : index
      %swap3A_448 = tpu.vector_load %arg17[%swap3A_447] {strides = array<i32>} : memref<128xf32, #tpu.memory_space<vmem>>, vector<16xf32>,
      tpu.vector_store %arg17[%swap3A_447], %mul3A_446 {strides = array<i32>} : memref<128xf32, #tpu.memory_space<vmem>>, vector<16xf32>,
      %get3A_449 = arith.constant 48 : index
      %get3A_450 = tpu.vector_load %arg13[%get3A_449] {strides = array<i32>} : memref<128xi32, #tpu.memory_space<vmem>>, vector<16xi32>,
      %gather3A_451 = tpu.vector_load_idx %arg11[%get3A_450] : memref<10240xf32, #tpu.memory_space<vmem>>[vector<16xi32>], vector<16xf32>,
      %get3A_452 = arith.constant 48 : index
      %get3A_453 = tpu.vector_load %arg17[%get3A_452] {strides = array<i32>} : memref<128xf32, #tpu.memory_space<vmem>>, vector<16xf32>,
      %mul3A_454 = arith.mulf %get3A_453, %gather3A_451 : vector<16xf32>
      %swap3A_455 = arith.constant 48 : index
      %swap3A_456 = tpu.vector_load %arg17[%swap3A_455] {strides = array<i32>} : memref<128xf32, #tpu.memory_space<vmem>>, vector<16xf32>,
      tpu.vector_store %arg17[%swap3A_455], %mul3A_454 {strides = array<i32>} : memref<128xf32, #tpu.memory_space<vmem>>, vector<16xf32>,
      %get3A_457 = arith.constant 64 : index
      %get3A_458 = tpu.vector_load %arg13[%get3A_457] {strides = array<i32>} : memref<128xi32, #tpu.memory_space<vmem>>, vector<16xi32>,
      %gather3A_459 = tpu.vector_load_idx %arg11[%get3A_458] : memref<10240xf32, #tpu.memory_space<vmem>>[vector<16xi32>], vector<16xf32>,
      %get3A_460 = arith.constant 64 : index
      %get3A_461 = tpu.vector_load %arg17[%get3A_460] {strides = array<i32>} : memref<128xf32, #tpu.memory_space<vmem>>, vector<16xf32>,
      %mul3A_462 = arith.mulf %get3A_461, %gather3A_459 : vector<16xf32>
      %swap3A_463 = arith.constant 64 : index
      %swap3A_464 = tpu.vector_load %arg17[%swap3A_463] {strides = array<i32>} : memref<128xf32, #tpu.memory_space<vmem>>, vector<16xf32>,
      tpu.vector_store %arg17[%swap3A_463], %mul3A_462 {strides = array<i32>} : memref<128xf32, #tpu.memory_space<vmem>>, vector<16xf32>,
      %get3A_465 = arith.constant 80 : index
      %get3A_466 = tpu.vector_load %arg13[%get3A_465] {strides = array<i32>} : memref<128xi32, #tpu.memory_space<vmem>>, vector<16xi32>,
      %gather3A_467 = tpu.vector_load_idx %arg11[%get3A_466] : memref<10240xf32, #tpu.memory_space<vmem>>[vector<16xi32>], vector<16xf32>,
      %get3A_468 = arith.constant 80 : index
      %get3A_469 = tpu.vector_load %arg17[%get3A_468] {strides = array<i32>} : memref<128xf32, #tpu.memory_space<vmem>>, vector<16xf32>,
      %mul3A_470 = arith.mulf %get3A_469, %gather3A_467 : vector<16xf32>
      %swap3A_471 = arith.constant 80 : index
      %swap3A_472 = tpu.vector_load %arg17[%swap3A_471] {strides = array<i32>} : memref<128xf32, #tpu.memory_space<vmem>>, vector<16xf32>,
      tpu.vector_store %arg17[%swap3A_471], %mul3A_470 {strides = array<i32>} : memref<128xf32, #tpu.memory_space<vmem>>, vector<16xf32>,
      %get3A_473 = arith.constant 96 : index
      %get3A_474 = tpu.vector_load %arg13[%get3A_473] {strides = array<i32>} : memref<128xi32, #tpu.memory_space<vmem>>, vector<16xi32>,
      %gather3A_475 = tpu.vector_load_idx %arg11[%get3A_474] : memref<10240xf32, #tpu.memory_space<vmem>>[vector<16xi32>], vector<16xf32>,
      %get3A_476 = arith.constant 96 : index
      %get3A_477 = tpu.vector_load %arg17[%get3A_476] {strides = array<i32>} : memref<128xf32, #tpu.memory_space<vmem>>, vector<16xf32>,
      %mul3A_478 = arith.mulf %get3A_477, %gather3A_475 : vector<16xf32>
      %swap3A_479 = arith.constant 96 : index
      %swap3A_480 = tpu.vector_load %arg17[%swap3A_479] {strides = array<i32>} : memref<128xf32, #tpu.memory_space<vmem>>, vector<16xf32>,
      tpu.vector_store %arg17[%swap3A_479], %mul3A_478 {strides = array<i32>} : memref<128xf32, #tpu.memory_space<vmem>>, vector<16xf32>,
      %get3A_481 = arith.constant 112 : index
      %get3A_482 = tpu.vector_load %arg13[%get3A_481] {strides = array<i32>} : memref<128xi32, #tpu.memory_space<vmem>>, vector<16xi32>,
      %gather3A_483 = tpu.vector_load_idx %arg11[%get3A_482] : memref<10240xf32, #tpu.memory_space<vmem>>[vector<16xi32>], vector<16xf32>,
      %get3A_484 = arith.constant 112 : index
      %get3A_485 = tpu.vector_load %arg17[%get3A_484] {strides = array<i32>} : memref<128xf32, #tpu.memory_space<vmem>>, vector<16xf32>,
      %mul3A_486 = arith.mulf %get3A_485, %gather3A_483 : vector<16xf32>
      %swap3A_487 = arith.constant 112 : index
      %swap3A_488 = tpu.vector_load %arg17[%swap3A_487] {strides = array<i32>} : memref<128xf32, #tpu.memory_space<vmem>>, vector<16xf32>,
      tpu.vector_store %arg17[%swap3A_487], %mul3A_486 {strides = array<i32>} : memref<128xf32, #tpu.memory_space<vmem>>, vector<16xf32>,
      %scan3A_489 = arith.constant 0 : i32
      %scan3A_490 = arith.constant 0 : i32
      %scan3A_491 = arith.constant 128 : i32
      %scan3A_492 = arith.addi %scan3A_490, %scan3A_491 : i32
      %scan3A_493 = arith.constant 1 : i32
      scf.for %scan3A_600 = %scan3A_490 to %scan3A_492 step %scan3A_493  : i32 {
        %broadcast_in_dim3A_601 = vector.broadcast %scan3A_600 : i32 to vector<16xi32>
        %gather3A_602 = tpu.vector_load_idx %arg17[%broadcast_in_dim3A_601] : memref<128xf32, #tpu.memory_space<vmem>>[vector<16xi32>], vector<16xf32>,
        %get3A_603 = arith.index_cast %scan3A_600 : i32 to index
        %get3A_604 = arith.constant 0 : index
        %get3A_605 = tpu.vector_load %arg19[%get3A_603, %get3A_604] {strides = array<i32>} : memref<128x32xf32, #tpu.memory_space<vmem>>, vector<16xf32>,
        %mul3A_606 = arith.mulf %get3A_605, %gather3A_602 : vector<16xf32>
        %swap3A_607 = arith.index_cast %scan3A_600 : i32 to index
        %swap3A_608 = arith.constant 0 : index
        %swap3A_609 = tpu.vector_load %arg21[%swap3A_607, %swap3A_608] {strides = array<i32>} : memref<128x32xf32, #tpu.memory_space<vmem>>, vector<16xf32>,
        tpu.vector_store %arg21[%swap3A_607, %swap3A_608], %mul3A_606 {strides = array<i32>} : memref<128x32xf32, #tpu.memory_space<vmem>>, vector<16xf32>,
        %get3A_610 = arith.index_cast %scan3A_600 : i32 to index
        %get3A_611 = arith.constant 16 : index
        %get3A_612 = tpu.vector_load %arg19[%get3A_610, %get3A_611] {strides = array<i32>} : memref<128x32xf32, #tpu.memory_space<vmem>>, vector<16xf32>,
        %mul3A_613 = arith.mulf %get3A_612, %gather3A_602 : vector<16xf32>
        %swap3A_614 = arith.index_cast %scan3A_600 : i32 to index
        %swap3A_615 = arith.constant 16 : index
        %swap3A_616 = tpu.vector_load %arg21[%swap3A_614, %swap3A_615] {strides = array<i32>} : memref<128x32xf32, #tpu.memory_space<vmem>>, vector<16xf32>,
        tpu.vector_store %arg21[%swap3A_614, %swap3A_615], %mul3A_613 {strides = array<i32>} : memref<128x32xf32, #tpu.memory_space<vmem>>, vector<16xf32>,
      }
      %scan3A_494 = arith.constant 128 : i32
      %dma_start3A_495 = arith.constant 0 : i32
      %dma_start3A_496 = arith.constant 0 : i32
      %dma_start3A_497 = tpu.memref_slice %arg24[%dma_start3A_495, %dma_start3A_496] : memref<10240x32xf32, #tpu.memory_space<vmem_shared>> -> memref<10240x32xf32, #tpu.memory_space<vmem_shared>>
      tpu.enqueue_indirect_dma source(%arg21 : memref<128x32xf32, #tpu.memory_space<vmem>>) target(%dma_start3A_497 : memref<10240x32xf32, #tpu.memory_space<vmem_shared>>) offsets(%arg15 : memref<128xi32, #tpu.memory_space<vmem>>) semaphore(%arg27 : memref<!tpu.dma_semaphore, #tpu.memory_space<semaphore_mem>>) {add = true}
      %add3A_498 = arith.constant 2 : i32
      %add3A_499 = arith.addi %add3A_415, %add3A_498 : i32
      %mul3A_500 = arith.constant 128 : i32
      %mul3A_501 = arith.muli %add3A_499, %mul3A_500 : i32
      %add3A_502 = arith.addi %mul3A_5, %mul3A_501 : i32
      "tpu.region"() ({
        %run_scoped3A_600 = tpu.sem_alloc : memref<!tpu.dma_semaphore, #tpu.memory_space<semaphore_mem>>
        %dma_start3A_601 = tpu.memref_slice %arg3[%add3A_502] : memref<327680xi32, #tpu.memory_space<hbm>> -> memref<128xi32, #tpu.memory_space<hbm>>
        %dma_start3A_602 = tpu.memref_slice %arg3[%add3A_502] : memref<327680xi32, #tpu.memory_space<hbm>> -> memref<128xi32, #tpu.memory_space<hbm>>
        tpu.enqueue_dma source(%dma_start3A_602 : memref<128xi32, #tpu.memory_space<hbm>>) target(%arg13 : memref<128xi32, #tpu.memory_space<vmem>>) target_semaphore(%run_scoped3A_600 : memref<!tpu.dma_semaphore, #tpu.memory_space<semaphore_mem>>)
        %dma_wait3A_603 = tpu.memref_slice %arg3[%add3A_502] : memref<327680xi32, #tpu.memory_space<hbm>> -> memref<128xi32, #tpu.memory_space<hbm>>
        %dma_wait3A_604 = tpu.memref_slice %arg3[%add3A_502] : memref<327680xi32, #tpu.memory_space<hbm>> -> memref<128xi32, #tpu.memory_space<hbm>>
        tpu.wait_dma2 semaphore(%run_scoped3A_600 : memref<!tpu.dma_semaphore, #tpu.memory_space<semaphore_mem>>) src(%dma_wait3A_604 : memref<128xi32, #tpu.memory_space<hbm>>) dst(%arg13 : memref<128xi32, #tpu.memory_space<vmem>>)
        tpu.yield
      }) : () -> ()
      %dma_start3A_503 = arith.constant 0 : i32
      %dma_start3A_504 = arith.constant 0 : i32
      %dma_start3A_505 = tpu.memref_slice %arg2[%dma_start3A_503, %dma_start3A_504] : memref<10240x32xf32, #tpu.memory_space<hbm>> -> memref<10240x32xf32, #tpu.memory_space<hbm>>
      tpu.enqueue_indirect_dma source(%dma_start3A_505 : memref<10240x32xf32, #tpu.memory_space<hbm>>) target(%arg19 : memref<128x32xf32, #tpu.memory_space<vmem>>) offsets(%arg13 : memref<128xi32, #tpu.memory_space<vmem>>) semaphore(%arg25 : memref<!tpu.dma_semaphore, #tpu.memory_space<semaphore_mem>>)
      %mul3A_506 = arith.constant 2 : i32
      %mul3A_507 = arith.muli %scan3A_411, %mul3A_506 : i32
      %add3A_508 = arith.constant 1 : i32
      %add3A_509 = arith.addi %mul3A_507, %add3A_508 : i32
      %mul3A_510 = arith.constant 128 : i32
      %mul3A_511 = arith.muli %add3A_509, %mul3A_510 : i32
      %add3A_512 = arith.addi %mul3A_5, %mul3A_511 : i32
      %dma_wait3A_513 = arith.constant 0 : i32
      %dma_wait3A_514 = arith.constant 0 : i32
      %dma_wait3A_515 = tpu.memref_slice %arg2[%dma_wait3A_513, %dma_wait3A_514] : memref<10240x32xf32, #tpu.memory_space<hbm>> -> memref<10240x32xf32, #tpu.memory_space<hbm>>
      tpu.wait_indirect_dma semaphore(%arg26 : memref<!tpu.dma_semaphore, #tpu.memory_space<semaphore_mem>>) src(%dma_wait3A_515 : memref<10240x32xf32, #tpu.memory_space<hbm>>) dst(%arg20 : memref<128x32xf32, #tpu.memory_space<vmem>>)
      %dma_wait3A_516 = arith.constant 0 : i32
      %dma_wait3A_517 = arith.constant 0 : i32
      %dma_wait3A_518 = tpu.memref_slice %arg24[%dma_wait3A_516, %dma_wait3A_517] : memref<10240x32xf32, #tpu.memory_space<vmem_shared>> -> memref<10240x32xf32, #tpu.memory_space<vmem_shared>>
      tpu.wait_indirect_dma semaphore(%arg28 : memref<!tpu.dma_semaphore, #tpu.memory_space<semaphore_mem>>) src(%arg22 : memref<128x32xf32, #tpu.memory_space<vmem>>) dst(%dma_wait3A_518 : memref<10240x32xf32, #tpu.memory_space<vmem_shared>>)
      "tpu.region"() ({
        %run_scoped3A_600 = tpu.sem_alloc : memref<!tpu.dma_semaphore, #tpu.memory_space<semaphore_mem>>
        %dma_start3A_601 = tpu.memref_slice %arg5[%add3A_512] : memref<327680xf32, #tpu.memory_space<hbm>> -> memref<128xf32, #tpu.memory_space<hbm>>
        %dma_start3A_602 = tpu.memref_slice %arg5[%add3A_512] : memref<327680xf32, #tpu.memory_space<hbm>> -> memref<128xf32, #tpu.memory_space<hbm>>
        tpu.enqueue_dma source(%dma_start3A_602 : memref<128xf32, #tpu.memory_space<hbm>>) target(%arg18 : memref<128xf32, #tpu.memory_space<vmem>>) target_semaphore(%run_scoped3A_600 : memref<!tpu.dma_semaphore, #tpu.memory_space<semaphore_mem>>)
        %dma_wait3A_603 = tpu.memref_slice %arg5[%add3A_512] : memref<327680xf32, #tpu.memory_space<hbm>> -> memref<128xf32, #tpu.memory_space<hbm>>
        %dma_wait3A_604 = tpu.memref_slice %arg5[%add3A_512] : memref<327680xf32, #tpu.memory_space<hbm>> -> memref<128xf32, #tpu.memory_space<hbm>>
        tpu.wait_dma2 semaphore(%run_scoped3A_600 : memref<!tpu.dma_semaphore, #tpu.memory_space<semaphore_mem>>) src(%dma_wait3A_604 : memref<128xf32, #tpu.memory_space<hbm>>) dst(%arg18 : memref<128xf32, #tpu.memory_space<vmem>>)
        tpu.yield
      }) : () -> ()
      "tpu.region"() ({
        %run_scoped3A_600 = tpu.sem_alloc : memref<!tpu.dma_semaphore, #tpu.memory_space<semaphore_mem>>
        %dma_start3A_601 = tpu.memref_slice %arg4[%add3A_512] : memref<327680xi32, #tpu.memory_space<hbm>> -> memref<128xi32, #tpu.memory_space<hbm>>
        %dma_start3A_602 = tpu.memref_slice %arg4[%add3A_512] : memref<327680xi32, #tpu.memory_space<hbm>> -> memref<128xi32, #tpu.memory_space<hbm>>
        tpu.enqueue_dma source(%dma_start3A_602 : memref<128xi32, #tpu.memory_space<hbm>>) target(%arg16 : memref<128xi32, #tpu.memory_space<vmem>>) target_semaphore(%run_scoped3A_600 : memref<!tpu.dma_semaphore, #tpu.memory_space<semaphore_mem>>)
        %dma_wait3A_603 = tpu.memref_slice %arg4[%add3A_512] : memref<327680xi32, #tpu.memory_space<hbm>> -> memref<128xi32, #tpu.memory_space<hbm>>
        %dma_wait3A_604 = tpu.memref_slice %arg4[%add3A_512] : memref<327680xi32, #tpu.memory_space<hbm>> -> memref<128xi32, #tpu.memory_space<hbm>>
        tpu.wait_dma2 semaphore(%run_scoped3A_600 : memref<!tpu.dma_semaphore, #tpu.memory_space<semaphore_mem>>) src(%dma_wait3A_604 : memref<128xi32, #tpu.memory_space<hbm>>) dst(%arg16 : memref<128xi32, #tpu.memory_space<vmem>>)
        tpu.yield
      }) : () -> ()
      %get3A_519 = arith.constant 0 : index
      %get3A_520 = tpu.vector_load %arg14[%get3A_519] {strides = array<i32>} : memref<128xi32, #tpu.memory_space<vmem>>, vector<16xi32>,
      %gather3A_521 = tpu.vector_load_idx %arg11[%get3A_520] : memref<10240xf32, #tpu.memory_space<vmem>>[vector<16xi32>], vector<16xf32>,
      %get3A_522 = arith.constant 0 : index
      %get3A_523 = tpu.vector_load %arg18[%get3A_522] {strides = array<i32>} : memref<128xf32, #tpu.memory_space<vmem>>, vector<16xf32>,
      %mul3A_524 = arith.mulf %get3A_523, %gather3A_521 : vector<16xf32>
      %swap3A_525 = arith.constant 0 : index
      %swap3A_526 = tpu.vector_load %arg18[%swap3A_525] {strides = array<i32>} : memref<128xf32, #tpu.memory_space<vmem>>, vector<16xf32>,
      tpu.vector_store %arg18[%swap3A_525], %mul3A_524 {strides = array<i32>} : memref<128xf32, #tpu.memory_space<vmem>>, vector<16xf32>,
      %get3A_527 = arith.constant 16 : index
      %get3A_528 = tpu.vector_load %arg14[%get3A_527] {strides = array<i32>} : memref<128xi32, #tpu.memory_space<vmem>>, vector<16xi32>,
      %gather3A_529 = tpu.vector_load_idx %arg11[%get3A_528] : memref<10240xf32, #tpu.memory_space<vmem>>[vector<16xi32>], vector<16xf32>,
      %get3A_530 = arith.constant 16 : index
      %get3A_531 = tpu.vector_load %arg18[%get3A_530] {strides = array<i32>} : memref<128xf32, #tpu.memory_space<vmem>>, vector<16xf32>,
      %mul3A_532 = arith.mulf %get3A_531, %gather3A_529 : vector<16xf32>
      %swap3A_533 = arith.constant 16 : index
      %swap3A_534 = tpu.vector_load %arg18[%swap3A_533] {strides = array<i32>} : memref<128xf32, #tpu.memory_space<vmem>>, vector<16xf32>,
      tpu.vector_store %arg18[%swap3A_533], %mul3A_532 {strides = array<i32>} : memref<128xf32, #tpu.memory_space<vmem>>, vector<16xf32>,
      %get3A_535 = arith.constant 32 : index
      %get3A_536 = tpu.vector_load %arg14[%get3A_535] {strides = array<i32>} : memref<128xi32, #tpu.memory_space<vmem>>, vector<16xi32>,
      %gather3A_537 = tpu.vector_load_idx %arg11[%get3A_536] : memref<10240xf32, #tpu.memory_space<vmem>>[vector<16xi32>], vector<16xf32>,
      %get3A_538 = arith.constant 32 : index
      %get3A_539 = tpu.vector_load %arg18[%get3A_538] {strides = array<i32>} : memref<128xf32, #tpu.memory_space<vmem>>, vector<16xf32>,
      %mul3A_540 = arith.mulf %get3A_539, %gather3A_537 : vector<16xf32>
      %swap3A_541 = arith.constant 32 : index
      %swap3A_542 = tpu.vector_load %arg18[%swap3A_541] {strides = array<i32>} : memref<128xf32, #tpu.memory_space<vmem>>, vector<16xf32>,
      tpu.vector_store %arg18[%swap3A_541], %mul3A_540 {strides = array<i32>} : memref<128xf32, #tpu.memory_space<vmem>>, vector<16xf32>,
      %get3A_543 = arith.constant 48 : index
      %get3A_544 = tpu.vector_load %arg14[%get3A_543] {strides = array<i32>} : memref<128xi32, #tpu.memory_space<vmem>>, vector<16xi32>,
      %gather3A_545 = tpu.vector_load_idx %arg11[%get3A_544] : memref<10240xf32, #tpu.memory_space<vmem>>[vector<16xi32>], vector<16xf32>,
      %get3A_546 = arith.constant 48 : index
      %get3A_547 = tpu.vector_load %arg18[%get3A_546] {strides = array<i32>} : memref<128xf32, #tpu.memory_space<vmem>>, vector<16xf32>,
      %mul3A_548 = arith.mulf %get3A_547, %gather3A_545 : vector<16xf32>
      %swap3A_549 = arith.constant 48 : index
      %swap3A_550 = tpu.vector_load %arg18[%swap3A_549] {strides = array<i32>} : memref<128xf32, #tpu.memory_space<vmem>>, vector<16xf32>,
      tpu.vector_store %arg18[%swap3A_549], %mul3A_548 {strides = array<i32>} : memref<128xf32, #tpu.memory_space<vmem>>, vector<16xf32>,
      %get3A_551 = arith.constant 64 : index
      %get3A_552 = tpu.vector_load %arg14[%get3A_551] {strides = array<i32>} : memref<128xi32, #tpu.memory_space<vmem>>, vector<16xi32>,
      %gather3A_553 = tpu.vector_load_idx %arg11[%get3A_552] : memref<10240xf32, #tpu.memory_space<vmem>>[vector<16xi32>], vector<16xf32>,
      %get3A_554 = arith.constant 64 : index
      %get3A_555 = tpu.vector_load %arg18[%get3A_554] {strides = array<i32>} : memref<128xf32, #tpu.memory_space<vmem>>, vector<16xf32>,
      %mul3A_556 = arith.mulf %get3A_555, %gather3A_553 : vector<16xf32>
      %swap3A_557 = arith.constant 64 : index
      %swap3A_558 = tpu.vector_load %arg18[%swap3A_557] {strides = array<i32>} : memref<128xf32, #tpu.memory_space<vmem>>, vector<16xf32>,
      tpu.vector_store %arg18[%swap3A_557], %mul3A_556 {strides = array<i32>} : memref<128xf32, #tpu.memory_space<vmem>>, vector<16xf32>,
      %get3A_559 = arith.constant 80 : index
      %get3A_560 = tpu.vector_load %arg14[%get3A_559] {strides = array<i32>} : memref<128xi32, #tpu.memory_space<vmem>>, vector<16xi32>,
      %gather3A_561 = tpu.vector_load_idx %arg11[%get3A_560] : memref<10240xf32, #tpu.memory_space<vmem>>[vector<16xi32>], vector<16xf32>,
      %get3A_562 = arith.constant 80 : index
      %get3A_563 = tpu.vector_load %arg18[%get3A_562] {strides = array<i32>} : memref<128xf32, #tpu.memory_space<vmem>>, vector<16xf32>,
      %mul3A_564 = arith.mulf %get3A_563, %gather3A_561 : vector<16xf32>
      %swap3A_565 = arith.constant 80 : index
      %swap3A_566 = tpu.vector_load %arg18[%swap3A_565] {strides = array<i32>} : memref<128xf32, #tpu.memory_space<vmem>>, vector<16xf32>,
      tpu.vector_store %arg18[%swap3A_565], %mul3A_564 {strides = array<i32>} : memref<128xf32, #tpu.memory_space<vmem>>, vector<16xf32>,
      %get3A_567 = arith.constant 96 : index
      %get3A_568 = tpu.vector_load %arg14[%get3A_567] {strides = array<i32>} : memref<128xi32, #tpu.memory_space<vmem>>, vector<16xi32>,
      %gather3A_569 = tpu.vector_load_idx %arg11[%get3A_568] : memref<10240xf32, #tpu.memory_space<vmem>>[vector<16xi32>], vector<16xf32>,
      %get3A_570 = arith.constant 96 : index
      %get3A_571 = tpu.vector_load %arg18[%get3A_570] {strides = array<i32>} : memref<128xf32, #tpu.memory_space<vmem>>, vector<16xf32>,
      %mul3A_572 = arith.mulf %get3A_571, %gather3A_569 : vector<16xf32>
      %swap3A_573 = arith.constant 96 : index
      %swap3A_574 = tpu.vector_load %arg18[%swap3A_573] {strides = array<i32>} : memref<128xf32, #tpu.memory_space<vmem>>, vector<16xf32>,
      tpu.vector_store %arg18[%swap3A_573], %mul3A_572 {strides = array<i32>} : memref<128xf32, #tpu.memory_space<vmem>>, vector<16xf32>,
      %get3A_575 = arith.constant 112 : index
      %get3A_576 = tpu.vector_load %arg14[%get3A_575] {strides = array<i32>} : memref<128xi32, #tpu.memory_space<vmem>>, vector<16xi32>,
      %gather3A_577 = tpu.vector_load_idx %arg11[%get3A_576] : memref<10240xf32, #tpu.memory_space<vmem>>[vector<16xi32>], vector<16xf32>,
      %get3A_578 = arith.constant 112 : index
      %get3A_579 = tpu.vector_load %arg18[%get3A_578] {strides = array<i32>} : memref<128xf32, #tpu.memory_space<vmem>>, vector<16xf32>,
      %mul3A_580 = arith.mulf %get3A_579, %gather3A_577 : vector<16xf32>
      %swap3A_581 = arith.constant 112 : index
      %swap3A_582 = tpu.vector_load %arg18[%swap3A_581] {strides = array<i32>} : memref<128xf32, #tpu.memory_space<vmem>>, vector<16xf32>,
      tpu.vector_store %arg18[%swap3A_581], %mul3A_580 {strides = array<i32>} : memref<128xf32, #tpu.memory_space<vmem>>, vector<16xf32>,
      %scan3A_583 = arith.constant 0 : i32
      %scan3A_584 = arith.constant 0 : i32
      %scan3A_585 = arith.constant 128 : i32
      %scan3A_586 = arith.addi %scan3A_584, %scan3A_585 : i32
      %scan3A_587 = arith.constant 1 : i32
      scf.for %scan3A_600 = %scan3A_584 to %scan3A_586 step %scan3A_587  : i32 {
        %broadcast_in_dim3A_601 = vector.broadcast %scan3A_600 : i32 to vector<16xi32>
        %gather3A_602 = tpu.vector_load_idx %arg18[%broadcast_in_dim3A_601] : memref<128xf32, #tpu.memory_space<vmem>>[vector<16xi32>], vector<16xf32>,
        %get3A_603 = arith.index_cast %scan3A_600 : i32 to index
        %get3A_604 = arith.constant 0 : index
        %get3A_605 = tpu.vector_load %arg20[%get3A_603, %get3A_604] {strides = array<i32>} : memref<128x32xf32, #tpu.memory_space<vmem>>, vector<16xf32>,
        %mul3A_606 = arith.mulf %get3A_605, %gather3A_602 : vector<16xf32>
        %swap3A_607 = arith.index_cast %scan3A_600 : i32 to index
        %swap3A_608 = arith.constant 0 : index
        %swap3A_609 = tpu.vector_load %arg22[%swap3A_607, %swap3A_608] {strides = array<i32>} : memref<128x32xf32, #tpu.memory_space<vmem>>, vector<16xf32>,
        tpu.vector_store %arg22[%swap3A_607, %swap3A_608], %mul3A_606 {strides = array<i32>} : memref<128x32xf32, #tpu.memory_space<vmem>>, vector<16xf32>,
        %get3A_610 = arith.index_cast %scan3A_600 : i32 to index
        %get3A_611 = arith.constant 16 : index
        %get3A_612 = tpu.vector_load %arg20[%get3A_610, %get3A_611] {strides = array<i32>} : memref<128x32xf32, #tpu.memory_space<vmem>>, vector<16xf32>,
        %mul3A_613 = arith.mulf %get3A_612, %gather3A_602 : vector<16xf32>
        %swap3A_614 = arith.index_cast %scan3A_600 : i32 to index
        %swap3A_615 = arith.constant 16 : index
        %swap3A_616 = tpu.vector_load %arg22[%swap3A_614, %swap3A_615] {strides = array<i32>} : memref<128x32xf32, #tpu.memory_space<vmem>>, vector<16xf32>,
        tpu.vector_store %arg22[%swap3A_614, %swap3A_615], %mul3A_613 {strides = array<i32>} : memref<128x32xf32, #tpu.memory_space<vmem>>, vector<16xf32>,
      }
      %scan3A_588 = arith.constant 128 : i32
      %dma_start3A_589 = arith.constant 0 : i32
      %dma_start3A_590 = arith.constant 0 : i32
      %dma_start3A_591 = tpu.memref_slice %arg24[%dma_start3A_589, %dma_start3A_590] : memref<10240x32xf32, #tpu.memory_space<vmem_shared>> -> memref<10240x32xf32, #tpu.memory_space<vmem_shared>>
      tpu.enqueue_indirect_dma source(%arg22 : memref<128x32xf32, #tpu.memory_space<vmem>>) target(%dma_start3A_591 : memref<10240x32xf32, #tpu.memory_space<vmem_shared>>) offsets(%arg16 : memref<128xi32, #tpu.memory_space<vmem>>) semaphore(%arg28 : memref<!tpu.dma_semaphore, #tpu.memory_space<semaphore_mem>>) {add = true}
      %add3A_592 = arith.constant 2 : i32
      %add3A_593 = arith.addi %add3A_509, %add3A_592 : i32
      %mul3A_594 = arith.constant 128 : i32
      %mul3A_595 = arith.muli %add3A_593, %mul3A_594 : i32
      %add3A_596 = arith.addi %mul3A_5, %mul3A_595 : i32
      "tpu.region"() ({
        %run_scoped3A_600 = tpu.sem_alloc : memref<!tpu.dma_semaphore, #tpu.memory_space<semaphore_mem>>
        %dma_start3A_601 = tpu.memref_slice %arg3[%add3A_596] : memref<327680xi32, #tpu.memory_space<hbm>> -> memref<128xi32, #tpu.memory_space<hbm>>
        %dma_start3A_602 = tpu.memref_slice %arg3[%add3A_596] : memref<327680xi32, #tpu.memory_space<hbm>> -> memref<128xi32, #tpu.memory_space<hbm>>
        tpu.enqueue_dma source(%dma_start3A_602 : memref<128xi32, #tpu.memory_space<hbm>>) target(%arg14 : memref<128xi32, #tpu.memory_space<vmem>>) target_semaphore(%run_scoped3A_600 : memref<!tpu.dma_semaphore, #tpu.memory_space<semaphore_mem>>)
        %dma_wait3A_603 = tpu.memref_slice %arg3[%add3A_596] : memref<327680xi32, #tpu.memory_space<hbm>> -> memref<128xi32, #tpu.memory_space<hbm>>
        %dma_wait3A_604 = tpu.memref_slice %arg3[%add3A_596] : memref<327680xi32, #tpu.memory_space<hbm>> -> memref<128xi32, #tpu.memory_space<hbm>>
        tpu.wait_dma2 semaphore(%run_scoped3A_600 : memref<!tpu.dma_semaphore, #tpu.memory_space<semaphore_mem>>) src(%dma_wait3A_604 : memref<128xi32, #tpu.memory_space<hbm>>) dst(%arg14 : memref<128xi32, #tpu.memory_space<vmem>>)
        tpu.yield
      }) : () -> ()
      %dma_start3A_597 = arith.constant 0 : i32
      %dma_start3A_598 = arith.constant 0 : i32
      %dma_start3A_599 = tpu.memref_slice %arg2[%dma_start3A_597, %dma_start3A_598] : memref<10240x32xf32, #tpu.memory_space<hbm>> -> memref<10240x32xf32, #tpu.memory_space<hbm>>
      tpu.enqueue_indirect_dma source(%dma_start3A_599 : memref<10240x32xf32, #tpu.memory_space<hbm>>) target(%arg20 : memref<128x32xf32, #tpu.memory_space<vmem>>) offsets(%arg14 : memref<128xi32, #tpu.memory_space<vmem>>) semaphore(%arg26 : memref<!tpu.dma_semaphore, #tpu.memory_space<semaphore_mem>>)
    }
    %scan3A_237 = arith.constant 38 : i32
    %add3A_238 = arith.constant 9984 : i32
    %add3A_239 = arith.addi %mul3A_5, %add3A_238 : i32
    %dma_wait3A_240 = arith.constant 0 : i32
    %dma_wait3A_241 = arith.constant 0 : i32
    %dma_wait3A_242 = tpu.memref_slice %arg2[%dma_wait3A_240, %dma_wait3A_241] : memref<10240x32xf32, #tpu.memory_space<hbm>> -> memref<10240x32xf32, #tpu.memory_space<hbm>>
    tpu.wait_indirect_dma semaphore(%arg25 : memref<!tpu.dma_semaphore, #tpu.memory_space<semaphore_mem>>) src(%dma_wait3A_242 : memref<10240x32xf32, #tpu.memory_space<hbm>>) dst(%arg19 : memref<128x32xf32, #tpu.memory_space<vmem>>)
    %dma_wait3A_243 = arith.constant 0 : i32
    %dma_wait3A_244 = arith.constant 0 : i32
    %dma_wait3A_245 = tpu.memref_slice %arg24[%dma_wait3A_243, %dma_wait3A_244] : memref<10240x32xf32, #tpu.memory_space<vmem_shared>> -> memref<10240x32xf32, #tpu.memory_space<vmem_shared>>
    tpu.wait_indirect_dma semaphore(%arg27 : memref<!tpu.dma_semaphore, #tpu.memory_space<semaphore_mem>>) src(%arg21 : memref<128x32xf32, #tpu.memory_space<vmem>>) dst(%dma_wait3A_245 : memref<10240x32xf32, #tpu.memory_space<vmem_shared>>)
    "tpu.region"() ({
      %run_scoped3A_411 = tpu.sem_alloc : memref<!tpu.dma_semaphore, #tpu.memory_space<semaphore_mem>>
      %dma_start3A_412 = tpu.memref_slice %arg5[%add3A_239] : memref<327680xf32, #tpu.memory_space<hbm>> -> memref<128xf32, #tpu.memory_space<hbm>>
      %dma_start3A_413 = tpu.memref_slice %arg5[%add3A_239] : memref<327680xf32, #tpu.memory_space<hbm>> -> memref<128xf32, #tpu.memory_space<hbm>>
      tpu.enqueue_dma source(%dma_start3A_413 : memref<128xf32, #tpu.memory_space<hbm>>) target(%arg17 : memref<128xf32, #tpu.memory_space<vmem>>) target_semaphore(%run_scoped3A_411 : memref<!tpu.dma_semaphore, #tpu.memory_space<semaphore_mem>>)
      %dma_wait3A_414 = tpu.memref_slice %arg5[%add3A_239] : memref<327680xf32, #tpu.memory_space<hbm>> -> memref<128xf32, #tpu.memory_space<hbm>>
      %dma_wait3A_415 = tpu.memref_slice %arg5[%add3A_239] : memref<327680xf32, #tpu.memory_space<hbm>> -> memref<128xf32, #tpu.memory_space<hbm>>
      tpu.wait_dma2 semaphore(%run_scoped3A_411 : memref<!tpu.dma_semaphore, #tpu.memory_space<semaphore_mem>>) src(%dma_wait3A_415 : memref<128xf32, #tpu.memory_space<hbm>>) dst(%arg17 : memref<128xf32, #tpu.memory_space<vmem>>)
      tpu.yield
    }) : () -> ()
    "tpu.region"() ({
      %run_scoped3A_411 = tpu.sem_alloc : memref<!tpu.dma_semaphore, #tpu.memory_space<semaphore_mem>>
      %dma_start3A_412 = tpu.memref_slice %arg4[%add3A_239] : memref<327680xi32, #tpu.memory_space<hbm>> -> memref<128xi32, #tpu.memory_space<hbm>>
      %dma_start3A_413 = tpu.memref_slice %arg4[%add3A_239] : memref<327680xi32, #tpu.memory_space<hbm>> -> memref<128xi32, #tpu.memory_space<hbm>>
      tpu.enqueue_dma source(%dma_start3A_413 : memref<128xi32, #tpu.memory_space<hbm>>) target(%arg15 : memref<128xi32, #tpu.memory_space<vmem>>) target_semaphore(%run_scoped3A_411 : memref<!tpu.dma_semaphore, #tpu.memory_space<semaphore_mem>>)
      %dma_wait3A_414 = tpu.memref_slice %arg4[%add3A_239] : memref<327680xi32, #tpu.memory_space<hbm>> -> memref<128xi32, #tpu.memory_space<hbm>>
      %dma_wait3A_415 = tpu.memref_slice %arg4[%add3A_239] : memref<327680xi32, #tpu.memory_space<hbm>> -> memref<128xi32, #tpu.memory_space<hbm>>
      tpu.wait_dma2 semaphore(%run_scoped3A_411 : memref<!tpu.dma_semaphore, #tpu.memory_space<semaphore_mem>>) src(%dma_wait3A_415 : memref<128xi32, #tpu.memory_space<hbm>>) dst(%arg15 : memref<128xi32, #tpu.memory_space<vmem>>)
      tpu.yield
    }) : () -> ()
    %get3A_246 = arith.constant 0 : index
    %get3A_247 = tpu.vector_load %arg13[%get3A_246] {strides = array<i32>} : memref<128xi32, #tpu.memory_space<vmem>>, vector<16xi32>,
    %gather3A_248 = tpu.vector_load_idx %arg11[%get3A_247] : memref<10240xf32, #tpu.memory_space<vmem>>[vector<16xi32>], vector<16xf32>,
    %get3A_249 = arith.constant 0 : index
    %get3A_250 = tpu.vector_load %arg17[%get3A_249] {strides = array<i32>} : memref<128xf32, #tpu.memory_space<vmem>>, vector<16xf32>,
    %mul3A_251 = arith.mulf %get3A_250, %gather3A_248 : vector<16xf32>
    %swap3A_252 = arith.constant 0 : index
    %swap3A_253 = tpu.vector_load %arg17[%swap3A_252] {strides = array<i32>} : memref<128xf32, #tpu.memory_space<vmem>>, vector<16xf32>,
    tpu.vector_store %arg17[%swap3A_252], %mul3A_251 {strides = array<i32>} : memref<128xf32, #tpu.memory_space<vmem>>, vector<16xf32>,
    %get3A_254 = arith.constant 16 : index
    %get3A_255 = tpu.vector_load %arg13[%get3A_254] {strides = array<i32>} : memref<128xi32, #tpu.memory_space<vmem>>, vector<16xi32>,
    %gather3A_256 = tpu.vector_load_idx %arg11[%get3A_255] : memref<10240xf32, #tpu.memory_space<vmem>>[vector<16xi32>], vector<16xf32>,
    %get3A_257 = arith.constant 16 : index
    %get3A_258 = tpu.vector_load %arg17[%get3A_257] {strides = array<i32>} : memref<128xf32, #tpu.memory_space<vmem>>, vector<16xf32>,
    %mul3A_259 = arith.mulf %get3A_258, %gather3A_256 : vector<16xf32>
    %swap3A_260 = arith.constant 16 : index
    %swap3A_261 = tpu.vector_load %arg17[%swap3A_260] {strides = array<i32>} : memref<128xf32, #tpu.memory_space<vmem>>, vector<16xf32>,
    tpu.vector_store %arg17[%swap3A_260], %mul3A_259 {strides = array<i32>} : memref<128xf32, #tpu.memory_space<vmem>>, vector<16xf32>,
    %get3A_262 = arith.constant 32 : index
    %get3A_263 = tpu.vector_load %arg13[%get3A_262] {strides = array<i32>} : memref<128xi32, #tpu.memory_space<vmem>>, vector<16xi32>,
    %gather3A_264 = tpu.vector_load_idx %arg11[%get3A_263] : memref<10240xf32, #tpu.memory_space<vmem>>[vector<16xi32>], vector<16xf32>,
    %get3A_265 = arith.constant 32 : index
    %get3A_266 = tpu.vector_load %arg17[%get3A_265] {strides = array<i32>} : memref<128xf32, #tpu.memory_space<vmem>>, vector<16xf32>,
    %mul3A_267 = arith.mulf %get3A_266, %gather3A_264 : vector<16xf32>
    %swap3A_268 = arith.constant 32 : index
    %swap3A_269 = tpu.vector_load %arg17[%swap3A_268] {strides = array<i32>} : memref<128xf32, #tpu.memory_space<vmem>>, vector<16xf32>,
    tpu.vector_store %arg17[%swap3A_268], %mul3A_267 {strides = array<i32>} : memref<128xf32, #tpu.memory_space<vmem>>, vector<16xf32>,
    %get3A_270 = arith.constant 48 : index
    %get3A_271 = tpu.vector_load %arg13[%get3A_270] {strides = array<i32>} : memref<128xi32, #tpu.memory_space<vmem>>, vector<16xi32>,
    %gather3A_272 = tpu.vector_load_idx %arg11[%get3A_271] : memref<10240xf32, #tpu.memory_space<vmem>>[vector<16xi32>], vector<16xf32>,
    %get3A_273 = arith.constant 48 : index
    %get3A_274 = tpu.vector_load %arg17[%get3A_273] {strides = array<i32>} : memref<128xf32, #tpu.memory_space<vmem>>, vector<16xf32>,
    %mul3A_275 = arith.mulf %get3A_274, %gather3A_272 : vector<16xf32>
    %swap3A_276 = arith.constant 48 : index
    %swap3A_277 = tpu.vector_load %arg17[%swap3A_276] {strides = array<i32>} : memref<128xf32, #tpu.memory_space<vmem>>, vector<16xf32>,
    tpu.vector_store %arg17[%swap3A_276], %mul3A_275 {strides = array<i32>} : memref<128xf32, #tpu.memory_space<vmem>>, vector<16xf32>,
    %get3A_278 = arith.constant 64 : index
    %get3A_279 = tpu.vector_load %arg13[%get3A_278] {strides = array<i32>} : memref<128xi32, #tpu.memory_space<vmem>>, vector<16xi32>,
    %gather3A_280 = tpu.vector_load_idx %arg11[%get3A_279] : memref<10240xf32, #tpu.memory_space<vmem>>[vector<16xi32>], vector<16xf32>,
    %get3A_281 = arith.constant 64 : index
    %get3A_282 = tpu.vector_load %arg17[%get3A_281] {strides = array<i32>} : memref<128xf32, #tpu.memory_space<vmem>>, vector<16xf32>,
    %mul3A_283 = arith.mulf %get3A_282, %gather3A_280 : vector<16xf32>
    %swap3A_284 = arith.constant 64 : index
    %swap3A_285 = tpu.vector_load %arg17[%swap3A_284] {strides = array<i32>} : memref<128xf32, #tpu.memory_space<vmem>>, vector<16xf32>,
    tpu.vector_store %arg17[%swap3A_284], %mul3A_283 {strides = array<i32>} : memref<128xf32, #tpu.memory_space<vmem>>, vector<16xf32>,
    %get3A_286 = arith.constant 80 : index
    %get3A_287 = tpu.vector_load %arg13[%get3A_286] {strides = array<i32>} : memref<128xi32, #tpu.memory_space<vmem>>, vector<16xi32>,
    %gather3A_288 = tpu.vector_load_idx %arg11[%get3A_287] : memref<10240xf32, #tpu.memory_space<vmem>>[vector<16xi32>], vector<16xf32>,
    %get3A_289 = arith.constant 80 : index
    %get3A_290 = tpu.vector_load %arg17[%get3A_289] {strides = array<i32>} : memref<128xf32, #tpu.memory_space<vmem>>, vector<16xf32>,
    %mul3A_291 = arith.mulf %get3A_290, %gather3A_288 : vector<16xf32>
    %swap3A_292 = arith.constant 80 : index
    %swap3A_293 = tpu.vector_load %arg17[%swap3A_292] {strides = array<i32>} : memref<128xf32, #tpu.memory_space<vmem>>, vector<16xf32>,
    tpu.vector_store %arg17[%swap3A_292], %mul3A_291 {strides = array<i32>} : memref<128xf32, #tpu.memory_space<vmem>>, vector<16xf32>,
    %get3A_294 = arith.constant 96 : index
    %get3A_295 = tpu.vector_load %arg13[%get3A_294] {strides = array<i32>} : memref<128xi32, #tpu.memory_space<vmem>>, vector<16xi32>,
    %gather3A_296 = tpu.vector_load_idx %arg11[%get3A_295] : memref<10240xf32, #tpu.memory_space<vmem>>[vector<16xi32>], vector<16xf32>,
    %get3A_297 = arith.constant 96 : index
    %get3A_298 = tpu.vector_load %arg17[%get3A_297] {strides = array<i32>} : memref<128xf32, #tpu.memory_space<vmem>>, vector<16xf32>,
    %mul3A_299 = arith.mulf %get3A_298, %gather3A_296 : vector<16xf32>
    %swap3A_300 = arith.constant 96 : index
    %swap3A_301 = tpu.vector_load %arg17[%swap3A_300] {strides = array<i32>} : memref<128xf32, #tpu.memory_space<vmem>>, vector<16xf32>,
    tpu.vector_store %arg17[%swap3A_300], %mul3A_299 {strides = array<i32>} : memref<128xf32, #tpu.memory_space<vmem>>, vector<16xf32>,
    %get3A_302 = arith.constant 112 : index
    %get3A_303 = tpu.vector_load %arg13[%get3A_302] {strides = array<i32>} : memref<128xi32, #tpu.memory_space<vmem>>, vector<16xi32>,
    %gather3A_304 = tpu.vector_load_idx %arg11[%get3A_303] : memref<10240xf32, #tpu.memory_space<vmem>>[vector<16xi32>], vector<16xf32>,
    %get3A_305 = arith.constant 112 : index
    %get3A_306 = tpu.vector_load %arg17[%get3A_305] {strides = array<i32>} : memref<128xf32, #tpu.memory_space<vmem>>, vector<16xf32>,
    %mul3A_307 = arith.mulf %get3A_306, %gather3A_304 : vector<16xf32>
    %swap3A_308 = arith.constant 112 : index
    %swap3A_309 = tpu.vector_load %arg17[%swap3A_308] {strides = array<i32>} : memref<128xf32, #tpu.memory_space<vmem>>, vector<16xf32>,
    tpu.vector_store %arg17[%swap3A_308], %mul3A_307 {strides = array<i32>} : memref<128xf32, #tpu.memory_space<vmem>>, vector<16xf32>,
    %scan3A_310 = arith.constant 0 : i32
    %scan3A_311 = arith.constant 0 : i32
    %scan3A_312 = arith.constant 128 : i32
    %scan3A_313 = arith.addi %scan3A_311, %scan3A_312 : i32
    %scan3A_314 = arith.constant 1 : i32
    scf.for %scan3A_411 = %scan3A_311 to %scan3A_313 step %scan3A_314  : i32 {
      %broadcast_in_dim3A_412 = vector.broadcast %scan3A_411 : i32 to vector<16xi32>
      %gather3A_413 = tpu.vector_load_idx %arg17[%broadcast_in_dim3A_412] : memref<128xf32, #tpu.memory_space<vmem>>[vector<16xi32>], vector<16xf32>,
      %get3A_414 = arith.index_cast %scan3A_411 : i32 to index
      %get3A_415 = arith.constant 0 : index
      %get3A_416 = tpu.vector_load %arg19[%get3A_414, %get3A_415] {strides = array<i32>} : memref<128x32xf32, #tpu.memory_space<vmem>>, vector<16xf32>,
      %mul3A_417 = arith.mulf %get3A_416, %gather3A_413 : vector<16xf32>
      %swap3A_418 = arith.index_cast %scan3A_411 : i32 to index
      %swap3A_419 = arith.constant 0 : index
      %swap3A_420 = tpu.vector_load %arg21[%swap3A_418, %swap3A_419] {strides = array<i32>} : memref<128x32xf32, #tpu.memory_space<vmem>>, vector<16xf32>,
      tpu.vector_store %arg21[%swap3A_418, %swap3A_419], %mul3A_417 {strides = array<i32>} : memref<128x32xf32, #tpu.memory_space<vmem>>, vector<16xf32>,
      %get3A_421 = arith.index_cast %scan3A_411 : i32 to index
      %get3A_422 = arith.constant 16 : index
      %get3A_423 = tpu.vector_load %arg19[%get3A_421, %get3A_422] {strides = array<i32>} : memref<128x32xf32, #tpu.memory_space<vmem>>, vector<16xf32>,
      %mul3A_424 = arith.mulf %get3A_423, %gather3A_413 : vector<16xf32>
      %swap3A_425 = arith.index_cast %scan3A_411 : i32 to index
      %swap3A_426 = arith.constant 16 : index
      %swap3A_427 = tpu.vector_load %arg21[%swap3A_425, %swap3A_426] {strides = array<i32>} : memref<128x32xf32, #tpu.memory_space<vmem>>, vector<16xf32>,
      tpu.vector_store %arg21[%swap3A_425, %swap3A_426], %mul3A_424 {strides = array<i32>} : memref<128x32xf32, #tpu.memory_space<vmem>>, vector<16xf32>,
    }
    %scan3A_315 = arith.constant 128 : i32
    %dma_start3A_316 = arith.constant 0 : i32
    %dma_start3A_317 = arith.constant 0 : i32
    %dma_start3A_318 = tpu.memref_slice %arg24[%dma_start3A_316, %dma_start3A_317] : memref<10240x32xf32, #tpu.memory_space<vmem_shared>> -> memref<10240x32xf32, #tpu.memory_space<vmem_shared>>
    tpu.enqueue_indirect_dma source(%arg21 : memref<128x32xf32, #tpu.memory_space<vmem>>) target(%dma_start3A_318 : memref<10240x32xf32, #tpu.memory_space<vmem_shared>>) offsets(%arg15 : memref<128xi32, #tpu.memory_space<vmem>>) semaphore(%arg27 : memref<!tpu.dma_semaphore, #tpu.memory_space<semaphore_mem>>) {add = true}
    %add3A_319 = arith.constant 10112 : i32
    %add3A_320 = arith.addi %mul3A_5, %add3A_319 : i32
    %dma_wait3A_321 = arith.constant 0 : i32
    %dma_wait3A_322 = arith.constant 0 : i32
    %dma_wait3A_323 = tpu.memref_slice %arg2[%dma_wait3A_321, %dma_wait3A_322] : memref<10240x32xf32, #tpu.memory_space<hbm>> -> memref<10240x32xf32, #tpu.memory_space<hbm>>
    tpu.wait_indirect_dma semaphore(%arg26 : memref<!tpu.dma_semaphore, #tpu.memory_space<semaphore_mem>>) src(%dma_wait3A_323 : memref<10240x32xf32, #tpu.memory_space<hbm>>) dst(%arg20 : memref<128x32xf32, #tpu.memory_space<vmem>>)
    %dma_wait3A_324 = arith.constant 0 : i32
    %dma_wait3A_325 = arith.constant 0 : i32
    %dma_wait3A_326 = tpu.memref_slice %arg24[%dma_wait3A_324, %dma_wait3A_325] : memref<10240x32xf32, #tpu.memory_space<vmem_shared>> -> memref<10240x32xf32, #tpu.memory_space<vmem_shared>>
    tpu.wait_indirect_dma semaphore(%arg28 : memref<!tpu.dma_semaphore, #tpu.memory_space<semaphore_mem>>) src(%arg22 : memref<128x32xf32, #tpu.memory_space<vmem>>) dst(%dma_wait3A_326 : memref<10240x32xf32, #tpu.memory_space<vmem_shared>>)
    "tpu.region"() ({
      %run_scoped3A_411 = tpu.sem_alloc : memref<!tpu.dma_semaphore, #tpu.memory_space<semaphore_mem>>
      %dma_start3A_412 = tpu.memref_slice %arg5[%add3A_320] : memref<327680xf32, #tpu.memory_space<hbm>> -> memref<128xf32, #tpu.memory_space<hbm>>
      %dma_start3A_413 = tpu.memref_slice %arg5[%add3A_320] : memref<327680xf32, #tpu.memory_space<hbm>> -> memref<128xf32, #tpu.memory_space<hbm>>
      tpu.enqueue_dma source(%dma_start3A_413 : memref<128xf32, #tpu.memory_space<hbm>>) target(%arg18 : memref<128xf32, #tpu.memory_space<vmem>>) target_semaphore(%run_scoped3A_411 : memref<!tpu.dma_semaphore, #tpu.memory_space<semaphore_mem>>)
      %dma_wait3A_414 = tpu.memref_slice %arg5[%add3A_320] : memref<327680xf32, #tpu.memory_space<hbm>> -> memref<128xf32, #tpu.memory_space<hbm>>
      %dma_wait3A_415 = tpu.memref_slice %arg5[%add3A_320] : memref<327680xf32, #tpu.memory_space<hbm>> -> memref<128xf32, #tpu.memory_space<hbm>>
      tpu.wait_dma2 semaphore(%run_scoped3A_411 : memref<!tpu.dma_semaphore, #tpu.memory_space<semaphore_mem>>) src(%dma_wait3A_415 : memref<128xf32, #tpu.memory_space<hbm>>) dst(%arg18 : memref<128xf32, #tpu.memory_space<vmem>>)
      tpu.yield
    }) : () -> ()
    "tpu.region"() ({
      %run_scoped3A_411 = tpu.sem_alloc : memref<!tpu.dma_semaphore, #tpu.memory_space<semaphore_mem>>
      %dma_start3A_412 = tpu.memref_slice %arg4[%add3A_320] : memref<327680xi32, #tpu.memory_space<hbm>> -> memref<128xi32, #tpu.memory_space<hbm>>
      %dma_start3A_413 = tpu.memref_slice %arg4[%add3A_320] : memref<327680xi32, #tpu.memory_space<hbm>> -> memref<128xi32, #tpu.memory_space<hbm>>
      tpu.enqueue_dma source(%dma_start3A_413 : memref<128xi32, #tpu.memory_space<hbm>>) target(%arg16 : memref<128xi32, #tpu.memory_space<vmem>>) target_semaphore(%run_scoped3A_411 : memref<!tpu.dma_semaphore, #tpu.memory_space<semaphore_mem>>)
      %dma_wait3A_414 = tpu.memref_slice %arg4[%add3A_320] : memref<327680xi32, #tpu.memory_space<hbm>> -> memref<128xi32, #tpu.memory_space<hbm>>
      %dma_wait3A_415 = tpu.memref_slice %arg4[%add3A_320] : memref<327680xi32, #tpu.memory_space<hbm>> -> memref<128xi32, #tpu.memory_space<hbm>>
      tpu.wait_dma2 semaphore(%run_scoped3A_411 : memref<!tpu.dma_semaphore, #tpu.memory_space<semaphore_mem>>) src(%dma_wait3A_415 : memref<128xi32, #tpu.memory_space<hbm>>) dst(%arg16 : memref<128xi32, #tpu.memory_space<vmem>>)
      tpu.yield
    }) : () -> ()
    %get3A_327 = arith.constant 0 : index
    %get3A_328 = tpu.vector_load %arg14[%get3A_327] {strides = array<i32>} : memref<128xi32, #tpu.memory_space<vmem>>, vector<16xi32>,
    %gather3A_329 = tpu.vector_load_idx %arg11[%get3A_328] : memref<10240xf32, #tpu.memory_space<vmem>>[vector<16xi32>], vector<16xf32>,
    %get3A_330 = arith.constant 0 : index
    %get3A_331 = tpu.vector_load %arg18[%get3A_330] {strides = array<i32>} : memref<128xf32, #tpu.memory_space<vmem>>, vector<16xf32>,
    %mul3A_332 = arith.mulf %get3A_331, %gather3A_329 : vector<16xf32>
    %swap3A_333 = arith.constant 0 : index
    %swap3A_334 = tpu.vector_load %arg18[%swap3A_333] {strides = array<i32>} : memref<128xf32, #tpu.memory_space<vmem>>, vector<16xf32>,
    tpu.vector_store %arg18[%swap3A_333], %mul3A_332 {strides = array<i32>} : memref<128xf32, #tpu.memory_space<vmem>>, vector<16xf32>,
    %get3A_335 = arith.constant 16 : index
    %get3A_336 = tpu.vector_load %arg14[%get3A_335] {strides = array<i32>} : memref<128xi32, #tpu.memory_space<vmem>>, vector<16xi32>,
    %gather3A_337 = tpu.vector_load_idx %arg11[%get3A_336] : memref<10240xf32, #tpu.memory_space<vmem>>[vector<16xi32>], vector<16xf32>,
    %get3A_338 = arith.constant 16 : index
    %get3A_339 = tpu.vector_load %arg18[%get3A_338] {strides = array<i32>} : memref<128xf32, #tpu.memory_space<vmem>>, vector<16xf32>,
    %mul3A_340 = arith.mulf %get3A_339, %gather3A_337 : vector<16xf32>
    %swap3A_341 = arith.constant 16 : index
    %swap3A_342 = tpu.vector_load %arg18[%swap3A_341] {strides = array<i32>} : memref<128xf32, #tpu.memory_space<vmem>>, vector<16xf32>,
    tpu.vector_store %arg18[%swap3A_341], %mul3A_340 {strides = array<i32>} : memref<128xf32, #tpu.memory_space<vmem>>, vector<16xf32>,
    %get3A_343 = arith.constant 32 : index
    %get3A_344 = tpu.vector_load %arg14[%get3A_343] {strides = array<i32>} : memref<128xi32, #tpu.memory_space<vmem>>, vector<16xi32>,
    %gather3A_345 = tpu.vector_load_idx %arg11[%get3A_344] : memref<10240xf32, #tpu.memory_space<vmem>>[vector<16xi32>], vector<16xf32>,
    %get3A_346 = arith.constant 32 : index
    %get3A_347 = tpu.vector_load %arg18[%get3A_346] {strides = array<i32>} : memref<128xf32, #tpu.memory_space<vmem>>, vector<16xf32>,
    %mul3A_348 = arith.mulf %get3A_347, %gather3A_345 : vector<16xf32>
    %swap3A_349 = arith.constant 32 : index
    %swap3A_350 = tpu.vector_load %arg18[%swap3A_349] {strides = array<i32>} : memref<128xf32, #tpu.memory_space<vmem>>, vector<16xf32>,
    tpu.vector_store %arg18[%swap3A_349], %mul3A_348 {strides = array<i32>} : memref<128xf32, #tpu.memory_space<vmem>>, vector<16xf32>,
    %get3A_351 = arith.constant 48 : index
    %get3A_352 = tpu.vector_load %arg14[%get3A_351] {strides = array<i32>} : memref<128xi32, #tpu.memory_space<vmem>>, vector<16xi32>,
    %gather3A_353 = tpu.vector_load_idx %arg11[%get3A_352] : memref<10240xf32, #tpu.memory_space<vmem>>[vector<16xi32>], vector<16xf32>,
    %get3A_354 = arith.constant 48 : index
    %get3A_355 = tpu.vector_load %arg18[%get3A_354] {strides = array<i32>} : memref<128xf32, #tpu.memory_space<vmem>>, vector<16xf32>,
    %mul3A_356 = arith.mulf %get3A_355, %gather3A_353 : vector<16xf32>
    %swap3A_357 = arith.constant 48 : index
    %swap3A_358 = tpu.vector_load %arg18[%swap3A_357] {strides = array<i32>} : memref<128xf32, #tpu.memory_space<vmem>>, vector<16xf32>,
    tpu.vector_store %arg18[%swap3A_357], %mul3A_356 {strides = array<i32>} : memref<128xf32, #tpu.memory_space<vmem>>, vector<16xf32>,
    %get3A_359 = arith.constant 64 : index
    %get3A_360 = tpu.vector_load %arg14[%get3A_359] {strides = array<i32>} : memref<128xi32, #tpu.memory_space<vmem>>, vector<16xi32>,
    %gather3A_361 = tpu.vector_load_idx %arg11[%get3A_360] : memref<10240xf32, #tpu.memory_space<vmem>>[vector<16xi32>], vector<16xf32>,
    %get3A_362 = arith.constant 64 : index
    %get3A_363 = tpu.vector_load %arg18[%get3A_362] {strides = array<i32>} : memref<128xf32, #tpu.memory_space<vmem>>, vector<16xf32>,
    %mul3A_364 = arith.mulf %get3A_363, %gather3A_361 : vector<16xf32>
    %swap3A_365 = arith.constant 64 : index
    %swap3A_366 = tpu.vector_load %arg18[%swap3A_365] {strides = array<i32>} : memref<128xf32, #tpu.memory_space<vmem>>, vector<16xf32>,
    tpu.vector_store %arg18[%swap3A_365], %mul3A_364 {strides = array<i32>} : memref<128xf32, #tpu.memory_space<vmem>>, vector<16xf32>,
    %get3A_367 = arith.constant 80 : index
    %get3A_368 = tpu.vector_load %arg14[%get3A_367] {strides = array<i32>} : memref<128xi32, #tpu.memory_space<vmem>>, vector<16xi32>,
    %gather3A_369 = tpu.vector_load_idx %arg11[%get3A_368] : memref<10240xf32, #tpu.memory_space<vmem>>[vector<16xi32>], vector<16xf32>,
    %get3A_370 = arith.constant 80 : index
    %get3A_371 = tpu.vector_load %arg18[%get3A_370] {strides = array<i32>} : memref<128xf32, #tpu.memory_space<vmem>>, vector<16xf32>,
    %mul3A_372 = arith.mulf %get3A_371, %gather3A_369 : vector<16xf32>
    %swap3A_373 = arith.constant 80 : index
    %swap3A_374 = tpu.vector_load %arg18[%swap3A_373] {strides = array<i32>} : memref<128xf32, #tpu.memory_space<vmem>>, vector<16xf32>,
    tpu.vector_store %arg18[%swap3A_373], %mul3A_372 {strides = array<i32>} : memref<128xf32, #tpu.memory_space<vmem>>, vector<16xf32>,
    %get3A_375 = arith.constant 96 : index
    %get3A_376 = tpu.vector_load %arg14[%get3A_375] {strides = array<i32>} : memref<128xi32, #tpu.memory_space<vmem>>, vector<16xi32>,
    %gather3A_377 = tpu.vector_load_idx %arg11[%get3A_376] : memref<10240xf32, #tpu.memory_space<vmem>>[vector<16xi32>], vector<16xf32>,
    %get3A_378 = arith.constant 96 : index
    %get3A_379 = tpu.vector_load %arg18[%get3A_378] {strides = array<i32>} : memref<128xf32, #tpu.memory_space<vmem>>, vector<16xf32>,
    %mul3A_380 = arith.mulf %get3A_379, %gather3A_377 : vector<16xf32>
    %swap3A_381 = arith.constant 96 : index
    %swap3A_382 = tpu.vector_load %arg18[%swap3A_381] {strides = array<i32>} : memref<128xf32, #tpu.memory_space<vmem>>, vector<16xf32>,
    tpu.vector_store %arg18[%swap3A_381], %mul3A_380 {strides = array<i32>} : memref<128xf32, #tpu.memory_space<vmem>>, vector<16xf32>,
    %get3A_383 = arith.constant 112 : index
    %get3A_384 = tpu.vector_load %arg14[%get3A_383] {strides = array<i32>} : memref<128xi32, #tpu.memory_space<vmem>>, vector<16xi32>,
    %gather3A_385 = tpu.vector_load_idx %arg11[%get3A_384] : memref<10240xf32, #tpu.memory_space<vmem>>[vector<16xi32>], vector<16xf32>,
    %get3A_386 = arith.constant 112 : index
    %get3A_387 = tpu.vector_load %arg18[%get3A_386] {strides = array<i32>} : memref<128xf32, #tpu.memory_space<vmem>>, vector<16xf32>,
    %mul3A_388 = arith.mulf %get3A_387, %gather3A_385 : vector<16xf32>
    %swap3A_389 = arith.constant 112 : index
    %swap3A_390 = tpu.vector_load %arg18[%swap3A_389] {strides = array<i32>} : memref<128xf32, #tpu.memory_space<vmem>>, vector<16xf32>,
    tpu.vector_store %arg18[%swap3A_389], %mul3A_388 {strides = array<i32>} : memref<128xf32, #tpu.memory_space<vmem>>, vector<16xf32>,
    %scan3A_391 = arith.constant 0 : i32
    %scan3A_392 = arith.constant 0 : i32
    %scan3A_393 = arith.constant 128 : i32
    %scan3A_394 = arith.addi %scan3A_392, %scan3A_393 : i32
    %scan3A_395 = arith.constant 1 : i32
    scf.for %scan3A_411 = %scan3A_392 to %scan3A_394 step %scan3A_395  : i32 {
      %broadcast_in_dim3A_412 = vector.broadcast %scan3A_411 : i32 to vector<16xi32>
      %gather3A_413 = tpu.vector_load_idx %arg18[%broadcast_in_dim3A_412] : memref<128xf32, #tpu.memory_space<vmem>>[vector<16xi32>], vector<16xf32>,
      %get3A_414 = arith.index_cast %scan3A_411 : i32 to index
      %get3A_415 = arith.constant 0 : index
      %get3A_416 = tpu.vector_load %arg20[%get3A_414, %get3A_415] {strides = array<i32>} : memref<128x32xf32, #tpu.memory_space<vmem>>, vector<16xf32>,
      %mul3A_417 = arith.mulf %get3A_416, %gather3A_413 : vector<16xf32>
      %swap3A_418 = arith.index_cast %scan3A_411 : i32 to index
      %swap3A_419 = arith.constant 0 : index
      %swap3A_420 = tpu.vector_load %arg22[%swap3A_418, %swap3A_419] {strides = array<i32>} : memref<128x32xf32, #tpu.memory_space<vmem>>, vector<16xf32>,
      tpu.vector_store %arg22[%swap3A_418, %swap3A_419], %mul3A_417 {strides = array<i32>} : memref<128x32xf32, #tpu.memory_space<vmem>>, vector<16xf32>,
      %get3A_421 = arith.index_cast %scan3A_411 : i32 to index
      %get3A_422 = arith.constant 16 : index
      %get3A_423 = tpu.vector_load %arg20[%get3A_421, %get3A_422] {strides = array<i32>} : memref<128x32xf32, #tpu.memory_space<vmem>>, vector<16xf32>,
      %mul3A_424 = arith.mulf %get3A_423, %gather3A_413 : vector<16xf32>
      %swap3A_425 = arith.index_cast %scan3A_411 : i32 to index
      %swap3A_426 = arith.constant 16 : index
      %swap3A_427 = tpu.vector_load %arg22[%swap3A_425, %swap3A_426] {strides = array<i32>} : memref<128x32xf32, #tpu.memory_space<vmem>>, vector<16xf32>,
      tpu.vector_store %arg22[%swap3A_425, %swap3A_426], %mul3A_424 {strides = array<i32>} : memref<128x32xf32, #tpu.memory_space<vmem>>, vector<16xf32>,
    }
    %scan3A_396 = arith.constant 128 : i32
    %dma_start3A_397 = arith.constant 0 : i32
    %dma_start3A_398 = arith.constant 0 : i32
    %dma_start3A_399 = tpu.memref_slice %arg24[%dma_start3A_397, %dma_start3A_398] : memref<10240x32xf32, #tpu.memory_space<vmem_shared>> -> memref<10240x32xf32, #tpu.memory_space<vmem_shared>>
    tpu.enqueue_indirect_dma source(%arg22 : memref<128x32xf32, #tpu.memory_space<vmem>>) target(%dma_start3A_399 : memref<10240x32xf32, #tpu.memory_space<vmem_shared>>) offsets(%arg16 : memref<128xi32, #tpu.memory_space<vmem>>) semaphore(%arg28 : memref<!tpu.dma_semaphore, #tpu.memory_space<semaphore_mem>>) {add = true}
    %dma_wait3A_400 = arith.constant 0 : i32
    %dma_wait3A_401 = arith.constant 0 : i32
    %dma_wait3A_402 = tpu.memref_slice %arg24[%dma_wait3A_400, %dma_wait3A_401] : memref<10240x32xf32, #tpu.memory_space<vmem_shared>> -> memref<10240x32xf32, #tpu.memory_space<vmem_shared>>
    tpu.wait_indirect_dma semaphore(%arg27 : memref<!tpu.dma_semaphore, #tpu.memory_space<semaphore_mem>>) src(%arg21 : memref<128x32xf32, #tpu.memory_space<vmem>>) dst(%dma_wait3A_402 : memref<10240x32xf32, #tpu.memory_space<vmem_shared>>)
    %dma_wait3A_403 = arith.constant 0 : i32
    %dma_wait3A_404 = arith.constant 0 : i32
    %dma_wait3A_405 = tpu.memref_slice %arg24[%dma_wait3A_403, %dma_wait3A_404] : memref<10240x32xf32, #tpu.memory_space<vmem_shared>> -> memref<10240x32xf32, #tpu.memory_space<vmem_shared>>
    tpu.wait_indirect_dma semaphore(%arg28 : memref<!tpu.dma_semaphore, #tpu.memory_space<semaphore_mem>>) src(%arg22 : memref<128x32xf32, #tpu.memory_space<vmem>>) dst(%dma_wait3A_405 : memref<10240x32xf32, #tpu.memory_space<vmem_shared>>)
    %barrier3A_406 = arith.constant 0 : index
    tpu.barrier barrier_id(%barrier3A_406)
    %mul3A_407 = arith.constant 640 : i32
    %mul3A_408 = arith.muli %arg1, %mul3A_407 : i32
    %mul3A_409 = arith.constant 640 : i32
    %mul3A_410 = arith.muli %arg1, %mul3A_409 : i32
    "tpu.region"() ({
      %run_scoped3A_411 = tpu.sem_alloc : memref<!tpu.dma_semaphore, #tpu.memory_space<semaphore_mem>>
      %dma_start3A_412 = arith.constant 0 : i32
      %dma_start3A_413 = tpu.memref_slice %arg6[%arg0, %mul3A_410, %dma_start3A_412] : memref<2x10240x32xf32, #tpu.memory_space<hbm>> -> memref<1x640x32xf32, #tpu.memory_space<hbm>>
      %dma_start3A_414 = tpu.memref_squeeze %dma_start3A_413 : memref<1x640x32xf32, #tpu.memory_space<hbm>> -> memref<640x32xf32, #tpu.memory_space<hbm>>
      %dma_start3A_415 = arith.constant 0 : i32
      %dma_start3A_416 = tpu.memref_slice %arg24[%mul3A_408, %dma_start3A_415] : memref<10240x32xf32, #tpu.memory_space<vmem_shared>> -> memref<640x32xf32, #tpu.memory_space<vmem_shared>>
      tpu.enqueue_dma source(%dma_start3A_416 : memref<640x32xf32, #tpu.memory_space<vmem_shared>>) target(%dma_start3A_414 : memref<640x32xf32, #tpu.memory_space<hbm>>) target_semaphore(%run_scoped3A_411 : memref<!tpu.dma_semaphore, #tpu.memory_space<semaphore_mem>>)
      %dma_wait3A_417 = arith.constant 0 : i32
      %dma_wait3A_418 = tpu.memref_slice %arg6[%arg0, %mul3A_410, %dma_wait3A_417] : memref<2x10240x32xf32, #tpu.memory_space<hbm>> -> memref<1x640x32xf32, #tpu.memory_space<hbm>>
      %dma_wait3A_419 = tpu.memref_squeeze %dma_wait3A_418 : memref<1x640x32xf32, #tpu.memory_space<hbm>> -> memref<640x32xf32, #tpu.memory_space<hbm>>
      %dma_wait3A_420 = arith.constant 0 : i32
      %dma_wait3A_421 = tpu.memref_slice %arg24[%mul3A_408, %dma_wait3A_420] : memref<10240x32xf32, #tpu.memory_space<vmem_shared>> -> memref<640x32xf32, #tpu.memory_space<vmem_shared>>
      tpu.wait_dma2 semaphore(%run_scoped3A_411 : memref<!tpu.dma_semaphore, #tpu.memory_space<semaphore_mem>>) src(%dma_wait3A_421 : memref<640x32xf32, #tpu.memory_space<vmem_shared>>) dst(%dma_wait3A_419 : memref<640x32xf32, #tpu.memory_space<hbm>>)
      tpu.yield
    }) : () -> ()
    return
  }
}

#map = affine_map<(d0, d1) -> (0, 0)>
#map1 = affine_map<(d0, d1) -> (0)>
#map2 = affine_map<(d0, d1) -> (0, 0, 0)>
module attributes {stable_mosaic.version = 14 : i64} {
  func.func @_sc_scatter(%arg0: i32, %arg1: i32, %arg2: memref<10240x32xf32, #tpu.memory_space<hbm>>, %arg3: memref<327680xi32, #tpu.memory_space<hbm>>, %arg4: memref<327680xi32, #tpu.memory_space<hbm>>, %arg5: memref<327680xf32, #tpu.memory_space<hbm>>, %arg6: memref<2x10240x32xf32, #tpu.memory_space<hbm>>, %arg7: memref<128xi32, #tpu.memory_space<vmem>>, %arg8: memref<128xi32, #tpu.memory_space<vmem>>, %arg9: memref<128xi32, #tpu.memory_space<vmem>>, %arg10: memref<128xi32, #tpu.memory_space<vmem>>, %arg11: memref<128xf32, #tpu.memory_space<vmem>>, %arg12: memref<128xf32, #tpu.memory_space<vmem>>, %arg13: memref<128x32xf32, #tpu.memory_space<vmem>>, %arg14: memref<128x32xf32, #tpu.memory_space<vmem>>, %arg15: memref<128x32xf32, #tpu.memory_space<vmem>>, %arg16: memref<128x32xf32, #tpu.memory_space<vmem>>, %arg17: memref<10240x32xf32, #tpu.memory_space<vmem_shared>>, %arg18: memref<!tpu.dma_semaphore, #tpu.memory_space<semaphore_mem>>, %arg19: memref<!tpu.dma_semaphore, #tpu.memory_space<semaphore_mem>>, %arg20: memref<!tpu.dma_semaphore, #tpu.memory_space<semaphore_mem>>, %arg21: memref<!tpu.dma_semaphore, #tpu.memory_space<semaphore_mem>>) attributes {dimension_semantics = [#tpu.dimension_semantics<core_parallel>, #tpu.dimension_semantics<subcore_parallel>], iteration_bounds = array<i64: 2, 16>, scalar_prefetch = 0 : i64, scratch_operands = 15 : i64, tpu.core_type = #tpu.core_type<sc_vector_subcore>, window_params = [{transform_indices = #map}, {transform_indices = #map1}, {transform_indices = #map1}, {transform_indices = #map1}, {transform_indices = #map2}]} {
    %broadcast_in_dim3A = arith.constant 0.000000e+00 : f32
    %broadcast_in_dim3A_0 = vector.broadcast %broadcast_in_dim3A : f32 to vector<16xf32>
    %scan3A = arith.constant 0 : i32
    %scan3A_1 = arith.constant 0 : i32
    %scan3A_2 = arith.constant 128 : i32
    %scan3A_3 = arith.addi %scan3A_1, %scan3A_2 : i32
    %scan3A_4 = arith.constant 1 : i32
    scf.for %scan3A_112 = %scan3A_1 to %scan3A_3 step %scan3A_4  : i32 {
      %swap3A = arith.index_cast %scan3A_112 : i32 to index
      %swap3A_113 = arith.constant 0 : index
      %swap3A_114 = tpu.vector_load %arg15[%swap3A, %swap3A_113] {strides = array<i32>} : memref<128x32xf32, #tpu.memory_space<vmem>>, vector<16xf32>,
      tpu.vector_store %arg15[%swap3A, %swap3A_113], %broadcast_in_dim3A_0 {strides = array<i32>} : memref<128x32xf32, #tpu.memory_space<vmem>>, vector<16xf32>,
      %swap3A_115 = arith.index_cast %scan3A_112 : i32 to index
      %swap3A_116 = arith.constant 16 : index
      %swap3A_117 = tpu.vector_load %arg15[%swap3A_115, %swap3A_116] {strides = array<i32>} : memref<128x32xf32, #tpu.memory_space<vmem>>, vector<16xf32>,
      tpu.vector_store %arg15[%swap3A_115, %swap3A_116], %broadcast_in_dim3A_0 {strides = array<i32>} : memref<128x32xf32, #tpu.memory_space<vmem>>, vector<16xf32>,
    }
    %scan3A_5 = arith.constant 128 : i32
    %mul3A = arith.constant 16 : i32
    %mul3A_6 = arith.muli %arg0, %mul3A : i32
    %add3A = arith.addi %mul3A_6, %arg1 : i32
    %mul3A_7 = arith.constant 80 : i32
    %mul3A_8 = arith.muli %add3A, %mul3A_7 : i32
    %mul3A_9 = arith.constant 128 : i32
    %mul3A_10 = arith.muli %mul3A_8, %mul3A_9 : i32
    "tpu.region"() ({
      %run_scoped3A = tpu.sem_alloc : memref<!tpu.dma_semaphore, #tpu.memory_space<semaphore_mem>>
      %dma_start3A_112 = tpu.memref_slice %arg3[%mul3A_10] : memref<327680xi32, #tpu.memory_space<hbm>> -> memref<128xi32, #tpu.memory_space<hbm>>
      %dma_start3A_113 = tpu.memref_slice %arg3[%mul3A_10] : memref<327680xi32, #tpu.memory_space<hbm>> -> memref<128xi32, #tpu.memory_space<hbm>>
      tpu.enqueue_dma source(%dma_start3A_113 : memref<128xi32, #tpu.memory_space<hbm>>) target(%arg7 : memref<128xi32, #tpu.memory_space<vmem>>) target_semaphore(%run_scoped3A : memref<!tpu.dma_semaphore, #tpu.memory_space<semaphore_mem>>)
      %dma_wait3A_114 = tpu.memref_slice %arg3[%mul3A_10] : memref<327680xi32, #tpu.memory_space<hbm>> -> memref<128xi32, #tpu.memory_space<hbm>>
      %dma_wait3A_115 = tpu.memref_slice %arg3[%mul3A_10] : memref<327680xi32, #tpu.memory_space<hbm>> -> memref<128xi32, #tpu.memory_space<hbm>>
      tpu.wait_dma2 semaphore(%run_scoped3A : memref<!tpu.dma_semaphore, #tpu.memory_space<semaphore_mem>>) src(%dma_wait3A_115 : memref<128xi32, #tpu.memory_space<hbm>>) dst(%arg7 : memref<128xi32, #tpu.memory_space<vmem>>)
      tpu.yield
    }) : () -> ()
    %dma_start3A = arith.constant 0 : i32
    %dma_start3A_11 = arith.constant 0 : i32
    %dma_start3A_12 = tpu.memref_slice %arg2[%dma_start3A, %dma_start3A_11] : memref<10240x32xf32, #tpu.memory_space<hbm>> -> memref<10240x32xf32, #tpu.memory_space<hbm>>
    tpu.enqueue_indirect_dma source(%dma_start3A_12 : memref<10240x32xf32, #tpu.memory_space<hbm>>) target(%arg13 : memref<128x32xf32, #tpu.memory_space<vmem>>) offsets(%arg7 : memref<128xi32, #tpu.memory_space<vmem>>) semaphore(%arg18 : memref<!tpu.dma_semaphore, #tpu.memory_space<semaphore_mem>>)
    %add3A_13 = arith.constant 128 : i32
    %add3A_14 = arith.addi %mul3A_10, %add3A_13 : i32
    "tpu.region"() ({
      %run_scoped3A = tpu.sem_alloc : memref<!tpu.dma_semaphore, #tpu.memory_space<semaphore_mem>>
      %dma_start3A_112 = tpu.memref_slice %arg3[%add3A_14] : memref<327680xi32, #tpu.memory_space<hbm>> -> memref<128xi32, #tpu.memory_space<hbm>>
      %dma_start3A_113 = tpu.memref_slice %arg3[%add3A_14] : memref<327680xi32, #tpu.memory_space<hbm>> -> memref<128xi32, #tpu.memory_space<hbm>>
      tpu.enqueue_dma source(%dma_start3A_113 : memref<128xi32, #tpu.memory_space<hbm>>) target(%arg8 : memref<128xi32, #tpu.memory_space<vmem>>) target_semaphore(%run_scoped3A : memref<!tpu.dma_semaphore, #tpu.memory_space<semaphore_mem>>)
      %dma_wait3A_114 = tpu.memref_slice %arg3[%add3A_14] : memref<327680xi32, #tpu.memory_space<hbm>> -> memref<128xi32, #tpu.memory_space<hbm>>
      %dma_wait3A_115 = tpu.memref_slice %arg3[%add3A_14] : memref<327680xi32, #tpu.memory_space<hbm>> -> memref<128xi32, #tpu.memory_space<hbm>>
      tpu.wait_dma2 semaphore(%run_scoped3A : memref<!tpu.dma_semaphore, #tpu.memory_space<semaphore_mem>>) src(%dma_wait3A_115 : memref<128xi32, #tpu.memory_space<hbm>>) dst(%arg8 : memref<128xi32, #tpu.memory_space<vmem>>)
      tpu.yield
    }) : () -> ()
    %dma_start3A_15 = arith.constant 0 : i32
    %dma_start3A_16 = arith.constant 0 : i32
    %dma_start3A_17 = tpu.memref_slice %arg2[%dma_start3A_15, %dma_start3A_16] : memref<10240x32xf32, #tpu.memory_space<hbm>> -> memref<10240x32xf32, #tpu.memory_space<hbm>>
    tpu.enqueue_indirect_dma source(%dma_start3A_17 : memref<10240x32xf32, #tpu.memory_space<hbm>>) target(%arg14 : memref<128x32xf32, #tpu.memory_space<vmem>>) offsets(%arg8 : memref<128xi32, #tpu.memory_space<vmem>>) semaphore(%arg19 : memref<!tpu.dma_semaphore, #tpu.memory_space<semaphore_mem>>)
    %scan3A_18 = arith.constant 0 : i32
    %scan3A_19 = arith.constant 0 : i32
    %scan3A_20 = arith.constant 5 : i32
    %scan3A_21 = arith.addi %scan3A_19, %scan3A_20 : i32
    %scan3A_22 = arith.constant 1 : i32
    scf.for %scan3A_112 = %scan3A_19 to %scan3A_21 step %scan3A_22  : i32 {
      %mul3A_113 = arith.constant 640 : i32
      %mul3A_114 = arith.muli %arg1, %mul3A_113 : i32
      %mul3A_115 = arith.constant 128 : i32
      %mul3A_116 = arith.muli %scan3A_112, %mul3A_115 : i32
      %add3A_117 = arith.addi %mul3A_114, %mul3A_116 : i32
      "tpu.region"() ({
        %run_scoped3A = tpu.sem_alloc : memref<!tpu.dma_semaphore, #tpu.memory_space<semaphore_mem>>
        %dma_start3A_118 = arith.constant 0 : i32
        %dma_start3A_119 = tpu.memref_slice %arg17[%add3A_117, %dma_start3A_118] : memref<10240x32xf32, #tpu.memory_space<vmem_shared>> -> memref<128x32xf32, #tpu.memory_space<vmem_shared>>
        %dma_start3A_120 = arith.constant 0 : i32
        %dma_start3A_121 = tpu.memref_slice %arg17[%add3A_117, %dma_start3A_120] : memref<10240x32xf32, #tpu.memory_space<vmem_shared>> -> memref<128x32xf32, #tpu.memory_space<vmem_shared>>
        tpu.enqueue_dma source(%arg15 : memref<128x32xf32, #tpu.memory_space<vmem>>) target(%dma_start3A_121 : memref<128x32xf32, #tpu.memory_space<vmem_shared>>) target_semaphore(%run_scoped3A : memref<!tpu.dma_semaphore, #tpu.memory_space<semaphore_mem>>)
        %dma_wait3A_122 = arith.constant 0 : i32
        %dma_wait3A_123 = tpu.memref_slice %arg17[%add3A_117, %dma_wait3A_122] : memref<10240x32xf32, #tpu.memory_space<vmem_shared>> -> memref<128x32xf32, #tpu.memory_space<vmem_shared>>
        %dma_wait3A_124 = arith.constant 0 : i32
        %dma_wait3A_125 = tpu.memref_slice %arg17[%add3A_117, %dma_wait3A_124] : memref<10240x32xf32, #tpu.memory_space<vmem_shared>> -> memref<128x32xf32, #tpu.memory_space<vmem_shared>>
        tpu.wait_dma2 semaphore(%run_scoped3A : memref<!tpu.dma_semaphore, #tpu.memory_space<semaphore_mem>>) src(%arg15 : memref<128x32xf32, #tpu.memory_space<vmem>>) dst(%dma_wait3A_125 : memref<128x32xf32, #tpu.memory_space<vmem_shared>>)
        tpu.yield
      }) : () -> ()
    }
    %scan3A_23 = arith.constant 5 : i32
    %barrier3A = arith.constant 0 : index
    tpu.barrier barrier_id(%barrier3A)
    %add3A_24 = arith.constant 0 : i32
    %add3A_25 = arith.addi %mul3A_10, %add3A_24 : i32
    %dma_wait3A = arith.constant 0 : i32
    %dma_wait3A_26 = arith.constant 0 : i32
    %dma_wait3A_27 = tpu.memref_slice %arg2[%dma_wait3A, %dma_wait3A_26] : memref<10240x32xf32, #tpu.memory_space<hbm>> -> memref<10240x32xf32, #tpu.memory_space<hbm>>
    tpu.wait_indirect_dma semaphore(%arg18 : memref<!tpu.dma_semaphore, #tpu.memory_space<semaphore_mem>>) src(%dma_wait3A_27 : memref<10240x32xf32, #tpu.memory_space<hbm>>) dst(%arg13 : memref<128x32xf32, #tpu.memory_space<vmem>>)
    "tpu.region"() ({
      %run_scoped3A = tpu.sem_alloc : memref<!tpu.dma_semaphore, #tpu.memory_space<semaphore_mem>>
      %dma_start3A_112 = tpu.memref_slice %arg5[%add3A_25] : memref<327680xf32, #tpu.memory_space<hbm>> -> memref<128xf32, #tpu.memory_space<hbm>>
      %dma_start3A_113 = tpu.memref_slice %arg5[%add3A_25] : memref<327680xf32, #tpu.memory_space<hbm>> -> memref<128xf32, #tpu.memory_space<hbm>>
      tpu.enqueue_dma source(%dma_start3A_113 : memref<128xf32, #tpu.memory_space<hbm>>) target(%arg11 : memref<128xf32, #tpu.memory_space<vmem>>) target_semaphore(%run_scoped3A : memref<!tpu.dma_semaphore, #tpu.memory_space<semaphore_mem>>)
      %dma_wait3A_114 = tpu.memref_slice %arg5[%add3A_25] : memref<327680xf32, #tpu.memory_space<hbm>> -> memref<128xf32, #tpu.memory_space<hbm>>
      %dma_wait3A_115 = tpu.memref_slice %arg5[%add3A_25] : memref<327680xf32, #tpu.memory_space<hbm>> -> memref<128xf32, #tpu.memory_space<hbm>>
      tpu.wait_dma2 semaphore(%run_scoped3A : memref<!tpu.dma_semaphore, #tpu.memory_space<semaphore_mem>>) src(%dma_wait3A_115 : memref<128xf32, #tpu.memory_space<hbm>>) dst(%arg11 : memref<128xf32, #tpu.memory_space<vmem>>)
      tpu.yield
    }) : () -> ()
    "tpu.region"() ({
      %run_scoped3A = tpu.sem_alloc : memref<!tpu.dma_semaphore, #tpu.memory_space<semaphore_mem>>
      %dma_start3A_112 = tpu.memref_slice %arg4[%add3A_25] : memref<327680xi32, #tpu.memory_space<hbm>> -> memref<128xi32, #tpu.memory_space<hbm>>
      %dma_start3A_113 = tpu.memref_slice %arg4[%add3A_25] : memref<327680xi32, #tpu.memory_space<hbm>> -> memref<128xi32, #tpu.memory_space<hbm>>
      tpu.enqueue_dma source(%dma_start3A_113 : memref<128xi32, #tpu.memory_space<hbm>>) target(%arg9 : memref<128xi32, #tpu.memory_space<vmem>>) target_semaphore(%run_scoped3A : memref<!tpu.dma_semaphore, #tpu.memory_space<semaphore_mem>>)
      %dma_wait3A_114 = tpu.memref_slice %arg4[%add3A_25] : memref<327680xi32, #tpu.memory_space<hbm>> -> memref<128xi32, #tpu.memory_space<hbm>>
      %dma_wait3A_115 = tpu.memref_slice %arg4[%add3A_25] : memref<327680xi32, #tpu.memory_space<hbm>> -> memref<128xi32, #tpu.memory_space<hbm>>
      tpu.wait_dma2 semaphore(%run_scoped3A : memref<!tpu.dma_semaphore, #tpu.memory_space<semaphore_mem>>) src(%dma_wait3A_115 : memref<128xi32, #tpu.memory_space<hbm>>) dst(%arg9 : memref<128xi32, #tpu.memory_space<vmem>>)
      tpu.yield
    }) : () -> ()
    %scan3A_28 = arith.constant 0 : i32
    %scan3A_29 = arith.constant 0 : i32
    %scan3A_30 = arith.constant 128 : i32
    %scan3A_31 = arith.addi %scan3A_29, %scan3A_30 : i32
    %scan3A_32 = arith.constant 1 : i32
    scf.for %scan3A_112 = %scan3A_29 to %scan3A_31 step %scan3A_32  : i32 {
      %broadcast_in_dim3A_113 = vector.broadcast %scan3A_112 : i32 to vector<16xi32>
      %gather3A = tpu.vector_load_idx %arg11[%broadcast_in_dim3A_113] : memref<128xf32, #tpu.memory_space<vmem>>[vector<16xi32>], vector<16xf32>,
      %get3A = arith.index_cast %scan3A_112 : i32 to index
      %get3A_114 = arith.constant 0 : index
      %get3A_115 = tpu.vector_load %arg13[%get3A, %get3A_114] {strides = array<i32>} : memref<128x32xf32, #tpu.memory_space<vmem>>, vector<16xf32>,
      %mul3A_116 = arith.mulf %get3A_115, %gather3A : vector<16xf32>
      %swap3A = arith.index_cast %scan3A_112 : i32 to index
      %swap3A_117 = arith.constant 0 : index
      %swap3A_118 = tpu.vector_load %arg15[%swap3A, %swap3A_117] {strides = array<i32>} : memref<128x32xf32, #tpu.memory_space<vmem>>, vector<16xf32>,
      tpu.vector_store %arg15[%swap3A, %swap3A_117], %mul3A_116 {strides = array<i32>} : memref<128x32xf32, #tpu.memory_space<vmem>>, vector<16xf32>,
      %get3A_119 = arith.index_cast %scan3A_112 : i32 to index
      %get3A_120 = arith.constant 16 : index
      %get3A_121 = tpu.vector_load %arg13[%get3A_119, %get3A_120] {strides = array<i32>} : memref<128x32xf32, #tpu.memory_space<vmem>>, vector<16xf32>,
      %mul3A_122 = arith.mulf %get3A_121, %gather3A : vector<16xf32>
      %swap3A_123 = arith.index_cast %scan3A_112 : i32 to index
      %swap3A_124 = arith.constant 16 : index
      %swap3A_125 = tpu.vector_load %arg15[%swap3A_123, %swap3A_124] {strides = array<i32>} : memref<128x32xf32, #tpu.memory_space<vmem>>, vector<16xf32>,
      tpu.vector_store %arg15[%swap3A_123, %swap3A_124], %mul3A_122 {strides = array<i32>} : memref<128x32xf32, #tpu.memory_space<vmem>>, vector<16xf32>,
    }
    %scan3A_33 = arith.constant 128 : i32
    %dma_start3A_34 = arith.constant 0 : i32
    %dma_start3A_35 = arith.constant 0 : i32
    %dma_start3A_36 = tpu.memref_slice %arg17[%dma_start3A_34, %dma_start3A_35] : memref<10240x32xf32, #tpu.memory_space<vmem_shared>> -> memref<10240x32xf32, #tpu.memory_space<vmem_shared>>
    tpu.enqueue_indirect_dma source(%arg15 : memref<128x32xf32, #tpu.memory_space<vmem>>) target(%dma_start3A_36 : memref<10240x32xf32, #tpu.memory_space<vmem_shared>>) offsets(%arg9 : memref<128xi32, #tpu.memory_space<vmem>>) semaphore(%arg20 : memref<!tpu.dma_semaphore, #tpu.memory_space<semaphore_mem>>) {add = true}
    %add3A_37 = arith.constant 256 : i32
    %add3A_38 = arith.addi %mul3A_10, %add3A_37 : i32
    "tpu.region"() ({
      %run_scoped3A = tpu.sem_alloc : memref<!tpu.dma_semaphore, #tpu.memory_space<semaphore_mem>>
      %dma_start3A_112 = tpu.memref_slice %arg3[%add3A_38] : memref<327680xi32, #tpu.memory_space<hbm>> -> memref<128xi32, #tpu.memory_space<hbm>>
      %dma_start3A_113 = tpu.memref_slice %arg3[%add3A_38] : memref<327680xi32, #tpu.memory_space<hbm>> -> memref<128xi32, #tpu.memory_space<hbm>>
      tpu.enqueue_dma source(%dma_start3A_113 : memref<128xi32, #tpu.memory_space<hbm>>) target(%arg7 : memref<128xi32, #tpu.memory_space<vmem>>) target_semaphore(%run_scoped3A : memref<!tpu.dma_semaphore, #tpu.memory_space<semaphore_mem>>)
      %dma_wait3A_114 = tpu.memref_slice %arg3[%add3A_38] : memref<327680xi32, #tpu.memory_space<hbm>> -> memref<128xi32, #tpu.memory_space<hbm>>
      %dma_wait3A_115 = tpu.memref_slice %arg3[%add3A_38] : memref<327680xi32, #tpu.memory_space<hbm>> -> memref<128xi32, #tpu.memory_space<hbm>>
      tpu.wait_dma2 semaphore(%run_scoped3A : memref<!tpu.dma_semaphore, #tpu.memory_space<semaphore_mem>>) src(%dma_wait3A_115 : memref<128xi32, #tpu.memory_space<hbm>>) dst(%arg7 : memref<128xi32, #tpu.memory_space<vmem>>)
      tpu.yield
    }) : () -> ()
    %dma_start3A_39 = arith.constant 0 : i32
    %dma_start3A_40 = arith.constant 0 : i32
    %dma_start3A_41 = tpu.memref_slice %arg2[%dma_start3A_39, %dma_start3A_40] : memref<10240x32xf32, #tpu.memory_space<hbm>> -> memref<10240x32xf32, #tpu.memory_space<hbm>>
    tpu.enqueue_indirect_dma source(%dma_start3A_41 : memref<10240x32xf32, #tpu.memory_space<hbm>>) target(%arg13 : memref<128x32xf32, #tpu.memory_space<vmem>>) offsets(%arg7 : memref<128xi32, #tpu.memory_space<vmem>>) semaphore(%arg18 : memref<!tpu.dma_semaphore, #tpu.memory_space<semaphore_mem>>)
    %add3A_42 = arith.constant 128 : i32
    %add3A_43 = arith.addi %mul3A_10, %add3A_42 : i32
    %dma_wait3A_44 = arith.constant 0 : i32
    %dma_wait3A_45 = arith.constant 0 : i32
    %dma_wait3A_46 = tpu.memref_slice %arg2[%dma_wait3A_44, %dma_wait3A_45] : memref<10240x32xf32, #tpu.memory_space<hbm>> -> memref<10240x32xf32, #tpu.memory_space<hbm>>
    tpu.wait_indirect_dma semaphore(%arg19 : memref<!tpu.dma_semaphore, #tpu.memory_space<semaphore_mem>>) src(%dma_wait3A_46 : memref<10240x32xf32, #tpu.memory_space<hbm>>) dst(%arg14 : memref<128x32xf32, #tpu.memory_space<vmem>>)
    "tpu.region"() ({
      %run_scoped3A = tpu.sem_alloc : memref<!tpu.dma_semaphore, #tpu.memory_space<semaphore_mem>>
      %dma_start3A_112 = tpu.memref_slice %arg5[%add3A_43] : memref<327680xf32, #tpu.memory_space<hbm>> -> memref<128xf32, #tpu.memory_space<hbm>>
      %dma_start3A_113 = tpu.memref_slice %arg5[%add3A_43] : memref<327680xf32, #tpu.memory_space<hbm>> -> memref<128xf32, #tpu.memory_space<hbm>>
      tpu.enqueue_dma source(%dma_start3A_113 : memref<128xf32, #tpu.memory_space<hbm>>) target(%arg12 : memref<128xf32, #tpu.memory_space<vmem>>) target_semaphore(%run_scoped3A : memref<!tpu.dma_semaphore, #tpu.memory_space<semaphore_mem>>)
      %dma_wait3A_114 = tpu.memref_slice %arg5[%add3A_43] : memref<327680xf32, #tpu.memory_space<hbm>> -> memref<128xf32, #tpu.memory_space<hbm>>
      %dma_wait3A_115 = tpu.memref_slice %arg5[%add3A_43] : memref<327680xf32, #tpu.memory_space<hbm>> -> memref<128xf32, #tpu.memory_space<hbm>>
      tpu.wait_dma2 semaphore(%run_scoped3A : memref<!tpu.dma_semaphore, #tpu.memory_space<semaphore_mem>>) src(%dma_wait3A_115 : memref<128xf32, #tpu.memory_space<hbm>>) dst(%arg12 : memref<128xf32, #tpu.memory_space<vmem>>)
      tpu.yield
    }) : () -> ()
    "tpu.region"() ({
      %run_scoped3A = tpu.sem_alloc : memref<!tpu.dma_semaphore, #tpu.memory_space<semaphore_mem>>
      %dma_start3A_112 = tpu.memref_slice %arg4[%add3A_43] : memref<327680xi32, #tpu.memory_space<hbm>> -> memref<128xi32, #tpu.memory_space<hbm>>
      %dma_start3A_113 = tpu.memref_slice %arg4[%add3A_43] : memref<327680xi32, #tpu.memory_space<hbm>> -> memref<128xi32, #tpu.memory_space<hbm>>
      tpu.enqueue_dma source(%dma_start3A_113 : memref<128xi32, #tpu.memory_space<hbm>>) target(%arg10 : memref<128xi32, #tpu.memory_space<vmem>>) target_semaphore(%run_scoped3A : memref<!tpu.dma_semaphore, #tpu.memory_space<semaphore_mem>>)
      %dma_wait3A_114 = tpu.memref_slice %arg4[%add3A_43] : memref<327680xi32, #tpu.memory_space<hbm>> -> memref<128xi32, #tpu.memory_space<hbm>>
      %dma_wait3A_115 = tpu.memref_slice %arg4[%add3A_43] : memref<327680xi32, #tpu.memory_space<hbm>> -> memref<128xi32, #tpu.memory_space<hbm>>
      tpu.wait_dma2 semaphore(%run_scoped3A : memref<!tpu.dma_semaphore, #tpu.memory_space<semaphore_mem>>) src(%dma_wait3A_115 : memref<128xi32, #tpu.memory_space<hbm>>) dst(%arg10 : memref<128xi32, #tpu.memory_space<vmem>>)
      tpu.yield
    }) : () -> ()
    %scan3A_47 = arith.constant 0 : i32
    %scan3A_48 = arith.constant 0 : i32
    %scan3A_49 = arith.constant 128 : i32
    %scan3A_50 = arith.addi %scan3A_48, %scan3A_49 : i32
    %scan3A_51 = arith.constant 1 : i32
    scf.for %scan3A_112 = %scan3A_48 to %scan3A_50 step %scan3A_51  : i32 {
      %broadcast_in_dim3A_113 = vector.broadcast %scan3A_112 : i32 to vector<16xi32>
      %gather3A = tpu.vector_load_idx %arg12[%broadcast_in_dim3A_113] : memref<128xf32, #tpu.memory_space<vmem>>[vector<16xi32>], vector<16xf32>,
      %get3A = arith.index_cast %scan3A_112 : i32 to index
      %get3A_114 = arith.constant 0 : index
      %get3A_115 = tpu.vector_load %arg14[%get3A, %get3A_114] {strides = array<i32>} : memref<128x32xf32, #tpu.memory_space<vmem>>, vector<16xf32>,
      %mul3A_116 = arith.mulf %get3A_115, %gather3A : vector<16xf32>
      %swap3A = arith.index_cast %scan3A_112 : i32 to index
      %swap3A_117 = arith.constant 0 : index
      %swap3A_118 = tpu.vector_load %arg16[%swap3A, %swap3A_117] {strides = array<i32>} : memref<128x32xf32, #tpu.memory_space<vmem>>, vector<16xf32>,
      tpu.vector_store %arg16[%swap3A, %swap3A_117], %mul3A_116 {strides = array<i32>} : memref<128x32xf32, #tpu.memory_space<vmem>>, vector<16xf32>,
      %get3A_119 = arith.index_cast %scan3A_112 : i32 to index
      %get3A_120 = arith.constant 16 : index
      %get3A_121 = tpu.vector_load %arg14[%get3A_119, %get3A_120] {strides = array<i32>} : memref<128x32xf32, #tpu.memory_space<vmem>>, vector<16xf32>,
      %mul3A_122 = arith.mulf %get3A_121, %gather3A : vector<16xf32>
      %swap3A_123 = arith.index_cast %scan3A_112 : i32 to index
      %swap3A_124 = arith.constant 16 : index
      %swap3A_125 = tpu.vector_load %arg16[%swap3A_123, %swap3A_124] {strides = array<i32>} : memref<128x32xf32, #tpu.memory_space<vmem>>, vector<16xf32>,
      tpu.vector_store %arg16[%swap3A_123, %swap3A_124], %mul3A_122 {strides = array<i32>} : memref<128x32xf32, #tpu.memory_space<vmem>>, vector<16xf32>,
    }
    %scan3A_52 = arith.constant 128 : i32
    %dma_start3A_53 = arith.constant 0 : i32
    %dma_start3A_54 = arith.constant 0 : i32
    %dma_start3A_55 = tpu.memref_slice %arg17[%dma_start3A_53, %dma_start3A_54] : memref<10240x32xf32, #tpu.memory_space<vmem_shared>> -> memref<10240x32xf32, #tpu.memory_space<vmem_shared>>
    tpu.enqueue_indirect_dma source(%arg16 : memref<128x32xf32, #tpu.memory_space<vmem>>) target(%dma_start3A_55 : memref<10240x32xf32, #tpu.memory_space<vmem_shared>>) offsets(%arg10 : memref<128xi32, #tpu.memory_space<vmem>>) semaphore(%arg21 : memref<!tpu.dma_semaphore, #tpu.memory_space<semaphore_mem>>) {add = true}
    %add3A_56 = arith.constant 384 : i32
    %add3A_57 = arith.addi %mul3A_10, %add3A_56 : i32
    "tpu.region"() ({
      %run_scoped3A = tpu.sem_alloc : memref<!tpu.dma_semaphore, #tpu.memory_space<semaphore_mem>>
      %dma_start3A_112 = tpu.memref_slice %arg3[%add3A_57] : memref<327680xi32, #tpu.memory_space<hbm>> -> memref<128xi32, #tpu.memory_space<hbm>>
      %dma_start3A_113 = tpu.memref_slice %arg3[%add3A_57] : memref<327680xi32, #tpu.memory_space<hbm>> -> memref<128xi32, #tpu.memory_space<hbm>>
      tpu.enqueue_dma source(%dma_start3A_113 : memref<128xi32, #tpu.memory_space<hbm>>) target(%arg8 : memref<128xi32, #tpu.memory_space<vmem>>) target_semaphore(%run_scoped3A : memref<!tpu.dma_semaphore, #tpu.memory_space<semaphore_mem>>)
      %dma_wait3A_114 = tpu.memref_slice %arg3[%add3A_57] : memref<327680xi32, #tpu.memory_space<hbm>> -> memref<128xi32, #tpu.memory_space<hbm>>
      %dma_wait3A_115 = tpu.memref_slice %arg3[%add3A_57] : memref<327680xi32, #tpu.memory_space<hbm>> -> memref<128xi32, #tpu.memory_space<hbm>>
      tpu.wait_dma2 semaphore(%run_scoped3A : memref<!tpu.dma_semaphore, #tpu.memory_space<semaphore_mem>>) src(%dma_wait3A_115 : memref<128xi32, #tpu.memory_space<hbm>>) dst(%arg8 : memref<128xi32, #tpu.memory_space<vmem>>)
      tpu.yield
    }) : () -> ()
    %dma_start3A_58 = arith.constant 0 : i32
    %dma_start3A_59 = arith.constant 0 : i32
    %dma_start3A_60 = tpu.memref_slice %arg2[%dma_start3A_58, %dma_start3A_59] : memref<10240x32xf32, #tpu.memory_space<hbm>> -> memref<10240x32xf32, #tpu.memory_space<hbm>>
    tpu.enqueue_indirect_dma source(%dma_start3A_60 : memref<10240x32xf32, #tpu.memory_space<hbm>>) target(%arg14 : memref<128x32xf32, #tpu.memory_space<vmem>>) offsets(%arg8 : memref<128xi32, #tpu.memory_space<vmem>>) semaphore(%arg19 : memref<!tpu.dma_semaphore, #tpu.memory_space<semaphore_mem>>)
    %scan3A_61 = arith.constant 0 : i32
    %scan3A_62 = arith.constant 1 : i32
    %scan3A_63 = arith.constant 38 : i32
    %scan3A_64 = arith.addi %scan3A_62, %scan3A_63 : i32
    %scan3A_65 = arith.constant 1 : i32
    scf.for %scan3A_112 = %scan3A_62 to %scan3A_64 step %scan3A_65  : i32 {
      %mul3A_113 = arith.constant 2 : i32
      %mul3A_114 = arith.muli %scan3A_112, %mul3A_113 : i32
      %add3A_115 = arith.constant 0 : i32
      %add3A_116 = arith.addi %mul3A_114, %add3A_115 : i32
      %mul3A_117 = arith.constant 128 : i32
      %mul3A_118 = arith.muli %add3A_116, %mul3A_117 : i32
      %add3A_119 = arith.addi %mul3A_10, %mul3A_118 : i32
      %dma_wait3A_120 = arith.constant 0 : i32
      %dma_wait3A_121 = arith.constant 0 : i32
      %dma_wait3A_122 = tpu.memref_slice %arg2[%dma_wait3A_120, %dma_wait3A_121] : memref<10240x32xf32, #tpu.memory_space<hbm>> -> memref<10240x32xf32, #tpu.memory_space<hbm>>
      tpu.wait_indirect_dma semaphore(%arg18 : memref<!tpu.dma_semaphore, #tpu.memory_space<semaphore_mem>>) src(%dma_wait3A_122 : memref<10240x32xf32, #tpu.memory_space<hbm>>) dst(%arg13 : memref<128x32xf32, #tpu.memory_space<vmem>>)
      %dma_wait3A_123 = arith.constant 0 : i32
      %dma_wait3A_124 = arith.constant 0 : i32
      %dma_wait3A_125 = tpu.memref_slice %arg17[%dma_wait3A_123, %dma_wait3A_124] : memref<10240x32xf32, #tpu.memory_space<vmem_shared>> -> memref<10240x32xf32, #tpu.memory_space<vmem_shared>>
      tpu.wait_indirect_dma semaphore(%arg20 : memref<!tpu.dma_semaphore, #tpu.memory_space<semaphore_mem>>) src(%arg15 : memref<128x32xf32, #tpu.memory_space<vmem>>) dst(%dma_wait3A_125 : memref<10240x32xf32, #tpu.memory_space<vmem_shared>>)
      "tpu.region"() ({
        %run_scoped3A = tpu.sem_alloc : memref<!tpu.dma_semaphore, #tpu.memory_space<semaphore_mem>>
        %dma_start3A_173 = tpu.memref_slice %arg5[%add3A_119] : memref<327680xf32, #tpu.memory_space<hbm>> -> memref<128xf32, #tpu.memory_space<hbm>>
        %dma_start3A_174 = tpu.memref_slice %arg5[%add3A_119] : memref<327680xf32, #tpu.memory_space<hbm>> -> memref<128xf32, #tpu.memory_space<hbm>>
        tpu.enqueue_dma source(%dma_start3A_174 : memref<128xf32, #tpu.memory_space<hbm>>) target(%arg11 : memref<128xf32, #tpu.memory_space<vmem>>) target_semaphore(%run_scoped3A : memref<!tpu.dma_semaphore, #tpu.memory_space<semaphore_mem>>)
        %dma_wait3A_175 = tpu.memref_slice %arg5[%add3A_119] : memref<327680xf32, #tpu.memory_space<hbm>> -> memref<128xf32, #tpu.memory_space<hbm>>
        %dma_wait3A_176 = tpu.memref_slice %arg5[%add3A_119] : memref<327680xf32, #tpu.memory_space<hbm>> -> memref<128xf32, #tpu.memory_space<hbm>>
        tpu.wait_dma2 semaphore(%run_scoped3A : memref<!tpu.dma_semaphore, #tpu.memory_space<semaphore_mem>>) src(%dma_wait3A_176 : memref<128xf32, #tpu.memory_space<hbm>>) dst(%arg11 : memref<128xf32, #tpu.memory_space<vmem>>)
        tpu.yield
      }) : () -> ()
      "tpu.region"() ({
        %run_scoped3A = tpu.sem_alloc : memref<!tpu.dma_semaphore, #tpu.memory_space<semaphore_mem>>
        %dma_start3A_173 = tpu.memref_slice %arg4[%add3A_119] : memref<327680xi32, #tpu.memory_space<hbm>> -> memref<128xi32, #tpu.memory_space<hbm>>
        %dma_start3A_174 = tpu.memref_slice %arg4[%add3A_119] : memref<327680xi32, #tpu.memory_space<hbm>> -> memref<128xi32, #tpu.memory_space<hbm>>
        tpu.enqueue_dma source(%dma_start3A_174 : memref<128xi32, #tpu.memory_space<hbm>>) target(%arg9 : memref<128xi32, #tpu.memory_space<vmem>>) target_semaphore(%run_scoped3A : memref<!tpu.dma_semaphore, #tpu.memory_space<semaphore_mem>>)
        %dma_wait3A_175 = tpu.memref_slice %arg4[%add3A_119] : memref<327680xi32, #tpu.memory_space<hbm>> -> memref<128xi32, #tpu.memory_space<hbm>>
        %dma_wait3A_176 = tpu.memref_slice %arg4[%add3A_119] : memref<327680xi32, #tpu.memory_space<hbm>> -> memref<128xi32, #tpu.memory_space<hbm>>
        tpu.wait_dma2 semaphore(%run_scoped3A : memref<!tpu.dma_semaphore, #tpu.memory_space<semaphore_mem>>) src(%dma_wait3A_176 : memref<128xi32, #tpu.memory_space<hbm>>) dst(%arg9 : memref<128xi32, #tpu.memory_space<vmem>>)
        tpu.yield
      }) : () -> ()
      %scan3A_126 = arith.constant 0 : i32
      %scan3A_127 = arith.constant 0 : i32
      %scan3A_128 = arith.constant 128 : i32
      %scan3A_129 = arith.addi %scan3A_127, %scan3A_128 : i32
      %scan3A_130 = arith.constant 1 : i32
      scf.for %scan3A_173 = %scan3A_127 to %scan3A_129 step %scan3A_130  : i32 {
        %broadcast_in_dim3A_174 = vector.broadcast %scan3A_173 : i32 to vector<16xi32>
        %gather3A = tpu.vector_load_idx %arg11[%broadcast_in_dim3A_174] : memref<128xf32, #tpu.memory_space<vmem>>[vector<16xi32>], vector<16xf32>,
        %get3A = arith.index_cast %scan3A_173 : i32 to index
        %get3A_175 = arith.constant 0 : index
        %get3A_176 = tpu.vector_load %arg13[%get3A, %get3A_175] {strides = array<i32>} : memref<128x32xf32, #tpu.memory_space<vmem>>, vector<16xf32>,
        %mul3A_177 = arith.mulf %get3A_176, %gather3A : vector<16xf32>
        %swap3A = arith.index_cast %scan3A_173 : i32 to index
        %swap3A_178 = arith.constant 0 : index
        %swap3A_179 = tpu.vector_load %arg15[%swap3A, %swap3A_178] {strides = array<i32>} : memref<128x32xf32, #tpu.memory_space<vmem>>, vector<16xf32>,
        tpu.vector_store %arg15[%swap3A, %swap3A_178], %mul3A_177 {strides = array<i32>} : memref<128x32xf32, #tpu.memory_space<vmem>>, vector<16xf32>,
        %get3A_180 = arith.index_cast %scan3A_173 : i32 to index
        %get3A_181 = arith.constant 16 : index
        %get3A_182 = tpu.vector_load %arg13[%get3A_180, %get3A_181] {strides = array<i32>} : memref<128x32xf32, #tpu.memory_space<vmem>>, vector<16xf32>,
        %mul3A_183 = arith.mulf %get3A_182, %gather3A : vector<16xf32>
        %swap3A_184 = arith.index_cast %scan3A_173 : i32 to index
        %swap3A_185 = arith.constant 16 : index
        %swap3A_186 = tpu.vector_load %arg15[%swap3A_184, %swap3A_185] {strides = array<i32>} : memref<128x32xf32, #tpu.memory_space<vmem>>, vector<16xf32>,
        tpu.vector_store %arg15[%swap3A_184, %swap3A_185], %mul3A_183 {strides = array<i32>} : memref<128x32xf32, #tpu.memory_space<vmem>>, vector<16xf32>,
      }
      %scan3A_131 = arith.constant 128 : i32
      %dma_start3A_132 = arith.constant 0 : i32
      %dma_start3A_133 = arith.constant 0 : i32
      %dma_start3A_134 = tpu.memref_slice %arg17[%dma_start3A_132, %dma_start3A_133] : memref<10240x32xf32, #tpu.memory_space<vmem_shared>> -> memref<10240x32xf32, #tpu.memory_space<vmem_shared>>
      tpu.enqueue_indirect_dma source(%arg15 : memref<128x32xf32, #tpu.memory_space<vmem>>) target(%dma_start3A_134 : memref<10240x32xf32, #tpu.memory_space<vmem_shared>>) offsets(%arg9 : memref<128xi32, #tpu.memory_space<vmem>>) semaphore(%arg20 : memref<!tpu.dma_semaphore, #tpu.memory_space<semaphore_mem>>) {add = true}
      %add3A_135 = arith.constant 2 : i32
      %add3A_136 = arith.addi %add3A_116, %add3A_135 : i32
      %mul3A_137 = arith.constant 128 : i32
      %mul3A_138 = arith.muli %add3A_136, %mul3A_137 : i32
      %add3A_139 = arith.addi %mul3A_10, %mul3A_138 : i32
      "tpu.region"() ({
        %run_scoped3A = tpu.sem_alloc : memref<!tpu.dma_semaphore, #tpu.memory_space<semaphore_mem>>
        %dma_start3A_173 = tpu.memref_slice %arg3[%add3A_139] : memref<327680xi32, #tpu.memory_space<hbm>> -> memref<128xi32, #tpu.memory_space<hbm>>
        %dma_start3A_174 = tpu.memref_slice %arg3[%add3A_139] : memref<327680xi32, #tpu.memory_space<hbm>> -> memref<128xi32, #tpu.memory_space<hbm>>
        tpu.enqueue_dma source(%dma_start3A_174 : memref<128xi32, #tpu.memory_space<hbm>>) target(%arg7 : memref<128xi32, #tpu.memory_space<vmem>>) target_semaphore(%run_scoped3A : memref<!tpu.dma_semaphore, #tpu.memory_space<semaphore_mem>>)
        %dma_wait3A_175 = tpu.memref_slice %arg3[%add3A_139] : memref<327680xi32, #tpu.memory_space<hbm>> -> memref<128xi32, #tpu.memory_space<hbm>>
        %dma_wait3A_176 = tpu.memref_slice %arg3[%add3A_139] : memref<327680xi32, #tpu.memory_space<hbm>> -> memref<128xi32, #tpu.memory_space<hbm>>
        tpu.wait_dma2 semaphore(%run_scoped3A : memref<!tpu.dma_semaphore, #tpu.memory_space<semaphore_mem>>) src(%dma_wait3A_176 : memref<128xi32, #tpu.memory_space<hbm>>) dst(%arg7 : memref<128xi32, #tpu.memory_space<vmem>>)
        tpu.yield
      }) : () -> ()
      %dma_start3A_140 = arith.constant 0 : i32
      %dma_start3A_141 = arith.constant 0 : i32
      %dma_start3A_142 = tpu.memref_slice %arg2[%dma_start3A_140, %dma_start3A_141] : memref<10240x32xf32, #tpu.memory_space<hbm>> -> memref<10240x32xf32, #tpu.memory_space<hbm>>
      tpu.enqueue_indirect_dma source(%dma_start3A_142 : memref<10240x32xf32, #tpu.memory_space<hbm>>) target(%arg13 : memref<128x32xf32, #tpu.memory_space<vmem>>) offsets(%arg7 : memref<128xi32, #tpu.memory_space<vmem>>) semaphore(%arg18 : memref<!tpu.dma_semaphore, #tpu.memory_space<semaphore_mem>>)
      %mul3A_143 = arith.constant 2 : i32
      %mul3A_144 = arith.muli %scan3A_112, %mul3A_143 : i32
      %add3A_145 = arith.constant 1 : i32
      %add3A_146 = arith.addi %mul3A_144, %add3A_145 : i32
      %mul3A_147 = arith.constant 128 : i32
      %mul3A_148 = arith.muli %add3A_146, %mul3A_147 : i32
      %add3A_149 = arith.addi %mul3A_10, %mul3A_148 : i32
      %dma_wait3A_150 = arith.constant 0 : i32
      %dma_wait3A_151 = arith.constant 0 : i32
      %dma_wait3A_152 = tpu.memref_slice %arg2[%dma_wait3A_150, %dma_wait3A_151] : memref<10240x32xf32, #tpu.memory_space<hbm>> -> memref<10240x32xf32, #tpu.memory_space<hbm>>
      tpu.wait_indirect_dma semaphore(%arg19 : memref<!tpu.dma_semaphore, #tpu.memory_space<semaphore_mem>>) src(%dma_wait3A_152 : memref<10240x32xf32, #tpu.memory_space<hbm>>) dst(%arg14 : memref<128x32xf32, #tpu.memory_space<vmem>>)
      %dma_wait3A_153 = arith.constant 0 : i32
      %dma_wait3A_154 = arith.constant 0 : i32
      %dma_wait3A_155 = tpu.memref_slice %arg17[%dma_wait3A_153, %dma_wait3A_154] : memref<10240x32xf32, #tpu.memory_space<vmem_shared>> -> memref<10240x32xf32, #tpu.memory_space<vmem_shared>>
      tpu.wait_indirect_dma semaphore(%arg21 : memref<!tpu.dma_semaphore, #tpu.memory_space<semaphore_mem>>) src(%arg16 : memref<128x32xf32, #tpu.memory_space<vmem>>) dst(%dma_wait3A_155 : memref<10240x32xf32, #tpu.memory_space<vmem_shared>>)
      "tpu.region"() ({
        %run_scoped3A = tpu.sem_alloc : memref<!tpu.dma_semaphore, #tpu.memory_space<semaphore_mem>>
        %dma_start3A_173 = tpu.memref_slice %arg5[%add3A_149] : memref<327680xf32, #tpu.memory_space<hbm>> -> memref<128xf32, #tpu.memory_space<hbm>>
        %dma_start3A_174 = tpu.memref_slice %arg5[%add3A_149] : memref<327680xf32, #tpu.memory_space<hbm>> -> memref<128xf32, #tpu.memory_space<hbm>>
        tpu.enqueue_dma source(%dma_start3A_174 : memref<128xf32, #tpu.memory_space<hbm>>) target(%arg12 : memref<128xf32, #tpu.memory_space<vmem>>) target_semaphore(%run_scoped3A : memref<!tpu.dma_semaphore, #tpu.memory_space<semaphore_mem>>)
        %dma_wait3A_175 = tpu.memref_slice %arg5[%add3A_149] : memref<327680xf32, #tpu.memory_space<hbm>> -> memref<128xf32, #tpu.memory_space<hbm>>
        %dma_wait3A_176 = tpu.memref_slice %arg5[%add3A_149] : memref<327680xf32, #tpu.memory_space<hbm>> -> memref<128xf32, #tpu.memory_space<hbm>>
        tpu.wait_dma2 semaphore(%run_scoped3A : memref<!tpu.dma_semaphore, #tpu.memory_space<semaphore_mem>>) src(%dma_wait3A_176 : memref<128xf32, #tpu.memory_space<hbm>>) dst(%arg12 : memref<128xf32, #tpu.memory_space<vmem>>)
        tpu.yield
      }) : () -> ()
      "tpu.region"() ({
        %run_scoped3A = tpu.sem_alloc : memref<!tpu.dma_semaphore, #tpu.memory_space<semaphore_mem>>
        %dma_start3A_173 = tpu.memref_slice %arg4[%add3A_149] : memref<327680xi32, #tpu.memory_space<hbm>> -> memref<128xi32, #tpu.memory_space<hbm>>
        %dma_start3A_174 = tpu.memref_slice %arg4[%add3A_149] : memref<327680xi32, #tpu.memory_space<hbm>> -> memref<128xi32, #tpu.memory_space<hbm>>
        tpu.enqueue_dma source(%dma_start3A_174 : memref<128xi32, #tpu.memory_space<hbm>>) target(%arg10 : memref<128xi32, #tpu.memory_space<vmem>>) target_semaphore(%run_scoped3A : memref<!tpu.dma_semaphore, #tpu.memory_space<semaphore_mem>>)
        %dma_wait3A_175 = tpu.memref_slice %arg4[%add3A_149] : memref<327680xi32, #tpu.memory_space<hbm>> -> memref<128xi32, #tpu.memory_space<hbm>>
        %dma_wait3A_176 = tpu.memref_slice %arg4[%add3A_149] : memref<327680xi32, #tpu.memory_space<hbm>> -> memref<128xi32, #tpu.memory_space<hbm>>
        tpu.wait_dma2 semaphore(%run_scoped3A : memref<!tpu.dma_semaphore, #tpu.memory_space<semaphore_mem>>) src(%dma_wait3A_176 : memref<128xi32, #tpu.memory_space<hbm>>) dst(%arg10 : memref<128xi32, #tpu.memory_space<vmem>>)
        tpu.yield
      }) : () -> ()
      %scan3A_156 = arith.constant 0 : i32
      %scan3A_157 = arith.constant 0 : i32
      %scan3A_158 = arith.constant 128 : i32
      %scan3A_159 = arith.addi %scan3A_157, %scan3A_158 : i32
      %scan3A_160 = arith.constant 1 : i32
      scf.for %scan3A_173 = %scan3A_157 to %scan3A_159 step %scan3A_160  : i32 {
        %broadcast_in_dim3A_174 = vector.broadcast %scan3A_173 : i32 to vector<16xi32>
        %gather3A = tpu.vector_load_idx %arg12[%broadcast_in_dim3A_174] : memref<128xf32, #tpu.memory_space<vmem>>[vector<16xi32>], vector<16xf32>,
        %get3A = arith.index_cast %scan3A_173 : i32 to index
        %get3A_175 = arith.constant 0 : index
        %get3A_176 = tpu.vector_load %arg14[%get3A, %get3A_175] {strides = array<i32>} : memref<128x32xf32, #tpu.memory_space<vmem>>, vector<16xf32>,
        %mul3A_177 = arith.mulf %get3A_176, %gather3A : vector<16xf32>
        %swap3A = arith.index_cast %scan3A_173 : i32 to index
        %swap3A_178 = arith.constant 0 : index
        %swap3A_179 = tpu.vector_load %arg16[%swap3A, %swap3A_178] {strides = array<i32>} : memref<128x32xf32, #tpu.memory_space<vmem>>, vector<16xf32>,
        tpu.vector_store %arg16[%swap3A, %swap3A_178], %mul3A_177 {strides = array<i32>} : memref<128x32xf32, #tpu.memory_space<vmem>>, vector<16xf32>,
        %get3A_180 = arith.index_cast %scan3A_173 : i32 to index
        %get3A_181 = arith.constant 16 : index
        %get3A_182 = tpu.vector_load %arg14[%get3A_180, %get3A_181] {strides = array<i32>} : memref<128x32xf32, #tpu.memory_space<vmem>>, vector<16xf32>,
        %mul3A_183 = arith.mulf %get3A_182, %gather3A : vector<16xf32>
        %swap3A_184 = arith.index_cast %scan3A_173 : i32 to index
        %swap3A_185 = arith.constant 16 : index
        %swap3A_186 = tpu.vector_load %arg16[%swap3A_184, %swap3A_185] {strides = array<i32>} : memref<128x32xf32, #tpu.memory_space<vmem>>, vector<16xf32>,
        tpu.vector_store %arg16[%swap3A_184, %swap3A_185], %mul3A_183 {strides = array<i32>} : memref<128x32xf32, #tpu.memory_space<vmem>>, vector<16xf32>,
      }
      %scan3A_161 = arith.constant 128 : i32
      %dma_start3A_162 = arith.constant 0 : i32
      %dma_start3A_163 = arith.constant 0 : i32
      %dma_start3A_164 = tpu.memref_slice %arg17[%dma_start3A_162, %dma_start3A_163] : memref<10240x32xf32, #tpu.memory_space<vmem_shared>> -> memref<10240x32xf32, #tpu.memory_space<vmem_shared>>
      tpu.enqueue_indirect_dma source(%arg16 : memref<128x32xf32, #tpu.memory_space<vmem>>) target(%dma_start3A_164 : memref<10240x32xf32, #tpu.memory_space<vmem_shared>>) offsets(%arg10 : memref<128xi32, #tpu.memory_space<vmem>>) semaphore(%arg21 : memref<!tpu.dma_semaphore, #tpu.memory_space<semaphore_mem>>) {add = true}
      %add3A_165 = arith.constant 2 : i32
      %add3A_166 = arith.addi %add3A_146, %add3A_165 : i32
      %mul3A_167 = arith.constant 128 : i32
      %mul3A_168 = arith.muli %add3A_166, %mul3A_167 : i32
      %add3A_169 = arith.addi %mul3A_10, %mul3A_168 : i32
      "tpu.region"() ({
        %run_scoped3A = tpu.sem_alloc : memref<!tpu.dma_semaphore, #tpu.memory_space<semaphore_mem>>
        %dma_start3A_173 = tpu.memref_slice %arg3[%add3A_169] : memref<327680xi32, #tpu.memory_space<hbm>> -> memref<128xi32, #tpu.memory_space<hbm>>
        %dma_start3A_174 = tpu.memref_slice %arg3[%add3A_169] : memref<327680xi32, #tpu.memory_space<hbm>> -> memref<128xi32, #tpu.memory_space<hbm>>
        tpu.enqueue_dma source(%dma_start3A_174 : memref<128xi32, #tpu.memory_space<hbm>>) target(%arg8 : memref<128xi32, #tpu.memory_space<vmem>>) target_semaphore(%run_scoped3A : memref<!tpu.dma_semaphore, #tpu.memory_space<semaphore_mem>>)
        %dma_wait3A_175 = tpu.memref_slice %arg3[%add3A_169] : memref<327680xi32, #tpu.memory_space<hbm>> -> memref<128xi32, #tpu.memory_space<hbm>>
        %dma_wait3A_176 = tpu.memref_slice %arg3[%add3A_169] : memref<327680xi32, #tpu.memory_space<hbm>> -> memref<128xi32, #tpu.memory_space<hbm>>
        tpu.wait_dma2 semaphore(%run_scoped3A : memref<!tpu.dma_semaphore, #tpu.memory_space<semaphore_mem>>) src(%dma_wait3A_176 : memref<128xi32, #tpu.memory_space<hbm>>) dst(%arg8 : memref<128xi32, #tpu.memory_space<vmem>>)
        tpu.yield
      }) : () -> ()
      %dma_start3A_170 = arith.constant 0 : i32
      %dma_start3A_171 = arith.constant 0 : i32
      %dma_start3A_172 = tpu.memref_slice %arg2[%dma_start3A_170, %dma_start3A_171] : memref<10240x32xf32, #tpu.memory_space<hbm>> -> memref<10240x32xf32, #tpu.memory_space<hbm>>
      tpu.enqueue_indirect_dma source(%dma_start3A_172 : memref<10240x32xf32, #tpu.memory_space<hbm>>) target(%arg14 : memref<128x32xf32, #tpu.memory_space<vmem>>) offsets(%arg8 : memref<128xi32, #tpu.memory_space<vmem>>) semaphore(%arg19 : memref<!tpu.dma_semaphore, #tpu.memory_space<semaphore_mem>>)
    }
    %scan3A_66 = arith.constant 38 : i32
    %add3A_67 = arith.constant 9984 : i32
    %add3A_68 = arith.addi %mul3A_10, %add3A_67 : i32
    %dma_wait3A_69 = arith.constant 0 : i32
    %dma_wait3A_70 = arith.constant 0 : i32
    %dma_wait3A_71 = tpu.memref_slice %arg2[%dma_wait3A_69, %dma_wait3A_70] : memref<10240x32xf32, #tpu.memory_space<hbm>> -> memref<10240x32xf32, #tpu.memory_space<hbm>>
    tpu.wait_indirect_dma semaphore(%arg18 : memref<!tpu.dma_semaphore, #tpu.memory_space<semaphore_mem>>) src(%dma_wait3A_71 : memref<10240x32xf32, #tpu.memory_space<hbm>>) dst(%arg13 : memref<128x32xf32, #tpu.memory_space<vmem>>)
    %dma_wait3A_72 = arith.constant 0 : i32
    %dma_wait3A_73 = arith.constant 0 : i32
    %dma_wait3A_74 = tpu.memref_slice %arg17[%dma_wait3A_72, %dma_wait3A_73] : memref<10240x32xf32, #tpu.memory_space<vmem_shared>> -> memref<10240x32xf32, #tpu.memory_space<vmem_shared>>
    tpu.wait_indirect_dma semaphore(%arg20 : memref<!tpu.dma_semaphore, #tpu.memory_space<semaphore_mem>>) src(%arg15 : memref<128x32xf32, #tpu.memory_space<vmem>>) dst(%dma_wait3A_74 : memref<10240x32xf32, #tpu.memory_space<vmem_shared>>)
    "tpu.region"() ({
      %run_scoped3A = tpu.sem_alloc : memref<!tpu.dma_semaphore, #tpu.memory_space<semaphore_mem>>
      %dma_start3A_112 = tpu.memref_slice %arg5[%add3A_68] : memref<327680xf32, #tpu.memory_space<hbm>> -> memref<128xf32, #tpu.memory_space<hbm>>
      %dma_start3A_113 = tpu.memref_slice %arg5[%add3A_68] : memref<327680xf32, #tpu.memory_space<hbm>> -> memref<128xf32, #tpu.memory_space<hbm>>
      tpu.enqueue_dma source(%dma_start3A_113 : memref<128xf32, #tpu.memory_space<hbm>>) target(%arg11 : memref<128xf32, #tpu.memory_space<vmem>>) target_semaphore(%run_scoped3A : memref<!tpu.dma_semaphore, #tpu.memory_space<semaphore_mem>>)
      %dma_wait3A_114 = tpu.memref_slice %arg5[%add3A_68] : memref<327680xf32, #tpu.memory_space<hbm>> -> memref<128xf32, #tpu.memory_space<hbm>>
      %dma_wait3A_115 = tpu.memref_slice %arg5[%add3A_68] : memref<327680xf32, #tpu.memory_space<hbm>> -> memref<128xf32, #tpu.memory_space<hbm>>
      tpu.wait_dma2 semaphore(%run_scoped3A : memref<!tpu.dma_semaphore, #tpu.memory_space<semaphore_mem>>) src(%dma_wait3A_115 : memref<128xf32, #tpu.memory_space<hbm>>) dst(%arg11 : memref<128xf32, #tpu.memory_space<vmem>>)
      tpu.yield
    }) : () -> ()
    "tpu.region"() ({
      %run_scoped3A = tpu.sem_alloc : memref<!tpu.dma_semaphore, #tpu.memory_space<semaphore_mem>>
      %dma_start3A_112 = tpu.memref_slice %arg4[%add3A_68] : memref<327680xi32, #tpu.memory_space<hbm>> -> memref<128xi32, #tpu.memory_space<hbm>>
      %dma_start3A_113 = tpu.memref_slice %arg4[%add3A_68] : memref<327680xi32, #tpu.memory_space<hbm>> -> memref<128xi32, #tpu.memory_space<hbm>>
      tpu.enqueue_dma source(%dma_start3A_113 : memref<128xi32, #tpu.memory_space<hbm>>) target(%arg9 : memref<128xi32, #tpu.memory_space<vmem>>) target_semaphore(%run_scoped3A : memref<!tpu.dma_semaphore, #tpu.memory_space<semaphore_mem>>)
      %dma_wait3A_114 = tpu.memref_slice %arg4[%add3A_68] : memref<327680xi32, #tpu.memory_space<hbm>> -> memref<128xi32, #tpu.memory_space<hbm>>
      %dma_wait3A_115 = tpu.memref_slice %arg4[%add3A_68] : memref<327680xi32, #tpu.memory_space<hbm>> -> memref<128xi32, #tpu.memory_space<hbm>>
      tpu.wait_dma2 semaphore(%run_scoped3A : memref<!tpu.dma_semaphore, #tpu.memory_space<semaphore_mem>>) src(%dma_wait3A_115 : memref<128xi32, #tpu.memory_space<hbm>>) dst(%arg9 : memref<128xi32, #tpu.memory_space<vmem>>)
      tpu.yield
    }) : () -> ()
    %scan3A_75 = arith.constant 0 : i32
    %scan3A_76 = arith.constant 0 : i32
    %scan3A_77 = arith.constant 128 : i32
    %scan3A_78 = arith.addi %scan3A_76, %scan3A_77 : i32
    %scan3A_79 = arith.constant 1 : i32
    scf.for %scan3A_112 = %scan3A_76 to %scan3A_78 step %scan3A_79  : i32 {
      %broadcast_in_dim3A_113 = vector.broadcast %scan3A_112 : i32 to vector<16xi32>
      %gather3A = tpu.vector_load_idx %arg11[%broadcast_in_dim3A_113] : memref<128xf32, #tpu.memory_space<vmem>>[vector<16xi32>], vector<16xf32>,
      %get3A = arith.index_cast %scan3A_112 : i32 to index
      %get3A_114 = arith.constant 0 : index
      %get3A_115 = tpu.vector_load %arg13[%get3A, %get3A_114] {strides = array<i32>} : memref<128x32xf32, #tpu.memory_space<vmem>>, vector<16xf32>,
      %mul3A_116 = arith.mulf %get3A_115, %gather3A : vector<16xf32>
      %swap3A = arith.index_cast %scan3A_112 : i32 to index
      %swap3A_117 = arith.constant 0 : index
      %swap3A_118 = tpu.vector_load %arg15[%swap3A, %swap3A_117] {strides = array<i32>} : memref<128x32xf32, #tpu.memory_space<vmem>>, vector<16xf32>,
      tpu.vector_store %arg15[%swap3A, %swap3A_117], %mul3A_116 {strides = array<i32>} : memref<128x32xf32, #tpu.memory_space<vmem>>, vector<16xf32>,
      %get3A_119 = arith.index_cast %scan3A_112 : i32 to index
      %get3A_120 = arith.constant 16 : index
      %get3A_121 = tpu.vector_load %arg13[%get3A_119, %get3A_120] {strides = array<i32>} : memref<128x32xf32, #tpu.memory_space<vmem>>, vector<16xf32>,
      %mul3A_122 = arith.mulf %get3A_121, %gather3A : vector<16xf32>
      %swap3A_123 = arith.index_cast %scan3A_112 : i32 to index
      %swap3A_124 = arith.constant 16 : index
      %swap3A_125 = tpu.vector_load %arg15[%swap3A_123, %swap3A_124] {strides = array<i32>} : memref<128x32xf32, #tpu.memory_space<vmem>>, vector<16xf32>,
      tpu.vector_store %arg15[%swap3A_123, %swap3A_124], %mul3A_122 {strides = array<i32>} : memref<128x32xf32, #tpu.memory_space<vmem>>, vector<16xf32>,
    }
    %scan3A_80 = arith.constant 128 : i32
    %dma_start3A_81 = arith.constant 0 : i32
    %dma_start3A_82 = arith.constant 0 : i32
    %dma_start3A_83 = tpu.memref_slice %arg17[%dma_start3A_81, %dma_start3A_82] : memref<10240x32xf32, #tpu.memory_space<vmem_shared>> -> memref<10240x32xf32, #tpu.memory_space<vmem_shared>>
    tpu.enqueue_indirect_dma source(%arg15 : memref<128x32xf32, #tpu.memory_space<vmem>>) target(%dma_start3A_83 : memref<10240x32xf32, #tpu.memory_space<vmem_shared>>) offsets(%arg9 : memref<128xi32, #tpu.memory_space<vmem>>) semaphore(%arg20 : memref<!tpu.dma_semaphore, #tpu.memory_space<semaphore_mem>>) {add = true}
    %add3A_84 = arith.constant 10112 : i32
    %add3A_85 = arith.addi %mul3A_10, %add3A_84 : i32
    %dma_wait3A_86 = arith.constant 0 : i32
    %dma_wait3A_87 = arith.constant 0 : i32
    %dma_wait3A_88 = tpu.memref_slice %arg2[%dma_wait3A_86, %dma_wait3A_87] : memref<10240x32xf32, #tpu.memory_space<hbm>> -> memref<10240x32xf32, #tpu.memory_space<hbm>>
    tpu.wait_indirect_dma semaphore(%arg19 : memref<!tpu.dma_semaphore, #tpu.memory_space<semaphore_mem>>) src(%dma_wait3A_88 : memref<10240x32xf32, #tpu.memory_space<hbm>>) dst(%arg14 : memref<128x32xf32, #tpu.memory_space<vmem>>)
    %dma_wait3A_89 = arith.constant 0 : i32
    %dma_wait3A_90 = arith.constant 0 : i32
    %dma_wait3A_91 = tpu.memref_slice %arg17[%dma_wait3A_89, %dma_wait3A_90] : memref<10240x32xf32, #tpu.memory_space<vmem_shared>> -> memref<10240x32xf32, #tpu.memory_space<vmem_shared>>
    tpu.wait_indirect_dma semaphore(%arg21 : memref<!tpu.dma_semaphore, #tpu.memory_space<semaphore_mem>>) src(%arg16 : memref<128x32xf32, #tpu.memory_space<vmem>>) dst(%dma_wait3A_91 : memref<10240x32xf32, #tpu.memory_space<vmem_shared>>)
    "tpu.region"() ({
      %run_scoped3A = tpu.sem_alloc : memref<!tpu.dma_semaphore, #tpu.memory_space<semaphore_mem>>
      %dma_start3A_112 = tpu.memref_slice %arg5[%add3A_85] : memref<327680xf32, #tpu.memory_space<hbm>> -> memref<128xf32, #tpu.memory_space<hbm>>
      %dma_start3A_113 = tpu.memref_slice %arg5[%add3A_85] : memref<327680xf32, #tpu.memory_space<hbm>> -> memref<128xf32, #tpu.memory_space<hbm>>
      tpu.enqueue_dma source(%dma_start3A_113 : memref<128xf32, #tpu.memory_space<hbm>>) target(%arg12 : memref<128xf32, #tpu.memory_space<vmem>>) target_semaphore(%run_scoped3A : memref<!tpu.dma_semaphore, #tpu.memory_space<semaphore_mem>>)
      %dma_wait3A_114 = tpu.memref_slice %arg5[%add3A_85] : memref<327680xf32, #tpu.memory_space<hbm>> -> memref<128xf32, #tpu.memory_space<hbm>>
      %dma_wait3A_115 = tpu.memref_slice %arg5[%add3A_85] : memref<327680xf32, #tpu.memory_space<hbm>> -> memref<128xf32, #tpu.memory_space<hbm>>
      tpu.wait_dma2 semaphore(%run_scoped3A : memref<!tpu.dma_semaphore, #tpu.memory_space<semaphore_mem>>) src(%dma_wait3A_115 : memref<128xf32, #tpu.memory_space<hbm>>) dst(%arg12 : memref<128xf32, #tpu.memory_space<vmem>>)
      tpu.yield
    }) : () -> ()
    "tpu.region"() ({
      %run_scoped3A = tpu.sem_alloc : memref<!tpu.dma_semaphore, #tpu.memory_space<semaphore_mem>>
      %dma_start3A_112 = tpu.memref_slice %arg4[%add3A_85] : memref<327680xi32, #tpu.memory_space<hbm>> -> memref<128xi32, #tpu.memory_space<hbm>>
      %dma_start3A_113 = tpu.memref_slice %arg4[%add3A_85] : memref<327680xi32, #tpu.memory_space<hbm>> -> memref<128xi32, #tpu.memory_space<hbm>>
      tpu.enqueue_dma source(%dma_start3A_113 : memref<128xi32, #tpu.memory_space<hbm>>) target(%arg10 : memref<128xi32, #tpu.memory_space<vmem>>) target_semaphore(%run_scoped3A : memref<!tpu.dma_semaphore, #tpu.memory_space<semaphore_mem>>)
      %dma_wait3A_114 = tpu.memref_slice %arg4[%add3A_85] : memref<327680xi32, #tpu.memory_space<hbm>> -> memref<128xi32, #tpu.memory_space<hbm>>
      %dma_wait3A_115 = tpu.memref_slice %arg4[%add3A_85] : memref<327680xi32, #tpu.memory_space<hbm>> -> memref<128xi32, #tpu.memory_space<hbm>>
      tpu.wait_dma2 semaphore(%run_scoped3A : memref<!tpu.dma_semaphore, #tpu.memory_space<semaphore_mem>>) src(%dma_wait3A_115 : memref<128xi32, #tpu.memory_space<hbm>>) dst(%arg10 : memref<128xi32, #tpu.memory_space<vmem>>)
      tpu.yield
    }) : () -> ()
    %scan3A_92 = arith.constant 0 : i32
    %scan3A_93 = arith.constant 0 : i32
    %scan3A_94 = arith.constant 128 : i32
    %scan3A_95 = arith.addi %scan3A_93, %scan3A_94 : i32
    %scan3A_96 = arith.constant 1 : i32
    scf.for %scan3A_112 = %scan3A_93 to %scan3A_95 step %scan3A_96  : i32 {
      %broadcast_in_dim3A_113 = vector.broadcast %scan3A_112 : i32 to vector<16xi32>
      %gather3A = tpu.vector_load_idx %arg12[%broadcast_in_dim3A_113] : memref<128xf32, #tpu.memory_space<vmem>>[vector<16xi32>], vector<16xf32>,
      %get3A = arith.index_cast %scan3A_112 : i32 to index
      %get3A_114 = arith.constant 0 : index
      %get3A_115 = tpu.vector_load %arg14[%get3A, %get3A_114] {strides = array<i32>} : memref<128x32xf32, #tpu.memory_space<vmem>>, vector<16xf32>,
      %mul3A_116 = arith.mulf %get3A_115, %gather3A : vector<16xf32>
      %swap3A = arith.index_cast %scan3A_112 : i32 to index
      %swap3A_117 = arith.constant 0 : index
      %swap3A_118 = tpu.vector_load %arg16[%swap3A, %swap3A_117] {strides = array<i32>} : memref<128x32xf32, #tpu.memory_space<vmem>>, vector<16xf32>,
      tpu.vector_store %arg16[%swap3A, %swap3A_117], %mul3A_116 {strides = array<i32>} : memref<128x32xf32, #tpu.memory_space<vmem>>, vector<16xf32>,
      %get3A_119 = arith.index_cast %scan3A_112 : i32 to index
      %get3A_120 = arith.constant 16 : index
      %get3A_121 = tpu.vector_load %arg14[%get3A_119, %get3A_120] {strides = array<i32>} : memref<128x32xf32, #tpu.memory_space<vmem>>, vector<16xf32>,
      %mul3A_122 = arith.mulf %get3A_121, %gather3A : vector<16xf32>
      %swap3A_123 = arith.index_cast %scan3A_112 : i32 to index
      %swap3A_124 = arith.constant 16 : index
      %swap3A_125 = tpu.vector_load %arg16[%swap3A_123, %swap3A_124] {strides = array<i32>} : memref<128x32xf32, #tpu.memory_space<vmem>>, vector<16xf32>,
      tpu.vector_store %arg16[%swap3A_123, %swap3A_124], %mul3A_122 {strides = array<i32>} : memref<128x32xf32, #tpu.memory_space<vmem>>, vector<16xf32>,
    }
    %scan3A_97 = arith.constant 128 : i32
    %dma_start3A_98 = arith.constant 0 : i32
    %dma_start3A_99 = arith.constant 0 : i32
    %dma_start3A_100 = tpu.memref_slice %arg17[%dma_start3A_98, %dma_start3A_99] : memref<10240x32xf32, #tpu.memory_space<vmem_shared>> -> memref<10240x32xf32, #tpu.memory_space<vmem_shared>>
    tpu.enqueue_indirect_dma source(%arg16 : memref<128x32xf32, #tpu.memory_space<vmem>>) target(%dma_start3A_100 : memref<10240x32xf32, #tpu.memory_space<vmem_shared>>) offsets(%arg10 : memref<128xi32, #tpu.memory_space<vmem>>) semaphore(%arg21 : memref<!tpu.dma_semaphore, #tpu.memory_space<semaphore_mem>>) {add = true}
    %dma_wait3A_101 = arith.constant 0 : i32
    %dma_wait3A_102 = arith.constant 0 : i32
    %dma_wait3A_103 = tpu.memref_slice %arg17[%dma_wait3A_101, %dma_wait3A_102] : memref<10240x32xf32, #tpu.memory_space<vmem_shared>> -> memref<10240x32xf32, #tpu.memory_space<vmem_shared>>
    tpu.wait_indirect_dma semaphore(%arg20 : memref<!tpu.dma_semaphore, #tpu.memory_space<semaphore_mem>>) src(%arg15 : memref<128x32xf32, #tpu.memory_space<vmem>>) dst(%dma_wait3A_103 : memref<10240x32xf32, #tpu.memory_space<vmem_shared>>)
    %dma_wait3A_104 = arith.constant 0 : i32
    %dma_wait3A_105 = arith.constant 0 : i32
    %dma_wait3A_106 = tpu.memref_slice %arg17[%dma_wait3A_104, %dma_wait3A_105] : memref<10240x32xf32, #tpu.memory_space<vmem_shared>> -> memref<10240x32xf32, #tpu.memory_space<vmem_shared>>
    tpu.wait_indirect_dma semaphore(%arg21 : memref<!tpu.dma_semaphore, #tpu.memory_space<semaphore_mem>>) src(%arg16 : memref<128x32xf32, #tpu.memory_space<vmem>>) dst(%dma_wait3A_106 : memref<10240x32xf32, #tpu.memory_space<vmem_shared>>)
    %barrier3A_107 = arith.constant 0 : index
    tpu.barrier barrier_id(%barrier3A_107)
    %mul3A_108 = arith.constant 640 : i32
    %mul3A_109 = arith.muli %arg1, %mul3A_108 : i32
    %mul3A_110 = arith.constant 640 : i32
    %mul3A_111 = arith.muli %arg1, %mul3A_110 : i32
    "tpu.region"() ({
      %run_scoped3A = tpu.sem_alloc : memref<!tpu.dma_semaphore, #tpu.memory_space<semaphore_mem>>
      %dma_start3A_112 = arith.constant 0 : i32
      %dma_start3A_113 = tpu.memref_slice %arg6[%arg0, %mul3A_111, %dma_start3A_112] : memref<2x10240x32xf32, #tpu.memory_space<hbm>> -> memref<1x640x32xf32, #tpu.memory_space<hbm>>
      %dma_start3A_114 = tpu.memref_squeeze %dma_start3A_113 : memref<1x640x32xf32, #tpu.memory_space<hbm>> -> memref<640x32xf32, #tpu.memory_space<hbm>>
      %dma_start3A_115 = arith.constant 0 : i32
      %dma_start3A_116 = tpu.memref_slice %arg17[%mul3A_109, %dma_start3A_115] : memref<10240x32xf32, #tpu.memory_space<vmem_shared>> -> memref<640x32xf32, #tpu.memory_space<vmem_shared>>
      tpu.enqueue_dma source(%dma_start3A_116 : memref<640x32xf32, #tpu.memory_space<vmem_shared>>) target(%dma_start3A_114 : memref<640x32xf32, #tpu.memory_space<hbm>>) target_semaphore(%run_scoped3A : memref<!tpu.dma_semaphore, #tpu.memory_space<semaphore_mem>>)
      %dma_wait3A_117 = arith.constant 0 : i32
      %dma_wait3A_118 = tpu.memref_slice %arg6[%arg0, %mul3A_111, %dma_wait3A_117] : memref<2x10240x32xf32, #tpu.memory_space<hbm>> -> memref<1x640x32xf32, #tpu.memory_space<hbm>>
      %dma_wait3A_119 = tpu.memref_squeeze %dma_wait3A_118 : memref<1x640x32xf32, #tpu.memory_space<hbm>> -> memref<640x32xf32, #tpu.memory_space<hbm>>
      %dma_wait3A_120 = arith.constant 0 : i32
      %dma_wait3A_121 = tpu.memref_slice %arg17[%mul3A_109, %dma_wait3A_120] : memref<10240x32xf32, #tpu.memory_space<vmem_shared>> -> memref<640x32xf32, #tpu.memory_space<vmem_shared>>
      tpu.wait_dma2 semaphore(%run_scoped3A : memref<!tpu.dma_semaphore, #tpu.memory_space<semaphore_mem>>) src(%dma_wait3A_121 : memref<640x32xf32, #tpu.memory_space<vmem_shared>>) dst(%dma_wait3A_119 : memref<640x32xf32, #tpu.memory_space<hbm>>)
      tpu.yield
    }) : () -> ()
    return
  }
}

#map = affine_map<(d0, d1) -> (0, 0)>
#map1 = affine_map<(d0, d1) -> (0)>
#map2 = affine_map<(d0, d1) -> (0, 0, 0)>
module attributes {stable_mosaic.version = 14 : i64} {
  func.func @_sc_scatter(%arg0: i32, %arg1: i32, %arg2: memref<10240x32xf32, #tpu.memory_space<hbm>>, %arg3: memref<327680xi32, #tpu.memory_space<hbm>>, %arg4: memref<327680xi32, #tpu.memory_space<hbm>>, %arg5: memref<327680xf32, #tpu.memory_space<hbm>>, %arg6: memref<2x10240x32xf32, #tpu.memory_space<hbm>>, %arg7: memref<128xi32, #tpu.memory_space<vmem>>, %arg8: memref<128xi32, #tpu.memory_space<vmem>>, %arg9: memref<128xi32, #tpu.memory_space<vmem>>, %arg10: memref<128xi32, #tpu.memory_space<vmem>>, %arg11: memref<128xf32, #tpu.memory_space<vmem>>, %arg12: memref<128xf32, #tpu.memory_space<vmem>>, %arg13: memref<128x32xf32, #tpu.memory_space<vmem>>, %arg14: memref<128x32xf32, #tpu.memory_space<vmem>>, %arg15: memref<128x32xf32, #tpu.memory_space<vmem>>, %arg16: memref<128x32xf32, #tpu.memory_space<vmem>>, %arg17: memref<10240x32xf32, #tpu.memory_space<vmem_shared>>, %arg18: memref<!tpu.dma_semaphore, #tpu.memory_space<semaphore_mem>>, %arg19: memref<!tpu.dma_semaphore, #tpu.memory_space<semaphore_mem>>, %arg20: memref<!tpu.dma_semaphore, #tpu.memory_space<semaphore_mem>>, %arg21: memref<!tpu.dma_semaphore, #tpu.memory_space<semaphore_mem>>) attributes {dimension_semantics = [#tpu.dimension_semantics<core_parallel>, #tpu.dimension_semantics<subcore_parallel>], iteration_bounds = array<i64: 2, 16>, scalar_prefetch = 0 : i64, scratch_operands = 15 : i64, tpu.core_type = #tpu.core_type<sc_vector_subcore>, window_params = [{transform_indices = #map}, {transform_indices = #map1}, {transform_indices = #map1}, {transform_indices = #map1}, {transform_indices = #map2}]} {
    %broadcast_in_dim3A = arith.constant 0.000000e+00 : f32
    %broadcast_in_dim3A_0 = vector.broadcast %broadcast_in_dim3A : f32 to vector<16xf32>
    %scan3A = arith.constant 0 : i32
    %scan3A_1 = arith.constant 0 : i32
    %scan3A_2 = arith.constant 128 : i32
    %scan3A_3 = arith.addi %scan3A_1, %scan3A_2 : i32
    %scan3A_4 = arith.constant 1 : i32
    scf.for %scan3A_112 = %scan3A_1 to %scan3A_3 step %scan3A_4  : i32 {
      %swap3A = arith.index_cast %scan3A_112 : i32 to index
      %swap3A_113 = arith.constant 0 : index
      %swap3A_114 = tpu.vector_load %arg15[%swap3A, %swap3A_113] {strides = array<i32>} : memref<128x32xf32, #tpu.memory_space<vmem>>, vector<16xf32>,
      tpu.vector_store %arg15[%swap3A, %swap3A_113], %broadcast_in_dim3A_0 {strides = array<i32>} : memref<128x32xf32, #tpu.memory_space<vmem>>, vector<16xf32>,
      %swap3A_115 = arith.index_cast %scan3A_112 : i32 to index
      %swap3A_116 = arith.constant 16 : index
      %swap3A_117 = tpu.vector_load %arg15[%swap3A_115, %swap3A_116] {strides = array<i32>} : memref<128x32xf32, #tpu.memory_space<vmem>>, vector<16xf32>,
      tpu.vector_store %arg15[%swap3A_115, %swap3A_116], %broadcast_in_dim3A_0 {strides = array<i32>} : memref<128x32xf32, #tpu.memory_space<vmem>>, vector<16xf32>,
    }
    %scan3A_5 = arith.constant 128 : i32
    %mul3A = arith.constant 16 : i32
    %mul3A_6 = arith.muli %arg0, %mul3A : i32
    %add3A = arith.addi %mul3A_6, %arg1 : i32
    %mul3A_7 = arith.constant 80 : i32
    %mul3A_8 = arith.muli %add3A, %mul3A_7 : i32
    %mul3A_9 = arith.constant 128 : i32
    %mul3A_10 = arith.muli %mul3A_8, %mul3A_9 : i32
    "tpu.region"() ({
      %run_scoped3A = tpu.sem_alloc : memref<!tpu.dma_semaphore, #tpu.memory_space<semaphore_mem>>
      %dma_start3A_112 = tpu.memref_slice %arg3[%mul3A_10] : memref<327680xi32, #tpu.memory_space<hbm>> -> memref<128xi32, #tpu.memory_space<hbm>>
      %dma_start3A_113 = tpu.memref_slice %arg3[%mul3A_10] : memref<327680xi32, #tpu.memory_space<hbm>> -> memref<128xi32, #tpu.memory_space<hbm>>
      tpu.enqueue_dma source(%dma_start3A_113 : memref<128xi32, #tpu.memory_space<hbm>>) target(%arg7 : memref<128xi32, #tpu.memory_space<vmem>>) target_semaphore(%run_scoped3A : memref<!tpu.dma_semaphore, #tpu.memory_space<semaphore_mem>>)
      %dma_wait3A_114 = tpu.memref_slice %arg3[%mul3A_10] : memref<327680xi32, #tpu.memory_space<hbm>> -> memref<128xi32, #tpu.memory_space<hbm>>
      %dma_wait3A_115 = tpu.memref_slice %arg3[%mul3A_10] : memref<327680xi32, #tpu.memory_space<hbm>> -> memref<128xi32, #tpu.memory_space<hbm>>
      tpu.wait_dma2 semaphore(%run_scoped3A : memref<!tpu.dma_semaphore, #tpu.memory_space<semaphore_mem>>) src(%dma_wait3A_115 : memref<128xi32, #tpu.memory_space<hbm>>) dst(%arg7 : memref<128xi32, #tpu.memory_space<vmem>>)
      tpu.yield
    }) : () -> ()
    %dma_start3A = arith.constant 0 : i32
    %dma_start3A_11 = arith.constant 0 : i32
    %dma_start3A_12 = tpu.memref_slice %arg2[%dma_start3A, %dma_start3A_11] : memref<10240x32xf32, #tpu.memory_space<hbm>> -> memref<10240x32xf32, #tpu.memory_space<hbm>>
    tpu.enqueue_indirect_dma source(%dma_start3A_12 : memref<10240x32xf32, #tpu.memory_space<hbm>>) target(%arg13 : memref<128x32xf32, #tpu.memory_space<vmem>>) offsets(%arg7 : memref<128xi32, #tpu.memory_space<vmem>>) semaphore(%arg18 : memref<!tpu.dma_semaphore, #tpu.memory_space<semaphore_mem>>)
    %add3A_13 = arith.constant 128 : i32
    %add3A_14 = arith.addi %mul3A_10, %add3A_13 : i32
    "tpu.region"() ({
      %run_scoped3A = tpu.sem_alloc : memref<!tpu.dma_semaphore, #tpu.memory_space<semaphore_mem>>
      %dma_start3A_112 = tpu.memref_slice %arg3[%add3A_14] : memref<327680xi32, #tpu.memory_space<hbm>> -> memref<128xi32, #tpu.memory_space<hbm>>
      %dma_start3A_113 = tpu.memref_slice %arg3[%add3A_14] : memref<327680xi32, #tpu.memory_space<hbm>> -> memref<128xi32, #tpu.memory_space<hbm>>
      tpu.enqueue_dma source(%dma_start3A_113 : memref<128xi32, #tpu.memory_space<hbm>>) target(%arg8 : memref<128xi32, #tpu.memory_space<vmem>>) target_semaphore(%run_scoped3A : memref<!tpu.dma_semaphore, #tpu.memory_space<semaphore_mem>>)
      %dma_wait3A_114 = tpu.memref_slice %arg3[%add3A_14] : memref<327680xi32, #tpu.memory_space<hbm>> -> memref<128xi32, #tpu.memory_space<hbm>>
      %dma_wait3A_115 = tpu.memref_slice %arg3[%add3A_14] : memref<327680xi32, #tpu.memory_space<hbm>> -> memref<128xi32, #tpu.memory_space<hbm>>
      tpu.wait_dma2 semaphore(%run_scoped3A : memref<!tpu.dma_semaphore, #tpu.memory_space<semaphore_mem>>) src(%dma_wait3A_115 : memref<128xi32, #tpu.memory_space<hbm>>) dst(%arg8 : memref<128xi32, #tpu.memory_space<vmem>>)
      tpu.yield
    }) : () -> ()
    %dma_start3A_15 = arith.constant 0 : i32
    %dma_start3A_16 = arith.constant 0 : i32
    %dma_start3A_17 = tpu.memref_slice %arg2[%dma_start3A_15, %dma_start3A_16] : memref<10240x32xf32, #tpu.memory_space<hbm>> -> memref<10240x32xf32, #tpu.memory_space<hbm>>
    tpu.enqueue_indirect_dma source(%dma_start3A_17 : memref<10240x32xf32, #tpu.memory_space<hbm>>) target(%arg14 : memref<128x32xf32, #tpu.memory_space<vmem>>) offsets(%arg8 : memref<128xi32, #tpu.memory_space<vmem>>) semaphore(%arg19 : memref<!tpu.dma_semaphore, #tpu.memory_space<semaphore_mem>>)
    %scan3A_18 = arith.constant 0 : i32
    %scan3A_19 = arith.constant 0 : i32
    %scan3A_20 = arith.constant 5 : i32
    %scan3A_21 = arith.addi %scan3A_19, %scan3A_20 : i32
    %scan3A_22 = arith.constant 1 : i32
    scf.for %scan3A_112 = %scan3A_19 to %scan3A_21 step %scan3A_22  : i32 {
      %mul3A_113 = arith.constant 640 : i32
      %mul3A_114 = arith.muli %arg1, %mul3A_113 : i32
      %mul3A_115 = arith.constant 128 : i32
      %mul3A_116 = arith.muli %scan3A_112, %mul3A_115 : i32
      %add3A_117 = arith.addi %mul3A_114, %mul3A_116 : i32
      "tpu.region"() ({
        %run_scoped3A = tpu.sem_alloc : memref<!tpu.dma_semaphore, #tpu.memory_space<semaphore_mem>>
        %dma_start3A_118 = arith.constant 0 : i32
        %dma_start3A_119 = tpu.memref_slice %arg17[%add3A_117, %dma_start3A_118] : memref<10240x32xf32, #tpu.memory_space<vmem_shared>> -> memref<128x32xf32, #tpu.memory_space<vmem_shared>>
        %dma_start3A_120 = arith.constant 0 : i32
        %dma_start3A_121 = tpu.memref_slice %arg17[%add3A_117, %dma_start3A_120] : memref<10240x32xf32, #tpu.memory_space<vmem_shared>> -> memref<128x32xf32, #tpu.memory_space<vmem_shared>>
        tpu.enqueue_dma source(%arg15 : memref<128x32xf32, #tpu.memory_space<vmem>>) target(%dma_start3A_121 : memref<128x32xf32, #tpu.memory_space<vmem_shared>>) target_semaphore(%run_scoped3A : memref<!tpu.dma_semaphore, #tpu.memory_space<semaphore_mem>>)
        %dma_wait3A_122 = arith.constant 0 : i32
        %dma_wait3A_123 = tpu.memref_slice %arg17[%add3A_117, %dma_wait3A_122] : memref<10240x32xf32, #tpu.memory_space<vmem_shared>> -> memref<128x32xf32, #tpu.memory_space<vmem_shared>>
        %dma_wait3A_124 = arith.constant 0 : i32
        %dma_wait3A_125 = tpu.memref_slice %arg17[%add3A_117, %dma_wait3A_124] : memref<10240x32xf32, #tpu.memory_space<vmem_shared>> -> memref<128x32xf32, #tpu.memory_space<vmem_shared>>
        tpu.wait_dma2 semaphore(%run_scoped3A : memref<!tpu.dma_semaphore, #tpu.memory_space<semaphore_mem>>) src(%arg15 : memref<128x32xf32, #tpu.memory_space<vmem>>) dst(%dma_wait3A_125 : memref<128x32xf32, #tpu.memory_space<vmem_shared>>)
        tpu.yield
      }) : () -> ()
    }
    %scan3A_23 = arith.constant 5 : i32
    %barrier3A = arith.constant 0 : index
    tpu.barrier barrier_id(%barrier3A)
    %add3A_24 = arith.constant 0 : i32
    %add3A_25 = arith.addi %mul3A_10, %add3A_24 : i32
    %dma_wait3A = arith.constant 0 : i32
    %dma_wait3A_26 = arith.constant 0 : i32
    %dma_wait3A_27 = tpu.memref_slice %arg2[%dma_wait3A, %dma_wait3A_26] : memref<10240x32xf32, #tpu.memory_space<hbm>> -> memref<10240x32xf32, #tpu.memory_space<hbm>>
    tpu.wait_indirect_dma semaphore(%arg18 : memref<!tpu.dma_semaphore, #tpu.memory_space<semaphore_mem>>) src(%dma_wait3A_27 : memref<10240x32xf32, #tpu.memory_space<hbm>>) dst(%arg13 : memref<128x32xf32, #tpu.memory_space<vmem>>)
    "tpu.region"() ({
      %run_scoped3A = tpu.sem_alloc : memref<!tpu.dma_semaphore, #tpu.memory_space<semaphore_mem>>
      %dma_start3A_112 = tpu.memref_slice %arg5[%add3A_25] : memref<327680xf32, #tpu.memory_space<hbm>> -> memref<128xf32, #tpu.memory_space<hbm>>
      %dma_start3A_113 = tpu.memref_slice %arg5[%add3A_25] : memref<327680xf32, #tpu.memory_space<hbm>> -> memref<128xf32, #tpu.memory_space<hbm>>
      tpu.enqueue_dma source(%dma_start3A_113 : memref<128xf32, #tpu.memory_space<hbm>>) target(%arg11 : memref<128xf32, #tpu.memory_space<vmem>>) target_semaphore(%run_scoped3A : memref<!tpu.dma_semaphore, #tpu.memory_space<semaphore_mem>>)
      %dma_wait3A_114 = tpu.memref_slice %arg5[%add3A_25] : memref<327680xf32, #tpu.memory_space<hbm>> -> memref<128xf32, #tpu.memory_space<hbm>>
      %dma_wait3A_115 = tpu.memref_slice %arg5[%add3A_25] : memref<327680xf32, #tpu.memory_space<hbm>> -> memref<128xf32, #tpu.memory_space<hbm>>
      tpu.wait_dma2 semaphore(%run_scoped3A : memref<!tpu.dma_semaphore, #tpu.memory_space<semaphore_mem>>) src(%dma_wait3A_115 : memref<128xf32, #tpu.memory_space<hbm>>) dst(%arg11 : memref<128xf32, #tpu.memory_space<vmem>>)
      tpu.yield
    }) : () -> ()
    "tpu.region"() ({
      %run_scoped3A = tpu.sem_alloc : memref<!tpu.dma_semaphore, #tpu.memory_space<semaphore_mem>>
      %dma_start3A_112 = tpu.memref_slice %arg4[%add3A_25] : memref<327680xi32, #tpu.memory_space<hbm>> -> memref<128xi32, #tpu.memory_space<hbm>>
      %dma_start3A_113 = tpu.memref_slice %arg4[%add3A_25] : memref<327680xi32, #tpu.memory_space<hbm>> -> memref<128xi32, #tpu.memory_space<hbm>>
      tpu.enqueue_dma source(%dma_start3A_113 : memref<128xi32, #tpu.memory_space<hbm>>) target(%arg9 : memref<128xi32, #tpu.memory_space<vmem>>) target_semaphore(%run_scoped3A : memref<!tpu.dma_semaphore, #tpu.memory_space<semaphore_mem>>)
      %dma_wait3A_114 = tpu.memref_slice %arg4[%add3A_25] : memref<327680xi32, #tpu.memory_space<hbm>> -> memref<128xi32, #tpu.memory_space<hbm>>
      %dma_wait3A_115 = tpu.memref_slice %arg4[%add3A_25] : memref<327680xi32, #tpu.memory_space<hbm>> -> memref<128xi32, #tpu.memory_space<hbm>>
      tpu.wait_dma2 semaphore(%run_scoped3A : memref<!tpu.dma_semaphore, #tpu.memory_space<semaphore_mem>>) src(%dma_wait3A_115 : memref<128xi32, #tpu.memory_space<hbm>>) dst(%arg9 : memref<128xi32, #tpu.memory_space<vmem>>)
      tpu.yield
    }) : () -> ()
    %scan3A_28 = arith.constant 0 : i32
    %scan3A_29 = arith.constant 0 : i32
    %scan3A_30 = arith.constant 128 : i32
    %scan3A_31 = arith.addi %scan3A_29, %scan3A_30 : i32
    %scan3A_32 = arith.constant 1 : i32
    scf.for %scan3A_112 = %scan3A_29 to %scan3A_31 step %scan3A_32  : i32 {
      %broadcast_in_dim3A_113 = vector.broadcast %scan3A_112 : i32 to vector<16xi32>
      %gather3A = tpu.vector_load_idx %arg11[%broadcast_in_dim3A_113] : memref<128xf32, #tpu.memory_space<vmem>>[vector<16xi32>], vector<16xf32>,
      %get3A = arith.index_cast %scan3A_112 : i32 to index
      %get3A_114 = arith.constant 0 : index
      %get3A_115 = tpu.vector_load %arg13[%get3A, %get3A_114] {strides = array<i32>} : memref<128x32xf32, #tpu.memory_space<vmem>>, vector<16xf32>,
      %mul3A_116 = arith.mulf %get3A_115, %gather3A : vector<16xf32>
      %swap3A = arith.index_cast %scan3A_112 : i32 to index
      %swap3A_117 = arith.constant 0 : index
      %swap3A_118 = tpu.vector_load %arg15[%swap3A, %swap3A_117] {strides = array<i32>} : memref<128x32xf32, #tpu.memory_space<vmem>>, vector<16xf32>,
      tpu.vector_store %arg15[%swap3A, %swap3A_117], %mul3A_116 {strides = array<i32>} : memref<128x32xf32, #tpu.memory_space<vmem>>, vector<16xf32>,
      %get3A_119 = arith.index_cast %scan3A_112 : i32 to index
      %get3A_120 = arith.constant 16 : index
      %get3A_121 = tpu.vector_load %arg13[%get3A_119, %get3A_120] {strides = array<i32>} : memref<128x32xf32, #tpu.memory_space<vmem>>, vector<16xf32>,
      %mul3A_122 = arith.mulf %get3A_121, %gather3A : vector<16xf32>
      %swap3A_123 = arith.index_cast %scan3A_112 : i32 to index
      %swap3A_124 = arith.constant 16 : index
      %swap3A_125 = tpu.vector_load %arg15[%swap3A_123, %swap3A_124] {strides = array<i32>} : memref<128x32xf32, #tpu.memory_space<vmem>>, vector<16xf32>,
      tpu.vector_store %arg15[%swap3A_123, %swap3A_124], %mul3A_122 {strides = array<i32>} : memref<128x32xf32, #tpu.memory_space<vmem>>, vector<16xf32>,
    }
    %scan3A_33 = arith.constant 128 : i32
    %dma_start3A_34 = arith.constant 0 : i32
    %dma_start3A_35 = arith.constant 0 : i32
    %dma_start3A_36 = tpu.memref_slice %arg17[%dma_start3A_34, %dma_start3A_35] : memref<10240x32xf32, #tpu.memory_space<vmem_shared>> -> memref<10240x32xf32, #tpu.memory_space<vmem_shared>>
    tpu.enqueue_indirect_dma source(%arg15 : memref<128x32xf32, #tpu.memory_space<vmem>>) target(%dma_start3A_36 : memref<10240x32xf32, #tpu.memory_space<vmem_shared>>) offsets(%arg9 : memref<128xi32, #tpu.memory_space<vmem>>) semaphore(%arg20 : memref<!tpu.dma_semaphore, #tpu.memory_space<semaphore_mem>>) {add = true}
    %add3A_37 = arith.constant 256 : i32
    %add3A_38 = arith.addi %mul3A_10, %add3A_37 : i32
    "tpu.region"() ({
      %run_scoped3A = tpu.sem_alloc : memref<!tpu.dma_semaphore, #tpu.memory_space<semaphore_mem>>
      %dma_start3A_112 = tpu.memref_slice %arg3[%add3A_38] : memref<327680xi32, #tpu.memory_space<hbm>> -> memref<128xi32, #tpu.memory_space<hbm>>
      %dma_start3A_113 = tpu.memref_slice %arg3[%add3A_38] : memref<327680xi32, #tpu.memory_space<hbm>> -> memref<128xi32, #tpu.memory_space<hbm>>
      tpu.enqueue_dma source(%dma_start3A_113 : memref<128xi32, #tpu.memory_space<hbm>>) target(%arg7 : memref<128xi32, #tpu.memory_space<vmem>>) target_semaphore(%run_scoped3A : memref<!tpu.dma_semaphore, #tpu.memory_space<semaphore_mem>>)
      %dma_wait3A_114 = tpu.memref_slice %arg3[%add3A_38] : memref<327680xi32, #tpu.memory_space<hbm>> -> memref<128xi32, #tpu.memory_space<hbm>>
      %dma_wait3A_115 = tpu.memref_slice %arg3[%add3A_38] : memref<327680xi32, #tpu.memory_space<hbm>> -> memref<128xi32, #tpu.memory_space<hbm>>
      tpu.wait_dma2 semaphore(%run_scoped3A : memref<!tpu.dma_semaphore, #tpu.memory_space<semaphore_mem>>) src(%dma_wait3A_115 : memref<128xi32, #tpu.memory_space<hbm>>) dst(%arg7 : memref<128xi32, #tpu.memory_space<vmem>>)
      tpu.yield
    }) : () -> ()
    %dma_start3A_39 = arith.constant 0 : i32
    %dma_start3A_40 = arith.constant 0 : i32
    %dma_start3A_41 = tpu.memref_slice %arg2[%dma_start3A_39, %dma_start3A_40] : memref<10240x32xf32, #tpu.memory_space<hbm>> -> memref<10240x32xf32, #tpu.memory_space<hbm>>
    tpu.enqueue_indirect_dma source(%dma_start3A_41 : memref<10240x32xf32, #tpu.memory_space<hbm>>) target(%arg13 : memref<128x32xf32, #tpu.memory_space<vmem>>) offsets(%arg7 : memref<128xi32, #tpu.memory_space<vmem>>) semaphore(%arg18 : memref<!tpu.dma_semaphore, #tpu.memory_space<semaphore_mem>>)
    %add3A_42 = arith.constant 128 : i32
    %add3A_43 = arith.addi %mul3A_10, %add3A_42 : i32
    %dma_wait3A_44 = arith.constant 0 : i32
    %dma_wait3A_45 = arith.constant 0 : i32
    %dma_wait3A_46 = tpu.memref_slice %arg2[%dma_wait3A_44, %dma_wait3A_45] : memref<10240x32xf32, #tpu.memory_space<hbm>> -> memref<10240x32xf32, #tpu.memory_space<hbm>>
    tpu.wait_indirect_dma semaphore(%arg19 : memref<!tpu.dma_semaphore, #tpu.memory_space<semaphore_mem>>) src(%dma_wait3A_46 : memref<10240x32xf32, #tpu.memory_space<hbm>>) dst(%arg14 : memref<128x32xf32, #tpu.memory_space<vmem>>)
    "tpu.region"() ({
      %run_scoped3A = tpu.sem_alloc : memref<!tpu.dma_semaphore, #tpu.memory_space<semaphore_mem>>
      %dma_start3A_112 = tpu.memref_slice %arg5[%add3A_43] : memref<327680xf32, #tpu.memory_space<hbm>> -> memref<128xf32, #tpu.memory_space<hbm>>
      %dma_start3A_113 = tpu.memref_slice %arg5[%add3A_43] : memref<327680xf32, #tpu.memory_space<hbm>> -> memref<128xf32, #tpu.memory_space<hbm>>
      tpu.enqueue_dma source(%dma_start3A_113 : memref<128xf32, #tpu.memory_space<hbm>>) target(%arg12 : memref<128xf32, #tpu.memory_space<vmem>>) target_semaphore(%run_scoped3A : memref<!tpu.dma_semaphore, #tpu.memory_space<semaphore_mem>>)
      %dma_wait3A_114 = tpu.memref_slice %arg5[%add3A_43] : memref<327680xf32, #tpu.memory_space<hbm>> -> memref<128xf32, #tpu.memory_space<hbm>>
      %dma_wait3A_115 = tpu.memref_slice %arg5[%add3A_43] : memref<327680xf32, #tpu.memory_space<hbm>> -> memref<128xf32, #tpu.memory_space<hbm>>
      tpu.wait_dma2 semaphore(%run_scoped3A : memref<!tpu.dma_semaphore, #tpu.memory_space<semaphore_mem>>) src(%dma_wait3A_115 : memref<128xf32, #tpu.memory_space<hbm>>) dst(%arg12 : memref<128xf32, #tpu.memory_space<vmem>>)
      tpu.yield
    }) : () -> ()
    "tpu.region"() ({
      %run_scoped3A = tpu.sem_alloc : memref<!tpu.dma_semaphore, #tpu.memory_space<semaphore_mem>>
      %dma_start3A_112 = tpu.memref_slice %arg4[%add3A_43] : memref<327680xi32, #tpu.memory_space<hbm>> -> memref<128xi32, #tpu.memory_space<hbm>>
      %dma_start3A_113 = tpu.memref_slice %arg4[%add3A_43] : memref<327680xi32, #tpu.memory_space<hbm>> -> memref<128xi32, #tpu.memory_space<hbm>>
      tpu.enqueue_dma source(%dma_start3A_113 : memref<128xi32, #tpu.memory_space<hbm>>) target(%arg10 : memref<128xi32, #tpu.memory_space<vmem>>) target_semaphore(%run_scoped3A : memref<!tpu.dma_semaphore, #tpu.memory_space<semaphore_mem>>)
      %dma_wait3A_114 = tpu.memref_slice %arg4[%add3A_43] : memref<327680xi32, #tpu.memory_space<hbm>> -> memref<128xi32, #tpu.memory_space<hbm>>
      %dma_wait3A_115 = tpu.memref_slice %arg4[%add3A_43] : memref<327680xi32, #tpu.memory_space<hbm>> -> memref<128xi32, #tpu.memory_space<hbm>>
      tpu.wait_dma2 semaphore(%run_scoped3A : memref<!tpu.dma_semaphore, #tpu.memory_space<semaphore_mem>>) src(%dma_wait3A_115 : memref<128xi32, #tpu.memory_space<hbm>>) dst(%arg10 : memref<128xi32, #tpu.memory_space<vmem>>)
      tpu.yield
    }) : () -> ()
    %scan3A_47 = arith.constant 0 : i32
    %scan3A_48 = arith.constant 0 : i32
    %scan3A_49 = arith.constant 128 : i32
    %scan3A_50 = arith.addi %scan3A_48, %scan3A_49 : i32
    %scan3A_51 = arith.constant 1 : i32
    scf.for %scan3A_112 = %scan3A_48 to %scan3A_50 step %scan3A_51  : i32 {
      %broadcast_in_dim3A_113 = vector.broadcast %scan3A_112 : i32 to vector<16xi32>
      %gather3A = tpu.vector_load_idx %arg12[%broadcast_in_dim3A_113] : memref<128xf32, #tpu.memory_space<vmem>>[vector<16xi32>], vector<16xf32>,
      %get3A = arith.index_cast %scan3A_112 : i32 to index
      %get3A_114 = arith.constant 0 : index
      %get3A_115 = tpu.vector_load %arg14[%get3A, %get3A_114] {strides = array<i32>} : memref<128x32xf32, #tpu.memory_space<vmem>>, vector<16xf32>,
      %mul3A_116 = arith.mulf %get3A_115, %gather3A : vector<16xf32>
      %swap3A = arith.index_cast %scan3A_112 : i32 to index
      %swap3A_117 = arith.constant 0 : index
      %swap3A_118 = tpu.vector_load %arg16[%swap3A, %swap3A_117] {strides = array<i32>} : memref<128x32xf32, #tpu.memory_space<vmem>>, vector<16xf32>,
      tpu.vector_store %arg16[%swap3A, %swap3A_117], %mul3A_116 {strides = array<i32>} : memref<128x32xf32, #tpu.memory_space<vmem>>, vector<16xf32>,
      %get3A_119 = arith.index_cast %scan3A_112 : i32 to index
      %get3A_120 = arith.constant 16 : index
      %get3A_121 = tpu.vector_load %arg14[%get3A_119, %get3A_120] {strides = array<i32>} : memref<128x32xf32, #tpu.memory_space<vmem>>, vector<16xf32>,
      %mul3A_122 = arith.mulf %get3A_121, %gather3A : vector<16xf32>
      %swap3A_123 = arith.index_cast %scan3A_112 : i32 to index
      %swap3A_124 = arith.constant 16 : index
      %swap3A_125 = tpu.vector_load %arg16[%swap3A_123, %swap3A_124] {strides = array<i32>} : memref<128x32xf32, #tpu.memory_space<vmem>>, vector<16xf32>,
      tpu.vector_store %arg16[%swap3A_123, %swap3A_124], %mul3A_122 {strides = array<i32>} : memref<128x32xf32, #tpu.memory_space<vmem>>, vector<16xf32>,
    }
    %scan3A_52 = arith.constant 128 : i32
    %dma_start3A_53 = arith.constant 0 : i32
    %dma_start3A_54 = arith.constant 0 : i32
    %dma_start3A_55 = tpu.memref_slice %arg17[%dma_start3A_53, %dma_start3A_54] : memref<10240x32xf32, #tpu.memory_space<vmem_shared>> -> memref<10240x32xf32, #tpu.memory_space<vmem_shared>>
    tpu.enqueue_indirect_dma source(%arg16 : memref<128x32xf32, #tpu.memory_space<vmem>>) target(%dma_start3A_55 : memref<10240x32xf32, #tpu.memory_space<vmem_shared>>) offsets(%arg10 : memref<128xi32, #tpu.memory_space<vmem>>) semaphore(%arg21 : memref<!tpu.dma_semaphore, #tpu.memory_space<semaphore_mem>>) {add = true}
    %add3A_56 = arith.constant 384 : i32
    %add3A_57 = arith.addi %mul3A_10, %add3A_56 : i32
    "tpu.region"() ({
      %run_scoped3A = tpu.sem_alloc : memref<!tpu.dma_semaphore, #tpu.memory_space<semaphore_mem>>
      %dma_start3A_112 = tpu.memref_slice %arg3[%add3A_57] : memref<327680xi32, #tpu.memory_space<hbm>> -> memref<128xi32, #tpu.memory_space<hbm>>
      %dma_start3A_113 = tpu.memref_slice %arg3[%add3A_57] : memref<327680xi32, #tpu.memory_space<hbm>> -> memref<128xi32, #tpu.memory_space<hbm>>
      tpu.enqueue_dma source(%dma_start3A_113 : memref<128xi32, #tpu.memory_space<hbm>>) target(%arg8 : memref<128xi32, #tpu.memory_space<vmem>>) target_semaphore(%run_scoped3A : memref<!tpu.dma_semaphore, #tpu.memory_space<semaphore_mem>>)
      %dma_wait3A_114 = tpu.memref_slice %arg3[%add3A_57] : memref<327680xi32, #tpu.memory_space<hbm>> -> memref<128xi32, #tpu.memory_space<hbm>>
      %dma_wait3A_115 = tpu.memref_slice %arg3[%add3A_57] : memref<327680xi32, #tpu.memory_space<hbm>> -> memref<128xi32, #tpu.memory_space<hbm>>
      tpu.wait_dma2 semaphore(%run_scoped3A : memref<!tpu.dma_semaphore, #tpu.memory_space<semaphore_mem>>) src(%dma_wait3A_115 : memref<128xi32, #tpu.memory_space<hbm>>) dst(%arg8 : memref<128xi32, #tpu.memory_space<vmem>>)
      tpu.yield
    }) : () -> ()
    %dma_start3A_58 = arith.constant 0 : i32
    %dma_start3A_59 = arith.constant 0 : i32
    %dma_start3A_60 = tpu.memref_slice %arg2[%dma_start3A_58, %dma_start3A_59] : memref<10240x32xf32, #tpu.memory_space<hbm>> -> memref<10240x32xf32, #tpu.memory_space<hbm>>
    tpu.enqueue_indirect_dma source(%dma_start3A_60 : memref<10240x32xf32, #tpu.memory_space<hbm>>) target(%arg14 : memref<128x32xf32, #tpu.memory_space<vmem>>) offsets(%arg8 : memref<128xi32, #tpu.memory_space<vmem>>) semaphore(%arg19 : memref<!tpu.dma_semaphore, #tpu.memory_space<semaphore_mem>>)
    %scan3A_61 = arith.constant 0 : i32
    %scan3A_62 = arith.constant 1 : i32
    %scan3A_63 = arith.constant 38 : i32
    %scan3A_64 = arith.addi %scan3A_62, %scan3A_63 : i32
    %scan3A_65 = arith.constant 1 : i32
    scf.for %scan3A_112 = %scan3A_62 to %scan3A_64 step %scan3A_65  : i32 {
      %mul3A_113 = arith.constant 2 : i32
      %mul3A_114 = arith.muli %scan3A_112, %mul3A_113 : i32
      %add3A_115 = arith.constant 0 : i32
      %add3A_116 = arith.addi %mul3A_114, %add3A_115 : i32
      %mul3A_117 = arith.constant 128 : i32
      %mul3A_118 = arith.muli %add3A_116, %mul3A_117 : i32
      %add3A_119 = arith.addi %mul3A_10, %mul3A_118 : i32
      %dma_wait3A_120 = arith.constant 0 : i32
      %dma_wait3A_121 = arith.constant 0 : i32
      %dma_wait3A_122 = tpu.memref_slice %arg2[%dma_wait3A_120, %dma_wait3A_121] : memref<10240x32xf32, #tpu.memory_space<hbm>> -> memref<10240x32xf32, #tpu.memory_space<hbm>>
      tpu.wait_indirect_dma semaphore(%arg18 : memref<!tpu.dma_semaphore, #tpu.memory_space<semaphore_mem>>) src(%dma_wait3A_122 : memref<10240x32xf32, #tpu.memory_space<hbm>>) dst(%arg13 : memref<128x32xf32, #tpu.memory_space<vmem>>)
      %dma_wait3A_123 = arith.constant 0 : i32
      %dma_wait3A_124 = arith.constant 0 : i32
      %dma_wait3A_125 = tpu.memref_slice %arg17[%dma_wait3A_123, %dma_wait3A_124] : memref<10240x32xf32, #tpu.memory_space<vmem_shared>> -> memref<10240x32xf32, #tpu.memory_space<vmem_shared>>
      tpu.wait_indirect_dma semaphore(%arg20 : memref<!tpu.dma_semaphore, #tpu.memory_space<semaphore_mem>>) src(%arg15 : memref<128x32xf32, #tpu.memory_space<vmem>>) dst(%dma_wait3A_125 : memref<10240x32xf32, #tpu.memory_space<vmem_shared>>)
      "tpu.region"() ({
        %run_scoped3A = tpu.sem_alloc : memref<!tpu.dma_semaphore, #tpu.memory_space<semaphore_mem>>
        %dma_start3A_173 = tpu.memref_slice %arg5[%add3A_119] : memref<327680xf32, #tpu.memory_space<hbm>> -> memref<128xf32, #tpu.memory_space<hbm>>
        %dma_start3A_174 = tpu.memref_slice %arg5[%add3A_119] : memref<327680xf32, #tpu.memory_space<hbm>> -> memref<128xf32, #tpu.memory_space<hbm>>
        tpu.enqueue_dma source(%dma_start3A_174 : memref<128xf32, #tpu.memory_space<hbm>>) target(%arg11 : memref<128xf32, #tpu.memory_space<vmem>>) target_semaphore(%run_scoped3A : memref<!tpu.dma_semaphore, #tpu.memory_space<semaphore_mem>>)
        %dma_wait3A_175 = tpu.memref_slice %arg5[%add3A_119] : memref<327680xf32, #tpu.memory_space<hbm>> -> memref<128xf32, #tpu.memory_space<hbm>>
        %dma_wait3A_176 = tpu.memref_slice %arg5[%add3A_119] : memref<327680xf32, #tpu.memory_space<hbm>> -> memref<128xf32, #tpu.memory_space<hbm>>
        tpu.wait_dma2 semaphore(%run_scoped3A : memref<!tpu.dma_semaphore, #tpu.memory_space<semaphore_mem>>) src(%dma_wait3A_176 : memref<128xf32, #tpu.memory_space<hbm>>) dst(%arg11 : memref<128xf32, #tpu.memory_space<vmem>>)
        tpu.yield
      }) : () -> ()
      "tpu.region"() ({
        %run_scoped3A = tpu.sem_alloc : memref<!tpu.dma_semaphore, #tpu.memory_space<semaphore_mem>>
        %dma_start3A_173 = tpu.memref_slice %arg4[%add3A_119] : memref<327680xi32, #tpu.memory_space<hbm>> -> memref<128xi32, #tpu.memory_space<hbm>>
        %dma_start3A_174 = tpu.memref_slice %arg4[%add3A_119] : memref<327680xi32, #tpu.memory_space<hbm>> -> memref<128xi32, #tpu.memory_space<hbm>>
        tpu.enqueue_dma source(%dma_start3A_174 : memref<128xi32, #tpu.memory_space<hbm>>) target(%arg9 : memref<128xi32, #tpu.memory_space<vmem>>) target_semaphore(%run_scoped3A : memref<!tpu.dma_semaphore, #tpu.memory_space<semaphore_mem>>)
        %dma_wait3A_175 = tpu.memref_slice %arg4[%add3A_119] : memref<327680xi32, #tpu.memory_space<hbm>> -> memref<128xi32, #tpu.memory_space<hbm>>
        %dma_wait3A_176 = tpu.memref_slice %arg4[%add3A_119] : memref<327680xi32, #tpu.memory_space<hbm>> -> memref<128xi32, #tpu.memory_space<hbm>>
        tpu.wait_dma2 semaphore(%run_scoped3A : memref<!tpu.dma_semaphore, #tpu.memory_space<semaphore_mem>>) src(%dma_wait3A_176 : memref<128xi32, #tpu.memory_space<hbm>>) dst(%arg9 : memref<128xi32, #tpu.memory_space<vmem>>)
        tpu.yield
      }) : () -> ()
      %scan3A_126 = arith.constant 0 : i32
      %scan3A_127 = arith.constant 0 : i32
      %scan3A_128 = arith.constant 128 : i32
      %scan3A_129 = arith.addi %scan3A_127, %scan3A_128 : i32
      %scan3A_130 = arith.constant 1 : i32
      scf.for %scan3A_173 = %scan3A_127 to %scan3A_129 step %scan3A_130  : i32 {
        %broadcast_in_dim3A_174 = vector.broadcast %scan3A_173 : i32 to vector<16xi32>
        %gather3A = tpu.vector_load_idx %arg11[%broadcast_in_dim3A_174] : memref<128xf32, #tpu.memory_space<vmem>>[vector<16xi32>], vector<16xf32>,
        %get3A = arith.index_cast %scan3A_173 : i32 to index
        %get3A_175 = arith.constant 0 : index
        %get3A_176 = tpu.vector_load %arg13[%get3A, %get3A_175] {strides = array<i32>} : memref<128x32xf32, #tpu.memory_space<vmem>>, vector<16xf32>,
        %mul3A_177 = arith.mulf %get3A_176, %gather3A : vector<16xf32>
        %swap3A = arith.index_cast %scan3A_173 : i32 to index
        %swap3A_178 = arith.constant 0 : index
        %swap3A_179 = tpu.vector_load %arg15[%swap3A, %swap3A_178] {strides = array<i32>} : memref<128x32xf32, #tpu.memory_space<vmem>>, vector<16xf32>,
        tpu.vector_store %arg15[%swap3A, %swap3A_178], %mul3A_177 {strides = array<i32>} : memref<128x32xf32, #tpu.memory_space<vmem>>, vector<16xf32>,
        %get3A_180 = arith.index_cast %scan3A_173 : i32 to index
        %get3A_181 = arith.constant 16 : index
        %get3A_182 = tpu.vector_load %arg13[%get3A_180, %get3A_181] {strides = array<i32>} : memref<128x32xf32, #tpu.memory_space<vmem>>, vector<16xf32>,
        %mul3A_183 = arith.mulf %get3A_182, %gather3A : vector<16xf32>
        %swap3A_184 = arith.index_cast %scan3A_173 : i32 to index
        %swap3A_185 = arith.constant 16 : index
        %swap3A_186 = tpu.vector_load %arg15[%swap3A_184, %swap3A_185] {strides = array<i32>} : memref<128x32xf32, #tpu.memory_space<vmem>>, vector<16xf32>,
        tpu.vector_store %arg15[%swap3A_184, %swap3A_185], %mul3A_183 {strides = array<i32>} : memref<128x32xf32, #tpu.memory_space<vmem>>, vector<16xf32>,
      }
      %scan3A_131 = arith.constant 128 : i32
      %dma_start3A_132 = arith.constant 0 : i32
      %dma_start3A_133 = arith.constant 0 : i32
      %dma_start3A_134 = tpu.memref_slice %arg17[%dma_start3A_132, %dma_start3A_133] : memref<10240x32xf32, #tpu.memory_space<vmem_shared>> -> memref<10240x32xf32, #tpu.memory_space<vmem_shared>>
      tpu.enqueue_indirect_dma source(%arg15 : memref<128x32xf32, #tpu.memory_space<vmem>>) target(%dma_start3A_134 : memref<10240x32xf32, #tpu.memory_space<vmem_shared>>) offsets(%arg9 : memref<128xi32, #tpu.memory_space<vmem>>) semaphore(%arg20 : memref<!tpu.dma_semaphore, #tpu.memory_space<semaphore_mem>>) {add = true}
      %add3A_135 = arith.constant 2 : i32
      %add3A_136 = arith.addi %add3A_116, %add3A_135 : i32
      %mul3A_137 = arith.constant 128 : i32
      %mul3A_138 = arith.muli %add3A_136, %mul3A_137 : i32
      %add3A_139 = arith.addi %mul3A_10, %mul3A_138 : i32
      "tpu.region"() ({
        %run_scoped3A = tpu.sem_alloc : memref<!tpu.dma_semaphore, #tpu.memory_space<semaphore_mem>>
        %dma_start3A_173 = tpu.memref_slice %arg3[%add3A_139] : memref<327680xi32, #tpu.memory_space<hbm>> -> memref<128xi32, #tpu.memory_space<hbm>>
        %dma_start3A_174 = tpu.memref_slice %arg3[%add3A_139] : memref<327680xi32, #tpu.memory_space<hbm>> -> memref<128xi32, #tpu.memory_space<hbm>>
        tpu.enqueue_dma source(%dma_start3A_174 : memref<128xi32, #tpu.memory_space<hbm>>) target(%arg7 : memref<128xi32, #tpu.memory_space<vmem>>) target_semaphore(%run_scoped3A : memref<!tpu.dma_semaphore, #tpu.memory_space<semaphore_mem>>)
        %dma_wait3A_175 = tpu.memref_slice %arg3[%add3A_139] : memref<327680xi32, #tpu.memory_space<hbm>> -> memref<128xi32, #tpu.memory_space<hbm>>
        %dma_wait3A_176 = tpu.memref_slice %arg3[%add3A_139] : memref<327680xi32, #tpu.memory_space<hbm>> -> memref<128xi32, #tpu.memory_space<hbm>>
        tpu.wait_dma2 semaphore(%run_scoped3A : memref<!tpu.dma_semaphore, #tpu.memory_space<semaphore_mem>>) src(%dma_wait3A_176 : memref<128xi32, #tpu.memory_space<hbm>>) dst(%arg7 : memref<128xi32, #tpu.memory_space<vmem>>)
        tpu.yield
      }) : () -> ()
      %dma_start3A_140 = arith.constant 0 : i32
      %dma_start3A_141 = arith.constant 0 : i32
      %dma_start3A_142 = tpu.memref_slice %arg2[%dma_start3A_140, %dma_start3A_141] : memref<10240x32xf32, #tpu.memory_space<hbm>> -> memref<10240x32xf32, #tpu.memory_space<hbm>>
      tpu.enqueue_indirect_dma source(%dma_start3A_142 : memref<10240x32xf32, #tpu.memory_space<hbm>>) target(%arg13 : memref<128x32xf32, #tpu.memory_space<vmem>>) offsets(%arg7 : memref<128xi32, #tpu.memory_space<vmem>>) semaphore(%arg18 : memref<!tpu.dma_semaphore, #tpu.memory_space<semaphore_mem>>)
      %mul3A_143 = arith.constant 2 : i32
      %mul3A_144 = arith.muli %scan3A_112, %mul3A_143 : i32
      %add3A_145 = arith.constant 1 : i32
      %add3A_146 = arith.addi %mul3A_144, %add3A_145 : i32
      %mul3A_147 = arith.constant 128 : i32
      %mul3A_148 = arith.muli %add3A_146, %mul3A_147 : i32
      %add3A_149 = arith.addi %mul3A_10, %mul3A_148 : i32
      %dma_wait3A_150 = arith.constant 0 : i32
      %dma_wait3A_151 = arith.constant 0 : i32
      %dma_wait3A_152 = tpu.memref_slice %arg2[%dma_wait3A_150, %dma_wait3A_151] : memref<10240x32xf32, #tpu.memory_space<hbm>> -> memref<10240x32xf32, #tpu.memory_space<hbm>>
      tpu.wait_indirect_dma semaphore(%arg19 : memref<!tpu.dma_semaphore, #tpu.memory_space<semaphore_mem>>) src(%dma_wait3A_152 : memref<10240x32xf32, #tpu.memory_space<hbm>>) dst(%arg14 : memref<128x32xf32, #tpu.memory_space<vmem>>)
      %dma_wait3A_153 = arith.constant 0 : i32
      %dma_wait3A_154 = arith.constant 0 : i32
      %dma_wait3A_155 = tpu.memref_slice %arg17[%dma_wait3A_153, %dma_wait3A_154] : memref<10240x32xf32, #tpu.memory_space<vmem_shared>> -> memref<10240x32xf32, #tpu.memory_space<vmem_shared>>
      tpu.wait_indirect_dma semaphore(%arg21 : memref<!tpu.dma_semaphore, #tpu.memory_space<semaphore_mem>>) src(%arg16 : memref<128x32xf32, #tpu.memory_space<vmem>>) dst(%dma_wait3A_155 : memref<10240x32xf32, #tpu.memory_space<vmem_shared>>)
      "tpu.region"() ({
        %run_scoped3A = tpu.sem_alloc : memref<!tpu.dma_semaphore, #tpu.memory_space<semaphore_mem>>
        %dma_start3A_173 = tpu.memref_slice %arg5[%add3A_149] : memref<327680xf32, #tpu.memory_space<hbm>> -> memref<128xf32, #tpu.memory_space<hbm>>
        %dma_start3A_174 = tpu.memref_slice %arg5[%add3A_149] : memref<327680xf32, #tpu.memory_space<hbm>> -> memref<128xf32, #tpu.memory_space<hbm>>
        tpu.enqueue_dma source(%dma_start3A_174 : memref<128xf32, #tpu.memory_space<hbm>>) target(%arg12 : memref<128xf32, #tpu.memory_space<vmem>>) target_semaphore(%run_scoped3A : memref<!tpu.dma_semaphore, #tpu.memory_space<semaphore_mem>>)
        %dma_wait3A_175 = tpu.memref_slice %arg5[%add3A_149] : memref<327680xf32, #tpu.memory_space<hbm>> -> memref<128xf32, #tpu.memory_space<hbm>>
        %dma_wait3A_176 = tpu.memref_slice %arg5[%add3A_149] : memref<327680xf32, #tpu.memory_space<hbm>> -> memref<128xf32, #tpu.memory_space<hbm>>
        tpu.wait_dma2 semaphore(%run_scoped3A : memref<!tpu.dma_semaphore, #tpu.memory_space<semaphore_mem>>) src(%dma_wait3A_176 : memref<128xf32, #tpu.memory_space<hbm>>) dst(%arg12 : memref<128xf32, #tpu.memory_space<vmem>>)
        tpu.yield
      }) : () -> ()
      "tpu.region"() ({
        %run_scoped3A = tpu.sem_alloc : memref<!tpu.dma_semaphore, #tpu.memory_space<semaphore_mem>>
        %dma_start3A_173 = tpu.memref_slice %arg4[%add3A_149] : memref<327680xi32, #tpu.memory_space<hbm>> -> memref<128xi32, #tpu.memory_space<hbm>>
        %dma_start3A_174 = tpu.memref_slice %arg4[%add3A_149] : memref<327680xi32, #tpu.memory_space<hbm>> -> memref<128xi32, #tpu.memory_space<hbm>>
        tpu.enqueue_dma source(%dma_start3A_174 : memref<128xi32, #tpu.memory_space<hbm>>) target(%arg10 : memref<128xi32, #tpu.memory_space<vmem>>) target_semaphore(%run_scoped3A : memref<!tpu.dma_semaphore, #tpu.memory_space<semaphore_mem>>)
        %dma_wait3A_175 = tpu.memref_slice %arg4[%add3A_149] : memref<327680xi32, #tpu.memory_space<hbm>> -> memref<128xi32, #tpu.memory_space<hbm>>
        %dma_wait3A_176 = tpu.memref_slice %arg4[%add3A_149] : memref<327680xi32, #tpu.memory_space<hbm>> -> memref<128xi32, #tpu.memory_space<hbm>>
        tpu.wait_dma2 semaphore(%run_scoped3A : memref<!tpu.dma_semaphore, #tpu.memory_space<semaphore_mem>>) src(%dma_wait3A_176 : memref<128xi32, #tpu.memory_space<hbm>>) dst(%arg10 : memref<128xi32, #tpu.memory_space<vmem>>)
        tpu.yield
      }) : () -> ()
      %scan3A_156 = arith.constant 0 : i32
      %scan3A_157 = arith.constant 0 : i32
      %scan3A_158 = arith.constant 128 : i32
      %scan3A_159 = arith.addi %scan3A_157, %scan3A_158 : i32
      %scan3A_160 = arith.constant 1 : i32
      scf.for %scan3A_173 = %scan3A_157 to %scan3A_159 step %scan3A_160  : i32 {
        %broadcast_in_dim3A_174 = vector.broadcast %scan3A_173 : i32 to vector<16xi32>
        %gather3A = tpu.vector_load_idx %arg12[%broadcast_in_dim3A_174] : memref<128xf32, #tpu.memory_space<vmem>>[vector<16xi32>], vector<16xf32>,
        %get3A = arith.index_cast %scan3A_173 : i32 to index
        %get3A_175 = arith.constant 0 : index
        %get3A_176 = tpu.vector_load %arg14[%get3A, %get3A_175] {strides = array<i32>} : memref<128x32xf32, #tpu.memory_space<vmem>>, vector<16xf32>,
        %mul3A_177 = arith.mulf %get3A_176, %gather3A : vector<16xf32>
        %swap3A = arith.index_cast %scan3A_173 : i32 to index
        %swap3A_178 = arith.constant 0 : index
        %swap3A_179 = tpu.vector_load %arg16[%swap3A, %swap3A_178] {strides = array<i32>} : memref<128x32xf32, #tpu.memory_space<vmem>>, vector<16xf32>,
        tpu.vector_store %arg16[%swap3A, %swap3A_178], %mul3A_177 {strides = array<i32>} : memref<128x32xf32, #tpu.memory_space<vmem>>, vector<16xf32>,
        %get3A_180 = arith.index_cast %scan3A_173 : i32 to index
        %get3A_181 = arith.constant 16 : index
        %get3A_182 = tpu.vector_load %arg14[%get3A_180, %get3A_181] {strides = array<i32>} : memref<128x32xf32, #tpu.memory_space<vmem>>, vector<16xf32>,
        %mul3A_183 = arith.mulf %get3A_182, %gather3A : vector<16xf32>
        %swap3A_184 = arith.index_cast %scan3A_173 : i32 to index
        %swap3A_185 = arith.constant 16 : index
        %swap3A_186 = tpu.vector_load %arg16[%swap3A_184, %swap3A_185] {strides = array<i32>} : memref<128x32xf32, #tpu.memory_space<vmem>>, vector<16xf32>,
        tpu.vector_store %arg16[%swap3A_184, %swap3A_185], %mul3A_183 {strides = array<i32>} : memref<128x32xf32, #tpu.memory_space<vmem>>, vector<16xf32>,
      }
      %scan3A_161 = arith.constant 128 : i32
      %dma_start3A_162 = arith.constant 0 : i32
      %dma_start3A_163 = arith.constant 0 : i32
      %dma_start3A_164 = tpu.memref_slice %arg17[%dma_start3A_162, %dma_start3A_163] : memref<10240x32xf32, #tpu.memory_space<vmem_shared>> -> memref<10240x32xf32, #tpu.memory_space<vmem_shared>>
      tpu.enqueue_indirect_dma source(%arg16 : memref<128x32xf32, #tpu.memory_space<vmem>>) target(%dma_start3A_164 : memref<10240x32xf32, #tpu.memory_space<vmem_shared>>) offsets(%arg10 : memref<128xi32, #tpu.memory_space<vmem>>) semaphore(%arg21 : memref<!tpu.dma_semaphore, #tpu.memory_space<semaphore_mem>>) {add = true}
      %add3A_165 = arith.constant 2 : i32
      %add3A_166 = arith.addi %add3A_146, %add3A_165 : i32
      %mul3A_167 = arith.constant 128 : i32
      %mul3A_168 = arith.muli %add3A_166, %mul3A_167 : i32
      %add3A_169 = arith.addi %mul3A_10, %mul3A_168 : i32
      "tpu.region"() ({
        %run_scoped3A = tpu.sem_alloc : memref<!tpu.dma_semaphore, #tpu.memory_space<semaphore_mem>>
        %dma_start3A_173 = tpu.memref_slice %arg3[%add3A_169] : memref<327680xi32, #tpu.memory_space<hbm>> -> memref<128xi32, #tpu.memory_space<hbm>>
        %dma_start3A_174 = tpu.memref_slice %arg3[%add3A_169] : memref<327680xi32, #tpu.memory_space<hbm>> -> memref<128xi32, #tpu.memory_space<hbm>>
        tpu.enqueue_dma source(%dma_start3A_174 : memref<128xi32, #tpu.memory_space<hbm>>) target(%arg8 : memref<128xi32, #tpu.memory_space<vmem>>) target_semaphore(%run_scoped3A : memref<!tpu.dma_semaphore, #tpu.memory_space<semaphore_mem>>)
        %dma_wait3A_175 = tpu.memref_slice %arg3[%add3A_169] : memref<327680xi32, #tpu.memory_space<hbm>> -> memref<128xi32, #tpu.memory_space<hbm>>
        %dma_wait3A_176 = tpu.memref_slice %arg3[%add3A_169] : memref<327680xi32, #tpu.memory_space<hbm>> -> memref<128xi32, #tpu.memory_space<hbm>>
        tpu.wait_dma2 semaphore(%run_scoped3A : memref<!tpu.dma_semaphore, #tpu.memory_space<semaphore_mem>>) src(%dma_wait3A_176 : memref<128xi32, #tpu.memory_space<hbm>>) dst(%arg8 : memref<128xi32, #tpu.memory_space<vmem>>)
        tpu.yield
      }) : () -> ()
      %dma_start3A_170 = arith.constant 0 : i32
      %dma_start3A_171 = arith.constant 0 : i32
      %dma_start3A_172 = tpu.memref_slice %arg2[%dma_start3A_170, %dma_start3A_171] : memref<10240x32xf32, #tpu.memory_space<hbm>> -> memref<10240x32xf32, #tpu.memory_space<hbm>>
      tpu.enqueue_indirect_dma source(%dma_start3A_172 : memref<10240x32xf32, #tpu.memory_space<hbm>>) target(%arg14 : memref<128x32xf32, #tpu.memory_space<vmem>>) offsets(%arg8 : memref<128xi32, #tpu.memory_space<vmem>>) semaphore(%arg19 : memref<!tpu.dma_semaphore, #tpu.memory_space<semaphore_mem>>)
    }
    %scan3A_66 = arith.constant 38 : i32
    %add3A_67 = arith.constant 9984 : i32
    %add3A_68 = arith.addi %mul3A_10, %add3A_67 : i32
    %dma_wait3A_69 = arith.constant 0 : i32
    %dma_wait3A_70 = arith.constant 0 : i32
    %dma_wait3A_71 = tpu.memref_slice %arg2[%dma_wait3A_69, %dma_wait3A_70] : memref<10240x32xf32, #tpu.memory_space<hbm>> -> memref<10240x32xf32, #tpu.memory_space<hbm>>
    tpu.wait_indirect_dma semaphore(%arg18 : memref<!tpu.dma_semaphore, #tpu.memory_space<semaphore_mem>>) src(%dma_wait3A_71 : memref<10240x32xf32, #tpu.memory_space<hbm>>) dst(%arg13 : memref<128x32xf32, #tpu.memory_space<vmem>>)
    %dma_wait3A_72 = arith.constant 0 : i32
    %dma_wait3A_73 = arith.constant 0 : i32
    %dma_wait3A_74 = tpu.memref_slice %arg17[%dma_wait3A_72, %dma_wait3A_73] : memref<10240x32xf32, #tpu.memory_space<vmem_shared>> -> memref<10240x32xf32, #tpu.memory_space<vmem_shared>>
    tpu.wait_indirect_dma semaphore(%arg20 : memref<!tpu.dma_semaphore, #tpu.memory_space<semaphore_mem>>) src(%arg15 : memref<128x32xf32, #tpu.memory_space<vmem>>) dst(%dma_wait3A_74 : memref<10240x32xf32, #tpu.memory_space<vmem_shared>>)
    "tpu.region"() ({
      %run_scoped3A = tpu.sem_alloc : memref<!tpu.dma_semaphore, #tpu.memory_space<semaphore_mem>>
      %dma_start3A_112 = tpu.memref_slice %arg5[%add3A_68] : memref<327680xf32, #tpu.memory_space<hbm>> -> memref<128xf32, #tpu.memory_space<hbm>>
      %dma_start3A_113 = tpu.memref_slice %arg5[%add3A_68] : memref<327680xf32, #tpu.memory_space<hbm>> -> memref<128xf32, #tpu.memory_space<hbm>>
      tpu.enqueue_dma source(%dma_start3A_113 : memref<128xf32, #tpu.memory_space<hbm>>) target(%arg11 : memref<128xf32, #tpu.memory_space<vmem>>) target_semaphore(%run_scoped3A : memref<!tpu.dma_semaphore, #tpu.memory_space<semaphore_mem>>)
      %dma_wait3A_114 = tpu.memref_slice %arg5[%add3A_68] : memref<327680xf32, #tpu.memory_space<hbm>> -> memref<128xf32, #tpu.memory_space<hbm>>
      %dma_wait3A_115 = tpu.memref_slice %arg5[%add3A_68] : memref<327680xf32, #tpu.memory_space<hbm>> -> memref<128xf32, #tpu.memory_space<hbm>>
      tpu.wait_dma2 semaphore(%run_scoped3A : memref<!tpu.dma_semaphore, #tpu.memory_space<semaphore_mem>>) src(%dma_wait3A_115 : memref<128xf32, #tpu.memory_space<hbm>>) dst(%arg11 : memref<128xf32, #tpu.memory_space<vmem>>)
      tpu.yield
    }) : () -> ()
    "tpu.region"() ({
      %run_scoped3A = tpu.sem_alloc : memref<!tpu.dma_semaphore, #tpu.memory_space<semaphore_mem>>
      %dma_start3A_112 = tpu.memref_slice %arg4[%add3A_68] : memref<327680xi32, #tpu.memory_space<hbm>> -> memref<128xi32, #tpu.memory_space<hbm>>
      %dma_start3A_113 = tpu.memref_slice %arg4[%add3A_68] : memref<327680xi32, #tpu.memory_space<hbm>> -> memref<128xi32, #tpu.memory_space<hbm>>
      tpu.enqueue_dma source(%dma_start3A_113 : memref<128xi32, #tpu.memory_space<hbm>>) target(%arg9 : memref<128xi32, #tpu.memory_space<vmem>>) target_semaphore(%run_scoped3A : memref<!tpu.dma_semaphore, #tpu.memory_space<semaphore_mem>>)
      %dma_wait3A_114 = tpu.memref_slice %arg4[%add3A_68] : memref<327680xi32, #tpu.memory_space<hbm>> -> memref<128xi32, #tpu.memory_space<hbm>>
      %dma_wait3A_115 = tpu.memref_slice %arg4[%add3A_68] : memref<327680xi32, #tpu.memory_space<hbm>> -> memref<128xi32, #tpu.memory_space<hbm>>
      tpu.wait_dma2 semaphore(%run_scoped3A : memref<!tpu.dma_semaphore, #tpu.memory_space<semaphore_mem>>) src(%dma_wait3A_115 : memref<128xi32, #tpu.memory_space<hbm>>) dst(%arg9 : memref<128xi32, #tpu.memory_space<vmem>>)
      tpu.yield
    }) : () -> ()
    %scan3A_75 = arith.constant 0 : i32
    %scan3A_76 = arith.constant 0 : i32
    %scan3A_77 = arith.constant 128 : i32
    %scan3A_78 = arith.addi %scan3A_76, %scan3A_77 : i32
    %scan3A_79 = arith.constant 1 : i32
    scf.for %scan3A_112 = %scan3A_76 to %scan3A_78 step %scan3A_79  : i32 {
      %broadcast_in_dim3A_113 = vector.broadcast %scan3A_112 : i32 to vector<16xi32>
      %gather3A = tpu.vector_load_idx %arg11[%broadcast_in_dim3A_113] : memref<128xf32, #tpu.memory_space<vmem>>[vector<16xi32>], vector<16xf32>,
      %get3A = arith.index_cast %scan3A_112 : i32 to index
      %get3A_114 = arith.constant 0 : index
      %get3A_115 = tpu.vector_load %arg13[%get3A, %get3A_114] {strides = array<i32>} : memref<128x32xf32, #tpu.memory_space<vmem>>, vector<16xf32>,
      %mul3A_116 = arith.mulf %get3A_115, %gather3A : vector<16xf32>
      %swap3A = arith.index_cast %scan3A_112 : i32 to index
      %swap3A_117 = arith.constant 0 : index
      %swap3A_118 = tpu.vector_load %arg15[%swap3A, %swap3A_117] {strides = array<i32>} : memref<128x32xf32, #tpu.memory_space<vmem>>, vector<16xf32>,
      tpu.vector_store %arg15[%swap3A, %swap3A_117], %mul3A_116 {strides = array<i32>} : memref<128x32xf32, #tpu.memory_space<vmem>>, vector<16xf32>,
      %get3A_119 = arith.index_cast %scan3A_112 : i32 to index
      %get3A_120 = arith.constant 16 : index
      %get3A_121 = tpu.vector_load %arg13[%get3A_119, %get3A_120] {strides = array<i32>} : memref<128x32xf32, #tpu.memory_space<vmem>>, vector<16xf32>,
      %mul3A_122 = arith.mulf %get3A_121, %gather3A : vector<16xf32>
      %swap3A_123 = arith.index_cast %scan3A_112 : i32 to index
      %swap3A_124 = arith.constant 16 : index
      %swap3A_125 = tpu.vector_load %arg15[%swap3A_123, %swap3A_124] {strides = array<i32>} : memref<128x32xf32, #tpu.memory_space<vmem>>, vector<16xf32>,
      tpu.vector_store %arg15[%swap3A_123, %swap3A_124], %mul3A_122 {strides = array<i32>} : memref<128x32xf32, #tpu.memory_space<vmem>>, vector<16xf32>,
    }
    %scan3A_80 = arith.constant 128 : i32
    %dma_start3A_81 = arith.constant 0 : i32
    %dma_start3A_82 = arith.constant 0 : i32
    %dma_start3A_83 = tpu.memref_slice %arg17[%dma_start3A_81, %dma_start3A_82] : memref<10240x32xf32, #tpu.memory_space<vmem_shared>> -> memref<10240x32xf32, #tpu.memory_space<vmem_shared>>
    tpu.enqueue_indirect_dma source(%arg15 : memref<128x32xf32, #tpu.memory_space<vmem>>) target(%dma_start3A_83 : memref<10240x32xf32, #tpu.memory_space<vmem_shared>>) offsets(%arg9 : memref<128xi32, #tpu.memory_space<vmem>>) semaphore(%arg20 : memref<!tpu.dma_semaphore, #tpu.memory_space<semaphore_mem>>) {add = true}
    %add3A_84 = arith.constant 10112 : i32
    %add3A_85 = arith.addi %mul3A_10, %add3A_84 : i32
    %dma_wait3A_86 = arith.constant 0 : i32
    %dma_wait3A_87 = arith.constant 0 : i32
    %dma_wait3A_88 = tpu.memref_slice %arg2[%dma_wait3A_86, %dma_wait3A_87] : memref<10240x32xf32, #tpu.memory_space<hbm>> -> memref<10240x32xf32, #tpu.memory_space<hbm>>
    tpu.wait_indirect_dma semaphore(%arg19 : memref<!tpu.dma_semaphore, #tpu.memory_space<semaphore_mem>>) src(%dma_wait3A_88 : memref<10240x32xf32, #tpu.memory_space<hbm>>) dst(%arg14 : memref<128x32xf32, #tpu.memory_space<vmem>>)
    %dma_wait3A_89 = arith.constant 0 : i32
    %dma_wait3A_90 = arith.constant 0 : i32
    %dma_wait3A_91 = tpu.memref_slice %arg17[%dma_wait3A_89, %dma_wait3A_90] : memref<10240x32xf32, #tpu.memory_space<vmem_shared>> -> memref<10240x32xf32, #tpu.memory_space<vmem_shared>>
    tpu.wait_indirect_dma semaphore(%arg21 : memref<!tpu.dma_semaphore, #tpu.memory_space<semaphore_mem>>) src(%arg16 : memref<128x32xf32, #tpu.memory_space<vmem>>) dst(%dma_wait3A_91 : memref<10240x32xf32, #tpu.memory_space<vmem_shared>>)
    "tpu.region"() ({
      %run_scoped3A = tpu.sem_alloc : memref<!tpu.dma_semaphore, #tpu.memory_space<semaphore_mem>>
      %dma_start3A_112 = tpu.memref_slice %arg5[%add3A_85] : memref<327680xf32, #tpu.memory_space<hbm>> -> memref<128xf32, #tpu.memory_space<hbm>>
      %dma_start3A_113 = tpu.memref_slice %arg5[%add3A_85] : memref<327680xf32, #tpu.memory_space<hbm>> -> memref<128xf32, #tpu.memory_space<hbm>>
      tpu.enqueue_dma source(%dma_start3A_113 : memref<128xf32, #tpu.memory_space<hbm>>) target(%arg12 : memref<128xf32, #tpu.memory_space<vmem>>) target_semaphore(%run_scoped3A : memref<!tpu.dma_semaphore, #tpu.memory_space<semaphore_mem>>)
      %dma_wait3A_114 = tpu.memref_slice %arg5[%add3A_85] : memref<327680xf32, #tpu.memory_space<hbm>> -> memref<128xf32, #tpu.memory_space<hbm>>
      %dma_wait3A_115 = tpu.memref_slice %arg5[%add3A_85] : memref<327680xf32, #tpu.memory_space<hbm>> -> memref<128xf32, #tpu.memory_space<hbm>>
      tpu.wait_dma2 semaphore(%run_scoped3A : memref<!tpu.dma_semaphore, #tpu.memory_space<semaphore_mem>>) src(%dma_wait3A_115 : memref<128xf32, #tpu.memory_space<hbm>>) dst(%arg12 : memref<128xf32, #tpu.memory_space<vmem>>)
      tpu.yield
    }) : () -> ()
    "tpu.region"() ({
      %run_scoped3A = tpu.sem_alloc : memref<!tpu.dma_semaphore, #tpu.memory_space<semaphore_mem>>
      %dma_start3A_112 = tpu.memref_slice %arg4[%add3A_85] : memref<327680xi32, #tpu.memory_space<hbm>> -> memref<128xi32, #tpu.memory_space<hbm>>
      %dma_start3A_113 = tpu.memref_slice %arg4[%add3A_85] : memref<327680xi32, #tpu.memory_space<hbm>> -> memref<128xi32, #tpu.memory_space<hbm>>
      tpu.enqueue_dma source(%dma_start3A_113 : memref<128xi32, #tpu.memory_space<hbm>>) target(%arg10 : memref<128xi32, #tpu.memory_space<vmem>>) target_semaphore(%run_scoped3A : memref<!tpu.dma_semaphore, #tpu.memory_space<semaphore_mem>>)
      %dma_wait3A_114 = tpu.memref_slice %arg4[%add3A_85] : memref<327680xi32, #tpu.memory_space<hbm>> -> memref<128xi32, #tpu.memory_space<hbm>>
      %dma_wait3A_115 = tpu.memref_slice %arg4[%add3A_85] : memref<327680xi32, #tpu.memory_space<hbm>> -> memref<128xi32, #tpu.memory_space<hbm>>
      tpu.wait_dma2 semaphore(%run_scoped3A : memref<!tpu.dma_semaphore, #tpu.memory_space<semaphore_mem>>) src(%dma_wait3A_115 : memref<128xi32, #tpu.memory_space<hbm>>) dst(%arg10 : memref<128xi32, #tpu.memory_space<vmem>>)
      tpu.yield
    }) : () -> ()
    %scan3A_92 = arith.constant 0 : i32
    %scan3A_93 = arith.constant 0 : i32
    %scan3A_94 = arith.constant 128 : i32
    %scan3A_95 = arith.addi %scan3A_93, %scan3A_94 : i32
    %scan3A_96 = arith.constant 1 : i32
    scf.for %scan3A_112 = %scan3A_93 to %scan3A_95 step %scan3A_96  : i32 {
      %broadcast_in_dim3A_113 = vector.broadcast %scan3A_112 : i32 to vector<16xi32>
      %gather3A = tpu.vector_load_idx %arg12[%broadcast_in_dim3A_113] : memref<128xf32, #tpu.memory_space<vmem>>[vector<16xi32>], vector<16xf32>,
      %get3A = arith.index_cast %scan3A_112 : i32 to index
      %get3A_114 = arith.constant 0 : index
      %get3A_115 = tpu.vector_load %arg14[%get3A, %get3A_114] {strides = array<i32>} : memref<128x32xf32, #tpu.memory_space<vmem>>, vector<16xf32>,
      %mul3A_116 = arith.mulf %get3A_115, %gather3A : vector<16xf32>
      %swap3A = arith.index_cast %scan3A_112 : i32 to index
      %swap3A_117 = arith.constant 0 : index
      %swap3A_118 = tpu.vector_load %arg16[%swap3A, %swap3A_117] {strides = array<i32>} : memref<128x32xf32, #tpu.memory_space<vmem>>, vector<16xf32>,
      tpu.vector_store %arg16[%swap3A, %swap3A_117], %mul3A_116 {strides = array<i32>} : memref<128x32xf32, #tpu.memory_space<vmem>>, vector<16xf32>,
      %get3A_119 = arith.index_cast %scan3A_112 : i32 to index
      %get3A_120 = arith.constant 16 : index
      %get3A_121 = tpu.vector_load %arg14[%get3A_119, %get3A_120] {strides = array<i32>} : memref<128x32xf32, #tpu.memory_space<vmem>>, vector<16xf32>,
      %mul3A_122 = arith.mulf %get3A_121, %gather3A : vector<16xf32>
      %swap3A_123 = arith.index_cast %scan3A_112 : i32 to index
      %swap3A_124 = arith.constant 16 : index
      %swap3A_125 = tpu.vector_load %arg16[%swap3A_123, %swap3A_124] {strides = array<i32>} : memref<128x32xf32, #tpu.memory_space<vmem>>, vector<16xf32>,
      tpu.vector_store %arg16[%swap3A_123, %swap3A_124], %mul3A_122 {strides = array<i32>} : memref<128x32xf32, #tpu.memory_space<vmem>>, vector<16xf32>,
    }
    %scan3A_97 = arith.constant 128 : i32
    %dma_start3A_98 = arith.constant 0 : i32
    %dma_start3A_99 = arith.constant 0 : i32
    %dma_start3A_100 = tpu.memref_slice %arg17[%dma_start3A_98, %dma_start3A_99] : memref<10240x32xf32, #tpu.memory_space<vmem_shared>> -> memref<10240x32xf32, #tpu.memory_space<vmem_shared>>
    tpu.enqueue_indirect_dma source(%arg16 : memref<128x32xf32, #tpu.memory_space<vmem>>) target(%dma_start3A_100 : memref<10240x32xf32, #tpu.memory_space<vmem_shared>>) offsets(%arg10 : memref<128xi32, #tpu.memory_space<vmem>>) semaphore(%arg21 : memref<!tpu.dma_semaphore, #tpu.memory_space<semaphore_mem>>) {add = true}
    %dma_wait3A_101 = arith.constant 0 : i32
    %dma_wait3A_102 = arith.constant 0 : i32
    %dma_wait3A_103 = tpu.memref_slice %arg17[%dma_wait3A_101, %dma_wait3A_102] : memref<10240x32xf32, #tpu.memory_space<vmem_shared>> -> memref<10240x32xf32, #tpu.memory_space<vmem_shared>>
    tpu.wait_indirect_dma semaphore(%arg20 : memref<!tpu.dma_semaphore, #tpu.memory_space<semaphore_mem>>) src(%arg15 : memref<128x32xf32, #tpu.memory_space<vmem>>) dst(%dma_wait3A_103 : memref<10240x32xf32, #tpu.memory_space<vmem_shared>>)
    %dma_wait3A_104 = arith.constant 0 : i32
    %dma_wait3A_105 = arith.constant 0 : i32
    %dma_wait3A_106 = tpu.memref_slice %arg17[%dma_wait3A_104, %dma_wait3A_105] : memref<10240x32xf32, #tpu.memory_space<vmem_shared>> -> memref<10240x32xf32, #tpu.memory_space<vmem_shared>>
    tpu.wait_indirect_dma semaphore(%arg21 : memref<!tpu.dma_semaphore, #tpu.memory_space<semaphore_mem>>) src(%arg16 : memref<128x32xf32, #tpu.memory_space<vmem>>) dst(%dma_wait3A_106 : memref<10240x32xf32, #tpu.memory_space<vmem_shared>>)
    %barrier3A_107 = arith.constant 0 : index
    tpu.barrier barrier_id(%barrier3A_107)
    %mul3A_108 = arith.constant 640 : i32
    %mul3A_109 = arith.muli %arg1, %mul3A_108 : i32
    %mul3A_110 = arith.constant 640 : i32
    %mul3A_111 = arith.muli %arg1, %mul3A_110 : i32
    "tpu.region"() ({
      %run_scoped3A = tpu.sem_alloc : memref<!tpu.dma_semaphore, #tpu.memory_space<semaphore_mem>>
      %dma_start3A_112 = arith.constant 0 : i32
      %dma_start3A_113 = tpu.memref_slice %arg6[%arg0, %mul3A_111, %dma_start3A_112] : memref<2x10240x32xf32, #tpu.memory_space<hbm>> -> memref<1x640x32xf32, #tpu.memory_space<hbm>>
      %dma_start3A_114 = tpu.memref_squeeze %dma_start3A_113 : memref<1x640x32xf32, #tpu.memory_space<hbm>> -> memref<640x32xf32, #tpu.memory_space<hbm>>
      %dma_start3A_115 = arith.constant 0 : i32
      %dma_start3A_116 = tpu.memref_slice %arg17[%mul3A_109, %dma_start3A_115] : memref<10240x32xf32, #tpu.memory_space<vmem_shared>> -> memref<640x32xf32, #tpu.memory_space<vmem_shared>>
      tpu.enqueue_dma source(%dma_start3A_116 : memref<640x32xf32, #tpu.memory_space<vmem_shared>>) target(%dma_start3A_114 : memref<640x32xf32, #tpu.memory_space<hbm>>) target_semaphore(%run_scoped3A : memref<!tpu.dma_semaphore, #tpu.memory_space<semaphore_mem>>)
      %dma_wait3A_117 = arith.constant 0 : i32
      %dma_wait3A_118 = tpu.memref_slice %arg6[%arg0, %mul3A_111, %dma_wait3A_117] : memref<2x10240x32xf32, #tpu.memory_space<hbm>> -> memref<1x640x32xf32, #tpu.memory_space<hbm>>
      %dma_wait3A_119 = tpu.memref_squeeze %dma_wait3A_118 : memref<1x640x32xf32, #tpu.memory_space<hbm>> -> memref<640x32xf32, #tpu.memory_space<hbm>>
      %dma_wait3A_120 = arith.constant 0 : i32
      %dma_wait3A_121 = tpu.memref_slice %arg17[%mul3A_109, %dma_wait3A_120] : memref<10240x32xf32, #tpu.memory_space<vmem_shared>> -> memref<640x32xf32, #tpu.memory_space<vmem_shared>>
      tpu.wait_dma2 semaphore(%run_scoped3A : memref<!tpu.dma_semaphore, #tpu.memory_space<semaphore_mem>>) src(%dma_wait3A_121 : memref<640x32xf32, #tpu.memory_space<vmem_shared>>) dst(%dma_wait3A_119 : memref<640x32xf32, #tpu.memory_space<hbm>>)
      tpu.yield
    }) : () -> ()
    return
  }
}

module attributes {stable_mosaic.version = 14 : i64} {
  func.func @_tc_h1_body(%arg0: i32, %arg1: memref<2048x128xf32, #tpu.memory_space<vmem>>, %arg2: memref<128x32xf32, #tpu.memory_space<vmem>>, %arg3: memref<2048x32xf32, #tpu.memory_space<vmem>>) attributes {dimension_semantics = [#tpu.dimension_semantics<arbitrary>], iteration_bounds = array<i64: 5>, scalar_prefetch = 0 : i64, scratch_operands = 0 : i64, tpu.core_type = #tpu.core_type<tc>, window_params = [{transform_indices = @transform_0, window_bounds = array<i64: 2048, 128>}, {pipeline_mode = #tpu.pipeline_mode<synchronous>, transform_indices = @transform_1, window_bounds = array<i64: 128, 32>}, {transform_indices = @transform_2, window_bounds = array<i64: 2048, 32>}]} {
    %get3A = arith.constant 0 : index
    %get3A_0 = arith.constant 0 : index
    %get3A_1 = vector.load %arg1[%get3A, %get3A_0] : memref<2048x128xf32, #tpu.memory_space<vmem>>, vector<2048x128xf32>
    %get3A_2 = arith.constant 0 : index
    %get3A_3 = arith.constant 0 : index
    %get3A_4 = vector.load %arg2[%get3A_2, %get3A_3] : memref<128x32xf32, #tpu.memory_space<vmem>>, vector<128x32xf32>
    %dot_general3A = arith.constant dense<0.000000e+00> : vector<2048x32xf32>
    %dot_general3A_5 = tpu.matmul %get3A_1, %get3A_4, %dot_general3A {dimension_numbers = #tpu.dot_dimension_numbers<[1], [0], [0], [1], [0, 0, 1, 1], [], []>, transpose_lhs_hint = false} : vector<2048x128xf32>, vector<128x32xf32>, vector<2048x32xf32> -> vector<2048x32xf32>
    %swap3A = arith.constant 0 : index
    %swap3A_6 = arith.constant 0 : index
    %swap3A_7 = vector.load %arg3[%swap3A, %swap3A_6] : memref<2048x32xf32, #tpu.memory_space<vmem>>, vector<2048x32xf32>
    tpu.vector_store %arg3[%swap3A, %swap3A_6], %dot_general3A_5 {strides = array<i32>} : memref<2048x32xf32, #tpu.memory_space<vmem>>, vector<2048x32xf32>,
    return
  }
  func.func @transform_0(%arg0: i32) -> (i32, i32) {
    %c0_i32 = arith.constant 0 : i32
    %c0_i32_0 = arith.constant 0 : i32
    return %arg0, %c0_i32 : i32, i32
  }
  func.func @transform_1(%arg0: i32) -> (i32, i32) {
    %c0_i32 = arith.constant 0 : i32
    %c0_i32_0 = arith.constant 0 : i32
    %c0_i32_1 = arith.constant 0 : i32
    return %c0_i32, %c0_i32_0 : i32, i32
  }
  func.func @transform_2(%arg0: i32) -> (i32, i32) {
    %c0_i32 = arith.constant 0 : i32
    %c0_i32_0 = arith.constant 0 : i32
    return %arg0, %c0_i32 : i32, i32
  }
}

module attributes {stable_mosaic.version = 14 : i64} {
  func.func @_tc_layer1_body(%arg0: i32, %arg1: memref<2048x32xf32, #tpu.memory_space<vmem>>, %arg2: memref<2048x32xf32, #tpu.memory_space<vmem>>, %arg3: memref<2048x32xf32, #tpu.memory_space<vmem>>, %arg4: memref<2048x1xf32, #tpu.memory_space<vmem>>, %arg5: memref<1x32xf32, #tpu.memory_space<vmem>>, %arg6: memref<32x32xf32, #tpu.memory_space<vmem>>, %arg7: memref<2048x32xf32, #tpu.memory_space<vmem>>, %arg8: memref<2048x32xf32, #tpu.memory_space<vmem>>) attributes {dimension_semantics = [#tpu.dimension_semantics<arbitrary>], iteration_bounds = array<i64: 5>, scalar_prefetch = 0 : i64, scratch_operands = 0 : i64, tpu.core_type = #tpu.core_type<tc>, window_params = [{transform_indices = @transform_0, window_bounds = array<i64: 2048, 32>}, {transform_indices = @transform_1, window_bounds = array<i64: 2048, 32>}, {transform_indices = @transform_2, window_bounds = array<i64: 2048, 32>}, {transform_indices = @transform_3, window_bounds = array<i64: 2048, 1>}, {pipeline_mode = #tpu.pipeline_mode<synchronous>, transform_indices = @transform_4, window_bounds = array<i64: 1, 32>}, {pipeline_mode = #tpu.pipeline_mode<synchronous>, transform_indices = @transform_5, window_bounds = array<i64: 32, 32>}, {transform_indices = @transform_6, window_bounds = array<i64: 2048, 32>}, {transform_indices = @transform_7, window_bounds = array<i64: 2048, 32>}]} {
    %get3A = arith.constant 0 : index
    %get3A_0 = arith.constant 0 : index
    %get3A_1 = vector.load %arg4[%get3A, %get3A_0] : memref<2048x1xf32, #tpu.memory_space<vmem>>, vector<2048x1xf32>
    %get3A_2 = arith.constant 0 : index
    %get3A_3 = arith.constant 0 : index
    %get3A_4 = vector.load %arg3[%get3A_2, %get3A_3] : memref<2048x32xf32, #tpu.memory_space<vmem>>, vector<2048x32xf32>
    %mul3A = vector.broadcast %get3A_1 : vector<2048x1xf32> to vector<2048x32xf32>
    %mul3A_5 = arith.mulf %mul3A, %get3A_4 : vector<2048x32xf32>
    %get3A_6 = arith.constant 0 : index
    %get3A_7 = arith.constant 0 : index
    %get3A_8 = vector.load %arg1[%get3A_6, %get3A_7] : memref<2048x32xf32, #tpu.memory_space<vmem>>, vector<2048x32xf32>
    %get3A_9 = arith.constant 0 : index
    %get3A_10 = arith.constant 0 : index
    %get3A_11 = vector.load %arg2[%get3A_9, %get3A_10] : memref<2048x32xf32, #tpu.memory_space<vmem>>, vector<2048x32xf32>
    %add3A = arith.addf %get3A_8, %get3A_11 : vector<2048x32xf32>
    %add3A_12 = arith.addf %add3A, %mul3A_5 : vector<2048x32xf32>
    %mul3A_13 = vector.broadcast %get3A_1 : vector<2048x1xf32> to vector<2048x32xf32>
    %mul3A_14 = arith.mulf %mul3A_13, %add3A_12 : vector<2048x32xf32>
    %get3A_15 = arith.constant 0 : index
    %get3A_16 = arith.constant 0 : index
    %get3A_17 = vector.load %arg5[%get3A_15, %get3A_16] : memref<1x32xf32, #tpu.memory_space<vmem>>, vector<1x32xf32>
    %add3A_18 = vector.broadcast %get3A_17 : vector<1x32xf32> to vector<2048x32xf32>
    %add3A_19 = arith.addf %mul3A_14, %add3A_18 : vector<2048x32xf32>
    %mul3A_20 = arith.mulf %add3A_19, %add3A_19 : vector<2048x32xf32>
    %reduce_sum3A = arith.constant dense<0.000000e+00> : vector<2048xf32>
    %reduce_sum3A_21 = vector.multi_reduction <add>, %mul3A_20, %reduce_sum3A [1] : vector<2048x32xf32> to vector<2048xf32>
    %broadcast_in_dim3A = vector.shape_cast %reduce_sum3A_21 : vector<2048xf32> to vector<2048x1xf32>
    %sqrt3A = math.sqrt %broadcast_in_dim3A : vector<2048x1xf32>
    %max3A = arith.constant 9.99999996E-13 : f32
    %max3A_22 = vector.broadcast %max3A : f32 to vector<2048x1xf32>
    %max3A_23 = arith.maximumf %sqrt3A, %max3A_22 : vector<2048x1xf32>
    %div3A = vector.broadcast %max3A_23 : vector<2048x1xf32> to vector<2048x32xf32>
    %div3A_24 = arith.divf %add3A_19, %div3A : vector<2048x32xf32>
    %max3A_25 = arith.constant 0.000000e+00 : f32
    %max3A_26 = vector.broadcast %max3A_25 : f32 to vector<2048x32xf32>
    %max3A_27 = arith.maximumf %div3A_24, %max3A_26 : vector<2048x32xf32>
    %swap3A = arith.constant 0 : index
    %swap3A_28 = arith.constant 0 : index
    %swap3A_29 = vector.load %arg7[%swap3A, %swap3A_28] : memref<2048x32xf32, #tpu.memory_space<vmem>>, vector<2048x32xf32>
    tpu.vector_store %arg7[%swap3A, %swap3A_28], %max3A_27 {strides = array<i32>} : memref<2048x32xf32, #tpu.memory_space<vmem>>, vector<2048x32xf32>,
    %get3A_30 = arith.constant 0 : index
    %get3A_31 = arith.constant 0 : index
    %get3A_32 = vector.load %arg6[%get3A_30, %get3A_31] : memref<32x32xf32, #tpu.memory_space<vmem>>, vector<32x32xf32>
    %dot_general3A = arith.constant dense<0.000000e+00> : vector<2048x32xf32>
    %dot_general3A_33 = tpu.matmul %max3A_27, %get3A_32, %dot_general3A {dimension_numbers = #tpu.dot_dimension_numbers<[1], [0], [0], [1], [0, 0, 1, 1], [], []>, transpose_lhs_hint = false} : vector<2048x32xf32>, vector<32x32xf32>, vector<2048x32xf32> -> vector<2048x32xf32>
    %mul3A_34 = vector.broadcast %get3A_1 : vector<2048x1xf32> to vector<2048x32xf32>
    %mul3A_35 = arith.mulf %mul3A_34, %dot_general3A_33 : vector<2048x32xf32>
    %swap3A_36 = arith.constant 0 : index
    %swap3A_37 = arith.constant 0 : index
    %swap3A_38 = vector.load %arg8[%swap3A_36, %swap3A_37] : memref<2048x32xf32, #tpu.memory_space<vmem>>, vector<2048x32xf32>
    tpu.vector_store %arg8[%swap3A_36, %swap3A_37], %mul3A_35 {strides = array<i32>} : memref<2048x32xf32, #tpu.memory_space<vmem>>, vector<2048x32xf32>,
    return
  }
  func.func @transform_0(%arg0: i32) -> (i32, i32) {
    %c0_i32 = arith.constant 0 : i32
    %c0_i32_0 = arith.constant 0 : i32
    return %arg0, %c0_i32 : i32, i32
  }
  func.func @transform_1(%arg0: i32) -> (i32, i32) {
    %c0_i32 = arith.constant 0 : i32
    %c0_i32_0 = arith.constant 0 : i32
    return %arg0, %c0_i32 : i32, i32
  }
  func.func @transform_2(%arg0: i32) -> (i32, i32) {
    %c0_i32 = arith.constant 0 : i32
    %c0_i32_0 = arith.constant 0 : i32
    return %arg0, %c0_i32 : i32, i32
  }
  func.func @transform_3(%arg0: i32) -> (i32, i32) {
    %c0_i32 = arith.constant 0 : i32
    %c0_i32_0 = arith.constant 0 : i32
    return %arg0, %c0_i32 : i32, i32
  }
  func.func @transform_4(%arg0: i32) -> (i32, i32) {
    %c0_i32 = arith.constant 0 : i32
    %c0_i32_0 = arith.constant 0 : i32
    %c0_i32_1 = arith.constant 0 : i32
    return %c0_i32, %c0_i32_0 : i32, i32
  }
  func.func @transform_5(%arg0: i32) -> (i32, i32) {
    %c0_i32 = arith.constant 0 : i32
    %c0_i32_0 = arith.constant 0 : i32
    %c0_i32_1 = arith.constant 0 : i32
    return %c0_i32, %c0_i32_0 : i32, i32
  }
  func.func @transform_6(%arg0: i32) -> (i32, i32) {
    %c0_i32 = arith.constant 0 : i32
    %c0_i32_0 = arith.constant 0 : i32
    return %arg0, %c0_i32 : i32, i32
  }
  func.func @transform_7(%arg0: i32) -> (i32, i32) {
    %c0_i32 = arith.constant 0 : i32
    %c0_i32_0 = arith.constant 0 : i32
    return %arg0, %c0_i32 : i32, i32
  }
}

module attributes {stable_mosaic.version = 14 : i64} {
  func.func @_tc_layer_body(%arg0: i32, %arg1: memref<2048x32xf32, #tpu.memory_space<vmem>>, %arg2: memref<2048x32xf32, #tpu.memory_space<vmem>>, %arg3: memref<2048x32xf32, #tpu.memory_space<vmem>>, %arg4: memref<2048x1xf32, #tpu.memory_space<vmem>>, %arg5: memref<1x32xf32, #tpu.memory_space<vmem>>, %arg6: memref<32x32xf32, #tpu.memory_space<vmem>>, %arg7: memref<2048x32xf32, #tpu.memory_space<vmem>>, %arg8: memref<2048x32xf32, #tpu.memory_space<vmem>>) attributes {dimension_semantics = [#tpu.dimension_semantics<arbitrary>], iteration_bounds = array<i64: 5>, scalar_prefetch = 0 : i64, scratch_operands = 0 : i64, tpu.core_type = #tpu.core_type<tc>, window_params = [{transform_indices = @transform_0, window_bounds = array<i64: 2048, 32>}, {transform_indices = @transform_1, window_bounds = array<i64: 2048, 32>}, {transform_indices = @transform_2, window_bounds = array<i64: 2048, 32>}, {transform_indices = @transform_3, window_bounds = array<i64: 2048, 1>}, {pipeline_mode = #tpu.pipeline_mode<synchronous>, transform_indices = @transform_4, window_bounds = array<i64: 1, 32>}, {pipeline_mode = #tpu.pipeline_mode<synchronous>, transform_indices = @transform_5, window_bounds = array<i64: 32, 32>}, {transform_indices = @transform_6, window_bounds = array<i64: 2048, 32>}, {transform_indices = @transform_7, window_bounds = array<i64: 2048, 32>}]} {
    %get3A = arith.constant 0 : index
    %get3A_0 = arith.constant 0 : index
    %get3A_1 = vector.load %arg4[%get3A, %get3A_0] : memref<2048x1xf32, #tpu.memory_space<vmem>>, vector<2048x1xf32>
    %get3A_2 = arith.constant 0 : index
    %get3A_3 = arith.constant 0 : index
    %get3A_4 = vector.load %arg3[%get3A_2, %get3A_3] : memref<2048x32xf32, #tpu.memory_space<vmem>>, vector<2048x32xf32>
    %get3A_5 = arith.constant 0 : index
    %get3A_6 = arith.constant 0 : index
    %get3A_7 = vector.load %arg1[%get3A_5, %get3A_6] : memref<2048x32xf32, #tpu.memory_space<vmem>>, vector<2048x32xf32>
    %get3A_8 = arith.constant 0 : index
    %get3A_9 = arith.constant 0 : index
    %get3A_10 = vector.load %arg2[%get3A_8, %get3A_9] : memref<2048x32xf32, #tpu.memory_space<vmem>>, vector<2048x32xf32>
    %add3A = arith.addf %get3A_7, %get3A_10 : vector<2048x32xf32>
    %add3A_11 = arith.addf %add3A, %get3A_4 : vector<2048x32xf32>
    %mul3A = vector.broadcast %get3A_1 : vector<2048x1xf32> to vector<2048x32xf32>
    %mul3A_12 = arith.mulf %mul3A, %add3A_11 : vector<2048x32xf32>
    %get3A_13 = arith.constant 0 : index
    %get3A_14 = arith.constant 0 : index
    %get3A_15 = vector.load %arg5[%get3A_13, %get3A_14] : memref<1x32xf32, #tpu.memory_space<vmem>>, vector<1x32xf32>
    %add3A_16 = vector.broadcast %get3A_15 : vector<1x32xf32> to vector<2048x32xf32>
    %add3A_17 = arith.addf %mul3A_12, %add3A_16 : vector<2048x32xf32>
    %mul3A_18 = arith.mulf %add3A_17, %add3A_17 : vector<2048x32xf32>
    %reduce_sum3A = arith.constant dense<0.000000e+00> : vector<2048xf32>
    %reduce_sum3A_19 = vector.multi_reduction <add>, %mul3A_18, %reduce_sum3A [1] : vector<2048x32xf32> to vector<2048xf32>
    %broadcast_in_dim3A = vector.shape_cast %reduce_sum3A_19 : vector<2048xf32> to vector<2048x1xf32>
    %sqrt3A = math.sqrt %broadcast_in_dim3A : vector<2048x1xf32>
    %max3A = arith.constant 9.99999996E-13 : f32
    %max3A_20 = vector.broadcast %max3A : f32 to vector<2048x1xf32>
    %max3A_21 = arith.maximumf %sqrt3A, %max3A_20 : vector<2048x1xf32>
    %div3A = vector.broadcast %max3A_21 : vector<2048x1xf32> to vector<2048x32xf32>
    %div3A_22 = arith.divf %add3A_17, %div3A : vector<2048x32xf32>
    %max3A_23 = arith.constant 0.000000e+00 : f32
    %max3A_24 = vector.broadcast %max3A_23 : f32 to vector<2048x32xf32>
    %max3A_25 = arith.maximumf %div3A_22, %max3A_24 : vector<2048x32xf32>
    %swap3A = arith.constant 0 : index
    %swap3A_26 = arith.constant 0 : index
    %swap3A_27 = vector.load %arg7[%swap3A, %swap3A_26] : memref<2048x32xf32, #tpu.memory_space<vmem>>, vector<2048x32xf32>
    tpu.vector_store %arg7[%swap3A, %swap3A_26], %max3A_25 {strides = array<i32>} : memref<2048x32xf32, #tpu.memory_space<vmem>>, vector<2048x32xf32>,
    %get3A_28 = arith.constant 0 : index
    %get3A_29 = arith.constant 0 : index
    %get3A_30 = vector.load %arg6[%get3A_28, %get3A_29] : memref<32x32xf32, #tpu.memory_space<vmem>>, vector<32x32xf32>
    %dot_general3A = arith.constant dense<0.000000e+00> : vector<2048x32xf32>
    %dot_general3A_31 = tpu.matmul %max3A_25, %get3A_30, %dot_general3A {dimension_numbers = #tpu.dot_dimension_numbers<[1], [0], [0], [1], [0, 0, 1, 1], [], []>, transpose_lhs_hint = false} : vector<2048x32xf32>, vector<32x32xf32>, vector<2048x32xf32> -> vector<2048x32xf32>
    %mul3A_32 = vector.broadcast %get3A_1 : vector<2048x1xf32> to vector<2048x32xf32>
    %mul3A_33 = arith.mulf %mul3A_32, %dot_general3A_31 : vector<2048x32xf32>
    %swap3A_34 = arith.constant 0 : index
    %swap3A_35 = arith.constant 0 : index
    %swap3A_36 = vector.load %arg8[%swap3A_34, %swap3A_35] : memref<2048x32xf32, #tpu.memory_space<vmem>>, vector<2048x32xf32>
    tpu.vector_store %arg8[%swap3A_34, %swap3A_35], %mul3A_33 {strides = array<i32>} : memref<2048x32xf32, #tpu.memory_space<vmem>>, vector<2048x32xf32>,
    return
  }
  func.func @transform_0(%arg0: i32) -> (i32, i32) {
    %c0_i32 = arith.constant 0 : i32
    %c0_i32_0 = arith.constant 0 : i32
    return %arg0, %c0_i32 : i32, i32
  }
  func.func @transform_1(%arg0: i32) -> (i32, i32) {
    %c0_i32 = arith.constant 0 : i32
    %c0_i32_0 = arith.constant 0 : i32
    return %arg0, %c0_i32 : i32, i32
  }
  func.func @transform_2(%arg0: i32) -> (i32, i32) {
    %c0_i32 = arith.constant 0 : i32
    %c0_i32_0 = arith.constant 0 : i32
    return %arg0, %c0_i32 : i32, i32
  }
  func.func @transform_3(%arg0: i32) -> (i32, i32) {
    %c0_i32 = arith.constant 0 : i32
    %c0_i32_0 = arith.constant 0 : i32
    return %arg0, %c0_i32 : i32, i32
  }
  func.func @transform_4(%arg0: i32) -> (i32, i32) {
    %c0_i32 = arith.constant 0 : i32
    %c0_i32_0 = arith.constant 0 : i32
    %c0_i32_1 = arith.constant 0 : i32
    return %c0_i32, %c0_i32_0 : i32, i32
  }
  func.func @transform_5(%arg0: i32) -> (i32, i32) {
    %c0_i32 = arith.constant 0 : i32
    %c0_i32_0 = arith.constant 0 : i32
    %c0_i32_1 = arith.constant 0 : i32
    return %c0_i32, %c0_i32_0 : i32, i32
  }
  func.func @transform_6(%arg0: i32) -> (i32, i32) {
    %c0_i32 = arith.constant 0 : i32
    %c0_i32_0 = arith.constant 0 : i32
    return %arg0, %c0_i32 : i32, i32
  }
  func.func @transform_7(%arg0: i32) -> (i32, i32) {
    %c0_i32 = arith.constant 0 : i32
    %c0_i32_0 = arith.constant 0 : i32
    return %arg0, %c0_i32 : i32, i32
  }
}

module attributes {stable_mosaic.version = 14 : i64} {
  func.func @_tc_final_body(%arg0: i32, %arg1: memref<2048x32xf32, #tpu.memory_space<vmem>>, %arg2: memref<2048x32xf32, #tpu.memory_space<vmem>>, %arg3: memref<2048x32xf32, #tpu.memory_space<vmem>>, %arg4: memref<2048x1xf32, #tpu.memory_space<vmem>>, %arg5: memref<1x32xf32, #tpu.memory_space<vmem>>, %arg6: memref<2048x32xf32, #tpu.memory_space<vmem>>, %arg7: memref<2048x32xf32, #tpu.memory_space<vmem>>, %arg8: memref<96x8xf32, #tpu.memory_space<vmem>>, %arg9: memref<1x8xf32, #tpu.memory_space<vmem>>, %arg10: memref<2048x8xf32, #tpu.memory_space<vmem>>) attributes {dimension_semantics = [#tpu.dimension_semantics<arbitrary>], iteration_bounds = array<i64: 5>, scalar_prefetch = 0 : i64, scratch_operands = 0 : i64, tpu.core_type = #tpu.core_type<tc>, window_params = [{transform_indices = @transform_0, window_bounds = array<i64: 2048, 32>}, {transform_indices = @transform_1, window_bounds = array<i64: 2048, 32>}, {transform_indices = @transform_2, window_bounds = array<i64: 2048, 32>}, {transform_indices = @transform_3, window_bounds = array<i64: 2048, 1>}, {pipeline_mode = #tpu.pipeline_mode<synchronous>, transform_indices = @transform_4, window_bounds = array<i64: 1, 32>}, {transform_indices = @transform_5, window_bounds = array<i64: 2048, 32>}, {transform_indices = @transform_6, window_bounds = array<i64: 2048, 32>}, {pipeline_mode = #tpu.pipeline_mode<synchronous>, transform_indices = @transform_7, window_bounds = array<i64: 96, 8>}, {pipeline_mode = #tpu.pipeline_mode<synchronous>, transform_indices = @transform_8, window_bounds = array<i64: 1, 8>}, {transform_indices = @transform_9, window_bounds = array<i64: 2048, 8>}]} {
    %get3A = arith.constant 0 : index
    %get3A_0 = arith.constant 0 : index
    %get3A_1 = vector.load %arg3[%get3A, %get3A_0] : memref<2048x32xf32, #tpu.memory_space<vmem>>, vector<2048x32xf32>
    %get3A_2 = arith.constant 0 : index
    %get3A_3 = arith.constant 0 : index
    %get3A_4 = vector.load %arg4[%get3A_2, %get3A_3] : memref<2048x1xf32, #tpu.memory_space<vmem>>, vector<2048x1xf32>
    %get3A_5 = arith.constant 0 : index
    %get3A_6 = arith.constant 0 : index
    %get3A_7 = vector.load %arg1[%get3A_5, %get3A_6] : memref<2048x32xf32, #tpu.memory_space<vmem>>, vector<2048x32xf32>
    %get3A_8 = arith.constant 0 : index
    %get3A_9 = arith.constant 0 : index
    %get3A_10 = vector.load %arg2[%get3A_8, %get3A_9] : memref<2048x32xf32, #tpu.memory_space<vmem>>, vector<2048x32xf32>
    %add3A = arith.addf %get3A_7, %get3A_10 : vector<2048x32xf32>
    %add3A_11 = arith.addf %add3A, %get3A_1 : vector<2048x32xf32>
    %mul3A = vector.broadcast %get3A_4 : vector<2048x1xf32> to vector<2048x32xf32>
    %mul3A_12 = arith.mulf %mul3A, %add3A_11 : vector<2048x32xf32>
    %get3A_13 = arith.constant 0 : index
    %get3A_14 = arith.constant 0 : index
    %get3A_15 = vector.load %arg5[%get3A_13, %get3A_14] : memref<1x32xf32, #tpu.memory_space<vmem>>, vector<1x32xf32>
    %add3A_16 = vector.broadcast %get3A_15 : vector<1x32xf32> to vector<2048x32xf32>
    %add3A_17 = arith.addf %mul3A_12, %add3A_16 : vector<2048x32xf32>
    %mul3A_18 = arith.mulf %add3A_17, %add3A_17 : vector<2048x32xf32>
    %reduce_sum3A = arith.constant dense<0.000000e+00> : vector<2048xf32>
    %reduce_sum3A_19 = vector.multi_reduction <add>, %mul3A_18, %reduce_sum3A [1] : vector<2048x32xf32> to vector<2048xf32>
    %broadcast_in_dim3A = vector.shape_cast %reduce_sum3A_19 : vector<2048xf32> to vector<2048x1xf32>
    %sqrt3A = math.sqrt %broadcast_in_dim3A : vector<2048x1xf32>
    %max3A = arith.constant 9.99999996E-13 : f32
    %max3A_20 = vector.broadcast %max3A : f32 to vector<2048x1xf32>
    %max3A_21 = arith.maximumf %sqrt3A, %max3A_20 : vector<2048x1xf32>
    %div3A = vector.broadcast %max3A_21 : vector<2048x1xf32> to vector<2048x32xf32>
    %div3A_22 = arith.divf %add3A_17, %div3A : vector<2048x32xf32>
    %max3A_23 = arith.constant 0.000000e+00 : f32
    %max3A_24 = vector.broadcast %max3A_23 : f32 to vector<2048x32xf32>
    %max3A_25 = arith.maximumf %div3A_22, %max3A_24 : vector<2048x32xf32>
    %get3A_26 = arith.constant 0 : index
    %get3A_27 = arith.constant 0 : index
    %get3A_28 = vector.load %arg8[%get3A_26, %get3A_27] : memref<96x8xf32, #tpu.memory_space<vmem>>, vector<96x8xf32>
    %get3A_29 = arith.constant 0 : index
    %get3A_30 = arith.constant 0 : index
    %get3A_31 = vector.load %arg6[%get3A_29, %get3A_30] : memref<2048x32xf32, #tpu.memory_space<vmem>>, vector<2048x32xf32>
    %slice3A = vector.extract_strided_slice %get3A_28 {offsets = [0, 0], sizes = [32, 8], strides = [1, 1]} : vector<96x8xf32> to vector<32x8xf32>
    %dot_general3A = arith.constant dense<0.000000e+00> : vector<2048x8xf32>
    %dot_general3A_32 = tpu.matmul %get3A_31, %slice3A, %dot_general3A {dimension_numbers = #tpu.dot_dimension_numbers<[1], [0], [0], [1], [0, 0, 1, 1], [], []>, transpose_lhs_hint = false} : vector<2048x32xf32>, vector<32x8xf32>, vector<2048x8xf32> -> vector<2048x8xf32>
    %get3A_33 = arith.constant 0 : index
    %get3A_34 = arith.constant 0 : index
    %get3A_35 = vector.load %arg7[%get3A_33, %get3A_34] : memref<2048x32xf32, #tpu.memory_space<vmem>>, vector<2048x32xf32>
    %slice3A_36 = vector.extract_strided_slice %get3A_28 {offsets = [32, 0], sizes = [32, 8], strides = [1, 1]} : vector<96x8xf32> to vector<32x8xf32>
    %dot_general3A_37 = arith.constant dense<0.000000e+00> : vector<2048x8xf32>
    %dot_general3A_38 = tpu.matmul %get3A_35, %slice3A_36, %dot_general3A_37 {dimension_numbers = #tpu.dot_dimension_numbers<[1], [0], [0], [1], [0, 0, 1, 1], [], []>, transpose_lhs_hint = false} : vector<2048x32xf32>, vector<32x8xf32>, vector<2048x8xf32> -> vector<2048x8xf32>
    %add3A_39 = arith.addf %dot_general3A_32, %dot_general3A_38 : vector<2048x8xf32>
    %slice3A_40 = vector.extract_strided_slice %get3A_28 {offsets = [64, 0], sizes = [32, 8], strides = [1, 1]} : vector<96x8xf32> to vector<32x8xf32>
    %dot_general3A_41 = arith.constant dense<0.000000e+00> : vector<2048x8xf32>
    %dot_general3A_42 = tpu.matmul %max3A_25, %slice3A_40, %dot_general3A_41 {dimension_numbers = #tpu.dot_dimension_numbers<[1], [0], [0], [1], [0, 0, 1, 1], [], []>, transpose_lhs_hint = false} : vector<2048x32xf32>, vector<32x8xf32>, vector<2048x8xf32> -> vector<2048x8xf32>
    %add3A_43 = arith.addf %add3A_39, %dot_general3A_42 : vector<2048x8xf32>
    %get3A_44 = arith.constant 0 : index
    %get3A_45 = arith.constant 0 : index
    %get3A_46 = vector.load %arg9[%get3A_44, %get3A_45] : memref<1x8xf32, #tpu.memory_space<vmem>>, vector<1x8xf32>
    %add3A_47 = vector.broadcast %get3A_46 : vector<1x8xf32> to vector<2048x8xf32>
    %add3A_48 = arith.addf %add3A_43, %add3A_47 : vector<2048x8xf32>
    %swap3A = arith.constant 0 : index
    %swap3A_49 = arith.constant 0 : index
    %swap3A_50 = vector.load %arg10[%swap3A, %swap3A_49] : memref<2048x8xf32, #tpu.memory_space<vmem>>, vector<2048x8xf32>
    tpu.vector_store %arg10[%swap3A, %swap3A_49], %add3A_48 {strides = array<i32>} : memref<2048x8xf32, #tpu.memory_space<vmem>>, vector<2048x8xf32>,
    return
  }
  func.func @transform_0(%arg0: i32) -> (i32, i32) {
    %c0_i32 = arith.constant 0 : i32
    %c0_i32_0 = arith.constant 0 : i32
    return %arg0, %c0_i32 : i32, i32
  }
  func.func @transform_1(%arg0: i32) -> (i32, i32) {
    %c0_i32 = arith.constant 0 : i32
    %c0_i32_0 = arith.constant 0 : i32
    return %arg0, %c0_i32 : i32, i32
  }
  func.func @transform_2(%arg0: i32) -> (i32, i32) {
    %c0_i32 = arith.constant 0 : i32
    %c0_i32_0 = arith.constant 0 : i32
    return %arg0, %c0_i32 : i32, i32
  }
  func.func @transform_3(%arg0: i32) -> (i32, i32) {
    %c0_i32 = arith.constant 0 : i32
    %c0_i32_0 = arith.constant 0 : i32
    return %arg0, %c0_i32 : i32, i32
  }
  func.func @transform_4(%arg0: i32) -> (i32, i32) {
    %c0_i32 = arith.constant 0 : i32
    %c0_i32_0 = arith.constant 0 : i32
    %c0_i32_1 = arith.constant 0 : i32
    return %c0_i32, %c0_i32_0 : i32, i32
  }
  func.func @transform_5(%arg0: i32) -> (i32, i32) {
    %c0_i32 = arith.constant 0 : i32
    %c0_i32_0 = arith.constant 0 : i32
    return %arg0, %c0_i32 : i32, i32
  }
  func.func @transform_6(%arg0: i32) -> (i32, i32) {
    %c0_i32 = arith.constant 0 : i32
    %c0_i32_0 = arith.constant 0 : i32
    return %arg0, %c0_i32 : i32, i32
  }
  func.func @transform_7(%arg0: i32) -> (i32, i32) {
    %c0_i32 = arith.constant 0 : i32
    %c0_i32_0 = arith.constant 0 : i32
    %c0_i32_1 = arith.constant 0 : i32
    return %c0_i32, %c0_i32_0 : i32, i32
  }
  func.func @transform_8(%arg0: i32) -> (i32, i32) {
    %c0_i32 = arith.constant 0 : i32
    %c0_i32_0 = arith.constant 0 : i32
    %c0_i32_1 = arith.constant 0 : i32
    return %c0_i32, %c0_i32_0 : i32, i32
  }
  func.func @transform_9(%arg0: i32) -> (i32, i32) {
    %c0_i32 = arith.constant 0 : i32
    %c0_i32_0 = arith.constant 0 : i32
    return %arg0, %c0_i32 : i32, i32
  }
}

</mosaic_0001>

<sc_bundles>
// kernel: kernel.12.cloned.1.call-start
scs
__scs_entry_jumppad:
0x0: {  	(pc) =	sbr.rel $0x88, $3  }
0x1: {  	(tag) =	ssettag $0x0;
	lr =	simm.s32 $0x1  }
0x2: {  	[smem:$0x3F96] =	sst lr;
	_ =	strace $0xD0000000  }
0x3: {  	_ = 	snop  }
0x4: {  	_ = 	snop  }
0x5: {  	_ = 	snop  }
0x6: {  	_ = 	snop  }
0x7: {  	_ = 	snop  }
__scs_overlays_trampoline_lowered:
0x8: {  	[smem:$0x3FA5] =	sst s0  }
0x9: {  	[smem:$0x3FA6] =	sst s1  }
0xa: {  	[smem:$0x3FA7] =	sst s2  }
0xb: {  	[smem:$0x3FA8] =	sst s3  }
0xc: {  	[smem:$0x3FA9] =	sst s4  }
0xd: {  	[smem:$0x3FAA] =	sst s5  }
0xe: {  	[smem:$0x3FAB] =	sst s6  }
0xf: {  	[smem:$0x3FAC] =	sst s7  }
0x10: {  	[smem:$0x3FAD] =	sst s8  }
0x11: {  	[smem:$0x3FAE] =	sst s9;
	s0 =	simm.s32 @!p0 $0x0  }
0x12: {  	s1 =	sld [smem:$0x3F94];
	s0 =	simm.s32 @p0 $0x1  }
0x13: {  	[smem:$0x3FAF] =	sst s0;
	s0 =	simm.s32 @!p1 $0x0  }
0x14: {  	s2 =	sld [smem:$0x3F93];
	s0 =	simm.s32 @p1 $0x1  }
0x15: {  	[smem:$0x3FB0] =	sst s0;
	s0 =	simm.s32 @!p2 $0x0  }
0x16: {  	s3 =	sld [smem:$0x3FDB];
	s0 =	simm.s32 @p2 $0x1  }
0x17: {  	s4 =	simm.s32 $0x1BF5;
	[smem:$0x3FB2] =	sst s0  }
0x18: {  	s0 =	sld [smem:$0x3F95];
	_ =	swait.ge [sflag:s4], $0x0  }
0x19: {  	s7 =	sld [smem:$0x3F96]  }
0x1a: {  	s8 =	sadd.s32 $0xFFFFE003, lr  }
0x1b: {  	s9 =	sadd.s32 $0xFFFFFEF7, lr;
	s5 =	simm.s32 $0xFFFFFFFF;
	p2 =	slt.u32 s8, $0xFFFFF086  }
0x1c: {  	p1 =	slt.u32 s9, $0xF7A;
	s5 =	simm.s32 @!p2 $0x0  }
0x1d: {  	s5 =	simm.s32 @p1 $0x1;
	p0 =	seq.s32 s7, s2  }
0x1e: {  	s7 =	smul.u32 @!p0 $0xF7A, s2;
	p2 =	seq.s32 @!p0 s5, $0x0  }
0x1f: {  	s9 =	smul.u32 $0xF7A, s1;
	s8 =	simm.s32 @!p0 $0x1BF5;
	p2 =	por !p2, p0  }
0x20: {  	[sflag:s8] =	ssyncset.s32 @!p0 $0xFFFFF086;
	s6 =	sadd.s32 @!p0 s3, s7;
	s7 =	simm.s32 @!p0 $0x108  }
0x21: {  	s3 =	sadd.s32 s3, s9;
	s6 =	sadd.s32 @!p0 $0x88, s6;
	s7 =	simm.s32 @p2 $0x1082  }
0x22: {  	[simem:s7], [sflag:s8] =	dma.local @!p0 [hbm:s6], $0xF7A  }
0x23: {  	s9 =	sor.u32 $0xD0000000, s2;
	s6 =	simm.s32 $0x108;
	_ =	swait.ge @!p0 [sflag:s8], $0x0  }
0x24: {  	s3 =	sadd.s32 $0x88, s3;
	s6 =	simm.s32 @!p1 $0x1082;
	[sflag:s4] =	ssyncset.s32 $0xFFFFF086  }
0x25: {  	[simem:s6], [sflag:s4] =	dma.local [hbm:s3], $0xF7A  }
0x26: {  	[smem:$0x3F96] =	sst s1;
	(tag) =	ssettag s2;
	_ =	strace s9  }
0x27: {  	s1 =	sld [smem:$0x3FA6]  }
0x28: {  	s2 =	sld [smem:$0x3FA7]  }
0x29: {  	s4 =	sld [smem:$0x3FA9]  }
0x2a: {  	p0 =	seq.s32 s5, $0x0;
	s5 =	sld [smem:$0x3FAA]  }
0x2b: {  	s6 =	sld [smem:$0x3FAB]  }
0x2c: {  	s7 =	sld [smem:$0x3FAC]  }
0x2d: {  	s3 =	simm.s32 $0x108;
	s8 =	sld [smem:$0x3FAD]  }
0x2e: {  	s3 =	simm.s32 @!p0 $0x1082;
	s9 =	sld [smem:$0x3FAE]  }
0x2f: {  	lr =	sadd.s32 s0, s3;
	s0 =	sld [smem:$0x3FA5]  }
0x30: {  	s3 =	sld [smem:$0x3FA8]  }
0x31: {  	[smem:$0x3FB1] =	sst s10  }
0x32: {  	s10 =	sld [smem:$0x3FAF];
	_ =	sdelay $0x3  }
0x33: {  	p0 =	seq.s32 s10, $0x1;
	s10 =	sld [smem:$0x3FB1];
	_ =	sdelay $0x3  }
0x34: {  	[smem:$0x3FB1] =	sst s10  }
0x35: {  	s10 =	sld [smem:$0x3FB0];
	_ =	sdelay $0x3  }
0x36: {  	p1 =	seq.s32 s10, $0x1;
	s10 =	sld [smem:$0x3FB1];
	_ =	sdelay $0x3  }
0x37: {  	[smem:$0x3FB1] =	sst s10  }
0x38: {  	s10 =	sld [smem:$0x3FB2]  }
0x39: {  	_ = 	snop;
	(pc) =	sbr.ind lr, $3  }
0x3a: {  	_ = 	snop  }
0x3b: {  	_ = 	snop  }
0x3c: {  	p2 =	seq.s32 s10, $0x1;
	s10 =	sld [smem:$0x3FB1]  }
0x3d: {  	_ =	shalt  }
0x3e: {  	_ =	shalt  }
0x3f: {  	_ =	shalt  }
0x40: {  	_ =	shalt  }
0x41: {  	_ =	shalt  }
0x42: {  	_ =	shalt  }
0x43: {  	_ =	shalt  }
0x44: {  	_ =	shalt  }
0x45: {  	_ =	shalt  }
0x46: {  	_ =	shalt  }
0x47: {  	_ =	shalt  }
0x48: {  	_ =	shalt  }
0x49: {  	_ =	shalt  }
0x4a: {  	_ =	shalt  }
0x4b: {  	_ =	shalt  }
0x4c: {  	_ =	shalt  }
0x4d: {  	_ =	shalt  }
0x4e: {  	_ =	shalt  }
0x4f: {  	_ =	shalt  }
0x50: {  	_ =	shalt  }
0x51: {  	_ =	shalt  }
0x52: {  	_ =	shalt  }
0x53: {  	_ =	shalt  }
0x54: {  	_ =	shalt  }
0x55: {  	_ =	shalt  }
0x56: {  	_ =	shalt  }
0x57: {  	_ =	shalt  }
0x58: {  	_ =	shalt  }
0x59: {  	_ =	shalt  }
0x5a: {  	_ =	shalt  }
0x5b: {  	_ =	shalt  }
0x5c: {  	_ =	shalt  }
0x5d: {  	_ =	shalt  }
0x5e: {  	_ =	shalt  }
0x5f: {  	_ =	shalt  }
0x60: {  	_ =	shalt  }
0x61: {  	_ =	shalt  }
0x62: {  	_ =	shalt  }
0x63: {  	_ =	shalt  }
0x64: {  	_ =	shalt  }
0x65: {  	_ =	shalt  }
0x66: {  	_ =	shalt  }
0x67: {  	_ =	shalt  }
0x68: {  	_ =	shalt  }
0x69: {  	_ =	shalt  }
0x6a: {  	_ =	shalt  }
0x6b: {  	_ =	shalt  }
0x6c: {  	_ =	shalt  }
0x6d: {  	_ =	shalt  }
0x6e: {  	_ =	shalt  }
0x6f: {  	_ =	shalt  }
0x70: {  	_ =	shalt  }
0x71: {  	_ =	shalt  }
0x72: {  	_ =	shalt  }
0x73: {  	_ =	shalt  }
0x74: {  	_ =	shalt  }
0x75: {  	_ =	shalt  }
0x76: {  	_ =	shalt  }
0x77: {  	_ =	shalt  }
0x78: {  	_ =	shalt  }
0x79: {  	_ =	shalt  }
0x7a: {  	_ =	shalt  }
0x7b: {  	_ =	shalt  }
0x7c: {  	_ =	shalt  }
0x7d: {  	_ =	shalt  }
0x7e: {  	_ =	shalt  }
0x7f: {  	_ =	shalt  }
0x80: {  	_ =	shalt  }
0x81: {  	_ =	shalt  }
0x82: {  	_ =	shalt  }
0x83: {  	_ =	shalt  }
0x84: {  	_ =	shalt  }
0x85: {  	_ =	shalt  }
0x86: {  	_ =	shalt  }
0x87: {  	_ =	shalt  }
.Lfunc_end0:
.L_simem_size_0:
called_computation.1_lowered:
.L_overlay_start_0:
0x88: {  	s2 =	sld [smem:$0x3FD9]  }
0x89: {  	s3 =	sld [smem:$0x3FFE];
	_ =	sdelay $0x1  }
0x8a: {  	s1 =	srdreg.scid  }
0x8b: {  	s0 =	sand.u32 $0x1, s1  }
0x8c: {  	s16 =	sshll.u32 s0, $0xA;
	s2 =	sadd.s32 s3, s2  }
0x8d: {  	s2 =	sadd.s32 s2, s16  }
0x8e: {  	[smem:$0x3FBD] =	sst s2  }
0x8f: {  	_ = 	snop  }
0x90: {  	(tm) =	ssettm $0x1  }
0x91: {  	s17 =	sld [smem:$0x3FFB];
	_ =	sdelay $0x3  }
0x92: {  	_ =	strace s17  }
0x93: {  	s2 =	sld [smem:$0x3FFC];
	_ =	sdelay $0x3  }
0x94: {  	_ =	strace s2  }
0x95: {  	s2 =	sld [smem:$0x3FFD];
	_ =	sdelay $0x3  }
0x96: {  	_ =	strace s2  }
0x97: {  	_ =	strace $0x8FFFFFFF  }
0x98: {  	s18 =	sld [smem:$0x3FDB];
	_ =	sdelay $0x1  }
0x99: {  	s19 =	simm.s32 $_scs_section_size  }
0x9a: {  	s4 =	simm.s32 $_size__tile_overlayer_lowered;
	s5 =	simm.s32 $_tile_overlayer_lowered  }
0x9b: {  	s22 =	simm.s32 $0x1BFF;
	s21 =	sshll.u32 s5, $0x1;
	s2 =	sadd.s32 s19, s18  }
0x9c: {  	s6 =	simm.s32 $0x0;
	s20 =	sshll.u32 s4, $0x1;
	s4 =	sadd.s32 s21, s2  }
0x9d: {  	[timem:s6], [sflag:s22] =	dma.local [hbm:s4], s20  }
0x9e: {  	_ =	swait.ge [sflag:s22], s20  }
0x9f: {  	s3 =	ssub.s32 $0x0, s20;
	[sflag:s22] =	ssyncset.done $0x0  }
0xa0: {  	[sflag:s22] =	ssyncadd.s32 s3;
	_ =	sdelay $0x1  }
0xa1: {  	s23 =	simm.s32 $0x1B8B  }
0xa2: {  	_ =	swait.ge [sflag:s23], $0x1  }
0xa3: {  	[sflag:s23] =	ssyncset.done $0x0  }
0xa4: {  	s25 =	simm.s32 $0x1B8E;
	s24 =	sld [smem:$0x3FFE];
	[sflag:s23] =	ssyncadd.s32 $0xFFFFFFFF  }
0xa5: {  	s26 =	simm.s32 $execute0_lowered;
	[smem:$0x3FD2] =	sst s25  }
0xa6: {  	s4 =	sshll.u32 s26, $0x1;
	_ =	strace $0x80000049;
	[dreg:$0x1] =	wrdreg $0xFFFFFFFF  }
0xa7: {  	s28 =	simm.s32 $_size_execute0_lowered;
	s2 =	sadd.s32 s2, s4;
	[dreg:$0x0] =	wrdreg $0x0  }
0xa8: {  	s4 =	sshll.u32 s28, $0x1;
	[dreg:$0x2] =	wrdreg s2  }
0xa9: {  	[dreg:$0x3] =	wrdreg s4  }
0xaa: {  	[dreg:$0x4] =	wrdreg $0xC0  }
0xab: {  	_ =	task [dreg:s6], $0x5FFFF  }
0xac: {  	[dreg:$0x1] =	wrdreg $0xFFFFFFFF  }
0xad: {  	[dreg:$0x0] =	wrdreg $0x60  }
0xae: {  	[dreg:$0x2] =	wrdreg s24  }
0xaf: {  	[dreg:$0x3] =	wrdreg $0x43000  }
0xb0: {  	[dreg:$0x4] =	wrdreg $0x9  }
0xb1: {  	_ =	task.clear_ibuf [dreg:s6], $0x5FFFF;
	_ =	strace $0x90000049  }
0xb2: {  	s29 =	simm.s32 $0x9;
	_ =	strace $0x8000004B  }
0xb3: {  	_ =	swait.ge [sflag:s29], $0x1  }
0xb4: {  	[sflag:s29] =	ssyncadd.s32 $0xFFFFFFFF  }
0xb5: {  	_ =	strace $0x9000004B  }
0xb6: {  	_ =	sfence  }
0xb7: {  	s30 =	sld [smem:$0x0];
	_ =	sdelay $0x2  }
0xb8: {  	s31 =	sshll.u32 s1, $0xD;
	s1 =	sshrl.u32 s1, $0x2  }
0xb9: {  	s3 =	sand.u32 $0x4000, s31;
	s1 =	sadd.s32 s1, s30  }
0xba: {  	s0 =	sor.u32 s3, s0;
	s1 =	sshll.u32 s1, $0x11  }
0xbb: {  	s0 =	sor.u32 s1, s0  }
0xbc: {  	s0 =	sadd.s32 $0x8F2B, s0  }
0xbd: {  	[sflag:s0] =	ssyncadd.remote.s32 $0x1  }
0xbe: {  	_ =	sfence.sel $0xFFFF  }
0xbf: {  	[dreg:$0x0] =	wrdreg $0xFFFFFFFF;
	(pc) =	sbr.abs _section_cstart, $3  }
0xc0: {  	[dreg:$0x1] =	wrdreg $0xFFFFFFFF  }
0xc1: {  	_ =	task.clear_ibuf [dreg:s6], $0x2FFFF;
	_ =	strace $0x9FFFFFFF  }
0xc2: {  	(tm) =	ssettm $0x7FFFFFFF  }
0xc3: {  	_ =	shalt  }
tec
execute0_lowered:
.L_overlay_start_1:
0x0: {  	(tag) =	ssettag $0x1  }
0x1: {  	s0 =	rddreg [dreg:$0x0]  }
0x2: {  	s1 =	rddreg [dreg:$0x1];
	s3 =	simm.s32 $0x0;
	s2 =	srdreg.scid  }
0x3: {  	s13 =	stileid.u32;
	[smem:$0x7FF] =	sst s3  }
0x4: {  	s2 =	sand.u32 $0x1, s2;
	s9 =	smul.u32 $0x5000, s13;
	s4 =	sadd.s32 $0x35200, s0  }
0x5: {  	s5 =	sadd.s32 $0x49200, s0;
	s7 =	smul.u32 $0x50000, s2;
	s6 =	sshll.u32 s2, $0x4  }
0x6: {  	_ =	strace $0x8000004A;
	s2 =	ssub.s32 $0x2, s2;
	s8 =	sor.u32 s13, s6  }
0x7: {  	s6 =	sadd.s32 $0x3F200, s0;
	s11 =	sshrl.u32 s2, $0x1;
	s13 =	smul.u32 $0x14000, s13  }
0x8: {  	s10 =	sadd.s32 s9, s7;
	s7 =	smul.u32 $0x2800, s8;
	s8 =	sadd.s32 $0x3200, s0  }
0x9: {  	s2 =	ssub.s32 s2, s11;
	s9 =	sadd.s32 s9, s1;
	s10 =	sshrl.u32 s10, $0x3  }
0xa: {  	s13 =	sshrl.u32 s13, $0x2;
	s23 =	smax.u32 s2, $0x1;
	s24 =	sshrl.u32 s9, $0x3  }
0xb: {  	s2 =	simm.s32 $0x5;
	s12 =	sshrl.u32 s7, $0x3;
	[dreg:$0x10] =	wrdreg s23  }
0xc: {  	s0 =	sadd.s32 s10, s0;
	[dreg:$0x11] =	wrdreg s24;
	s15 =	sadd.s32 s8, s12  }
0xd: {  	s11 =	sadd.s32 s13, s1;
	s16 =	sadd.s32 s6, s12;
	[dreg:$0x5] =	wrdreg s15  }
0xe: {  	s26 =	sor.u32 $0x80, s7;
	s14 =	sadd.s32 s5, s12;
	[dreg:$0x6] =	wrdreg s16  }
0xf: {  	s28 =	sor.u32 $0x180, s7;
	s0 =	sadd.s32 $0x53200, s0;
	[dreg:$0x3] =	wrdreg s14  }
0x10: {  	s13 =	simm.s32 $0x1300;
	s25 =	sadd.s32 $0x1000, s11;
	[dreg:$0xf] =	wrdreg s0  }
0x11: {  	s30 =	sor.u32 $0x10, s12;
	s29 =	sadd.s32 $0x2000, s11;
	[dreg:$0x12] =	wrdreg s25  }
0x12: {  	s23 =	simm.s32 $0x3;
	s31 =	sadd.s32 s5, s30;
	[dreg:$0x13] =	wrdreg s29  }
0x13: {  	s24 =	simm.s32 $0x4;
	s17 =	sadd.s32 $0x20, s14;
	[dreg:$0x4] =	wrdreg s31  }
0x14: {  	s20 =	sadd.s32 $0x4E0, s12;
	s18 =	sadd.s32 s8, s30;
	[dreg:$0x7] =	wrdreg s17  }
0x15: {  	s22 =	sadd.s32 $0x4F0, s12;
	s10 =	sadd.s32 s6, s30;
	[dreg:$0x8] =	wrdreg s18  }
0x16: {  	s19 =	sadd.s32 $0x30, s14;
	s21 =	sadd.s32 s8, s20;
	[dreg:$0x9] =	wrdreg s10  }
0x17: {  	s12 =	sadd.s32 s8, s22;
	s30 =	sadd.s32 $0x3000, s11;
	[dreg:$0xa] =	wrdreg s19  }
0x18: {  	s14 =	simm.s32 $0x2300;
	s15 =	simm.s32 $0x1;
	[dreg:$0xb] =	wrdreg s21  }
0x19: {  	s16 =	simm.s32 $0x200;
	s25 =	simm.s32 $0x0;
	[dreg:$0xd] =	wrdreg s12  }
0x1a: {  	s18 =	sor.u32 $0x100, s7;
	s10 =	sadd.s32 s6, s20;
	[dreg:$0x14] =	wrdreg s30  }
0x1b: {  	s31 =	sadd.s32 $0x4000, s11;
	s12 =	simm.s32 $0x300;
	s17 =	simm.s32 $0x100  }
0x1c: {  	s19 =	simm.s32 $0x2;
	s20 =	simm.s32 $0x280;
	[dreg:$0xc] =	wrdreg s10  }
0x1d: {  	s21 =	simm.s32 $0x180;
	s10 =	sadd.s32 s6, s22;
	[dreg:$0x15] =	wrdreg s31  }
0x1e: {  	v0 =	vimm.f32 $0.0e+00;
	s22 =	simm.s32 $0x3300;
	[dreg:$0xe] =	wrdreg s10;
	s10 =	simm.s32 $0x80  }
.LBB2_1:
0x1f: {  	s0 =	simm.s32 $0x80;
	s9 =	simm.s32 $0x0  }
.LBB2_2:
0x20: {  	p0 =	sne.s32 s0, $0x3F80;
	[tilespmem:s9+$0x2300] =	vst v0;
	s29 =	smov.u32 s0;
	s0 =	sadd.s32 $0x80, s0  }
.Ltmp0:
0x21: {  	[tilespmem:s9+$0x2310] =	vst v0;
	(pc) =	sbr.rel @p0 .LBB2_2-.Ltmp0, $2  }
0x22: {  	_ =	sdelay $0x2  }
0x23: {  	s9 =	sshra.s32 s29, $0x2  }
0x24: {  	[tilespmem:s9+$0x2300] =	vst v0  }
0x25: {  	[tilespmem:s9+$0x2310] =	vst v0;
	s0 =	simm.s32 $0x0;
	s31 =	rddreg [dreg:$0x3]  }
0x26: {  	[tilespmem:s0], [sflag:$0x5] =	stream.linear.gather [hbm4b:s31+s0], $0x80, $0x38;
	[tilespmem:$0x9300] =	vst v63  }
0x27: {  	_ =	swait.ge [sflag:s2], $0x80  }
0x28: {  	[sflag:s2] =	ssyncset.done $0x0  }
0x29: {  	[sflag:s2] =	ssyncadd.s32 $0xFFFFFF80  }
0x2a: {  	[tilespmem:s12], [sflag:$0x1] =	stream.indirect.gather [hbm4b:s4+s10], $0x20, s0, s10, $0xb8;
	[tilespmem:$0x9300] =	vst v63  }
0x2b: {  	s31 =	rddreg [dreg:$0x4]  }
0x2c: {  	[tilespmem:s10], [sflag:$0x5] =	stream.linear.gather [hbm4b:s31+s0], $0x80, $0x38;
	[tilespmem:$0x9300] =	vst v63  }
0x2d: {  	_ =	swait.ge [sflag:s2], $0x80  }
0x2e: {  	[sflag:s2] =	ssyncset.done $0x0  }
0x2f: {  	[sflag:s2] =	ssyncadd.s32 $0xFFFFFF80  }
0x30: {  	[tilespmem:s13], [sflag:$0x2] =	stream.indirect.gather [hbm4b:s4+s10], $0x20, s10, s10, $0xb8;
	[tilespmem:$0x9300] =	vst v63  }
0x31: {  	_ = 	snop  }
0x32: {  	[spmem:s11] =	stream.linear.scatter [tilespmem:s14], [sflag:$0x5], $0x1000, $0x38;
	[tilespmem:$0x9300] =	vst v63  }
0x33: {  	_ =	swait.ge [sflag:s2], $0x1000  }
0x34: {  	[sflag:s2] =	ssyncset.done $0x0  }
0x35: {  	s31 =	rddreg [dreg:$0x12];
	[sflag:s2] =	ssyncadd.s32 $0xFFFFF000  }
0x36: {  	[spmem:s31] =	stream.linear.scatter [tilespmem:s14], [sflag:$0x5], $0x1000, $0x38;
	[tilespmem:$0x9300] =	vst v63  }
0x37: {  	_ =	swait.ge [sflag:s2], $0x1000  }
0x38: {  	[sflag:s2] =	ssyncset.done $0x0  }
0x39: {  	s31 =	rddreg [dreg:$0x13];
	[sflag:s2] =	ssyncadd.s32 $0xFFFFF000  }
0x3a: {  	[spmem:s31] =	stream.linear.scatter [tilespmem:s14], [sflag:$0x5], $0x1000, $0x38;
	[tilespmem:$0x9300] =	vst v63  }
0x3b: {  	_ =	swait.ge [sflag:s2], $0x1000  }
0x3c: {  	[sflag:s2] =	ssyncset.done $0x0  }
0x3d: {  	s31 =	rddreg [dreg:$0x14];
	[sflag:s2] =	ssyncadd.s32 $0xFFFFF000  }
0x3e: {  	[spmem:s31] =	stream.linear.scatter [tilespmem:s14], [sflag:$0x5], $0x1000, $0x38;
	[tilespmem:$0x9300] =	vst v63  }
0x3f: {  	_ =	swait.ge [sflag:s2], $0x1000  }
0x40: {  	[sflag:s2] =	ssyncset.done $0x0  }
0x41: {  	s31 =	rddreg [dreg:$0x15];
	[sflag:s2] =	ssyncadd.s32 $0xFFFFF000  }
0x42: {  	[spmem:s31] =	stream.linear.scatter [tilespmem:s14], [sflag:$0x5], $0x1000, $0x38;
	[tilespmem:$0x9300] =	vst v63  }
0x43: {  	_ =	swait.ge [sflag:s2], $0x1000  }
0x44: {  	[sflag:s2] =	ssyncset.done $0x0  }
0x45: {  	[sflag:s2] =	ssyncadd.s32 $0xFFFFF000  }
0x46: {  	[bflag:$0x0] =	sbarrier.arrive $0xFFFF  }
0x47: {  	_ =	swait.ge [sflag:s15], $0x1000  }
0x48: {  	[sflag:s15] =	ssyncset.done $0x0  }
0x49: {  	s31 =	rddreg [dreg:$0x5];
	[sflag:s15] =	ssyncadd.s32 $0xFFFFF000  }
0x4a: {  	[tilespmem:s16], [sflag:$0x5] =	stream.linear.gather [hbm4b:s31+s0], $0x80, $0x38;
	[tilespmem:$0x9300] =	vst v63  }
0x4b: {  	_ =	swait.ge [sflag:s2], $0x80  }
0x4c: {  	[sflag:s2] =	ssyncset.done $0x0  }
0x4d: {  	v1 =	vmov s0;
	s31 =	rddreg [dreg:$0x6];
	[sflag:s2] =	ssyncadd.s32 $0xFFFFFF80  }
0x4e: {  	[tilespmem:s17], [sflag:$0x5] =	stream.linear.gather [hbm4b:s31+s0], $0x80, $0x38;
	[tilespmem:$0x9300] =	vst v63  }
0x4f: {  	_ =	swait.ge [sflag:s2], $0x80  }
0x50: {  	[sflag:s2] =	ssyncset.done $0x0  }
0x51: {  	[sflag:s2] =	ssyncadd.s32 $0xFFFFFF80  }
0x52: {  	s29 =	simm.s32 $0x310;
	v1 =	vld.idx.msk [tilespmem:v1+s16+$0x0], $0xffff  }
0x53: {  	v2 =	vld [tilespmem:s29+$0xFFFFFFF0];
	_ =	sdelay $0x4  }
0x54: {  	v2 =	vmul.f32 v2, v1  }
0x55: {  	s30 =	simm.s32 $0x2310  }
0x56: {  	[tilespmem:s30+$0xFFFFFFF0] =	vst v2  }
0x57: {  	v3 =	vld [tilespmem:s29+$0x0];
	_ =	sdelay $0x1  }
0x58: {  	s31 =	simm.s32 $0x1  }
0x59: {  	s0 =	simm.s32 $0x2;
	v2 =	vmov s31  }
.LBB2_4:
0x5a: {  	p0 =	sne.s32 s0, $0x7F  }
0x5b: {  	v1 =	vmul.f32 v3, v1;
	_ =	sdelay $0x1  }
0x5c: {  	[tilespmem:s30+$0x0] =	vst v1  }
0x5d: {  	s29 =	sadd.s32 $0x20, s29;
	v1 =	vld.idx.msk [tilespmem:v2+s16+$0x0], $0xffff  }
0x5e: {  	v2 =	vld [tilespmem:s29+$0xFFFFFFF0];
	_ =	sdelay $0x4  }
0x5f: {  	v2 =	vmul.f32 v2, v1  }
0x60: {  	s30 =	sadd.s32 $0x20, s30  }
.Ltmp1:
0x61: {  	[tilespmem:s30+$0xFFFFFFF0] =	vst v2;
	(pc) =	sbr.rel @p0 .LBB2_4-.Ltmp1, $2  }
0x62: {  	v3 =	vld [tilespmem:s29+$0x0];
	_ =	sdelay $0x2  }
0x63: {  	v2 =	vmov s0;
	s0 =	sadd.s32 $0x1, s0  }
0x64: {  	_ = 	snop  }
0x65: {  	v1 =	vmul.f32 v3, v1;
	_ =	sdelay $0x1  }
0x66: {  	[tilespmem:s30+$0x0] =	vst v1  }
0x67: {  	s0 =	sadd.s32 $0x20, s29;
	v1 =	vld.idx.msk [tilespmem:v2+s16+$0x0], $0xffff  }
0x68: {  	v2 =	vld [tilespmem:s0+$0xFFFFFFF0];
	_ =	sdelay $0x4  }
0x69: {  	v2 =	vmul.f32 v2, v1  }
0x6a: {  	s9 =	sadd.s32 $0x20, s30  }
0x6b: {  	[tilespmem:s9+$0xFFFFFFF0] =	vst v2  }
0x6c: {  	v2 =	vld [tilespmem:s0+$0x0];
	_ =	sdelay $0x4  }
0x6d: {  	v1 =	vmul.f32 v2, v1;
	_ =	sdelay $0x1  }
0x6e: {  	[tilespmem:s9+$0x0] =	vst v1  }
0x6f: {  	[spmem:s1] =	stream.indirect.scatter.add.f32 [tilespmem:s14], [sflag:$0x3], $0x20, s17, s10, $0xb8;
	[tilespmem:$0x9300] =	vst v63  }
0x70: {  	s31 =	rddreg [dreg:$0x7];
	s0 =	simm.s32 $0x0  }
0x71: {  	[tilespmem:s0], [sflag:$0x5] =	stream.linear.gather [hbm4b:s31+s0], $0x80, $0x38;
	[tilespmem:$0x9300] =	vst v63  }
0x72: {  	_ =	swait.ge [sflag:s2], $0x80  }
0x73: {  	[sflag:s2] =	ssyncset.done $0x0  }
0x74: {  	[sflag:s2] =	ssyncadd.s32 $0xFFFFFF80  }
0x75: {  	[tilespmem:s12], [sflag:$0x1] =	stream.indirect.gather [hbm4b:s4+s10], $0x20, s0, s10, $0xb8;
	[tilespmem:$0x9300] =	vst v63  }
0x76: {  	_ =	swait.ge [sflag:s19], $0x1000  }
0x77: {  	[sflag:s19] =	ssyncset.done $0x0  }
0x78: {  	s31 =	rddreg [dreg:$0x8];
	[sflag:s19] =	ssyncadd.s32 $0xFFFFF000  }
0x79: {  	[tilespmem:s20], [sflag:$0x5] =	stream.linear.gather [hbm4b:s31+s0], $0x80, $0x38;
	[tilespmem:$0x9300] =	vst v63  }
0x7a: {  	_ =	swait.ge [sflag:s2], $0x80  }
0x7b: {  	[sflag:s2] =	ssyncset.done $0x0  }
0x7c: {  	v1 =	vmov s0;
	s31 =	rddreg [dreg:$0x9];
	[sflag:s2] =	ssyncadd.s32 $0xFFFFFF80  }
0x7d: {  	[tilespmem:s21], [sflag:$0x5] =	stream.linear.gather [hbm4b:s31+s0], $0x80, $0x38;
	[tilespmem:$0x9300] =	vst v63  }
0x7e: {  	_ =	swait.ge [sflag:s2], $0x80  }
0x7f: {  	[sflag:s2] =	ssyncset.done $0x0  }
0x80: {  	[sflag:s2] =	ssyncadd.s32 $0xFFFFFF80  }
0x81: {  	s29 =	simm.s32 $0x1310;
	v1 =	vld.idx.msk [tilespmem:v1+s20+$0x0], $0xffff  }
0x82: {  	v2 =	vld [tilespmem:s29+$0xFFFFFFF0];
	_ =	sdelay $0x4  }
0x83: {  	v2 =	vmul.f32 v2, v1  }
0x84: {  	s30 =	simm.s32 $0x3310  }
0x85: {  	[tilespmem:s30+$0xFFFFFFF0] =	vst v2  }
0x86: {  	v3 =	vld [tilespmem:s29+$0x0];
	_ =	sdelay $0x1  }
0x87: {  	s31 =	simm.s32 $0x1  }
0x88: {  	s0 =	simm.s32 $0x2;
	v2 =	vmov s31  }
.LBB2_6:
0x89: {  	p0 =	sne.s32 s0, $0x7F  }
0x8a: {  	v1 =	vmul.f32 v3, v1;
	_ =	sdelay $0x1  }
0x8b: {  	[tilespmem:s30+$0x0] =	vst v1  }
0x8c: {  	s29 =	sadd.s32 $0x20, s29;
	v1 =	vld.idx.msk [tilespmem:v2+s20+$0x0], $0xffff  }
0x8d: {  	v2 =	vld [tilespmem:s29+$0xFFFFFFF0];
	_ =	sdelay $0x4  }
0x8e: {  	v2 =	vmul.f32 v2, v1  }
0x8f: {  	s30 =	sadd.s32 $0x20, s30  }
.Ltmp2:
0x90: {  	[tilespmem:s30+$0xFFFFFFF0] =	vst v2;
	(pc) =	sbr.rel @p0 .LBB2_6-.Ltmp2, $2  }
0x91: {  	v3 =	vld [tilespmem:s29+$0x0];
	_ =	sdelay $0x2  }
0x92: {  	v2 =	vmov s0;
	s0 =	sadd.s32 $0x1, s0  }
0x93: {  	_ = 	snop  }
0x94: {  	v1 =	vmul.f32 v3, v1;
	_ =	sdelay $0x1  }
0x95: {  	[tilespmem:s30+$0x0] =	vst v1  }
0x96: {  	s0 =	sadd.s32 $0x20, s29;
	v1 =	vld.idx.msk [tilespmem:v2+s20+$0x0], $0xffff  }
0x97: {  	v2 =	vld [tilespmem:s0+$0xFFFFFFF0];
	_ =	sdelay $0x4  }
0x98: {  	v2 =	vmul.f32 v2, v1  }
0x99: {  	s9 =	sadd.s32 $0x20, s30  }
0x9a: {  	[tilespmem:s9+$0xFFFFFFF0] =	vst v2  }
0x9b: {  	v2 =	vld [tilespmem:s0+$0x0];
	_ =	sdelay $0x4  }
0x9c: {  	v1 =	vmul.f32 v2, v1;
	_ =	sdelay $0x1  }
0x9d: {  	[tilespmem:s9+$0x0] =	vst v1  }
0x9e: {  	[spmem:s1] =	stream.indirect.scatter.add.f32 [tilespmem:s22], [sflag:$0x4], $0x20, s21, s10, $0xb8;
	[tilespmem:$0x9300] =	vst v63  }
0x9f: {  	s31 =	rddreg [dreg:$0xa]  }
0xa0: {  	[tilespmem:s10], [sflag:$0x5] =	stream.linear.gather [hbm4b:s31+s3], $0x80, $0x38;
	[tilespmem:$0x9300] =	vst v63  }
0xa1: {  	_ =	swait.ge [sflag:s2], $0x80  }
0xa2: {  	[sflag:s2] =	ssyncset.done $0x0  }
0xa3: {  	s29 =	simm.s32 $0x1;
	[sflag:s2] =	ssyncadd.s32 $0xFFFFFF80  }
0xa4: {  	[tilespmem:s13], [sflag:$0x2] =	stream.indirect.gather [hbm4b:s4+s10], $0x20, s10, s10, $0xb8;
	[tilespmem:$0x9300] =	vst v63  }
.LBB2_8:
0xa5: {  	_ =	swait.ge [sflag:s15], $0x1000  }
0xa6: {  	[sflag:s15] =	ssyncset.done $0x0  }
0xa7: {  	s30 =	sshll.u32 s29, $0x8;
	[sflag:s15] =	ssyncadd.s32 $0xFFFFF000  }
0xa8: {  	s0 =	sadd.s32 s7, s30;
	_ =	swait.ge [sflag:s23], $0x1000  }
0xa9: {  	s0 =	sshrl.u32 s0, $0x3;
	[sflag:s23] =	ssyncset.done $0x0  }
0xaa: {  	s31 =	simm.s32 $0x0;
	s9 =	sadd.s32 s8, s0;
	[sflag:s23] =	ssyncadd.s32 $0xFFFFF000  }
0xab: {  	[tilespmem:s16], [sflag:$0x5] =	stream.linear.gather [hbm4b:s9+s31], $0x80, $0x38;
	[tilespmem:$0x9300] =	vst v63  }
0xac: {  	_ =	swait.ge [sflag:s2], $0x80  }
0xad: {  	[sflag:s2] =	ssyncset.done $0x0  }
0xae: {  	v1 =	vmov s31;
	s0 =	sadd.s32 s6, s0;
	[sflag:s2] =	ssyncadd.s32 $0xFFFFFF80  }
0xaf: {  	[tilespmem:s17], [sflag:$0x5] =	stream.linear.gather [hbm4b:s0+s31], $0x80, $0x38;
	[tilespmem:$0x9300] =	vst v63  }
0xb0: {  	_ =	swait.ge [sflag:s2], $0x80  }
0xb1: {  	[sflag:s2] =	ssyncset.done $0x0  }
0xb2: {  	[sflag:s2] =	ssyncadd.s32 $0xFFFFFF80  }
0xb3: {  	s31 =	simm.s32 $0x310;
	v1 =	vld.idx.msk [tilespmem:v1+s16+$0x0], $0xffff  }
0xb4: {  	v2 =	vld [tilespmem:s31+$0xFFFFFFF0];
	_ =	sdelay $0x4  }
0xb5: {  	v2 =	vmul.f32 v2, v1  }
0xb6: {  	s0 =	simm.s32 $0x2310  }
0xb7: {  	[tilespmem:s0+$0xFFFFFFF0] =	vst v2  }
0xb8: {  	v3 =	vld [tilespmem:s31+$0x0];
	_ =	sdelay $0x1  }
0xb9: {  	s9 =	simm.s32 $0x1  }
0xba: {  	v2 =	vmov s9;
	s9 =	simm.s32 $0x2  }
.LBB2_9:
0xbb: {  	p0 =	sne.s32 s9, $0x7F  }
0xbc: {  	v1 =	vmul.f32 v3, v1;
	_ =	sdelay $0x1  }
0xbd: {  	[tilespmem:s0+$0x0] =	vst v1  }
0xbe: {  	s31 =	sadd.s32 $0x20, s31;
	v1 =	vld.idx.msk [tilespmem:v2+s16+$0x0], $0xffff  }
0xbf: {  	v2 =	vld [tilespmem:s31+$0xFFFFFFF0];
	_ =	sdelay $0x4  }
0xc0: {  	v2 =	vmul.f32 v2, v1  }
0xc1: {  	s0 =	sadd.s32 $0x20, s0  }
.Ltmp3:
0xc2: {  	[tilespmem:s0+$0xFFFFFFF0] =	vst v2;
	(pc) =	sbr.rel @p0 .LBB2_9-.Ltmp3, $2  }
0xc3: {  	v3 =	vld [tilespmem:s31+$0x0];
	_ =	sdelay $0x2  }
0xc4: {  	v2 =	vmov s9;
	s9 =	sadd.s32 $0x1, s9  }
0xc5: {  	_ = 	snop  }
0xc6: {  	v1 =	vmul.f32 v3, v1;
	_ =	sdelay $0x1  }
0xc7: {  	[tilespmem:s0+$0x0] =	vst v1  }
0xc8: {  	s9 =	sadd.s32 $0x20, s31;
	v1 =	vld.idx.msk [tilespmem:v2+s16+$0x0], $0xffff  }
0xc9: {  	v2 =	vld [tilespmem:s9+$0xFFFFFFF0];
	_ =	sdelay $0x4  }
0xca: {  	v2 =	vmul.f32 v2, v1  }
0xcb: {  	s0 =	sadd.s32 $0x20, s0  }
0xcc: {  	[tilespmem:s0+$0xFFFFFFF0] =	vst v2  }
0xcd: {  	v2 =	vld [tilespmem:s9+$0x0];
	_ =	sdelay $0x4  }
0xce: {  	v1 =	vmul.f32 v2, v1  }
0xcf: {  	s9 =	sadd.s32 s30, s18  }
0xd0: {  	[tilespmem:s0+$0x0] =	vst v1;
	s0 =	sshrl.u32 s9, $0x3  }
0xd1: {  	[spmem:s1] =	stream.indirect.scatter.add.f32 [tilespmem:s14], [sflag:$0x3], $0x20, s17, s10, $0xb8;
	[tilespmem:$0x9300] =	vst v63  }
0xd2: {  	s9 =	simm.s32 $0x0;
	s0 =	sadd.s32 s5, s0  }
0xd3: {  	[tilespmem:s9], [sflag:$0x5] =	stream.linear.gather [hbm4b:s0+s9], $0x80, $0x38;
	[tilespmem:$0x9300] =	vst v63  }
0xd4: {  	_ =	swait.ge [sflag:s2], $0x80  }
0xd5: {  	[sflag:s2] =	ssyncset.done $0x0  }
0xd6: {  	[sflag:s2] =	ssyncadd.s32 $0xFFFFFF80  }
0xd7: {  	[tilespmem:s12], [sflag:$0x1] =	stream.indirect.gather [hbm4b:s4+s10], $0x20, s9, s10, $0xb8;
	[tilespmem:$0x9300] =	vst v63  }
0xd8: {  	_ =	swait.ge [sflag:s19], $0x1000  }
0xd9: {  	[sflag:s19] =	ssyncset.done $0x0  }
0xda: {  	[sflag:s19] =	ssyncadd.s32 $0xFFFFF000  }
0xdb: {  	s0 =	sadd.s32 s30, s26;
	_ =	swait.ge [sflag:s24], $0x1000  }
0xdc: {  	s0 =	sshrl.u32 s0, $0x3;
	[sflag:s24] =	ssyncset.done $0x0  }
0xdd: {  	s31 =	sadd.s32 s8, s0;
	[sflag:s24] =	ssyncadd.s32 $0xFFFFF000  }
0xde: {  	[tilespmem:s20], [sflag:$0x5] =	stream.linear.gather [hbm4b:s31+s9], $0x80, $0x38;
	[tilespmem:$0x9300] =	vst v63  }
0xdf: {  	_ =	swait.ge [sflag:s2], $0x80  }
0xe0: {  	[sflag:s2] =	ssyncset.done $0x0  }
0xe1: {  	v1 =	vmov s9;
	s0 =	sadd.s32 s6, s0;
	[sflag:s2] =	ssyncadd.s32 $0xFFFFFF80  }
0xe2: {  	[tilespmem:s21], [sflag:$0x5] =	stream.linear.gather [hbm4b:s0+s9], $0x80, $0x38;
	[tilespmem:$0x9300] =	vst v63  }
0xe3: {  	_ =	swait.ge [sflag:s2], $0x80  }
0xe4: {  	[sflag:s2] =	ssyncset.done $0x0  }
0xe5: {  	[sflag:s2] =	ssyncadd.s32 $0xFFFFFF80  }
0xe6: {  	s31 =	simm.s32 $0x1310;
	v1 =	vld.idx.msk [tilespmem:v1+s20+$0x0], $0xffff  }
0xe7: {  	v2 =	vld [tilespmem:s31+$0xFFFFFFF0];
	_ =	sdelay $0x4  }
0xe8: {  	v2 =	vmul.f32 v2, v1  }
0xe9: {  	s0 =	simm.s32 $0x3310  }
0xea: {  	[tilespmem:s0+$0xFFFFFFF0] =	vst v2  }
0xeb: {  	v3 =	vld [tilespmem:s31+$0x0];
	_ =	sdelay $0x1  }
0xec: {  	s9 =	simm.s32 $0x1  }
0xed: {  	v2 =	vmov s9;
	s9 =	simm.s32 $0x2  }
.LBB2_11:
0xee: {  	p0 =	sne.s32 s9, $0x7F  }
0xef: {  	v1 =	vmul.f32 v3, v1;
	_ =	sdelay $0x1  }
0xf0: {  	[tilespmem:s0+$0x0] =	vst v1  }
0xf1: {  	s31 =	sadd.s32 $0x20, s31;
	v1 =	vld.idx.msk [tilespmem:v2+s20+$0x0], $0xffff  }
0xf2: {  	v2 =	vld [tilespmem:s31+$0xFFFFFFF0];
	_ =	sdelay $0x4  }
0xf3: {  	v2 =	vmul.f32 v2, v1  }
0xf4: {  	s0 =	sadd.s32 $0x20, s0  }
.Ltmp4:
0xf5: {  	[tilespmem:s0+$0xFFFFFFF0] =	vst v2;
	(pc) =	sbr.rel @p0 .LBB2_11-.Ltmp4, $2  }
0xf6: {  	v3 =	vld [tilespmem:s31+$0x0];
	_ =	sdelay $0x2  }
0xf7: {  	v2 =	vmov s9;
	s9 =	sadd.s32 $0x1, s9  }
0xf8: {  	_ = 	snop  }
0xf9: {  	v1 =	vmul.f32 v3, v1;
	_ =	sdelay $0x1  }
0xfa: {  	[tilespmem:s0+$0x0] =	vst v1  }
0xfb: {  	s9 =	sadd.s32 $0x20, s31;
	v1 =	vld.idx.msk [tilespmem:v2+s20+$0x0], $0xffff  }
0xfc: {  	v2 =	vld [tilespmem:s9+$0xFFFFFFF0];
	_ =	sdelay $0x4  }
0xfd: {  	v2 =	vmul.f32 v2, v1  }
0xfe: {  	s31 =	sadd.s32 $0x20, s0  }
0xff: {  	[tilespmem:s31+$0xFFFFFFF0] =	vst v2  }
0x100: {  	v2 =	vld [tilespmem:s9+$0x0];
	_ =	sdelay $0x4  }
0x101: {  	v1 =	vmul.f32 v2, v1;
	_ =	sdelay $0x1  }
0x102: {  	[tilespmem:s31+$0x0] =	vst v1;
	s31 =	sadd.s32 s30, s28  }
0x103: {  	[spmem:s1] =	stream.indirect.scatter.add.f32 [tilespmem:s22], [sflag:$0x4], $0x20, s21, s10, $0xb8;
	[tilespmem:$0x9300] =	vst v63  }
0x104: {  	s29 =	sadd.s32 $0x1, s29;
	s0 =	sshrl.u32 s31, $0x3  }
0x105: {  	p0 =	sne.s32 s29, $0x27;
	s0 =	sadd.s32 s5, s0  }
0x106: {  	[tilespmem:s10], [sflag:$0x5] =	stream.linear.gather [hbm4b:s0+s3], $0x80, $0x38;
	[tilespmem:$0x9300] =	vst v63  }
.Ltmp5:
0x107: {  	_ = 	snop;
	(pc) =	sbr.rel @p0 .LBB2_8-.Ltmp5, $4  }
0x108: {  	_ =	swait.ge [sflag:s2], $0x80  }
0x109: {  	[sflag:s2] =	ssyncset.done $0x0  }
0x10a: {  	[sflag:s2] =	ssyncadd.s32 $0xFFFFFF80  }
0x10b: {  	[tilespmem:s13], [sflag:$0x2] =	stream.indirect.gather [hbm4b:s4+s10], $0x20, s10, s10, $0xb8;
	[tilespmem:$0x9300] =	vst v63  }
0x10c: {  	_ =	swait.ge [sflag:s15], $0x1000  }
0x10d: {  	[sflag:s15] =	ssyncset.done $0x0  }
0x10e: {  	[sflag:s15] =	ssyncadd.s32 $0xFFFFF000  }
0x10f: {  	_ =	swait.ge [sflag:s23], $0x1000  }
0x110: {  	[sflag:s23] =	ssyncset.done $0x0  }
0x111: {  	s0 =	simm.s32 $0x0;
	s9 =	rddreg [dreg:$0xb];
	[sflag:s23] =	ssyncadd.s32 $0xFFFFF000  }
0x112: {  	[tilespmem:s16], [sflag:$0x5] =	stream.linear.gather [hbm4b:s9+s0], $0x80, $0x38;
	[tilespmem:$0x9300] =	vst v63  }
0x113: {  	_ =	swait.ge [sflag:s2], $0x80  }
0x114: {  	[sflag:s2] =	ssyncset.done $0x0  }
0x115: {  	v1 =	vmov s0;
	s30 =	rddreg [dreg:$0xc];
	[sflag:s2] =	ssyncadd.s32 $0xFFFFFF80  }
0x116: {  	[tilespmem:s17], [sflag:$0x5] =	stream.linear.gather [hbm4b:s30+s0], $0x80, $0x38;
	[tilespmem:$0x9300] =	vst v63  }
0x117: {  	_ =	swait.ge [sflag:s2], $0x80  }
0x118: {  	[sflag:s2] =	ssyncset.done $0x0  }
0x119: {  	[sflag:s2] =	ssyncadd.s32 $0xFFFFFF80  }
0x11a: {  	s29 =	simm.s32 $0x310;
	v1 =	vld.idx.msk [tilespmem:v1+s16+$0x0], $0xffff  }
0x11b: {  	v2 =	vld [tilespmem:s29+$0xFFFFFFF0];
	_ =	sdelay $0x4  }
0x11c: {  	v2 =	vmul.f32 v2, v1  }
0x11d: {  	s0 =	simm.s32 $0x2310  }
0x11e: {  	[tilespmem:s0+$0xFFFFFFF0] =	vst v2  }
0x11f: {  	v3 =	vld [tilespmem:s29+$0x0];
	_ =	sdelay $0x1  }
0x120: {  	s31 =	simm.s32 $0x1  }
0x121: {  	s9 =	simm.s32 $0x2;
	v2 =	vmov s31  }
.LBB2_14:
0x122: {  	p0 =	sne.s32 s9, $0x7F  }
0x123: {  	v1 =	vmul.f32 v3, v1;
	_ =	sdelay $0x1  }
0x124: {  	[tilespmem:s0+$0x0] =	vst v1  }
0x125: {  	s29 =	sadd.s32 $0x20, s29;
	v1 =	vld.idx.msk [tilespmem:v2+s16+$0x0], $0xffff  }
0x126: {  	v2 =	vld [tilespmem:s29+$0xFFFFFFF0];
	_ =	sdelay $0x4  }
0x127: {  	v2 =	vmul.f32 v2, v1  }
0x128: {  	s0 =	sadd.s32 $0x20, s0  }
.Ltmp6:
0x129: {  	[tilespmem:s0+$0xFFFFFFF0] =	vst v2;
	(pc) =	sbr.rel @p0 .LBB2_14-.Ltmp6, $2  }
0x12a: {  	v3 =	vld [tilespmem:s29+$0x0];
	_ =	sdelay $0x2  }
0x12b: {  	v2 =	vmov s9;
	s9 =	sadd.s32 $0x1, s9  }
0x12c: {  	_ = 	snop  }
0x12d: {  	v1 =	vmul.f32 v3, v1;
	_ =	sdelay $0x1  }
0x12e: {  	[tilespmem:s0+$0x0] =	vst v1  }
0x12f: {  	s9 =	sadd.s32 $0x20, s29;
	v1 =	vld.idx.msk [tilespmem:v2+s16+$0x0], $0xffff  }
0x130: {  	v2 =	vld [tilespmem:s9+$0xFFFFFFF0];
	_ =	sdelay $0x4  }
0x131: {  	v2 =	vmul.f32 v2, v1  }
0x132: {  	s30 =	sadd.s32 $0x20, s0  }
0x133: {  	[tilespmem:s30+$0xFFFFFFF0] =	vst v2  }
0x134: {  	v2 =	vld [tilespmem:s9+$0x0];
	_ =	sdelay $0x4  }
0x135: {  	v1 =	vmul.f32 v2, v1;
	_ =	sdelay $0x1  }
0x136: {  	[tilespmem:s30+$0x0] =	vst v1  }
0x137: {  	[spmem:s1] =	stream.indirect.scatter.add.f32 [tilespmem:s14], [sflag:$0x3], $0x20, s17, s10, $0xb8;
	[tilespmem:$0x9300] =	vst v63  }
0x138: {  	_ =	swait.ge [sflag:s19], $0x1000  }
0x139: {  	[sflag:s19] =	ssyncset.done $0x0  }
0x13a: {  	[sflag:s19] =	ssyncadd.s32 $0xFFFFF000  }
0x13b: {  	_ =	swait.ge [sflag:s24], $0x1000  }
0x13c: {  	[sflag:s24] =	ssyncset.done $0x0  }
0x13d: {  	s0 =	simm.s32 $0x0;
	s31 =	rddreg [dreg:$0xd];
	[sflag:s24] =	ssyncadd.s32 $0xFFFFF000  }
0x13e: {  	[tilespmem:s20], [sflag:$0x5] =	stream.linear.gather [hbm4b:s31+s0], $0x80, $0x38;
	[tilespmem:$0x9300] =	vst v63  }
0x13f: {  	_ =	swait.ge [sflag:s2], $0x80  }
0x140: {  	[sflag:s2] =	ssyncset.done $0x0  }
0x141: {  	v1 =	vmov s0;
	s30 =	rddreg [dreg:$0xe];
	[sflag:s2] =	ssyncadd.s32 $0xFFFFFF80  }
0x142: {  	[tilespmem:s21], [sflag:$0x5] =	stream.linear.gather [hbm4b:s30+s0], $0x80, $0x38;
	[tilespmem:$0x9300] =	vst v63  }
0x143: {  	_ =	swait.ge [sflag:s2], $0x80  }
0x144: {  	[sflag:s2] =	ssyncset.done $0x0  }
0x145: {  	[sflag:s2] =	ssyncadd.s32 $0xFFFFFF80  }
0x146: {  	s29 =	simm.s32 $0x1310;
	v1 =	vld.idx.msk [tilespmem:v1+s20+$0x0], $0xffff  }
0x147: {  	v2 =	vld [tilespmem:s29+$0xFFFFFFF0];
	_ =	sdelay $0x4  }
0x148: {  	v2 =	vmul.f32 v2, v1  }
0x149: {  	s0 =	simm.s32 $0x3310  }
0x14a: {  	[tilespmem:s0+$0xFFFFFFF0] =	vst v2  }
0x14b: {  	v3 =	vld [tilespmem:s29+$0x0];
	_ =	sdelay $0x1  }
0x14c: {  	s31 =	simm.s32 $0x1  }
0x14d: {  	s9 =	simm.s32 $0x2;
	v2 =	vmov s31  }
.LBB2_16:
0x14e: {  	p0 =	sne.s32 s9, $0x7F  }
0x14f: {  	v1 =	vmul.f32 v3, v1;
	_ =	sdelay $0x1  }
0x150: {  	[tilespmem:s0+$0x0] =	vst v1  }
0x151: {  	s29 =	sadd.s32 $0x20, s29;
	v1 =	vld.idx.msk [tilespmem:v2+s20+$0x0], $0xffff  }
0x152: {  	v2 =	vld [tilespmem:s29+$0xFFFFFFF0];
	_ =	sdelay $0x4  }
0x153: {  	v2 =	vmul.f32 v2, v1  }
0x154: {  	s0 =	sadd.s32 $0x20, s0  }
.Ltmp7:
0x155: {  	[tilespmem:s0+$0xFFFFFFF0] =	vst v2;
	(pc) =	sbr.rel @p0 .LBB2_16-.Ltmp7, $2  }
0x156: {  	v3 =	vld [tilespmem:s29+$0x0];
	_ =	sdelay $0x2  }
0x157: {  	v2 =	vmov s9;
	s9 =	sadd.s32 $0x1, s9  }
0x158: {  	_ = 	snop  }
0x159: {  	v1 =	vmul.f32 v3, v1;
	_ =	sdelay $0x1  }
0x15a: {  	[tilespmem:s0+$0x0] =	vst v1  }
0x15b: {  	s9 =	sadd.s32 $0x20, s29;
	v1 =	vld.idx.msk [tilespmem:v2+s20+$0x0], $0xffff  }
0x15c: {  	v2 =	vld [tilespmem:s9+$0xFFFFFFF0];
	_ =	sdelay $0x4  }
0x15d: {  	v2 =	vmul.f32 v2, v1  }
0x15e: {  	s29 =	sadd.s32 $0x20, s0  }
0x15f: {  	[tilespmem:s29+$0xFFFFFFF0] =	vst v2  }
0x160: {  	v2 =	vld [tilespmem:s9+$0x0];
	_ =	sdelay $0x4  }
0x161: {  	v1 =	vmul.f32 v2, v1;
	_ =	sdelay $0x1  }
0x162: {  	[tilespmem:s29+$0x0] =	vst v1  }
0x163: {  	[spmem:s1] =	stream.indirect.scatter.add.f32 [tilespmem:s22], [sflag:$0x4], $0x20, s21, s10, $0xb8;
	[tilespmem:$0x9300] =	vst v63  }
0x164: {  	_ =	swait.ge [sflag:s23], $0x1000  }
0x165: {  	[sflag:s23] =	ssyncset.done $0x0  }
0x166: {  	[sflag:s23] =	ssyncadd.s32 $0xFFFFF000  }
0x167: {  	_ =	swait.ge [sflag:s24], $0x1000  }
0x168: {  	[sflag:s24] =	ssyncset.done $0x0  }
0x169: {  	[sflag:s24] =	ssyncadd.s32 $0xFFFFF000  }
0x16a: {  	s30 =	stileid.u32;
	[bflag:$0x0] =	sbarrier.arrive $0xFFFF  }
0x16b: {  	s0 =	sshll.u32 s30, $0x6;
	s31 =	rddreg [dreg:$0xf]  }
0x16c: {  	s0 =	sor.u32 $0x1C05, s0;
	s30 =	rddreg [dreg:$0x11]  }
0x16d: {  	[hbm:s31], [sflag:s0] =	dma.local [spmem:s30], $0xA00  }
0x16e: {  	_ =	swait.ge [sflag:s2], $0xA00  }
0x16f: {  	s25 =	sadd.s32 $0x1, s25;
	s31 =	rddreg [dreg:$0x10]  }
0x170: {  	p0 =	sne.s32 s25, s31  }
.Ltmp8:
0x171: {  	_ = 	snop;
	(pc) =	sbr.rel @p0 .LBB2_1-.Ltmp8, $3  }
0x172: {  	_ =	sdelay $0x1  }
0x173: {  	[sflag:s2] =	ssyncset.done $0x0  }
0x174: {  	[sflag:s2] =	ssyncadd.s32 $0xFFFFF600  }
0x175: {  	_ =	sfence.sel $0x180000  }
0x176: {  	[bflag:$0x0] =	sbarrier.arrive $0xFFFF  }
0x177: {  	_ =	strace $0x9000004A  }
0x178: {  	s0 =	stileid.u32;
	[bflag:$0x2] =	sbarrier.arrive $0xFFFF  }
0x179: {  	p0 =	sne.s32 s0, $0x0;
	s0 =	rddreg [dreg:$0x2]  }
0x17a: {  	s0 =	sadd.s32 @!p0 $0x100000, s0  }
0x17b: {  	[sflag:s0] =	ssyncadd.tile.s32 @!p0 $0x1;
	_ =	shalt  }
.Lfunc_end2:
_tile_overlayer_lowered:
.L_overlay_start_2:
0x17c: {  	(tag) =	ssettag $0x2  }
0x17d: {  	s0 =	rddreg [dreg:$0x0];
	s2 =	stileid.u32  }
0x17e: {  	s1 =	rddreg [dreg:$0x1];
	p0 =	sne.s32 s2, $0x0  }
0x17f: {  	s3 =	rddreg [dreg:$0x2];
	[bflag:$0x3] =	sbarrier.arrive $0xFFFF;
	s2 =	simm.s32 @!p0 $0x1C05  }
0x180: {  	[timem:s3], [sflag:s2] =	dma.local @!p0 [hbm:s0], s1  }
0x181: {  	s0 =	simm.s32 @!p0 $0x5  }
0x182: {  	_ =	swait.ge @!p0 [sflag:s0], s1  }
0x183: {  	s1 =	ssub.s32 @!p0 $0x0, s1;
	[sflag:s0] =	ssyncset.done @!p0 $0x0  }
0x184: {  	[sflag:s0] =	ssyncadd.s32 @!p0 s1  }
0x185: {  	[bflag:$0x3] =	sbarrier.arrive $0xFFFF  }
0x186: {  	_ =	shalt  }

// kernel: kernel.15.cloned.1.call-start
scs
__scs_entry_jumppad:
0x0: {  	(pc) =	sbr.rel $0x88, $3  }
0x1: {  	(tag) =	ssettag $0x0;
	lr =	simm.s32 $0x1  }
0x2: {  	[smem:$0x3F96] =	sst lr;
	_ =	strace $0xD0000000  }
0x3: {  	_ = 	snop  }
0x4: {  	_ = 	snop  }
0x5: {  	_ = 	snop  }
0x6: {  	_ = 	snop  }
0x7: {  	_ = 	snop  }
__scs_overlays_trampoline_lowered:
0x8: {  	[smem:$0x3FA5] =	sst s0  }
0x9: {  	[smem:$0x3FA6] =	sst s1  }
0xa: {  	[smem:$0x3FA7] =	sst s2  }
0xb: {  	[smem:$0x3FA8] =	sst s3  }
0xc: {  	[smem:$0x3FA9] =	sst s4  }
0xd: {  	[smem:$0x3FAA] =	sst s5  }
0xe: {  	[smem:$0x3FAB] =	sst s6  }
0xf: {  	[smem:$0x3FAC] =	sst s7  }
0x10: {  	[smem:$0x3FAD] =	sst s8  }
0x11: {  	[smem:$0x3FAE] =	sst s9;
	s0 =	simm.s32 @!p0 $0x0  }
0x12: {  	s1 =	sld [smem:$0x3F94];
	s0 =	simm.s32 @p0 $0x1  }
0x13: {  	[smem:$0x3FAF] =	sst s0;
	s0 =	simm.s32 @!p1 $0x0  }
0x14: {  	s2 =	sld [smem:$0x3F93];
	s0 =	simm.s32 @p1 $0x1  }
0x15: {  	[smem:$0x3FB0] =	sst s0;
	s0 =	simm.s32 @!p2 $0x0  }
0x16: {  	s3 =	sld [smem:$0x3FDB];
	s0 =	simm.s32 @p2 $0x1  }
0x17: {  	s4 =	simm.s32 $0x1BF5;
	[smem:$0x3FB2] =	sst s0  }
0x18: {  	s0 =	sld [smem:$0x3F95];
	_ =	swait.ge [sflag:s4], $0x0  }
0x19: {  	s7 =	sld [smem:$0x3F96]  }
0x1a: {  	s8 =	sadd.s32 $0xFFFFE003, lr  }
0x1b: {  	s9 =	sadd.s32 $0xFFFFFEF7, lr;
	s5 =	simm.s32 $0xFFFFFFFF;
	p2 =	slt.u32 s8, $0xFFFFF086  }
0x1c: {  	p1 =	slt.u32 s9, $0xF7A;
	s5 =	simm.s32 @!p2 $0x0  }
0x1d: {  	s5 =	simm.s32 @p1 $0x1;
	p0 =	seq.s32 s7, s2  }
0x1e: {  	s7 =	smul.u32 @!p0 $0xF7A, s2;
	p2 =	seq.s32 @!p0 s5, $0x0  }
0x1f: {  	s9 =	smul.u32 $0xF7A, s1;
	s8 =	simm.s32 @!p0 $0x1BF5;
	p2 =	por !p2, p0  }
0x20: {  	[sflag:s8] =	ssyncset.s32 @!p0 $0xFFFFF086;
	s6 =	sadd.s32 @!p0 s3, s7;
	s7 =	simm.s32 @!p0 $0x108  }
0x21: {  	s3 =	sadd.s32 s3, s9;
	s6 =	sadd.s32 @!p0 $0x88, s6;
	s7 =	simm.s32 @p2 $0x1082  }
0x22: {  	[simem:s7], [sflag:s8] =	dma.local @!p0 [hbm:s6], $0xF7A  }
0x23: {  	s9 =	sor.u32 $0xD0000000, s2;
	s6 =	simm.s32 $0x108;
	_ =	swait.ge @!p0 [sflag:s8], $0x0  }
0x24: {  	s3 =	sadd.s32 $0x88, s3;
	s6 =	simm.s32 @!p1 $0x1082;
	[sflag:s4] =	ssyncset.s32 $0xFFFFF086  }
0x25: {  	[simem:s6], [sflag:s4] =	dma.local [hbm:s3], $0xF7A  }
0x26: {  	[smem:$0x3F96] =	sst s1;
	(tag) =	ssettag s2;
	_ =	strace s9  }
0x27: {  	s1 =	sld [smem:$0x3FA6]  }
0x28: {  	s2 =	sld [smem:$0x3FA7]  }
0x29: {  	s4 =	sld [smem:$0x3FA9]  }
0x2a: {  	p0 =	seq.s32 s5, $0x0;
	s5 =	sld [smem:$0x3FAA]  }
0x2b: {  	s6 =	sld [smem:$0x3FAB]  }
0x2c: {  	s7 =	sld [smem:$0x3FAC]  }
0x2d: {  	s3 =	simm.s32 $0x108;
	s8 =	sld [smem:$0x3FAD]  }
0x2e: {  	s3 =	simm.s32 @!p0 $0x1082;
	s9 =	sld [smem:$0x3FAE]  }
0x2f: {  	lr =	sadd.s32 s0, s3;
	s0 =	sld [smem:$0x3FA5]  }
0x30: {  	s3 =	sld [smem:$0x3FA8]  }
0x31: {  	[smem:$0x3FB1] =	sst s10  }
0x32: {  	s10 =	sld [smem:$0x3FAF];
	_ =	sdelay $0x3  }
0x33: {  	p0 =	seq.s32 s10, $0x1;
	s10 =	sld [smem:$0x3FB1];
	_ =	sdelay $0x3  }
0x34: {  	[smem:$0x3FB1] =	sst s10  }
0x35: {  	s10 =	sld [smem:$0x3FB0];
	_ =	sdelay $0x3  }
0x36: {  	p1 =	seq.s32 s10, $0x1;
	s10 =	sld [smem:$0x3FB1];
	_ =	sdelay $0x3  }
0x37: {  	[smem:$0x3FB1] =	sst s10  }
0x38: {  	s10 =	sld [smem:$0x3FB2]  }
0x39: {  	_ = 	snop;
	(pc) =	sbr.ind lr, $3  }
0x3a: {  	_ = 	snop  }
0x3b: {  	_ = 	snop  }
0x3c: {  	p2 =	seq.s32 s10, $0x1;
	s10 =	sld [smem:$0x3FB1]  }
0x3d: {  	_ =	shalt  }
0x3e: {  	_ =	shalt  }
0x3f: {  	_ =	shalt  }
0x40: {  	_ =	shalt  }
0x41: {  	_ =	shalt  }
0x42: {  	_ =	shalt  }
0x43: {  	_ =	shalt  }
0x44: {  	_ =	shalt  }
0x45: {  	_ =	shalt  }
0x46: {  	_ =	shalt  }
0x47: {  	_ =	shalt  }
0x48: {  	_ =	shalt  }
0x49: {  	_ =	shalt  }
0x4a: {  	_ =	shalt  }
0x4b: {  	_ =	shalt  }
0x4c: {  	_ =	shalt  }
0x4d: {  	_ =	shalt  }
0x4e: {  	_ =	shalt  }
0x4f: {  	_ =	shalt  }
0x50: {  	_ =	shalt  }
0x51: {  	_ =	shalt  }
0x52: {  	_ =	shalt  }
0x53: {  	_ =	shalt  }
0x54: {  	_ =	shalt  }
0x55: {  	_ =	shalt  }
0x56: {  	_ =	shalt  }
0x57: {  	_ =	shalt  }
0x58: {  	_ =	shalt  }
0x59: {  	_ =	shalt  }
0x5a: {  	_ =	shalt  }
0x5b: {  	_ =	shalt  }
0x5c: {  	_ =	shalt  }
0x5d: {  	_ =	shalt  }
0x5e: {  	_ =	shalt  }
0x5f: {  	_ =	shalt  }
0x60: {  	_ =	shalt  }
0x61: {  	_ =	shalt  }
0x62: {  	_ =	shalt  }
0x63: {  	_ =	shalt  }
0x64: {  	_ =	shalt  }
0x65: {  	_ =	shalt  }
0x66: {  	_ =	shalt  }
0x67: {  	_ =	shalt  }
0x68: {  	_ =	shalt  }
0x69: {  	_ =	shalt  }
0x6a: {  	_ =	shalt  }
0x6b: {  	_ =	shalt  }
0x6c: {  	_ =	shalt  }
0x6d: {  	_ =	shalt  }
0x6e: {  	_ =	shalt  }
0x6f: {  	_ =	shalt  }
0x70: {  	_ =	shalt  }
0x71: {  	_ =	shalt  }
0x72: {  	_ =	shalt  }
0x73: {  	_ =	shalt  }
0x74: {  	_ =	shalt  }
0x75: {  	_ =	shalt  }
0x76: {  	_ =	shalt  }
0x77: {  	_ =	shalt  }
0x78: {  	_ =	shalt  }
0x79: {  	_ =	shalt  }
0x7a: {  	_ =	shalt  }
0x7b: {  	_ =	shalt  }
0x7c: {  	_ =	shalt  }
0x7d: {  	_ =	shalt  }
0x7e: {  	_ =	shalt  }
0x7f: {  	_ =	shalt  }
0x80: {  	_ =	shalt  }
0x81: {  	_ =	shalt  }
0x82: {  	_ =	shalt  }
0x83: {  	_ =	shalt  }
0x84: {  	_ =	shalt  }
0x85: {  	_ =	shalt  }
0x86: {  	_ =	shalt  }
0x87: {  	_ =	shalt  }
.Lfunc_end0:
.L_simem_size_0:
called_computation.2_lowered:
.L_overlay_start_0:
0x88: {  	s2 =	sld [smem:$0x3FD9]  }
0x89: {  	s3 =	sld [smem:$0x3FFE];
	_ =	sdelay $0x1  }
0x8a: {  	s1 =	srdreg.scid  }
0x8b: {  	s0 =	sand.u32 $0x1, s1  }
0x8c: {  	s16 =	sshll.u32 s0, $0xA;
	s2 =	sadd.s32 s3, s2  }
0x8d: {  	s2 =	sadd.s32 s2, s16  }
0x8e: {  	[smem:$0x3FBD] =	sst s2  }
0x8f: {  	_ = 	snop  }
0x90: {  	(tm) =	ssettm $0x1  }
0x91: {  	s17 =	sld [smem:$0x3FFB];
	_ =	sdelay $0x3  }
0x92: {  	_ =	strace s17  }
0x93: {  	s2 =	sld [smem:$0x3FFC];
	_ =	sdelay $0x3  }
0x94: {  	_ =	strace s2  }
0x95: {  	s2 =	sld [smem:$0x3FFD];
	_ =	sdelay $0x3  }
0x96: {  	_ =	strace s2  }
0x97: {  	_ =	strace $0x8FFFFFFF  }
0x98: {  	s18 =	sld [smem:$0x3FDB];
	_ =	sdelay $0x1  }
0x99: {  	s19 =	simm.s32 $_scs_section_size  }
0x9a: {  	s4 =	simm.s32 $_size__tile_overlayer_lowered;
	s5 =	simm.s32 $_tile_overlayer_lowered  }
0x9b: {  	s22 =	simm.s32 $0x1BFF;
	s21 =	sshll.u32 s5, $0x1;
	s2 =	sadd.s32 s19, s18  }
0x9c: {  	s6 =	simm.s32 $0x0;
	s20 =	sshll.u32 s4, $0x1;
	s4 =	sadd.s32 s21, s2  }
0x9d: {  	[timem:s6], [sflag:s22] =	dma.local [hbm:s4], s20  }
0x9e: {  	_ =	swait.ge [sflag:s22], s20  }
0x9f: {  	s3 =	ssub.s32 $0x0, s20;
	[sflag:s22] =	ssyncset.done $0x0  }
0xa0: {  	[sflag:s22] =	ssyncadd.s32 s3;
	_ =	sdelay $0x1  }
0xa1: {  	s23 =	simm.s32 $0x1B8B  }
0xa2: {  	_ =	swait.ge [sflag:s23], $0x1  }
0xa3: {  	[sflag:s23] =	ssyncset.done $0x0  }
0xa4: {  	s25 =	simm.s32 $0x1B8E;
	s24 =	sld [smem:$0x3FFE];
	[sflag:s23] =	ssyncadd.s32 $0xFFFFFFFF  }
0xa5: {  	s26 =	simm.s32 $execute0_lowered;
	[smem:$0x3FD2] =	sst s25  }
0xa6: {  	s4 =	sshll.u32 s26, $0x1;
	_ =	strace $0x8000004C;
	[dreg:$0x1] =	wrdreg $0xFFFFFFFF  }
0xa7: {  	s28 =	simm.s32 $_size_execute0_lowered;
	s2 =	sadd.s32 s2, s4;
	[dreg:$0x0] =	wrdreg $0x0  }
0xa8: {  	s4 =	sshll.u32 s28, $0x1;
	[dreg:$0x2] =	wrdreg s2  }
0xa9: {  	[dreg:$0x3] =	wrdreg s4  }
0xaa: {  	[dreg:$0x4] =	wrdreg $0xC0  }
0xab: {  	_ =	task [dreg:s6], $0x5FFFF  }
0xac: {  	[dreg:$0x1] =	wrdreg $0xFFFFFFFF  }
0xad: {  	[dreg:$0x0] =	wrdreg $0x60  }
0xae: {  	[dreg:$0x2] =	wrdreg s24  }
0xaf: {  	[dreg:$0x3] =	wrdreg $0x43000  }
0xb0: {  	[dreg:$0x4] =	wrdreg $0x9  }
0xb1: {  	_ =	task.clear_ibuf [dreg:s6], $0x5FFFF;
	_ =	strace $0x9000004C  }
0xb2: {  	s29 =	simm.s32 $0x9;
	_ =	strace $0x8000004E  }
0xb3: {  	_ =	swait.ge [sflag:s29], $0x1  }
0xb4: {  	[sflag:s29] =	ssyncadd.s32 $0xFFFFFFFF  }
0xb5: {  	_ =	strace $0x9000004E  }
0xb6: {  	_ =	sfence  }
0xb7: {  	s30 =	sld [smem:$0x0];
	_ =	sdelay $0x2  }
0xb8: {  	s31 =	sshll.u32 s1, $0xD;
	s1 =	sshrl.u32 s1, $0x2  }
0xb9: {  	s3 =	sand.u32 $0x4000, s31;
	s1 =	sadd.s32 s1, s30  }
0xba: {  	s0 =	sor.u32 s3, s0;
	s1 =	sshll.u32 s1, $0x11  }
0xbb: {  	s0 =	sor.u32 s1, s0  }
0xbc: {  	s0 =	sadd.s32 $0x8F2B, s0  }
0xbd: {  	[sflag:s0] =	ssyncadd.remote.s32 $0x1  }
0xbe: {  	_ =	sfence.sel $0xFFFF  }
0xbf: {  	[dreg:$0x0] =	wrdreg $0xFFFFFFFF;
	(pc) =	sbr.abs _section_cstart, $3  }
0xc0: {  	[dreg:$0x1] =	wrdreg $0xFFFFFFFF  }
0xc1: {  	_ =	task.clear_ibuf [dreg:s6], $0x2FFFF;
	_ =	strace $0x9FFFFFFF  }
0xc2: {  	(tm) =	ssettm $0x7FFFFFFF  }
0xc3: {  	_ =	shalt  }
tec
execute0_lowered:
.L_overlay_start_1:
0x0: {  	(tag) =	ssettag $0x1  }
0x1: {  	s0 =	rddreg [dreg:$0x0]  }
0x2: {  	s1 =	rddreg [dreg:$0x1];
	s3 =	simm.s32 $0x0;
	s2 =	srdreg.scid  }
0x3: {  	s13 =	stileid.u32;
	[smem:$0x7FF] =	sst s3  }
0x4: {  	s2 =	sand.u32 $0x1, s2;
	s9 =	smul.u32 $0x5000, s13;
	s4 =	sadd.s32 $0x35200, s0  }
0x5: {  	s5 =	sadd.s32 $0x49200, s0;
	s7 =	smul.u32 $0x50000, s2;
	s6 =	sshll.u32 s2, $0x4  }
0x6: {  	_ =	strace $0x8000004D;
	s2 =	ssub.s32 $0x2, s2;
	s8 =	sor.u32 s13, s6  }
0x7: {  	s6 =	sadd.s32 $0x3F200, s0;
	s11 =	sshrl.u32 s2, $0x1;
	s13 =	smul.u32 $0x14000, s13  }
0x8: {  	s10 =	sadd.s32 s9, s7;
	s7 =	smul.u32 $0x2800, s8;
	s8 =	sadd.s32 $0x3200, s0  }
0x9: {  	s2 =	ssub.s32 s2, s11;
	s9 =	sadd.s32 s9, s1;
	s10 =	sshrl.u32 s10, $0x3  }
0xa: {  	s13 =	sshrl.u32 s13, $0x2;
	s23 =	smax.u32 s2, $0x1;
	s24 =	sshrl.u32 s9, $0x3  }
0xb: {  	s2 =	simm.s32 $0x5;
	s12 =	sshrl.u32 s7, $0x3;
	[dreg:$0x10] =	wrdreg s23  }
0xc: {  	s0 =	sadd.s32 s10, s0;
	[dreg:$0x11] =	wrdreg s24;
	s15 =	sadd.s32 s8, s12  }
0xd: {  	s11 =	sadd.s32 s13, s1;
	s16 =	sadd.s32 s6, s12;
	[dreg:$0x5] =	wrdreg s15  }
0xe: {  	s26 =	sor.u32 $0x80, s7;
	s14 =	sadd.s32 s5, s12;
	[dreg:$0x6] =	wrdreg s16  }
0xf: {  	s28 =	sor.u32 $0x180, s7;
	s0 =	sadd.s32 $0x53200, s0;
	[dreg:$0x3] =	wrdreg s14  }
0x10: {  	s13 =	simm.s32 $0x1300;
	s25 =	sadd.s32 $0x1000, s11;
	[dreg:$0xf] =	wrdreg s0  }
0x11: {  	s30 =	sor.u32 $0x10, s12;
	s29 =	sadd.s32 $0x2000, s11;
	[dreg:$0x12] =	wrdreg s25  }
0x12: {  	s23 =	simm.s32 $0x3;
	s31 =	sadd.s32 s5, s30;
	[dreg:$0x13] =	wrdreg s29  }
0x13: {  	s24 =	simm.s32 $0x4;
	s17 =	sadd.s32 $0x20, s14;
	[dreg:$0x4] =	wrdreg s31  }
0x14: {  	s20 =	sadd.s32 $0x4E0, s12;
	s18 =	sadd.s32 s8, s30;
	[dreg:$0x7] =	wrdreg s17  }
0x15: {  	s22 =	sadd.s32 $0x4F0, s12;
	s10 =	sadd.s32 s6, s30;
	[dreg:$0x8] =	wrdreg s18  }
0x16: {  	s19 =	sadd.s32 $0x30, s14;
	s21 =	sadd.s32 s8, s20;
	[dreg:$0x9] =	wrdreg s10  }
0x17: {  	s12 =	sadd.s32 s8, s22;
	s30 =	sadd.s32 $0x3000, s11;
	[dreg:$0xa] =	wrdreg s19  }
0x18: {  	s14 =	simm.s32 $0x2300;
	s15 =	simm.s32 $0x1;
	[dreg:$0xb] =	wrdreg s21  }
0x19: {  	s16 =	simm.s32 $0x200;
	s25 =	simm.s32 $0x0;
	[dreg:$0xd] =	wrdreg s12  }
0x1a: {  	s18 =	sor.u32 $0x100, s7;
	s10 =	sadd.s32 s6, s20;
	[dreg:$0x14] =	wrdreg s30  }
0x1b: {  	s31 =	sadd.s32 $0x4000, s11;
	s12 =	simm.s32 $0x300;
	s17 =	simm.s32 $0x100  }
0x1c: {  	s19 =	simm.s32 $0x2;
	s20 =	simm.s32 $0x280;
	[dreg:$0xc] =	wrdreg s10  }
0x1d: {  	s21 =	simm.s32 $0x180;
	s10 =	sadd.s32 s6, s22;
	[dreg:$0x15] =	wrdreg s31  }
0x1e: {  	v0 =	vimm.f32 $0.0e+00;
	s22 =	simm.s32 $0x3300;
	[dreg:$0xe] =	wrdreg s10;
	s10 =	simm.s32 $0x80  }
.LBB2_1:
0x1f: {  	s0 =	simm.s32 $0x80;
	s9 =	simm.s32 $0x0  }
.LBB2_2:
0x20: {  	p0 =	sne.s32 s0, $0x3F80;
	[tilespmem:s9+$0x2300] =	vst v0;
	s29 =	smov.u32 s0;
	s0 =	sadd.s32 $0x80, s0  }
.Ltmp0:
0x21: {  	[tilespmem:s9+$0x2310] =	vst v0;
	(pc) =	sbr.rel @p0 .LBB2_2-.Ltmp0, $2  }
0x22: {  	_ =	sdelay $0x2  }
0x23: {  	s9 =	sshra.s32 s29, $0x2  }
0x24: {  	[tilespmem:s9+$0x2300] =	vst v0  }
0x25: {  	[tilespmem:s9+$0x2310] =	vst v0;
	s0 =	simm.s32 $0x0;
	s31 =	rddreg [dreg:$0x3]  }
0x26: {  	[tilespmem:s0], [sflag:$0x5] =	stream.linear.gather [hbm4b:s31+s0], $0x80, $0x38;
	[tilespmem:$0x9300] =	vst v63  }
0x27: {  	_ =	swait.ge [sflag:s2], $0x80  }
0x28: {  	[sflag:s2] =	ssyncset.done $0x0  }
0x29: {  	[sflag:s2] =	ssyncadd.s32 $0xFFFFFF80  }
0x2a: {  	[tilespmem:s12], [sflag:$0x1] =	stream.indirect.gather [hbm4b:s4+s10], $0x20, s0, s10, $0xb8;
	[tilespmem:$0x9300] =	vst v63  }
0x2b: {  	s31 =	rddreg [dreg:$0x4]  }
0x2c: {  	[tilespmem:s10], [sflag:$0x5] =	stream.linear.gather [hbm4b:s31+s0], $0x80, $0x38;
	[tilespmem:$0x9300] =	vst v63  }
0x2d: {  	_ =	swait.ge [sflag:s2], $0x80  }
0x2e: {  	[sflag:s2] =	ssyncset.done $0x0  }
0x2f: {  	[sflag:s2] =	ssyncadd.s32 $0xFFFFFF80  }
0x30: {  	[tilespmem:s13], [sflag:$0x2] =	stream.indirect.gather [hbm4b:s4+s10], $0x20, s10, s10, $0xb8;
	[tilespmem:$0x9300] =	vst v63  }
0x31: {  	_ = 	snop  }
0x32: {  	[spmem:s11] =	stream.linear.scatter [tilespmem:s14], [sflag:$0x5], $0x1000, $0x38;
	[tilespmem:$0x9300] =	vst v63  }
0x33: {  	_ =	swait.ge [sflag:s2], $0x1000  }
0x34: {  	[sflag:s2] =	ssyncset.done $0x0  }
0x35: {  	s31 =	rddreg [dreg:$0x12];
	[sflag:s2] =	ssyncadd.s32 $0xFFFFF000  }
0x36: {  	[spmem:s31] =	stream.linear.scatter [tilespmem:s14], [sflag:$0x5], $0x1000, $0x38;
	[tilespmem:$0x9300] =	vst v63  }
0x37: {  	_ =	swait.ge [sflag:s2], $0x1000  }
0x38: {  	[sflag:s2] =	ssyncset.done $0x0  }
0x39: {  	s31 =	rddreg [dreg:$0x13];
	[sflag:s2] =	ssyncadd.s32 $0xFFFFF000  }
0x3a: {  	[spmem:s31] =	stream.linear.scatter [tilespmem:s14], [sflag:$0x5], $0x1000, $0x38;
	[tilespmem:$0x9300] =	vst v63  }
0x3b: {  	_ =	swait.ge [sflag:s2], $0x1000  }
0x3c: {  	[sflag:s2] =	ssyncset.done $0x0  }
0x3d: {  	s31 =	rddreg [dreg:$0x14];
	[sflag:s2] =	ssyncadd.s32 $0xFFFFF000  }
0x3e: {  	[spmem:s31] =	stream.linear.scatter [tilespmem:s14], [sflag:$0x5], $0x1000, $0x38;
	[tilespmem:$0x9300] =	vst v63  }
0x3f: {  	_ =	swait.ge [sflag:s2], $0x1000  }
0x40: {  	[sflag:s2] =	ssyncset.done $0x0  }
0x41: {  	s31 =	rddreg [dreg:$0x15];
	[sflag:s2] =	ssyncadd.s32 $0xFFFFF000  }
0x42: {  	[spmem:s31] =	stream.linear.scatter [tilespmem:s14], [sflag:$0x5], $0x1000, $0x38;
	[tilespmem:$0x9300] =	vst v63  }
0x43: {  	_ =	swait.ge [sflag:s2], $0x1000  }
0x44: {  	[sflag:s2] =	ssyncset.done $0x0  }
0x45: {  	[sflag:s2] =	ssyncadd.s32 $0xFFFFF000  }
0x46: {  	[bflag:$0x0] =	sbarrier.arrive $0xFFFF  }
0x47: {  	_ =	swait.ge [sflag:s15], $0x1000  }
0x48: {  	[sflag:s15] =	ssyncset.done $0x0  }
0x49: {  	s31 =	rddreg [dreg:$0x5];
	[sflag:s15] =	ssyncadd.s32 $0xFFFFF000  }
0x4a: {  	[tilespmem:s16], [sflag:$0x5] =	stream.linear.gather [hbm4b:s31+s0], $0x80, $0x38;
	[tilespmem:$0x9300] =	vst v63  }
0x4b: {  	_ =	swait.ge [sflag:s2], $0x80  }
0x4c: {  	[sflag:s2] =	ssyncset.done $0x0  }
0x4d: {  	v1 =	vmov s0;
	s31 =	rddreg [dreg:$0x6];
	[sflag:s2] =	ssyncadd.s32 $0xFFFFFF80  }
0x4e: {  	[tilespmem:s17], [sflag:$0x5] =	stream.linear.gather [hbm4b:s31+s0], $0x80, $0x38;
	[tilespmem:$0x9300] =	vst v63  }
0x4f: {  	_ =	swait.ge [sflag:s2], $0x80  }
0x50: {  	[sflag:s2] =	ssyncset.done $0x0  }
0x51: {  	[sflag:s2] =	ssyncadd.s32 $0xFFFFFF80  }
0x52: {  	s29 =	simm.s32 $0x310;
	v1 =	vld.idx.msk [tilespmem:v1+s16+$0x0], $0xffff  }
0x53: {  	v2 =	vld [tilespmem:s29+$0xFFFFFFF0];
	_ =	sdelay $0x4  }
0x54: {  	v2 =	vmul.f32 v2, v1  }
0x55: {  	s30 =	simm.s32 $0x2310  }
0x56: {  	[tilespmem:s30+$0xFFFFFFF0] =	vst v2  }
0x57: {  	v3 =	vld [tilespmem:s29+$0x0];
	_ =	sdelay $0x1  }
0x58: {  	s31 =	simm.s32 $0x1  }
0x59: {  	s0 =	simm.s32 $0x2;
	v2 =	vmov s31  }
.LBB2_4:
0x5a: {  	p0 =	sne.s32 s0, $0x7F  }
0x5b: {  	v1 =	vmul.f32 v3, v1;
	_ =	sdelay $0x1  }
0x5c: {  	[tilespmem:s30+$0x0] =	vst v1  }
0x5d: {  	s29 =	sadd.s32 $0x20, s29;
	v1 =	vld.idx.msk [tilespmem:v2+s16+$0x0], $0xffff  }
0x5e: {  	v2 =	vld [tilespmem:s29+$0xFFFFFFF0];
	_ =	sdelay $0x4  }
0x5f: {  	v2 =	vmul.f32 v2, v1  }
0x60: {  	s30 =	sadd.s32 $0x20, s30  }
.Ltmp1:
0x61: {  	[tilespmem:s30+$0xFFFFFFF0] =	vst v2;
	(pc) =	sbr.rel @p0 .LBB2_4-.Ltmp1, $2  }
0x62: {  	v3 =	vld [tilespmem:s29+$0x0];
	_ =	sdelay $0x2  }
0x63: {  	v2 =	vmov s0;
	s0 =	sadd.s32 $0x1, s0  }
0x64: {  	_ = 	snop  }
0x65: {  	v1 =	vmul.f32 v3, v1;
	_ =	sdelay $0x1  }
0x66: {  	[tilespmem:s30+$0x0] =	vst v1  }
0x67: {  	s0 =	sadd.s32 $0x20, s29;
	v1 =	vld.idx.msk [tilespmem:v2+s16+$0x0], $0xffff  }
0x68: {  	v2 =	vld [tilespmem:s0+$0xFFFFFFF0];
	_ =	sdelay $0x4  }
0x69: {  	v2 =	vmul.f32 v2, v1  }
0x6a: {  	s9 =	sadd.s32 $0x20, s30  }
0x6b: {  	[tilespmem:s9+$0xFFFFFFF0] =	vst v2  }
0x6c: {  	v2 =	vld [tilespmem:s0+$0x0];
	_ =	sdelay $0x4  }
0x6d: {  	v1 =	vmul.f32 v2, v1;
	_ =	sdelay $0x1  }
0x6e: {  	[tilespmem:s9+$0x0] =	vst v1  }
0x6f: {  	[spmem:s1] =	stream.indirect.scatter.add.f32 [tilespmem:s14], [sflag:$0x3], $0x20, s17, s10, $0xb8;
	[tilespmem:$0x9300] =	vst v63  }
0x70: {  	s31 =	rddreg [dreg:$0x7];
	s0 =	simm.s32 $0x0  }
0x71: {  	[tilespmem:s0], [sflag:$0x5] =	stream.linear.gather [hbm4b:s31+s0], $0x80, $0x38;
	[tilespmem:$0x9300] =	vst v63  }
0x72: {  	_ =	swait.ge [sflag:s2], $0x80  }
0x73: {  	[sflag:s2] =	ssyncset.done $0x0  }
0x74: {  	[sflag:s2] =	ssyncadd.s32 $0xFFFFFF80  }
0x75: {  	[tilespmem:s12], [sflag:$0x1] =	stream.indirect.gather [hbm4b:s4+s10], $0x20, s0, s10, $0xb8;
	[tilespmem:$0x9300] =	vst v63  }
0x76: {  	_ =	swait.ge [sflag:s19], $0x1000  }
0x77: {  	[sflag:s19] =	ssyncset.done $0x0  }
0x78: {  	s31 =	rddreg [dreg:$0x8];
	[sflag:s19] =	ssyncadd.s32 $0xFFFFF000  }
0x79: {  	[tilespmem:s20], [sflag:$0x5] =	stream.linear.gather [hbm4b:s31+s0], $0x80, $0x38;
	[tilespmem:$0x9300] =	vst v63  }
0x7a: {  	_ =	swait.ge [sflag:s2], $0x80  }
0x7b: {  	[sflag:s2] =	ssyncset.done $0x0  }
0x7c: {  	v1 =	vmov s0;
	s31 =	rddreg [dreg:$0x9];
	[sflag:s2] =	ssyncadd.s32 $0xFFFFFF80  }
0x7d: {  	[tilespmem:s21], [sflag:$0x5] =	stream.linear.gather [hbm4b:s31+s0], $0x80, $0x38;
	[tilespmem:$0x9300] =	vst v63  }
0x7e: {  	_ =	swait.ge [sflag:s2], $0x80  }
0x7f: {  	[sflag:s2] =	ssyncset.done $0x0  }
0x80: {  	[sflag:s2] =	ssyncadd.s32 $0xFFFFFF80  }
0x81: {  	s29 =	simm.s32 $0x1310;
	v1 =	vld.idx.msk [tilespmem:v1+s20+$0x0], $0xffff  }
0x82: {  	v2 =	vld [tilespmem:s29+$0xFFFFFFF0];
	_ =	sdelay $0x4  }
0x83: {  	v2 =	vmul.f32 v2, v1  }
0x84: {  	s30 =	simm.s32 $0x3310  }
0x85: {  	[tilespmem:s30+$0xFFFFFFF0] =	vst v2  }
0x86: {  	v3 =	vld [tilespmem:s29+$0x0];
	_ =	sdelay $0x1  }
0x87: {  	s31 =	simm.s32 $0x1  }
0x88: {  	s0 =	simm.s32 $0x2;
	v2 =	vmov s31  }
.LBB2_6:
0x89: {  	p0 =	sne.s32 s0, $0x7F  }
0x8a: {  	v1 =	vmul.f32 v3, v1;
	_ =	sdelay $0x1  }
0x8b: {  	[tilespmem:s30+$0x0] =	vst v1  }
0x8c: {  	s29 =	sadd.s32 $0x20, s29;
	v1 =	vld.idx.msk [tilespmem:v2+s20+$0x0], $0xffff  }
0x8d: {  	v2 =	vld [tilespmem:s29+$0xFFFFFFF0];
	_ =	sdelay $0x4  }
0x8e: {  	v2 =	vmul.f32 v2, v1  }
0x8f: {  	s30 =	sadd.s32 $0x20, s30  }
.Ltmp2:
0x90: {  	[tilespmem:s30+$0xFFFFFFF0] =	vst v2;
	(pc) =	sbr.rel @p0 .LBB2_6-.Ltmp2, $2  }
0x91: {  	v3 =	vld [tilespmem:s29+$0x0];
	_ =	sdelay $0x2  }
0x92: {  	v2 =	vmov s0;
	s0 =	sadd.s32 $0x1, s0  }
0x93: {  	_ = 	snop  }
0x94: {  	v1 =	vmul.f32 v3, v1;
	_ =	sdelay $0x1  }
0x95: {  	[tilespmem:s30+$0x0] =	vst v1  }
0x96: {  	s0 =	sadd.s32 $0x20, s29;
	v1 =	vld.idx.msk [tilespmem:v2+s20+$0x0], $0xffff  }
0x97: {  	v2 =	vld [tilespmem:s0+$0xFFFFFFF0];
	_ =	sdelay $0x4  }
0x98: {  	v2 =	vmul.f32 v2, v1  }
0x99: {  	s9 =	sadd.s32 $0x20, s30  }
0x9a: {  	[tilespmem:s9+$0xFFFFFFF0] =	vst v2  }
0x9b: {  	v2 =	vld [tilespmem:s0+$0x0];
	_ =	sdelay $0x4  }
0x9c: {  	v1 =	vmul.f32 v2, v1;
	_ =	sdelay $0x1  }
0x9d: {  	[tilespmem:s9+$0x0] =	vst v1  }
0x9e: {  	[spmem:s1] =	stream.indirect.scatter.add.f32 [tilespmem:s22], [sflag:$0x4], $0x20, s21, s10, $0xb8;
	[tilespmem:$0x9300] =	vst v63  }
0x9f: {  	s31 =	rddreg [dreg:$0xa]  }
0xa0: {  	[tilespmem:s10], [sflag:$0x5] =	stream.linear.gather [hbm4b:s31+s3], $0x80, $0x38;
	[tilespmem:$0x9300] =	vst v63  }
0xa1: {  	_ =	swait.ge [sflag:s2], $0x80  }
0xa2: {  	[sflag:s2] =	ssyncset.done $0x0  }
0xa3: {  	s29 =	simm.s32 $0x1;
	[sflag:s2] =	ssyncadd.s32 $0xFFFFFF80  }
0xa4: {  	[tilespmem:s13], [sflag:$0x2] =	stream.indirect.gather [hbm4b:s4+s10], $0x20, s10, s10, $0xb8;
	[tilespmem:$0x9300] =	vst v63  }
.LBB2_8:
0xa5: {  	_ =	swait.ge [sflag:s15], $0x1000  }
0xa6: {  	[sflag:s15] =	ssyncset.done $0x0  }
0xa7: {  	s30 =	sshll.u32 s29, $0x8;
	[sflag:s15] =	ssyncadd.s32 $0xFFFFF000  }
0xa8: {  	s0 =	sadd.s32 s7, s30;
	_ =	swait.ge [sflag:s23], $0x1000  }
0xa9: {  	s0 =	sshrl.u32 s0, $0x3;
	[sflag:s23] =	ssyncset.done $0x0  }
0xaa: {  	s31 =	simm.s32 $0x0;
	s9 =	sadd.s32 s8, s0;
	[sflag:s23] =	ssyncadd.s32 $0xFFFFF000  }
0xab: {  	[tilespmem:s16], [sflag:$0x5] =	stream.linear.gather [hbm4b:s9+s31], $0x80, $0x38;
	[tilespmem:$0x9300] =	vst v63  }
0xac: {  	_ =	swait.ge [sflag:s2], $0x80  }
0xad: {  	[sflag:s2] =	ssyncset.done $0x0  }
0xae: {  	v1 =	vmov s31;
	s0 =	sadd.s32 s6, s0;
	[sflag:s2] =	ssyncadd.s32 $0xFFFFFF80  }
0xaf: {  	[tilespmem:s17], [sflag:$0x5] =	stream.linear.gather [hbm4b:s0+s31], $0x80, $0x38;
	[tilespmem:$0x9300] =	vst v63  }
0xb0: {  	_ =	swait.ge [sflag:s2], $0x80  }
0xb1: {  	[sflag:s2] =	ssyncset.done $0x0  }
0xb2: {  	[sflag:s2] =	ssyncadd.s32 $0xFFFFFF80  }
0xb3: {  	s31 =	simm.s32 $0x310;
	v1 =	vld.idx.msk [tilespmem:v1+s16+$0x0], $0xffff  }
0xb4: {  	v2 =	vld [tilespmem:s31+$0xFFFFFFF0];
	_ =	sdelay $0x4  }
0xb5: {  	v2 =	vmul.f32 v2, v1  }
0xb6: {  	s0 =	simm.s32 $0x2310  }
0xb7: {  	[tilespmem:s0+$0xFFFFFFF0] =	vst v2  }
0xb8: {  	v3 =	vld [tilespmem:s31+$0x0];
	_ =	sdelay $0x1  }
0xb9: {  	s9 =	simm.s32 $0x1  }
0xba: {  	v2 =	vmov s9;
	s9 =	simm.s32 $0x2  }
.LBB2_9:
0xbb: {  	p0 =	sne.s32 s9, $0x7F  }
0xbc: {  	v1 =	vmul.f32 v3, v1;
	_ =	sdelay $0x1  }
0xbd: {  	[tilespmem:s0+$0x0] =	vst v1  }
0xbe: {  	s31 =	sadd.s32 $0x20, s31;
	v1 =	vld.idx.msk [tilespmem:v2+s16+$0x0], $0xffff  }
0xbf: {  	v2 =	vld [tilespmem:s31+$0xFFFFFFF0];
	_ =	sdelay $0x4  }
0xc0: {  	v2 =	vmul.f32 v2, v1  }
0xc1: {  	s0 =	sadd.s32 $0x20, s0  }
.Ltmp3:
0xc2: {  	[tilespmem:s0+$0xFFFFFFF0] =	vst v2;
	(pc) =	sbr.rel @p0 .LBB2_9-.Ltmp3, $2  }
0xc3: {  	v3 =	vld [tilespmem:s31+$0x0];
	_ =	sdelay $0x2  }
0xc4: {  	v2 =	vmov s9;
	s9 =	sadd.s32 $0x1, s9  }
0xc5: {  	_ = 	snop  }
0xc6: {  	v1 =	vmul.f32 v3, v1;
	_ =	sdelay $0x1  }
0xc7: {  	[tilespmem:s0+$0x0] =	vst v1  }
0xc8: {  	s9 =	sadd.s32 $0x20, s31;
	v1 =	vld.idx.msk [tilespmem:v2+s16+$0x0], $0xffff  }
0xc9: {  	v2 =	vld [tilespmem:s9+$0xFFFFFFF0];
	_ =	sdelay $0x4  }
0xca: {  	v2 =	vmul.f32 v2, v1  }
0xcb: {  	s0 =	sadd.s32 $0x20, s0  }
0xcc: {  	[tilespmem:s0+$0xFFFFFFF0] =	vst v2  }
0xcd: {  	v2 =	vld [tilespmem:s9+$0x0];
	_ =	sdelay $0x4  }
0xce: {  	v1 =	vmul.f32 v2, v1  }
0xcf: {  	s9 =	sadd.s32 s30, s18  }
0xd0: {  	[tilespmem:s0+$0x0] =	vst v1;
	s0 =	sshrl.u32 s9, $0x3  }
0xd1: {  	[spmem:s1] =	stream.indirect.scatter.add.f32 [tilespmem:s14], [sflag:$0x3], $0x20, s17, s10, $0xb8;
	[tilespmem:$0x9300] =	vst v63  }
0xd2: {  	s9 =	simm.s32 $0x0;
	s0 =	sadd.s32 s5, s0  }
0xd3: {  	[tilespmem:s9], [sflag:$0x5] =	stream.linear.gather [hbm4b:s0+s9], $0x80, $0x38;
	[tilespmem:$0x9300] =	vst v63  }
0xd4: {  	_ =	swait.ge [sflag:s2], $0x80  }
0xd5: {  	[sflag:s2] =	ssyncset.done $0x0  }
0xd6: {  	[sflag:s2] =	ssyncadd.s32 $0xFFFFFF80  }
0xd7: {  	[tilespmem:s12], [sflag:$0x1] =	stream.indirect.gather [hbm4b:s4+s10], $0x20, s9, s10, $0xb8;
	[tilespmem:$0x9300] =	vst v63  }
0xd8: {  	_ =	swait.ge [sflag:s19], $0x1000  }
0xd9: {  	[sflag:s19] =	ssyncset.done $0x0  }
0xda: {  	[sflag:s19] =	ssyncadd.s32 $0xFFFFF000  }
0xdb: {  	s0 =	sadd.s32 s30, s26;
	_ =	swait.ge [sflag:s24], $0x1000  }
0xdc: {  	s0 =	sshrl.u32 s0, $0x3;
	[sflag:s24] =	ssyncset.done $0x0  }
0xdd: {  	s31 =	sadd.s32 s8, s0;
	[sflag:s24] =	ssyncadd.s32 $0xFFFFF000  }
0xde: {  	[tilespmem:s20], [sflag:$0x5] =	stream.linear.gather [hbm4b:s31+s9], $0x80, $0x38;
	[tilespmem:$0x9300] =	vst v63  }
0xdf: {  	_ =	swait.ge [sflag:s2], $0x80  }
0xe0: {  	[sflag:s2] =	ssyncset.done $0x0  }
0xe1: {  	v1 =	vmov s9;
	s0 =	sadd.s32 s6, s0;
	[sflag:s2] =	ssyncadd.s32 $0xFFFFFF80  }
0xe2: {  	[tilespmem:s21], [sflag:$0x5] =	stream.linear.gather [hbm4b:s0+s9], $0x80, $0x38;
	[tilespmem:$0x9300] =	vst v63  }
0xe3: {  	_ =	swait.ge [sflag:s2], $0x80  }
0xe4: {  	[sflag:s2] =	ssyncset.done $0x0  }
0xe5: {  	[sflag:s2] =	ssyncadd.s32 $0xFFFFFF80  }
0xe6: {  	s31 =	simm.s32 $0x1310;
	v1 =	vld.idx.msk [tilespmem:v1+s20+$0x0], $0xffff  }
0xe7: {  	v2 =	vld [tilespmem:s31+$0xFFFFFFF0];
	_ =	sdelay $0x4  }
0xe8: {  	v2 =	vmul.f32 v2, v1  }
0xe9: {  	s0 =	simm.s32 $0x3310  }
0xea: {  	[tilespmem:s0+$0xFFFFFFF0] =	vst v2  }
0xeb: {  	v3 =	vld [tilespmem:s31+$0x0];
	_ =	sdelay $0x1  }
0xec: {  	s9 =	simm.s32 $0x1  }
0xed: {  	v2 =	vmov s9;
	s9 =	simm.s32 $0x2  }
.LBB2_11:
0xee: {  	p0 =	sne.s32 s9, $0x7F  }
0xef: {  	v1 =	vmul.f32 v3, v1;
	_ =	sdelay $0x1  }
0xf0: {  	[tilespmem:s0+$0x0] =	vst v1  }
0xf1: {  	s31 =	sadd.s32 $0x20, s31;
	v1 =	vld.idx.msk [tilespmem:v2+s20+$0x0], $0xffff  }
0xf2: {  	v2 =	vld [tilespmem:s31+$0xFFFFFFF0];
	_ =	sdelay $0x4  }
0xf3: {  	v2 =	vmul.f32 v2, v1  }
0xf4: {  	s0 =	sadd.s32 $0x20, s0  }
.Ltmp4:
0xf5: {  	[tilespmem:s0+$0xFFFFFFF0] =	vst v2;
	(pc) =	sbr.rel @p0 .LBB2_11-.Ltmp4, $2  }
0xf6: {  	v3 =	vld [tilespmem:s31+$0x0];
	_ =	sdelay $0x2  }
0xf7: {  	v2 =	vmov s9;
	s9 =	sadd.s32 $0x1, s9  }
0xf8: {  	_ = 	snop  }
0xf9: {  	v1 =	vmul.f32 v3, v1;
	_ =	sdelay $0x1  }
0xfa: {  	[tilespmem:s0+$0x0] =	vst v1  }
0xfb: {  	s9 =	sadd.s32 $0x20, s31;
	v1 =	vld.idx.msk [tilespmem:v2+s20+$0x0], $0xffff  }
0xfc: {  	v2 =	vld [tilespmem:s9+$0xFFFFFFF0];
	_ =	sdelay $0x4  }
0xfd: {  	v2 =	vmul.f32 v2, v1  }
0xfe: {  	s31 =	sadd.s32 $0x20, s0  }
0xff: {  	[tilespmem:s31+$0xFFFFFFF0] =	vst v2  }
0x100: {  	v2 =	vld [tilespmem:s9+$0x0];
	_ =	sdelay $0x4  }
0x101: {  	v1 =	vmul.f32 v2, v1;
	_ =	sdelay $0x1  }
0x102: {  	[tilespmem:s31+$0x0] =	vst v1;
	s31 =	sadd.s32 s30, s28  }
0x103: {  	[spmem:s1] =	stream.indirect.scatter.add.f32 [tilespmem:s22], [sflag:$0x4], $0x20, s21, s10, $0xb8;
	[tilespmem:$0x9300] =	vst v63  }
0x104: {  	s29 =	sadd.s32 $0x1, s29;
	s0 =	sshrl.u32 s31, $0x3  }
0x105: {  	p0 =	sne.s32 s29, $0x27;
	s0 =	sadd.s32 s5, s0  }
0x106: {  	[tilespmem:s10], [sflag:$0x5] =	stream.linear.gather [hbm4b:s0+s3], $0x80, $0x38;
	[tilespmem:$0x9300] =	vst v63  }
.Ltmp5:
0x107: {  	_ = 	snop;
	(pc) =	sbr.rel @p0 .LBB2_8-.Ltmp5, $4  }
0x108: {  	_ =	swait.ge [sflag:s2], $0x80  }
0x109: {  	[sflag:s2] =	ssyncset.done $0x0  }
0x10a: {  	[sflag:s2] =	ssyncadd.s32 $0xFFFFFF80  }
0x10b: {  	[tilespmem:s13], [sflag:$0x2] =	stream.indirect.gather [hbm4b:s4+s10], $0x20, s10, s10, $0xb8;
	[tilespmem:$0x9300] =	vst v63  }
0x10c: {  	_ =	swait.ge [sflag:s15], $0x1000  }
0x10d: {  	[sflag:s15] =	ssyncset.done $0x0  }
0x10e: {  	[sflag:s15] =	ssyncadd.s32 $0xFFFFF000  }
0x10f: {  	_ =	swait.ge [sflag:s23], $0x1000  }
0x110: {  	[sflag:s23] =	ssyncset.done $0x0  }
0x111: {  	s0 =	simm.s32 $0x0;
	s9 =	rddreg [dreg:$0xb];
	[sflag:s23] =	ssyncadd.s32 $0xFFFFF000  }
0x112: {  	[tilespmem:s16], [sflag:$0x5] =	stream.linear.gather [hbm4b:s9+s0], $0x80, $0x38;
	[tilespmem:$0x9300] =	vst v63  }
0x113: {  	_ =	swait.ge [sflag:s2], $0x80  }
0x114: {  	[sflag:s2] =	ssyncset.done $0x0  }
0x115: {  	v1 =	vmov s0;
	s30 =	rddreg [dreg:$0xc];
	[sflag:s2] =	ssyncadd.s32 $0xFFFFFF80  }
0x116: {  	[tilespmem:s17], [sflag:$0x5] =	stream.linear.gather [hbm4b:s30+s0], $0x80, $0x38;
	[tilespmem:$0x9300] =	vst v63  }
0x117: {  	_ =	swait.ge [sflag:s2], $0x80  }
0x118: {  	[sflag:s2] =	ssyncset.done $0x0  }
0x119: {  	[sflag:s2] =	ssyncadd.s32 $0xFFFFFF80  }
0x11a: {  	s29 =	simm.s32 $0x310;
	v1 =	vld.idx.msk [tilespmem:v1+s16+$0x0], $0xffff  }
0x11b: {  	v2 =	vld [tilespmem:s29+$0xFFFFFFF0];
	_ =	sdelay $0x4  }
0x11c: {  	v2 =	vmul.f32 v2, v1  }
0x11d: {  	s0 =	simm.s32 $0x2310  }
0x11e: {  	[tilespmem:s0+$0xFFFFFFF0] =	vst v2  }
0x11f: {  	v3 =	vld [tilespmem:s29+$0x0];
	_ =	sdelay $0x1  }
0x120: {  	s31 =	simm.s32 $0x1  }
0x121: {  	s9 =	simm.s32 $0x2;
	v2 =	vmov s31  }
.LBB2_14:
0x122: {  	p0 =	sne.s32 s9, $0x7F  }
0x123: {  	v1 =	vmul.f32 v3, v1;
	_ =	sdelay $0x1  }
0x124: {  	[tilespmem:s0+$0x0] =	vst v1  }
0x125: {  	s29 =	sadd.s32 $0x20, s29;
	v1 =	vld.idx.msk [tilespmem:v2+s16+$0x0], $0xffff  }
0x126: {  	v2 =	vld [tilespmem:s29+$0xFFFFFFF0];
	_ =	sdelay $0x4  }
0x127: {  	v2 =	vmul.f32 v2, v1  }
0x128: {  	s0 =	sadd.s32 $0x20, s0  }
.Ltmp6:
0x129: {  	[tilespmem:s0+$0xFFFFFFF0] =	vst v2;
	(pc) =	sbr.rel @p0 .LBB2_14-.Ltmp6, $2  }
0x12a: {  	v3 =	vld [tilespmem:s29+$0x0];
	_ =	sdelay $0x2  }
0x12b: {  	v2 =	vmov s9;
	s9 =	sadd.s32 $0x1, s9  }
0x12c: {  	_ = 	snop  }
0x12d: {  	v1 =	vmul.f32 v3, v1;
	_ =	sdelay $0x1  }
0x12e: {  	[tilespmem:s0+$0x0] =	vst v1  }
0x12f: {  	s9 =	sadd.s32 $0x20, s29;
	v1 =	vld.idx.msk [tilespmem:v2+s16+$0x0], $0xffff  }
0x130: {  	v2 =	vld [tilespmem:s9+$0xFFFFFFF0];
	_ =	sdelay $0x4  }
0x131: {  	v2 =	vmul.f32 v2, v1  }
0x132: {  	s30 =	sadd.s32 $0x20, s0  }
0x133: {  	[tilespmem:s30+$0xFFFFFFF0] =	vst v2  }
0x134: {  	v2 =	vld [tilespmem:s9+$0x0];
	_ =	sdelay $0x4  }
0x135: {  	v1 =	vmul.f32 v2, v1;
	_ =	sdelay $0x1  }
0x136: {  	[tilespmem:s30+$0x0] =	vst v1  }
0x137: {  	[spmem:s1] =	stream.indirect.scatter.add.f32 [tilespmem:s14], [sflag:$0x3], $0x20, s17, s10, $0xb8;
	[tilespmem:$0x9300] =	vst v63  }
0x138: {  	_ =	swait.ge [sflag:s19], $0x1000  }
0x139: {  	[sflag:s19] =	ssyncset.done $0x0  }
0x13a: {  	[sflag:s19] =	ssyncadd.s32 $0xFFFFF000  }
0x13b: {  	_ =	swait.ge [sflag:s24], $0x1000  }
0x13c: {  	[sflag:s24] =	ssyncset.done $0x0  }
0x13d: {  	s0 =	simm.s32 $0x0;
	s31 =	rddreg [dreg:$0xd];
	[sflag:s24] =	ssyncadd.s32 $0xFFFFF000  }
0x13e: {  	[tilespmem:s20], [sflag:$0x5] =	stream.linear.gather [hbm4b:s31+s0], $0x80, $0x38;
	[tilespmem:$0x9300] =	vst v63  }
0x13f: {  	_ =	swait.ge [sflag:s2], $0x80  }
0x140: {  	[sflag:s2] =	ssyncset.done $0x0  }
0x141: {  	v1 =	vmov s0;
	s30 =	rddreg [dreg:$0xe];
	[sflag:s2] =	ssyncadd.s32 $0xFFFFFF80  }
0x142: {  	[tilespmem:s21], [sflag:$0x5] =	stream.linear.gather [hbm4b:s30+s0], $0x80, $0x38;
	[tilespmem:$0x9300] =	vst v63  }
0x143: {  	_ =	swait.ge [sflag:s2], $0x80  }
0x144: {  	[sflag:s2] =	ssyncset.done $0x0  }
0x145: {  	[sflag:s2] =	ssyncadd.s32 $0xFFFFFF80  }
0x146: {  	s29 =	simm.s32 $0x1310;
	v1 =	vld.idx.msk [tilespmem:v1+s20+$0x0], $0xffff  }
0x147: {  	v2 =	vld [tilespmem:s29+$0xFFFFFFF0];
	_ =	sdelay $0x4  }
0x148: {  	v2 =	vmul.f32 v2, v1  }
0x149: {  	s0 =	simm.s32 $0x3310  }
0x14a: {  	[tilespmem:s0+$0xFFFFFFF0] =	vst v2  }
0x14b: {  	v3 =	vld [tilespmem:s29+$0x0];
	_ =	sdelay $0x1  }
0x14c: {  	s31 =	simm.s32 $0x1  }
0x14d: {  	s9 =	simm.s32 $0x2;
	v2 =	vmov s31  }
.LBB2_16:
0x14e: {  	p0 =	sne.s32 s9, $0x7F  }
0x14f: {  	v1 =	vmul.f32 v3, v1;
	_ =	sdelay $0x1  }
0x150: {  	[tilespmem:s0+$0x0] =	vst v1  }
0x151: {  	s29 =	sadd.s32 $0x20, s29;
	v1 =	vld.idx.msk [tilespmem:v2+s20+$0x0], $0xffff  }
0x152: {  	v2 =	vld [tilespmem:s29+$0xFFFFFFF0];
	_ =	sdelay $0x4  }
0x153: {  	v2 =	vmul.f32 v2, v1  }
0x154: {  	s0 =	sadd.s32 $0x20, s0  }
.Ltmp7:
0x155: {  	[tilespmem:s0+$0xFFFFFFF0] =	vst v2;
	(pc) =	sbr.rel @p0 .LBB2_16-.Ltmp7, $2  }
0x156: {  	v3 =	vld [tilespmem:s29+$0x0];
	_ =	sdelay $0x2  }
0x157: {  	v2 =	vmov s9;
	s9 =	sadd.s32 $0x1, s9  }
0x158: {  	_ = 	snop  }
0x159: {  	v1 =	vmul.f32 v3, v1;
	_ =	sdelay $0x1  }
0x15a: {  	[tilespmem:s0+$0x0] =	vst v1  }
0x15b: {  	s9 =	sadd.s32 $0x20, s29;
	v1 =	vld.idx.msk [tilespmem:v2+s20+$0x0], $0xffff  }
0x15c: {  	v2 =	vld [tilespmem:s9+$0xFFFFFFF0];
	_ =	sdelay $0x4  }
0x15d: {  	v2 =	vmul.f32 v2, v1  }
0x15e: {  	s29 =	sadd.s32 $0x20, s0  }
0x15f: {  	[tilespmem:s29+$0xFFFFFFF0] =	vst v2  }
0x160: {  	v2 =	vld [tilespmem:s9+$0x0];
	_ =	sdelay $0x4  }
0x161: {  	v1 =	vmul.f32 v2, v1;
	_ =	sdelay $0x1  }
0x162: {  	[tilespmem:s29+$0x0] =	vst v1  }
0x163: {  	[spmem:s1] =	stream.indirect.scatter.add.f32 [tilespmem:s22], [sflag:$0x4], $0x20, s21, s10, $0xb8;
	[tilespmem:$0x9300] =	vst v63  }
0x164: {  	_ =	swait.ge [sflag:s23], $0x1000  }
0x165: {  	[sflag:s23] =	ssyncset.done $0x0  }
0x166: {  	[sflag:s23] =	ssyncadd.s32 $0xFFFFF000  }
0x167: {  	_ =	swait.ge [sflag:s24], $0x1000  }
0x168: {  	[sflag:s24] =	ssyncset.done $0x0  }
0x169: {  	[sflag:s24] =	ssyncadd.s32 $0xFFFFF000  }
0x16a: {  	s30 =	stileid.u32;
	[bflag:$0x0] =	sbarrier.arrive $0xFFFF  }
0x16b: {  	s0 =	sshll.u32 s30, $0x6;
	s31 =	rddreg [dreg:$0xf]  }
0x16c: {  	s0 =	sor.u32 $0x1C05, s0;
	s30 =	rddreg [dreg:$0x11]  }
0x16d: {  	[hbm:s31], [sflag:s0] =	dma.local [spmem:s30], $0xA00  }
0x16e: {  	_ =	swait.ge [sflag:s2], $0xA00  }
0x16f: {  	s25 =	sadd.s32 $0x1, s25;
	s31 =	rddreg [dreg:$0x10]  }
0x170: {  	p0 =	sne.s32 s25, s31  }
.Ltmp8:
0x171: {  	_ = 	snop;
	(pc) =	sbr.rel @p0 .LBB2_1-.Ltmp8, $3  }
0x172: {  	_ =	sdelay $0x1  }
0x173: {  	[sflag:s2] =	ssyncset.done $0x0  }
0x174: {  	[sflag:s2] =	ssyncadd.s32 $0xFFFFF600  }
0x175: {  	_ =	sfence.sel $0x180000  }
0x176: {  	[bflag:$0x0] =	sbarrier.arrive $0xFFFF  }
0x177: {  	_ =	strace $0x9000004D  }
0x178: {  	s0 =	stileid.u32;
	[bflag:$0x2] =	sbarrier.arrive $0xFFFF  }
0x179: {  	p0 =	sne.s32 s0, $0x0;
	s0 =	rddreg [dreg:$0x2]  }
0x17a: {  	s0 =	sadd.s32 @!p0 $0x100000, s0  }
0x17b: {  	[sflag:s0] =	ssyncadd.tile.s32 @!p0 $0x1;
	_ =	shalt  }
.Lfunc_end2:
_tile_overlayer_lowered:
.L_overlay_start_2:
0x17c: {  	(tag) =	ssettag $0x2  }
0x17d: {  	s0 =	rddreg [dreg:$0x0];
	s2 =	stileid.u32  }
0x17e: {  	s1 =	rddreg [dreg:$0x1];
	p0 =	sne.s32 s2, $0x0  }
0x17f: {  	s3 =	rddreg [dreg:$0x2];
	[bflag:$0x3] =	sbarrier.arrive $0xFFFF;
	s2 =	simm.s32 @!p0 $0x1C05  }
0x180: {  	[timem:s3], [sflag:s2] =	dma.local @!p0 [hbm:s0], s1  }
0x181: {  	s0 =	simm.s32 @!p0 $0x5  }
0x182: {  	_ =	swait.ge @!p0 [sflag:s0], s1  }
0x183: {  	s1 =	ssub.s32 @!p0 $0x0, s1;
	[sflag:s0] =	ssyncset.done @!p0 $0x0  }
0x184: {  	[sflag:s0] =	ssyncadd.s32 @!p0 s1  }
0x185: {  	[bflag:$0x3] =	sbarrier.arrive $0xFFFF  }
0x186: {  	_ =	shalt  }

// kernel: kernel.9.cloned.1.call-start
scs
__scs_entry_jumppad:
0x0: {  	(pc) =	sbr.rel $0x88, $3  }
0x1: {  	(tag) =	ssettag $0x0;
	lr =	simm.s32 $0x1  }
0x2: {  	[smem:$0x3F96] =	sst lr;
	_ =	strace $0xD0000000  }
0x3: {  	_ = 	snop  }
0x4: {  	_ = 	snop  }
0x5: {  	_ = 	snop  }
0x6: {  	_ = 	snop  }
0x7: {  	_ = 	snop  }
__scs_overlays_trampoline_lowered:
0x8: {  	[smem:$0x3FA5] =	sst s0  }
0x9: {  	[smem:$0x3FA6] =	sst s1  }
0xa: {  	[smem:$0x3FA7] =	sst s2  }
0xb: {  	[smem:$0x3FA8] =	sst s3  }
0xc: {  	[smem:$0x3FA9] =	sst s4  }
0xd: {  	[smem:$0x3FAA] =	sst s5  }
0xe: {  	[smem:$0x3FAB] =	sst s6  }
0xf: {  	[smem:$0x3FAC] =	sst s7  }
0x10: {  	[smem:$0x3FAD] =	sst s8  }
0x11: {  	[smem:$0x3FAE] =	sst s9;
	s0 =	simm.s32 @!p0 $0x0  }
0x12: {  	s1 =	sld [smem:$0x3F94];
	s0 =	simm.s32 @p0 $0x1  }
0x13: {  	[smem:$0x3FAF] =	sst s0;
	s0 =	simm.s32 @!p1 $0x0  }
0x14: {  	s2 =	sld [smem:$0x3F93];
	s0 =	simm.s32 @p1 $0x1  }
0x15: {  	[smem:$0x3FB0] =	sst s0;
	s0 =	simm.s32 @!p2 $0x0  }
0x16: {  	s3 =	sld [smem:$0x3FDB];
	s0 =	simm.s32 @p2 $0x1  }
0x17: {  	s4 =	simm.s32 $0x1BF5;
	[smem:$0x3FB2] =	sst s0  }
0x18: {  	s0 =	sld [smem:$0x3F95];
	_ =	swait.ge [sflag:s4], $0x0  }
0x19: {  	s7 =	sld [smem:$0x3F96]  }
0x1a: {  	s8 =	sadd.s32 $0xFFFFE003, lr  }
0x1b: {  	s9 =	sadd.s32 $0xFFFFFEF7, lr;
	s5 =	simm.s32 $0xFFFFFFFF;
	p2 =	slt.u32 s8, $0xFFFFF086  }
0x1c: {  	p1 =	slt.u32 s9, $0xF7A;
	s5 =	simm.s32 @!p2 $0x0  }
0x1d: {  	s5 =	simm.s32 @p1 $0x1;
	p0 =	seq.s32 s7, s2  }
0x1e: {  	s7 =	smul.u32 @!p0 $0xF7A, s2;
	p2 =	seq.s32 @!p0 s5, $0x0  }
0x1f: {  	s9 =	smul.u32 $0xF7A, s1;
	s8 =	simm.s32 @!p0 $0x1BF5;
	p2 =	por !p2, p0  }
0x20: {  	[sflag:s8] =	ssyncset.s32 @!p0 $0xFFFFF086;
	s6 =	sadd.s32 @!p0 s3, s7;
	s7 =	simm.s32 @!p0 $0x108  }
0x21: {  	s3 =	sadd.s32 s3, s9;
	s6 =	sadd.s32 @!p0 $0x88, s6;
	s7 =	simm.s32 @p2 $0x1082  }
0x22: {  	[simem:s7], [sflag:s8] =	dma.local @!p0 [hbm:s6], $0xF7A  }
0x23: {  	s9 =	sor.u32 $0xD0000000, s2;
	s6 =	simm.s32 $0x108;
	_ =	swait.ge @!p0 [sflag:s8], $0x0  }
0x24: {  	s3 =	sadd.s32 $0x88, s3;
	s6 =	simm.s32 @!p1 $0x1082;
	[sflag:s4] =	ssyncset.s32 $0xFFFFF086  }
0x25: {  	[simem:s6], [sflag:s4] =	dma.local [hbm:s3], $0xF7A  }
0x26: {  	[smem:$0x3F96] =	sst s1;
	(tag) =	ssettag s2;
	_ =	strace s9  }
0x27: {  	s1 =	sld [smem:$0x3FA6]  }
0x28: {  	s2 =	sld [smem:$0x3FA7]  }
0x29: {  	s4 =	sld [smem:$0x3FA9]  }
0x2a: {  	p0 =	seq.s32 s5, $0x0;
	s5 =	sld [smem:$0x3FAA]  }
0x2b: {  	s6 =	sld [smem:$0x3FAB]  }
0x2c: {  	s7 =	sld [smem:$0x3FAC]  }
0x2d: {  	s3 =	simm.s32 $0x108;
	s8 =	sld [smem:$0x3FAD]  }
0x2e: {  	s3 =	simm.s32 @!p0 $0x1082;
	s9 =	sld [smem:$0x3FAE]  }
0x2f: {  	lr =	sadd.s32 s0, s3;
	s0 =	sld [smem:$0x3FA5]  }
0x30: {  	s3 =	sld [smem:$0x3FA8]  }
0x31: {  	[smem:$0x3FB1] =	sst s10  }
0x32: {  	s10 =	sld [smem:$0x3FAF];
	_ =	sdelay $0x3  }
0x33: {  	p0 =	seq.s32 s10, $0x1;
	s10 =	sld [smem:$0x3FB1];
	_ =	sdelay $0x3  }
0x34: {  	[smem:$0x3FB1] =	sst s10  }
0x35: {  	s10 =	sld [smem:$0x3FB0];
	_ =	sdelay $0x3  }
0x36: {  	p1 =	seq.s32 s10, $0x1;
	s10 =	sld [smem:$0x3FB1];
	_ =	sdelay $0x3  }
0x37: {  	[smem:$0x3FB1] =	sst s10  }
0x38: {  	s10 =	sld [smem:$0x3FB2]  }
0x39: {  	_ = 	snop;
	(pc) =	sbr.ind lr, $3  }
0x3a: {  	_ = 	snop  }
0x3b: {  	_ = 	snop  }
0x3c: {  	p2 =	seq.s32 s10, $0x1;
	s10 =	sld [smem:$0x3FB1]  }
0x3d: {  	_ =	shalt  }
0x3e: {  	_ =	shalt  }
0x3f: {  	_ =	shalt  }
0x40: {  	_ =	shalt  }
0x41: {  	_ =	shalt  }
0x42: {  	_ =	shalt  }
0x43: {  	_ =	shalt  }
0x44: {  	_ =	shalt  }
0x45: {  	_ =	shalt  }
0x46: {  	_ =	shalt  }
0x47: {  	_ =	shalt  }
0x48: {  	_ =	shalt  }
0x49: {  	_ =	shalt  }
0x4a: {  	_ =	shalt  }
0x4b: {  	_ =	shalt  }
0x4c: {  	_ =	shalt  }
0x4d: {  	_ =	shalt  }
0x4e: {  	_ =	shalt  }
0x4f: {  	_ =	shalt  }
0x50: {  	_ =	shalt  }
0x51: {  	_ =	shalt  }
0x52: {  	_ =	shalt  }
0x53: {  	_ =	shalt  }
0x54: {  	_ =	shalt  }
0x55: {  	_ =	shalt  }
0x56: {  	_ =	shalt  }
0x57: {  	_ =	shalt  }
0x58: {  	_ =	shalt  }
0x59: {  	_ =	shalt  }
0x5a: {  	_ =	shalt  }
0x5b: {  	_ =	shalt  }
0x5c: {  	_ =	shalt  }
0x5d: {  	_ =	shalt  }
0x5e: {  	_ =	shalt  }
0x5f: {  	_ =	shalt  }
0x60: {  	_ =	shalt  }
0x61: {  	_ =	shalt  }
0x62: {  	_ =	shalt  }
0x63: {  	_ =	shalt  }
0x64: {  	_ =	shalt  }
0x65: {  	_ =	shalt  }
0x66: {  	_ =	shalt  }
0x67: {  	_ =	shalt  }
0x68: {  	_ =	shalt  }
0x69: {  	_ =	shalt  }
0x6a: {  	_ =	shalt  }
0x6b: {  	_ =	shalt  }
0x6c: {  	_ =	shalt  }
0x6d: {  	_ =	shalt  }
0x6e: {  	_ =	shalt  }
0x6f: {  	_ =	shalt  }
0x70: {  	_ =	shalt  }
0x71: {  	_ =	shalt  }
0x72: {  	_ =	shalt  }
0x73: {  	_ =	shalt  }
0x74: {  	_ =	shalt  }
0x75: {  	_ =	shalt  }
0x76: {  	_ =	shalt  }
0x77: {  	_ =	shalt  }
0x78: {  	_ =	shalt  }
0x79: {  	_ =	shalt  }
0x7a: {  	_ =	shalt  }
0x7b: {  	_ =	shalt  }
0x7c: {  	_ =	shalt  }
0x7d: {  	_ =	shalt  }
0x7e: {  	_ =	shalt  }
0x7f: {  	_ =	shalt  }
0x80: {  	_ =	shalt  }
0x81: {  	_ =	shalt  }
0x82: {  	_ =	shalt  }
0x83: {  	_ =	shalt  }
0x84: {  	_ =	shalt  }
0x85: {  	_ =	shalt  }
0x86: {  	_ =	shalt  }
0x87: {  	_ =	shalt  }
.Lfunc_end0:
.L_simem_size_0:
called_computation_lowered:
.L_overlay_start_0:
0x88: {  	s2 =	sld [smem:$0x3FD9]  }
0x89: {  	s3 =	sld [smem:$0x3FFE];
	_ =	sdelay $0x1  }
0x8a: {  	s1 =	srdreg.scid  }
0x8b: {  	s0 =	sand.u32 $0x1, s1  }
0x8c: {  	s17 =	sshll.u32 s0, $0xA;
	s2 =	sadd.s32 s3, s2  }
0x8d: {  	s2 =	sadd.s32 s2, s17  }
0x8e: {  	[smem:$0x3FBD] =	sst s2  }
0x8f: {  	_ = 	snop  }
0x90: {  	s2 =	sld [smem:$0x3FD0];
	(tm) =	ssettm $0x1  }
0x91: {  	s18 =	sld [smem:$0x3FFB];
	_ =	sdelay $0x3  }
0x92: {  	_ =	strace s18  }
0x93: {  	s3 =	sld [smem:$0x3FFC];
	_ =	sdelay $0x3  }
0x94: {  	_ =	strace s3  }
0x95: {  	s3 =	sld [smem:$0x3FFD];
	_ =	sdelay $0x3  }
0x96: {  	_ =	strace s3  }
0x97: {  	_ =	strace $0x8FFFFFFF  }
0x98: {  	s19 =	sld [smem:$0x3FDB];
	_ =	sdelay $0x1  }
0x99: {  	s4 =	simm.s32 $_scs_section_size  }
0x9a: {  	s5 =	simm.s32 $_size__tile_overlayer_lowered;
	s6 =	simm.s32 $_tile_overlayer_lowered  }
0x9b: {  	s22 =	simm.s32 $0x1BFF;
	s21 =	sshll.u32 s6, $0x1;
	s3 =	sadd.s32 s4, s19  }
0x9c: {  	s7 =	simm.s32 $0x0;
	s20 =	sshll.u32 s5, $0x1;
	s5 =	sadd.s32 s21, s3  }
0x9d: {  	[timem:s7], [sflag:s22] =	dma.local [hbm:s5], s20  }
0x9e: {  	_ =	swait.ge [sflag:s22], s20  }
0x9f: {  	s4 =	ssub.s32 $0x0, s20;
	[sflag:s22] =	ssyncset.done $0x0  }
0xa0: {  	[sflag:s22] =	ssyncadd.s32 s4;
	_ =	sdelay $0x1  }
0xa1: {  	s23 =	simm.s32 $0x1B8B  }
0xa2: {  	_ =	swait.ge [sflag:s23], $0x1  }
0xa3: {  	[sflag:s23] =	ssyncset.done $0x0  }
0xa4: {  	s25 =	simm.s32 $0x1B8E;
	s24 =	sld [smem:$0x3FFE];
	[sflag:s23] =	ssyncadd.s32 $0xFFFFFFFF  }
0xa5: {  	s26 =	simm.s32 $execute0_lowered;
	[smem:$0x3FD2] =	sst s25  }
0xa6: {  	s5 =	sshll.u32 s26, $0x1;
	_ =	strace $0x80000046;
	[dreg:$0x1] =	wrdreg $0xFFFFFFFF  }
0xa7: {  	s28 =	simm.s32 $_size_execute0_lowered;
	s3 =	sadd.s32 s3, s5;
	[dreg:$0x0] =	wrdreg $0x0  }
0xa8: {  	s5 =	sshll.u32 s28, $0x1;
	[dreg:$0x2] =	wrdreg s3  }
0xa9: {  	[dreg:$0x3] =	wrdreg s5  }
0xaa: {  	[dreg:$0x4] =	wrdreg $0xC0  }
0xab: {  	_ =	task [dreg:s7], $0x5FFFF  }
0xac: {  	[dreg:$0x1] =	wrdreg $0xFFFFFFFF  }
0xad: {  	[dreg:$0x0] =	wrdreg $0x60  }
0xae: {  	[dreg:$0x2] =	wrdreg s24  }
0xaf: {  	[dreg:$0x3] =	wrdreg s2  }
0xb0: {  	[dreg:$0x4] =	wrdreg $0x15D800  }
0xb1: {  	[dreg:$0x5] =	wrdreg $0x135800  }
0xb2: {  	[dreg:$0x6] =	wrdreg $0x9  }
0xb3: {  	_ =	task.clear_ibuf [dreg:s7], $0x7FFFF;
	_ =	strace $0x90000046  }
0xb4: {  	s29 =	simm.s32 $0x9;
	_ =	strace $0x80000048  }
0xb5: {  	_ =	swait.ge [sflag:s29], $0x1  }
0xb6: {  	[sflag:s29] =	ssyncadd.s32 $0xFFFFFFFF  }
0xb7: {  	_ =	strace $0x90000048  }
0xb8: {  	_ =	sfence  }
0xb9: {  	s30 =	sld [smem:$0x0];
	_ =	sdelay $0x2  }
0xba: {  	s31 =	sshll.u32 s1, $0xD;
	s1 =	sshrl.u32 s1, $0x2  }
0xbb: {  	s3 =	sand.u32 $0x4000, s31;
	s1 =	sadd.s32 s1, s30  }
0xbc: {  	s0 =	sor.u32 s3, s0;
	s1 =	sshll.u32 s1, $0x11  }
0xbd: {  	s0 =	sor.u32 s1, s0  }
0xbe: {  	s0 =	sadd.s32 $0x8F2B, s0  }
0xbf: {  	[sflag:s0] =	ssyncadd.remote.s32 $0x1  }
0xc0: {  	_ =	sfence.sel $0xFFFF  }
0xc1: {  	[dreg:$0x0] =	wrdreg $0xFFFFFFFF;
	(pc) =	sbr.abs _section_cstart, $3  }
0xc2: {  	[dreg:$0x1] =	wrdreg $0xFFFFFFFF  }
0xc3: {  	_ =	task.clear_ibuf [dreg:s7], $0x2FFFF;
	_ =	strace $0x9FFFFFFF  }
0xc4: {  	(tm) =	ssettm $0x7FFFFFFF  }
0xc5: {  	_ =	shalt  }
tec
execute0_lowered:
.L_overlay_start_1:
0x0: {  	(tag) =	ssettag $0x1  }
0x1: {  	s0 =	rddreg [dreg:$0x0]  }
0x2: {  	s2 =	rddreg [dreg:$0x1]  }
0x3: {  	s1 =	rddreg [dreg:$0x2]  }
0x4: {  	s18 =	rddreg [dreg:$0x3];
	s17 =	stileid.u32  }
0x5: {  	s3 =	srdreg.scid;
	s5 =	simm.s32 $0x0;
	s10 =	smul.u32 $0x5000, s17  }
0x6: {  	s28 =	simm.s32 $0xC800;
	s29 =	simm.s32 $0x1;
	s11 =	smul.u32 $0xA00, s17  }
0x7: {  	s3 =	sand.u32 $0x1, s3;
	[smem:$0x7FF] =	sst s5;
	s23 =	smul.u32 $0x14000, s17  }
0x8: {  	s5 =	sadd.s32 $0x35200, s0;
	s8 =	sadd.s32 $0x3F200, s0;
	s14 =	smul.u32 $0xA000, s17  }
0x9: {  	s9 =	sadd.s32 $0x3200, s0;
	s4 =	smul.u32 $0x50000, s3;
	s6 =	sshll.u32 s3, $0x4  }
0xa: {  	_ =	strace $0x80000047;
	s12 =	ssub.s32 $0x2, s3;
	s3 =	smul.u32 $0x2800, s3  }
0xb: {  	s7 =	sor.u32 s17, s6;
	s6 =	sadd.s32 $0x49200, s0;
	s15 =	sshrl.u32 s12, $0x1  }
0xc: {  	s17 =	smul.u32 $0x280, s17;
	s25 =	sadd.s32 s8, s11;
	s26 =	sadd.s32 s9, s11  }
0xd: {  	s4 =	sadd.s32 s10, s4;
	s7 =	smul.u32 $0x2800, s7;
	[dreg:$0x6] =	wrdreg s25  }
0xe: {  	s12 =	ssub.s32 s12, s15;
	[dreg:$0x7] =	wrdreg s26;
	s15 =	sshrl.u32 s14, $0x2  }
0xf: {  	s4 =	sshrl.u32 s4, $0x3;
	s3 =	sadd.s32 s17, s3;
	s21 =	sadd.s32 s17, s18  }
0x10: {  	s0 =	sadd.s32 s4, s0;
	s4 =	sshrl.u32 s23, $0x2;
	s3 =	sshrl.u32 s3, $0x3  }
0x11: {  	[dreg:$0xb] =	wrdreg s21;
	s19 =	sadd.s32 s4, s1;
	s4 =	sadd.s32 s15, s18  }
0x12: {  	s13 =	sshrl.u32 s7, $0x3;
	s2 =	sadd.s32 s2, s3;
	[dreg:$0x9] =	wrdreg s4  }
0x13: {  	s20 =	sshrl.u32 s11, $0x2;
	s11 =	sadd.s32 s8, s13;
	[dreg:$0xa] =	wrdreg s2  }
0x14: {  	s17 =	sadd.s32 s10, s1;
	s0 =	sadd.s32 $0x53200, s0;
	[dreg:$0x12] =	wrdreg s11  }
0x15: {  	s15 =	sadd.s32 s20, s18;
	s18 =	smax.u32 s12, $0x1;
	[dreg:$0x15] =	wrdreg s0  }
0x16: {  	s30 =	simm.s32 $0xF480;
	s20 =	sshrl.u32 s17, $0x3;
	[dreg:$0x16] =	wrdreg s18  }
0x17: {  	s31 =	simm.s32 $0xF380;
	s26 =	sadd.s32 s6, s13;
	[dreg:$0x17] =	wrdreg s20  }
0x18: {  	s10 =	sor.u32 $0x180, s7;
	s16 =	sor.u32 $0x10, s13;
	[dreg:$0x10] =	wrdreg s26  }
0x19: {  	s14 =	sadd.s32 $0x4F0, s13;
	s24 =	sadd.s32 s6, s16;
	[dreg:$0x8] =	wrdreg s19  }
0x1a: {  	s3 =	sor.u32 $0x80, s7;
	s22 =	sadd.s32 s9, s16;
	[dreg:$0x5] =	wrdreg s24  }
0x1b: {  	s17 =	simm.s32 $0xF280;
	s23 =	sadd.s32 s8, s16;
	[dreg:$0xc] =	wrdreg s22  }
0x1c: {  	s12 =	simm.s32 $0x0;
	s4 =	sadd.s32 s9, s13;
	[dreg:$0xd] =	wrdreg s23  }
0x1d: {  	s16 =	sadd.s32 s9, s14;
	s21 =	sadd.s32 $0x20, s26;
	[dreg:$0x11] =	wrdreg s4  }
0x1e: {  	s18 =	simm.s32 $0x5;
	s0 =	simm.s32 $0x2;
	[dreg:$0x13] =	wrdreg s16  }
0x1f: {  	s11 =	simm.s32 $0xF400;
	[dreg:$0x18] =	wrdreg s21;
	s22 =	sadd.s32 $0x30, s26  }
0x20: {  	s24 =	sadd.s32 $0x4E0, s13;
	s23 =	sadd.s32 $0x1000, s19;
	[dreg:$0x19] =	wrdreg s22  }
0x21: {  	s26 =	sadd.s32 $0x4000, s19;
	s21 =	simm.s32 $0xF300;
	[dreg:$0x1a] =	wrdreg s23  }
0x22: {  	s16 =	simm.s32 $0x4;
	s25 =	sadd.s32 s9, s24;
	[dreg:$0x1d] =	wrdreg s26  }
0x23: {  	s2 =	sadd.s32 s8, s24;
	s24 =	sadd.s32 $0x2000, s19;
	[dreg:$0xe] =	wrdreg s25  }
0x24: {  	s26 =	simm.s32 $0xF500;
	[dreg:$0xf] =	wrdreg s2;
	s2 =	sadd.s32 s8, s14  }
0x25: {  	[dreg:$0x1b] =	wrdreg s24;
	s25 =	sadd.s32 $0x3000, s19;
	s19 =	simm.s32 $0x80  }
0x26: {  	s24 =	simm.s32 $0xA000;
	s14 =	simm.s32 $0x3;
	[dreg:$0x14] =	wrdreg s2  }
0x27: {  	v0 =	vimm.f32 $0.0e+00;
	s2 =	sor.u32 $0x100, s7;
	[dreg:$0x1c] =	wrdreg s25;
	s25 =	simm.s32 $0x11580  }
.LBB2_1:
0x28: {  	[dreg:$0x1e] =	wrdreg s12  }
0x29: {  	s4 =	simm.s32 $0x0;
	s20 =	rddreg [dreg:$0x10]  }
0x2a: {  	[tilespmem:s17], [sflag:$0x5] =	stream.linear.gather [hbm4b:s20+s4], $0x80, $0x38;
	[tilespmem:$0x1AD80] =	vst v63  }
0x2b: {  	_ =	swait.ge [sflag:s18], $0x80  }
0x2c: {  	[sflag:s18] =	ssyncset.done $0x0  }
0x2d: {  	s22 =	simm.s32 $0xF580;
	[sflag:s18] =	ssyncadd.s32 $0xFFFFFF80  }
0x2e: {  	[tilespmem:s22], [sflag:$0x1] =	stream.indirect.gather [hbm4b:s5+s19], $0x20, s17, s19, $0xb8;
	[tilespmem:$0x1AD80] =	vst v63  }
0x2f: {  	s13 =	rddreg [dreg:$0x5]  }
0x30: {  	[tilespmem:s21], [sflag:$0x5] =	stream.linear.gather [hbm4b:s13+s4], $0x80, $0x38;
	[tilespmem:$0x1AD80] =	vst v63  }
0x31: {  	_ =	swait.ge [sflag:s18], $0x80  }
0x32: {  	s12 =	simm.s32 $0x0;
	s23 =	simm.s32 $0x10580;
	[sflag:s18] =	ssyncset.done $0x0  }
0x33: {  	s4 =	simm.s32 $0x40;
	s13 =	simm.s32 $0x0;
	[sflag:s18] =	ssyncadd.s32 $0xFFFFFF80  }
0x34: {  	[tilespmem:s23], [sflag:$0x2] =	stream.indirect.gather [hbm4b:s5+s19], $0x20, s21, s19, $0xb8;
	[tilespmem:$0x1AD80] =	vst v63  }
.LBB2_2:
0x35: {  	p0 =	sne.s32 s4, $0x9FC0;
	[tilespmem:s13+$0xA000] =	vst v0;
	s13 =	smov.u32 s4;
	s4 =	sadd.s32 $0x40, s4  }
.Ltmp0:
0x36: {  	(pc) =	sbr.rel @p0 .LBB2_2-.Ltmp0, $2  }
0x37: {  	_ =	sdelay $0x2  }
0x38: {  	s13 =	sshra.s32 s13, $0x2  }
0x39: {  	[tilespmem:s13+$0xA000] =	vst v0;
	s4 =	simm.s32 $0x0;
	s22 =	rddreg [dreg:$0x6]  }
0x3a: {  	[tilespmem:s4], [sflag:$0x5] =	stream.linear.gather [hbm4b:s22+s4], $0x5000, $0x38;
	[tilespmem:$0x1AD80] =	vst v63  }
0x3b: {  	_ =	swait.ge [sflag:s18], $0x5000  }
0x3c: {  	[sflag:s18] =	ssyncset.done $0x0  }
0x3d: {  	s20 =	simm.s32 $0x5000;
	s23 =	rddreg [dreg:$0x7];
	[sflag:s18] =	ssyncadd.s32 $0xFFFFB000  }
0x3e: {  	[tilespmem:s20], [sflag:$0x5] =	stream.linear.gather [hbm4b:s23+s4], $0x5000, $0x38;
	[tilespmem:$0x1AD80] =	vst v63  }
0x3f: {  	_ =	swait.ge [sflag:s18], $0x5000  }
0x40: {  	[sflag:s18] =	ssyncset.done $0x0  }
0x41: {  	[sflag:s18] =	ssyncadd.s32 $0xFFFFB000  }
.LBB2_4:
0x42: {  	s13 =	sshra.s32 s4, $0x2  }
0x43: {  	v1 =	vld [tilespmem:s13+$0x0];
	_ =	sdelay $0x2  }
0x44: {  	v2 =	vld [tilespmem:s13+$0x5000];
	_ =	sdelay $0x4  }
0x45: {  	[tilespmem:v1+s24+$0x0] =	vst.idx.add.f32.msk $0xffff, v2  }
0x46: {  	v1 =	vld [tilespmem:s13+$0x10];
	_ =	sdelay $0x2  }
0x47: {  	v2 =	vld [tilespmem:s13+$0x5010];
	_ =	sdelay $0x4  }
0x48: {  	[tilespmem:v1+s24+$0x0] =	vst.idx.add.f32.msk $0xffff, v2  }
0x49: {  	v1 =	vld [tilespmem:s13+$0x20];
	_ =	sdelay $0x2  }
0x4a: {  	v2 =	vld [tilespmem:s13+$0x5020];
	_ =	sdelay $0x4  }
0x4b: {  	[tilespmem:v1+s24+$0x0] =	vst.idx.add.f32.msk $0xffff, v2  }
0x4c: {  	v1 =	vld [tilespmem:s13+$0x30];
	_ =	sdelay $0x2  }
0x4d: {  	v2 =	vld [tilespmem:s13+$0x5030];
	_ =	sdelay $0x4  }
0x4e: {  	[tilespmem:v1+s24+$0x0] =	vst.idx.add.f32.msk $0xffff, v2  }
0x4f: {  	v1 =	vld [tilespmem:s13+$0x40];
	_ =	sdelay $0x2  }
0x50: {  	v2 =	vld [tilespmem:s13+$0x5040];
	_ =	sdelay $0x4  }
0x51: {  	[tilespmem:v1+s24+$0x0] =	vst.idx.add.f32.msk $0xffff, v2  }
0x52: {  	v1 =	vld [tilespmem:s13+$0x50];
	_ =	sdelay $0x2  }
0x53: {  	v2 =	vld [tilespmem:s13+$0x5050];
	_ =	sdelay $0x4  }
0x54: {  	[tilespmem:v1+s24+$0x0] =	vst.idx.add.f32.msk $0xffff, v2  }
0x55: {  	v1 =	vld [tilespmem:s13+$0x60];
	_ =	sdelay $0x2  }
0x56: {  	v2 =	vld [tilespmem:s13+$0x5060];
	_ =	sdelay $0x4  }
0x57: {  	[tilespmem:v1+s24+$0x0] =	vst.idx.add.f32.msk $0xffff, v2  }
0x58: {  	v1 =	vld [tilespmem:s13+$0x70];
	_ =	sdelay $0x2  }
0x59: {  	p0 =	sne.s32 s4, $0x13E00;
	v2 =	vld [tilespmem:s13+$0x5070]  }
.Ltmp1:
0x5a: {  	_ = 	snop;
	(pc) =	sbr.rel @p0 .LBB2_4-.Ltmp1, $2  }
0x5b: {  	_ =	sdelay $0x2  }
0x5c: {  	s4 =	sadd.s32 $0x200, s4;
	[tilespmem:v1+s24+$0x0] =	vst.idx.add.f32.msk $0xffff, v2  }
0x5d: {  	s4 =	simm.s32 $0x80;
	s13 =	simm.s32 $0x0  }
.LBB2_6:
0x5e: {  	p0 =	sne.s32 s4, $0x3F80;
	[tilespmem:s13+$0x11580] =	vst v0;
	s20 =	smov.u32 s4;
	s4 =	sadd.s32 $0x80, s4  }
.Ltmp2:
0x5f: {  	[tilespmem:s13+$0x11590] =	vst v0;
	(pc) =	sbr.rel @p0 .LBB2_6-.Ltmp2, $2  }
0x60: {  	_ =	sdelay $0x2  }
0x61: {  	s13 =	sshra.s32 s20, $0x2  }
0x62: {  	[tilespmem:s13+$0x11580] =	vst v0  }
0x63: {  	[tilespmem:s13+$0x11590] =	vst v0;
	s4 =	rddreg [dreg:$0x8]  }
0x64: {  	[spmem:s4] =	stream.linear.scatter [tilespmem:s25], [sflag:$0x5], $0x1000, $0x38;
	[tilespmem:$0x1AD80] =	vst v63  }
0x65: {  	_ =	swait.ge [sflag:s18], $0x1000  }
0x66: {  	[sflag:s18] =	ssyncset.done $0x0  }
0x67: {  	s23 =	rddreg [dreg:$0x1a];
	[sflag:s18] =	ssyncadd.s32 $0xFFFFF000  }
0x68: {  	[spmem:s23] =	stream.linear.scatter [tilespmem:s25], [sflag:$0x5], $0x1000, $0x38;
	[tilespmem:$0x1AD80] =	vst v63  }
0x69: {  	_ =	swait.ge [sflag:s18], $0x1000  }
0x6a: {  	[sflag:s18] =	ssyncset.done $0x0  }
0x6b: {  	s13 =	rddreg [dreg:$0x1b];
	[sflag:s18] =	ssyncadd.s32 $0xFFFFF000  }
0x6c: {  	[spmem:s13] =	stream.linear.scatter [tilespmem:s25], [sflag:$0x5], $0x1000, $0x38;
	[tilespmem:$0x1AD80] =	vst v63  }
0x6d: {  	_ =	swait.ge [sflag:s18], $0x1000  }
0x6e: {  	[sflag:s18] =	ssyncset.done $0x0  }
0x6f: {  	s20 =	rddreg [dreg:$0x1c];
	[sflag:s18] =	ssyncadd.s32 $0xFFFFF000  }
0x70: {  	[spmem:s20] =	stream.linear.scatter [tilespmem:s25], [sflag:$0x5], $0x1000, $0x38;
	[tilespmem:$0x1AD80] =	vst v63  }
0x71: {  	_ =	swait.ge [sflag:s18], $0x1000  }
0x72: {  	[sflag:s18] =	ssyncset.done $0x0  }
0x73: {  	s22 =	rddreg [dreg:$0x1d];
	[sflag:s18] =	ssyncadd.s32 $0xFFFFF000  }
0x74: {  	[spmem:s22] =	stream.linear.scatter [tilespmem:s25], [sflag:$0x5], $0x1000, $0x38;
	[tilespmem:$0x1AD80] =	vst v63  }
0x75: {  	_ =	swait.ge [sflag:s18], $0x1000  }
0x76: {  	[sflag:s18] =	ssyncset.done $0x0  }
0x77: {  	s23 =	rddreg [dreg:$0x9];
	[sflag:s18] =	ssyncadd.s32 $0xFFFFF000  }
0x78: {  	[spmem:s23] =	stream.linear.scatter [tilespmem:s24], [sflag:$0x5], $0x2800, $0x38;
	[tilespmem:$0x1AD80] =	vst v63  }
0x79: {  	_ =	swait.ge [sflag:s18], $0x2800  }
0x7a: {  	[sflag:s18] =	ssyncset.done $0x0  }
0x7b: {  	[sflag:s18] =	ssyncadd.s32 $0xFFFFD800  }
0x7c: {  	[bflag:$0x0] =	sbarrier.arrive $0xFFFF  }
0x7d: {  	[tilespmem:$0xF000] =	vst v0  }
0x7e: {  	[tilespmem:$0xF010] =	vst v0  }
0x7f: {  	[tilespmem:$0xF020] =	vst v0  }
0x80: {  	[tilespmem:$0xF030] =	vst v0  }
0x81: {  	[tilespmem:$0xF040] =	vst v0  }
0x82: {  	[tilespmem:$0xF050] =	vst v0  }
0x83: {  	[tilespmem:$0xF060] =	vst v0  }
0x84: {  	[tilespmem:$0xF070] =	vst v0  }
0x85: {  	[tilespmem:$0xF080] =	vst v0  }
0x86: {  	[tilespmem:$0xF090] =	vst v0  }
0x87: {  	[tilespmem:$0xF0A0] =	vst v0  }
0x88: {  	[tilespmem:$0xF0B0] =	vst v0  }
0x89: {  	[tilespmem:$0xF0C0] =	vst v0  }
0x8a: {  	[tilespmem:$0xF0D0] =	vst v0  }
0x8b: {  	[tilespmem:$0xF0E0] =	vst v0  }
0x8c: {  	[tilespmem:$0xF0F0] =	vst v0  }
0x8d: {  	[tilespmem:$0xF100] =	vst v0  }
0x8e: {  	[tilespmem:$0xF110] =	vst v0  }
0x8f: {  	[tilespmem:$0xF120] =	vst v0  }
0x90: {  	[tilespmem:$0xF130] =	vst v0  }
0x91: {  	[tilespmem:$0xF140] =	vst v0  }
0x92: {  	[tilespmem:$0xF150] =	vst v0  }
0x93: {  	[tilespmem:$0xF160] =	vst v0  }
0x94: {  	[tilespmem:$0xF170] =	vst v0  }
0x95: {  	[tilespmem:$0xF180] =	vst v0  }
0x96: {  	[tilespmem:$0xF190] =	vst v0  }
0x97: {  	[tilespmem:$0xF1A0] =	vst v0  }
0x98: {  	[tilespmem:$0xF1B0] =	vst v0  }
0x99: {  	[tilespmem:$0xF1C0] =	vst v0  }
0x9a: {  	[tilespmem:$0xF1D0] =	vst v0  }
0x9b: {  	[tilespmem:$0xF1E0] =	vst v0  }
0x9c: {  	[tilespmem:$0xF1F0] =	vst v0  }
0x9d: {  	[tilespmem:$0xF200] =	vst v0  }
0x9e: {  	[tilespmem:$0xF210] =	vst v0  }
0x9f: {  	[tilespmem:$0xF220] =	vst v0  }
0xa0: {  	[tilespmem:$0xF230] =	vst v0  }
0xa1: {  	[tilespmem:$0xF240] =	vst v0  }
0xa2: {  	[tilespmem:$0xF250] =	vst v0  }
0xa3: {  	[tilespmem:$0xF260] =	vst v0  }
0xa4: {  	s4 =	simm.s32 $0x0;
	[tilespmem:$0xF270] =	vst v0  }
.LBB2_8:
0xa5: {  	s13 =	smul.u32 $0xA000, s4;
	_ =	sdelay $0x1  }
0xa6: {  	s13 =	sshra.s32 s13, $0x2  }
0xa7: {  	s13 =	sadd.s32 s13, s15  }
0xa8: {  	[tilespmem:s24], [sflag:$0x5] =	stream.linear.gather [spmem:s13], $0x280, $0x38;
	[tilespmem:$0x1AD80] =	vst v63  }
0xa9: {  	_ =	swait.ge [sflag:s18], $0x280  }
0xaa: {  	[sflag:s18] =	ssyncset.done $0x0  }
0xab: {  	s13 =	simm.s32 $0x0;
	[sflag:s18] =	ssyncadd.s32 $0xFFFFFD80  }
0xac: {  	s20 =	simm.s32 $0x40;
	v1 =	vld [tilespmem:s13+$0xA000]  }
.LBB2_9:
0xad: {  	p0 =	sne.s32 s20, $0x9C0;
	v2 =	vld [tilespmem:s13+$0xF000];
	_ =	sdelay $0x2  }
.Ltmp3:
0xae: {  	(pc) =	sbr.rel @p0 .LBB2_9-.Ltmp3, $4  }
0xaf: {  	_ = 	snop  }
0xb0: {  	v2 =	vadd.f32 v1, v2  }
0xb1: {  	s22 =	sshra.s32 s20, $0x2  }
0xb2: {  	s20 =	sadd.s32 $0x40, s20;
	v1 =	vld [tilespmem:s22+$0xA000];
	[tilespmem:s13+$0xF000] =	vst v2;
	s13 =	smov.u32 s22  }
0xb3: {  	v2 =	vld [tilespmem:s13+$0xF000]  }
0xb4: {  	s4 =	sadd.s32 $0x1, s4  }
0xb5: {  	p0 =	sne.s32 s4, $0x10  }
.Ltmp4:
0xb6: {  	_ = 	snop;
	(pc) =	sbr.rel @p0 .LBB2_8-.Ltmp4, $3  }
0xb7: {  	_ = 	snop  }
0xb8: {  	v1 =	vadd.f32 v1, v2;
	_ =	sdelay $0x1  }
0xb9: {  	[tilespmem:s13+$0xF000] =	vst v1  }
0xba: {  	s13 =	simm.s32 $0x0;
	s22 =	simm.s32 $0x40  }
.LBB2_12:
0xbb: {  	p0 =	sne.s32 s22, $0x9C0;
	v1 =	vld [tilespmem:s13+$0xF000];
	_ =	sdelay $0x4  }
0xbc: {  	v1 =	vadd.f32 $1.000000000e+00, v1;
	_ =	sdelay $0x1  }
0xbd: {  	v2 =	vshra.s32 v1, $0x1;
	v1 =	vmul.f32 $5.000000000e-01, v1  }
0xbe: {  	v2 =	vsub.s32 $0x5F3759DF, v2  }
0xbf: {  	v3 =	vmul.f32 v2, v1;
	_ =	sdelay $0x1  }
0xc0: {  	v3 =	vmul.f32 v2, v3;
	_ =	sdelay $0x1  }
0xc1: {  	v3 =	vsub.f32 $1.500000000e+00, v3;
	_ =	sdelay $0x1  }
0xc2: {  	v2 =	vmul.f32 v2, v3;
	_ =	sdelay $0x1  }
0xc3: {  	v3 =	vmul.f32 v2, v1;
	_ =	sdelay $0x1  }
0xc4: {  	v3 =	vmul.f32 v3, v2;
	_ =	sdelay $0x1  }
0xc5: {  	v3 =	vsub.f32 $1.500000000e+00, v3;
	_ =	sdelay $0x1  }
0xc6: {  	v2 =	vmul.f32 v3, v2;
	_ =	sdelay $0x1  }
0xc7: {  	v1 =	vmul.f32 v2, v1;
	_ =	sdelay $0x1  }
0xc8: {  	v1 =	vmul.f32 v1, v2;
	_ =	sdelay $0x1  }
.Ltmp5:
0xc9: {  	v1 =	vsub.f32 $1.500000000e+00, v1;
	(pc) =	sbr.rel @p0 .LBB2_12-.Ltmp5, $3  }
0xca: {  	_ = 	snop  }
0xcb: {  	v1 =	vmul.f32 v1, v2;
	_ =	sdelay $0x1  }
0xcc: {  	[tilespmem:s13+$0xF000] =	vst v1;
	s13 =	sshra.s32 s22, $0x2;
	s22 =	sadd.s32 $0x40, s22  }
0xcd: {  	v1 =	vld [tilespmem:s13+$0xF000];
	_ =	sdelay $0x4  }
0xce: {  	v1 =	vadd.f32 $1.000000000e+00, v1;
	_ =	sdelay $0x1  }
0xcf: {  	v2 =	vshra.s32 v1, $0x1;
	v1 =	vmul.f32 $5.000000000e-01, v1  }
0xd0: {  	v2 =	vsub.s32 $0x5F3759DF, v2  }
0xd1: {  	v3 =	vmul.f32 v2, v1;
	_ =	sdelay $0x1  }
0xd2: {  	v3 =	vmul.f32 v2, v3;
	_ =	sdelay $0x1  }
0xd3: {  	v3 =	vsub.f32 $1.500000000e+00, v3;
	_ =	sdelay $0x1  }
0xd4: {  	v2 =	vmul.f32 v2, v3;
	_ =	sdelay $0x1  }
0xd5: {  	v3 =	vmul.f32 v2, v1;
	_ =	sdelay $0x1  }
0xd6: {  	v3 =	vmul.f32 v3, v2;
	_ =	sdelay $0x1  }
0xd7: {  	v3 =	vsub.f32 $1.500000000e+00, v3;
	_ =	sdelay $0x1  }
0xd8: {  	v2 =	vmul.f32 v3, v2;
	_ =	sdelay $0x1  }
0xd9: {  	v1 =	vmul.f32 v2, v1;
	_ =	sdelay $0x1  }
0xda: {  	v1 =	vmul.f32 v1, v2;
	_ =	sdelay $0x1  }
0xdb: {  	v1 =	vsub.f32 $1.500000000e+00, v1;
	_ =	sdelay $0x1  }
0xdc: {  	v1 =	vmul.f32 v1, v2;
	_ =	sdelay $0x1  }
0xdd: {  	s4 =	rddreg [dreg:$0xa];
	s20 =	simm.s32 $0xF000;
	[tilespmem:s13+$0xF000] =	vst v1;
	s13 =	simm.s32 $0x0  }
0xde: {  	[hbm4b:s4+s13] =	stream.linear.scatter [tilespmem:s20], [sflag:$0x5], $0x280, $0x38;
	[tilespmem:$0x1AD80] =	vst v63  }
0xdf: {  	_ =	swait.ge [sflag:s18], $0x280  }
0xe0: {  	[sflag:s18] =	ssyncset.done $0x0  }
0xe1: {  	s22 =	rddreg [dreg:$0xb];
	[sflag:s18] =	ssyncadd.s32 $0xFFFFFD80  }
0xe2: {  	[spmem:s22] =	stream.linear.scatter [tilespmem:s20], [sflag:$0x5], $0x280, $0x38;
	[tilespmem:$0x1AD80] =	vst v63  }
0xe3: {  	_ =	swait.ge [sflag:s18], $0x280  }
0xe4: {  	[sflag:s18] =	ssyncset.done $0x0  }
0xe5: {  	[sflag:s18] =	ssyncadd.s32 $0xFFFFFD80  }
0xe6: {  	[bflag:$0x0] =	sbarrier.arrive $0xFFFF  }
0xe7: {  	s23 =	rddreg [dreg:$0x3]  }
0xe8: {  	[tilespmem:s28], [sflag:$0x5] =	stream.linear.gather [spmem:s23], $0x2800, $0x38;
	[tilespmem:$0x1AD80] =	vst v63  }
0xe9: {  	_ =	swait.ge [sflag:s18], $0x2800  }
0xea: {  	[sflag:s18] =	ssyncset.done $0x0  }
0xeb: {  	[sflag:s18] =	ssyncadd.s32 $0xFFFFD800  }
0xec: {  	_ =	swait.ge [sflag:s29], $0x1000  }
0xed: {  	[sflag:s29] =	ssyncset.done $0x0  }
0xee: {  	s20 =	rddreg [dreg:$0x11];
	[sflag:s29] =	ssyncadd.s32 $0xFFFFF000  }
0xef: {  	[tilespmem:s30], [sflag:$0x5] =	stream.linear.gather [hbm4b:s20+s13], $0x80, $0x38;
	[tilespmem:$0x1AD80] =	vst v63  }
0xf0: {  	_ =	swait.ge [sflag:s18], $0x80  }
0xf1: {  	[sflag:s18] =	ssyncset.done $0x0  }
0xf2: {  	s22 =	rddreg [dreg:$0x12];
	[sflag:s18] =	ssyncadd.s32 $0xFFFFFF80  }
0xf3: {  	[tilespmem:s31], [sflag:$0x5] =	stream.linear.gather [hbm4b:s22+s13], $0x80, $0x38;
	[tilespmem:$0x1AD80] =	vst v63  }
0xf4: {  	_ =	swait.ge [sflag:s18], $0x80  }
0xf5: {  	[sflag:s18] =	ssyncset.done $0x0  }
0xf6: {  	[sflag:s18] =	ssyncadd.s32 $0xFFFFFF80  }
0xf7: {  	v1 =	vld [tilespmem:$0xF280];
	_ =	sdelay $0x5  }
0xf8: {  	v2 =	vld [tilespmem:$0xF480]  }
0xf9: {  	v3 =	vld [tilespmem:$0xF290]  }
0xfa: {  	v1 =	vld.idx.msk [tilespmem:v1+s28+$0x0], $0xffff;
	_ =	sdelay $0x4  }
0xfb: {  	v1 =	vmul.f32 v2, v1;
	_ =	sdelay $0x1  }
0xfc: {  	v2 =	vld [tilespmem:$0xF490];
	[tilespmem:$0xF480] =	vst v1  }
0xfd: {  	v1 =	vld.idx.msk [tilespmem:v3+s28+$0x0], $0xffff  }
0xfe: {  	v3 =	vld [tilespmem:$0xF2A0];
	_ =	sdelay $0x4  }
0xff: {  	v1 =	vmul.f32 v2, v1;
	_ =	sdelay $0x1  }
0x100: {  	v2 =	vld [tilespmem:$0xF4A0];
	[tilespmem:$0xF490] =	vst v1  }
0x101: {  	v1 =	vld.idx.msk [tilespmem:v3+s28+$0x0], $0xffff  }
0x102: {  	v3 =	vld [tilespmem:$0xF2B0];
	_ =	sdelay $0x4  }
0x103: {  	v1 =	vmul.f32 v2, v1;
	_ =	sdelay $0x1  }
0x104: {  	v2 =	vld [tilespmem:$0xF4B0];
	[tilespmem:$0xF4A0] =	vst v1  }
0x105: {  	v1 =	vld.idx.msk [tilespmem:v3+s28+$0x0], $0xffff  }
0x106: {  	v3 =	vld [tilespmem:$0xF2C0];
	_ =	sdelay $0x4  }
0x107: {  	v1 =	vmul.f32 v2, v1;
	_ =	sdelay $0x1  }
0x108: {  	v2 =	vld [tilespmem:$0xF4C0];
	[tilespmem:$0xF4B0] =	vst v1  }
0x109: {  	v1 =	vld.idx.msk [tilespmem:v3+s28+$0x0], $0xffff  }
0x10a: {  	v3 =	vld [tilespmem:$0xF2D0];
	_ =	sdelay $0x4  }
0x10b: {  	v1 =	vmul.f32 v2, v1;
	_ =	sdelay $0x1  }
0x10c: {  	v2 =	vld [tilespmem:$0xF4D0];
	[tilespmem:$0xF4C0] =	vst v1  }
0x10d: {  	v1 =	vld.idx.msk [tilespmem:v3+s28+$0x0], $0xffff  }
0x10e: {  	v3 =	vld [tilespmem:$0xF2E0];
	_ =	sdelay $0x4  }
0x10f: {  	v1 =	vmul.f32 v2, v1;
	_ =	sdelay $0x1  }
0x110: {  	v2 =	vld [tilespmem:$0xF4E0];
	[tilespmem:$0xF4D0] =	vst v1  }
0x111: {  	v1 =	vld.idx.msk [tilespmem:v3+s28+$0x0], $0xffff  }
0x112: {  	v3 =	vld [tilespmem:$0xF2F0];
	_ =	sdelay $0x4  }
0x113: {  	v1 =	vmul.f32 v2, v1;
	_ =	sdelay $0x1  }
0x114: {  	v2 =	vld [tilespmem:$0xF4F0];
	[tilespmem:$0xF4E0] =	vst v1  }
0x115: {  	v1 =	vld.idx.msk [tilespmem:v3+s28+$0x0], $0xffff;
	_ =	sdelay $0x2  }
0x116: {  	v3 =	vmov s13;
	_ =	sdelay $0x1  }
0x117: {  	v1 =	vmul.f32 v2, v1;
	_ =	sdelay $0x1  }
0x118: {  	[tilespmem:$0xF4F0] =	vst v1  }
0x119: {  	s13 =	simm.s32 $0xF590;
	v1 =	vld.idx.msk [tilespmem:v3+s30+$0x0], $0xffff  }
0x11a: {  	v2 =	vld [tilespmem:s13+$0xFFFFFFF0];
	_ =	sdelay $0x4  }
0x11b: {  	v2 =	vmul.f32 v2, v1  }
0x11c: {  	s4 =	simm.s32 $0x11590  }
0x11d: {  	[tilespmem:s4+$0xFFFFFFF0] =	vst v2  }
0x11e: {  	v3 =	vld [tilespmem:s13+$0x0];
	_ =	sdelay $0x1  }
0x11f: {  	s23 =	simm.s32 $0x1  }
0x120: {  	s20 =	simm.s32 $0x2;
	v2 =	vmov s23  }
.LBB2_14:
0x121: {  	p0 =	sne.s32 s20, $0x7F  }
0x122: {  	v1 =	vmul.f32 v3, v1;
	_ =	sdelay $0x1  }
0x123: {  	[tilespmem:s4+$0x0] =	vst v1  }
0x124: {  	s13 =	sadd.s32 $0x20, s13;
	v1 =	vld.idx.msk [tilespmem:v2+s30+$0x0], $0xffff  }
0x125: {  	v2 =	vld [tilespmem:s13+$0xFFFFFFF0];
	_ =	sdelay $0x4  }
0x126: {  	v2 =	vmul.f32 v2, v1  }
0x127: {  	s4 =	sadd.s32 $0x20, s4  }
.Ltmp6:
0x128: {  	[tilespmem:s4+$0xFFFFFFF0] =	vst v2;
	(pc) =	sbr.rel @p0 .LBB2_14-.Ltmp6, $2  }
0x129: {  	v3 =	vld [tilespmem:s13+$0x0];
	_ =	sdelay $0x2  }
0x12a: {  	v2 =	vmov s20;
	s20 =	sadd.s32 $0x1, s20  }
0x12b: {  	_ = 	snop  }
0x12c: {  	v1 =	vmul.f32 v3, v1;
	_ =	sdelay $0x1  }
0x12d: {  	[tilespmem:s4+$0x0] =	vst v1  }
0x12e: {  	s13 =	sadd.s32 $0x20, s13;
	v1 =	vld.idx.msk [tilespmem:v2+s30+$0x0], $0xffff  }
0x12f: {  	v2 =	vld [tilespmem:s13+$0xFFFFFFF0];
	_ =	sdelay $0x4  }
0x130: {  	v2 =	vmul.f32 v2, v1  }
0x131: {  	s22 =	sadd.s32 $0x20, s4  }
0x132: {  	[tilespmem:s22+$0xFFFFFFF0] =	vst v2  }
0x133: {  	v2 =	vld [tilespmem:s13+$0x0];
	_ =	sdelay $0x4  }
0x134: {  	v1 =	vmul.f32 v2, v1;
	_ =	sdelay $0x1  }
0x135: {  	[tilespmem:s22+$0x0] =	vst v1  }
0x136: {  	[spmem:s1] =	stream.indirect.scatter.add.f32 [tilespmem:s25], [sflag:$0x3], $0x20, s31, s19, $0xb8;
	[tilespmem:$0x1AD80] =	vst v63  }
0x137: {  	s23 =	rddreg [dreg:$0x18];
	s4 =	simm.s32 $0x0  }
0x138: {  	[tilespmem:s17], [sflag:$0x5] =	stream.linear.gather [hbm4b:s23+s4], $0x80, $0x38;
	[tilespmem:$0x1AD80] =	vst v63  }
0x139: {  	_ =	swait.ge [sflag:s18], $0x80  }
0x13a: {  	[sflag:s18] =	ssyncset.done $0x0  }
0x13b: {  	s20 =	simm.s32 $0xF580;
	[sflag:s18] =	ssyncadd.s32 $0xFFFFFF80  }
0x13c: {  	[tilespmem:s20], [sflag:$0x1] =	stream.indirect.gather [hbm4b:s5+s19], $0x20, s17, s19, $0xb8;
	[tilespmem:$0x1AD80] =	vst v63  }
0x13d: {  	_ =	swait.ge [sflag:s0], $0x1000  }
0x13e: {  	[sflag:s0] =	ssyncset.done $0x0  }
0x13f: {  	s22 =	rddreg [dreg:$0xc];
	[sflag:s0] =	ssyncadd.s32 $0xFFFFF000  }
0x140: {  	[tilespmem:s26], [sflag:$0x5] =	stream.linear.gather [hbm4b:s22+s4], $0x80, $0x38;
	[tilespmem:$0x1AD80] =	vst v63  }
0x141: {  	_ =	swait.ge [sflag:s18], $0x80  }
0x142: {  	[sflag:s18] =	ssyncset.done $0x0  }
0x143: {  	s23 =	rddreg [dreg:$0xd];
	[sflag:s18] =	ssyncadd.s32 $0xFFFFFF80  }
0x144: {  	[tilespmem:s11], [sflag:$0x5] =	stream.linear.gather [hbm4b:s23+s4], $0x80, $0x38;
	[tilespmem:$0x1AD80] =	vst v63  }
0x145: {  	_ =	swait.ge [sflag:s18], $0x80  }
0x146: {  	[sflag:s18] =	ssyncset.done $0x0  }
0x147: {  	[sflag:s18] =	ssyncadd.s32 $0xFFFFFF80  }
0x148: {  	v1 =	vld [tilespmem:$0xF300];
	_ =	sdelay $0x5  }
0x149: {  	v2 =	vld [tilespmem:$0xF500]  }
0x14a: {  	v3 =	vld [tilespmem:$0xF310]  }
0x14b: {  	v1 =	vld.idx.msk [tilespmem:v1+s28+$0x0], $0xffff;
	_ =	sdelay $0x4  }
0x14c: {  	v1 =	vmul.f32 v2, v1;
	_ =	sdelay $0x1  }
0x14d: {  	v2 =	vld [tilespmem:$0xF510];
	[tilespmem:$0xF500] =	vst v1  }
0x14e: {  	v1 =	vld.idx.msk [tilespmem:v3+s28+$0x0], $0xffff  }
0x14f: {  	v3 =	vld [tilespmem:$0xF320];
	_ =	sdelay $0x4  }
0x150: {  	v1 =	vmul.f32 v2, v1;
	_ =	sdelay $0x1  }
0x151: {  	v2 =	vld [tilespmem:$0xF520];
	[tilespmem:$0xF510] =	vst v1  }
0x152: {  	v1 =	vld.idx.msk [tilespmem:v3+s28+$0x0], $0xffff  }
0x153: {  	v3 =	vld [tilespmem:$0xF330];
	_ =	sdelay $0x4  }
0x154: {  	v1 =	vmul.f32 v2, v1;
	_ =	sdelay $0x1  }
0x155: {  	v2 =	vld [tilespmem:$0xF530];
	[tilespmem:$0xF520] =	vst v1  }
0x156: {  	v1 =	vld.idx.msk [tilespmem:v3+s28+$0x0], $0xffff  }
0x157: {  	v3 =	vld [tilespmem:$0xF340];
	_ =	sdelay $0x4  }
0x158: {  	v1 =	vmul.f32 v2, v1;
	_ =	sdelay $0x1  }
0x159: {  	v2 =	vld [tilespmem:$0xF540];
	[tilespmem:$0xF530] =	vst v1  }
0x15a: {  	v1 =	vld.idx.msk [tilespmem:v3+s28+$0x0], $0xffff  }
0x15b: {  	v3 =	vld [tilespmem:$0xF350];
	_ =	sdelay $0x4  }
0x15c: {  	v1 =	vmul.f32 v2, v1;
	_ =	sdelay $0x1  }
0x15d: {  	v2 =	vld [tilespmem:$0xF550];
	[tilespmem:$0xF540] =	vst v1  }
0x15e: {  	v1 =	vld.idx.msk [tilespmem:v3+s28+$0x0], $0xffff  }
0x15f: {  	v3 =	vld [tilespmem:$0xF360];
	_ =	sdelay $0x4  }
0x160: {  	v1 =	vmul.f32 v2, v1;
	_ =	sdelay $0x1  }
0x161: {  	v2 =	vld [tilespmem:$0xF560];
	[tilespmem:$0xF550] =	vst v1  }
0x162: {  	v1 =	vld.idx.msk [tilespmem:v3+s28+$0x0], $0xffff  }
0x163: {  	v3 =	vld [tilespmem:$0xF370];
	_ =	sdelay $0x4  }
0x164: {  	v1 =	vmul.f32 v2, v1;
	_ =	sdelay $0x1  }
0x165: {  	v2 =	vld [tilespmem:$0xF570];
	[tilespmem:$0xF560] =	vst v1  }
0x166: {  	v1 =	vld.idx.msk [tilespmem:v3+s28+$0x0], $0xffff;
	_ =	sdelay $0x2  }
0x167: {  	v3 =	vmov s4;
	_ =	sdelay $0x1  }
0x168: {  	v1 =	vmul.f32 v2, v1;
	_ =	sdelay $0x1  }
0x169: {  	[tilespmem:$0xF570] =	vst v1  }
0x16a: {  	s13 =	simm.s32 $0x10590;
	v1 =	vld.idx.msk [tilespmem:v3+s26+$0x0], $0xffff  }
0x16b: {  	v2 =	vld [tilespmem:s13+$0xFFFFFFF0];
	_ =	sdelay $0x4  }
0x16c: {  	v2 =	vmul.f32 v2, v1  }
0x16d: {  	s4 =	simm.s32 $0x12590  }
0x16e: {  	[tilespmem:s4+$0xFFFFFFF0] =	vst v2  }
0x16f: {  	v3 =	vld [tilespmem:s13+$0x0];
	_ =	sdelay $0x1  }
0x170: {  	s20 =	simm.s32 $0x1  }
0x171: {  	v2 =	vmov s20;
	s20 =	simm.s32 $0x2  }
.LBB2_16:
0x172: {  	p0 =	sne.s32 s20, $0x7F  }
0x173: {  	v1 =	vmul.f32 v3, v1;
	_ =	sdelay $0x1  }
0x174: {  	[tilespmem:s4+$0x0] =	vst v1  }
0x175: {  	s13 =	sadd.s32 $0x20, s13;
	v1 =	vld.idx.msk [tilespmem:v2+s26+$0x0], $0xffff  }
0x176: {  	v2 =	vld [tilespmem:s13+$0xFFFFFFF0];
	_ =	sdelay $0x4  }
0x177: {  	v2 =	vmul.f32 v2, v1  }
0x178: {  	s4 =	sadd.s32 $0x20, s4  }
.Ltmp7:
0x179: {  	[tilespmem:s4+$0xFFFFFFF0] =	vst v2;
	(pc) =	sbr.rel @p0 .LBB2_16-.Ltmp7, $2  }
0x17a: {  	v3 =	vld [tilespmem:s13+$0x0];
	_ =	sdelay $0x2  }
0x17b: {  	v2 =	vmov s20;
	s20 =	sadd.s32 $0x1, s20  }
0x17c: {  	_ = 	snop  }
0x17d: {  	v1 =	vmul.f32 v3, v1;
	_ =	sdelay $0x1  }
0x17e: {  	[tilespmem:s4+$0x0] =	vst v1  }
0x17f: {  	s13 =	sadd.s32 $0x20, s13;
	v1 =	vld.idx.msk [tilespmem:v2+s26+$0x0], $0xffff  }
0x180: {  	v2 =	vld [tilespmem:s13+$0xFFFFFFF0];
	_ =	sdelay $0x4  }
0x181: {  	v2 =	vmul.f32 v2, v1  }
0x182: {  	s23 =	sadd.s32 $0x20, s4  }
0x183: {  	[tilespmem:s23+$0xFFFFFFF0] =	vst v2  }
0x184: {  	v2 =	vld [tilespmem:s13+$0x0];
	_ =	sdelay $0x4  }
0x185: {  	v1 =	vmul.f32 v2, v1;
	_ =	sdelay $0x1  }
0x186: {  	s20 =	simm.s32 $0x12580;
	[tilespmem:s23+$0x0] =	vst v1  }
0x187: {  	[spmem:s1] =	stream.indirect.scatter.add.f32 [tilespmem:s20], [sflag:$0x4], $0x20, s11, s19, $0xb8;
	[tilespmem:$0x1AD80] =	vst v63  }
0x188: {  	s22 =	rddreg [dreg:$0x19]  }
0x189: {  	[tilespmem:s21], [sflag:$0x5] =	stream.linear.gather [hbm4b:s22+s12], $0x80, $0x38;
	[tilespmem:$0x1AD80] =	vst v63  }
0x18a: {  	_ =	swait.ge [sflag:s18], $0x80  }
0x18b: {  	[sflag:s18] =	ssyncset.done $0x0  }
0x18c: {  	s13 =	simm.s32 $0x1;
	s23 =	simm.s32 $0x10580;
	[sflag:s18] =	ssyncadd.s32 $0xFFFFFF80  }
0x18d: {  	[tilespmem:s23], [sflag:$0x2] =	stream.indirect.gather [hbm4b:s5+s19], $0x20, s21, s19, $0xb8;
	[tilespmem:$0x1AD80] =	vst v63  }
.LBB2_18:
0x18e: {  	_ =	swait.ge [sflag:s29], $0x1000  }
0x18f: {  	[sflag:s29] =	ssyncset.done $0x0  }
0x190: {  	s22 =	sshll.u32 s13, $0x8;
	[sflag:s29] =	ssyncadd.s32 $0xFFFFF000  }
0x191: {  	s4 =	sadd.s32 s7, s22;
	_ =	swait.ge [sflag:s14], $0x1000  }
0x192: {  	s4 =	sshrl.u32 s4, $0x3;
	[sflag:s14] =	ssyncset.done $0x0  }
0x193: {  	s23 =	simm.s32 $0x0;
	s20 =	sadd.s32 s9, s4;
	[sflag:s14] =	ssyncadd.s32 $0xFFFFF000  }
0x194: {  	[tilespmem:s30], [sflag:$0x5] =	stream.linear.gather [hbm4b:s20+s23], $0x80, $0x38;
	[tilespmem:$0x1AD80] =	vst v63  }
0x195: {  	_ =	swait.ge [sflag:s18], $0x80  }
0x196: {  	[sflag:s18] =	ssyncset.done $0x0  }
0x197: {  	s4 =	sadd.s32 s8, s4;
	[sflag:s18] =	ssyncadd.s32 $0xFFFFFF80  }
0x198: {  	[tilespmem:s31], [sflag:$0x5] =	stream.linear.gather [hbm4b:s4+s23], $0x80, $0x38;
	[tilespmem:$0x1AD80] =	vst v63  }
0x199: {  	_ =	swait.ge [sflag:s18], $0x80  }
0x19a: {  	[sflag:s18] =	ssyncset.done $0x0  }
0x19b: {  	[sflag:s18] =	ssyncadd.s32 $0xFFFFFF80  }
0x19c: {  	v1 =	vld [tilespmem:$0xF280];
	_ =	sdelay $0x5  }
0x19d: {  	v2 =	vld [tilespmem:$0xF480]  }
0x19e: {  	v3 =	vld [tilespmem:$0xF290]  }
0x19f: {  	v1 =	vld.idx.msk [tilespmem:v1+s28+$0x0], $0xffff;
	_ =	sdelay $0x4  }
0x1a0: {  	v1 =	vmul.f32 v2, v1;
	_ =	sdelay $0x1  }
0x1a1: {  	v2 =	vld [tilespmem:$0xF490];
	[tilespmem:$0xF480] =	vst v1  }
0x1a2: {  	v1 =	vld.idx.msk [tilespmem:v3+s28+$0x0], $0xffff  }
0x1a3: {  	v3 =	vld [tilespmem:$0xF2A0];
	_ =	sdelay $0x4  }
0x1a4: {  	v1 =	vmul.f32 v2, v1;
	_ =	sdelay $0x1  }
0x1a5: {  	v2 =	vld [tilespmem:$0xF4A0];
	[tilespmem:$0xF490] =	vst v1  }
0x1a6: {  	v1 =	vld.idx.msk [tilespmem:v3+s28+$0x0], $0xffff  }
0x1a7: {  	v3 =	vld [tilespmem:$0xF2B0];
	_ =	sdelay $0x4  }
0x1a8: {  	v1 =	vmul.f32 v2, v1;
	_ =	sdelay $0x1  }
0x1a9: {  	v2 =	vld [tilespmem:$0xF4B0];
	[tilespmem:$0xF4A0] =	vst v1  }
0x1aa: {  	v1 =	vld.idx.msk [tilespmem:v3+s28+$0x0], $0xffff  }
0x1ab: {  	v3 =	vld [tilespmem:$0xF2C0];
	_ =	sdelay $0x4  }
0x1ac: {  	v1 =	vmul.f32 v2, v1;
	_ =	sdelay $0x1  }
0x1ad: {  	v2 =	vld [tilespmem:$0xF4C0];
	[tilespmem:$0xF4B0] =	vst v1  }
0x1ae: {  	v1 =	vld.idx.msk [tilespmem:v3+s28+$0x0], $0xffff  }
0x1af: {  	v3 =	vld [tilespmem:$0xF2D0];
	_ =	sdelay $0x4  }
0x1b0: {  	v1 =	vmul.f32 v2, v1;
	_ =	sdelay $0x1  }
0x1b1: {  	v2 =	vld [tilespmem:$0xF4D0];
	[tilespmem:$0xF4C0] =	vst v1  }
0x1b2: {  	v1 =	vld.idx.msk [tilespmem:v3+s28+$0x0], $0xffff  }
0x1b3: {  	v3 =	vld [tilespmem:$0xF2E0];
	_ =	sdelay $0x4  }
0x1b4: {  	v1 =	vmul.f32 v2, v1;
	_ =	sdelay $0x1  }
0x1b5: {  	v2 =	vld [tilespmem:$0xF4E0];
	[tilespmem:$0xF4D0] =	vst v1  }
0x1b6: {  	v1 =	vld.idx.msk [tilespmem:v3+s28+$0x0], $0xffff  }
0x1b7: {  	v3 =	vld [tilespmem:$0xF2F0];
	_ =	sdelay $0x4  }
0x1b8: {  	v1 =	vmul.f32 v2, v1;
	_ =	sdelay $0x1  }
0x1b9: {  	v2 =	vld [tilespmem:$0xF4F0];
	[tilespmem:$0xF4E0] =	vst v1  }
0x1ba: {  	v1 =	vld.idx.msk [tilespmem:v3+s28+$0x0], $0xffff;
	_ =	sdelay $0x2  }
0x1bb: {  	v3 =	vmov s23;
	_ =	sdelay $0x1  }
0x1bc: {  	v1 =	vmul.f32 v2, v1;
	_ =	sdelay $0x1  }
0x1bd: {  	[tilespmem:$0xF4F0] =	vst v1  }
0x1be: {  	s4 =	simm.s32 $0xF590;
	v1 =	vld.idx.msk [tilespmem:v3+s30+$0x0], $0xffff  }
0x1bf: {  	v2 =	vld [tilespmem:s4+$0xFFFFFFF0];
	_ =	sdelay $0x4  }
0x1c0: {  	v2 =	vmul.f32 v2, v1  }
0x1c1: {  	s20 =	simm.s32 $0x11590  }
0x1c2: {  	[tilespmem:s20+$0xFFFFFFF0] =	vst v2  }
0x1c3: {  	v3 =	vld [tilespmem:s4+$0x0];
	_ =	sdelay $0x1  }
0x1c4: {  	s23 =	simm.s32 $0x1  }
0x1c5: {  	v2 =	vmov s23;
	s23 =	simm.s32 $0x2  }
.LBB2_19:
0x1c6: {  	p0 =	sne.s32 s23, $0x7F  }
0x1c7: {  	v1 =	vmul.f32 v3, v1;
	_ =	sdelay $0x1  }
0x1c8: {  	[tilespmem:s20+$0x0] =	vst v1  }
0x1c9: {  	s4 =	sadd.s32 $0x20, s4;
	v1 =	vld.idx.msk [tilespmem:v2+s30+$0x0], $0xffff  }
0x1ca: {  	v2 =	vld [tilespmem:s4+$0xFFFFFFF0];
	_ =	sdelay $0x4  }
0x1cb: {  	v2 =	vmul.f32 v2, v1  }
0x1cc: {  	s20 =	sadd.s32 $0x20, s20  }
.Ltmp8:
0x1cd: {  	[tilespmem:s20+$0xFFFFFFF0] =	vst v2;
	(pc) =	sbr.rel @p0 .LBB2_19-.Ltmp8, $2  }
0x1ce: {  	v3 =	vld [tilespmem:s4+$0x0];
	_ =	sdelay $0x2  }
0x1cf: {  	v2 =	vmov s23;
	s23 =	sadd.s32 $0x1, s23  }
0x1d0: {  	_ = 	snop  }
0x1d1: {  	v1 =	vmul.f32 v3, v1;
	_ =	sdelay $0x1  }
0x1d2: {  	[tilespmem:s20+$0x0] =	vst v1  }
0x1d3: {  	s4 =	sadd.s32 $0x20, s4;
	v1 =	vld.idx.msk [tilespmem:v2+s30+$0x0], $0xffff  }
0x1d4: {  	v2 =	vld [tilespmem:s4+$0xFFFFFFF0];
	_ =	sdelay $0x4  }
0x1d5: {  	v2 =	vmul.f32 v2, v1  }
0x1d6: {  	s23 =	sadd.s32 $0x20, s20  }
0x1d7: {  	[tilespmem:s23+$0xFFFFFFF0] =	vst v2  }
0x1d8: {  	v2 =	vld [tilespmem:s4+$0x0];
	_ =	sdelay $0x4  }
0x1d9: {  	v1 =	vmul.f32 v2, v1  }
0x1da: {  	s20 =	sadd.s32 s22, s2  }
0x1db: {  	s4 =	sshrl.u32 s20, $0x3;
	[tilespmem:s23+$0x0] =	vst v1  }
0x1dc: {  	[spmem:s1] =	stream.indirect.scatter.add.f32 [tilespmem:s25], [sflag:$0x3], $0x20, s31, s19, $0xb8;
	[tilespmem:$0x1AD80] =	vst v63  }
0x1dd: {  	s20 =	simm.s32 $0x0;
	s4 =	sadd.s32 s6, s4  }
0x1de: {  	[tilespmem:s17], [sflag:$0x5] =	stream.linear.gather [hbm4b:s4+s20], $0x80, $0x38;
	[tilespmem:$0x1AD80] =	vst v63  }
0x1df: {  	_ =	swait.ge [sflag:s18], $0x80  }
0x1e0: {  	[sflag:s18] =	ssyncset.done $0x0  }
0x1e1: {  	s23 =	simm.s32 $0xF580;
	[sflag:s18] =	ssyncadd.s32 $0xFFFFFF80  }
0x1e2: {  	[tilespmem:s23], [sflag:$0x1] =	stream.indirect.gather [hbm4b:s5+s19], $0x20, s17, s19, $0xb8;
	[tilespmem:$0x1AD80] =	vst v63  }
0x1e3: {  	_ =	swait.ge [sflag:s0], $0x1000  }
0x1e4: {  	[sflag:s0] =	ssyncset.done $0x0  }
0x1e5: {  	[sflag:s0] =	ssyncadd.s32 $0xFFFFF000  }
0x1e6: {  	s23 =	sadd.s32 s22, s3;
	_ =	swait.ge [sflag:s16], $0x1000  }
0x1e7: {  	s4 =	sshrl.u32 s23, $0x3;
	[sflag:s16] =	ssyncset.done $0x0  }
0x1e8: {  	s23 =	sadd.s32 s9, s4;
	[sflag:s16] =	ssyncadd.s32 $0xFFFFF000  }
0x1e9: {  	[tilespmem:s26], [sflag:$0x5] =	stream.linear.gather [hbm4b:s23+s20], $0x80, $0x38;
	[tilespmem:$0x1AD80] =	vst v63  }
0x1ea: {  	_ =	swait.ge [sflag:s18], $0x80  }
0x1eb: {  	[sflag:s18] =	ssyncset.done $0x0  }
0x1ec: {  	s4 =	sadd.s32 s8, s4;
	[sflag:s18] =	ssyncadd.s32 $0xFFFFFF80  }
0x1ed: {  	[tilespmem:s11], [sflag:$0x5] =	stream.linear.gather [hbm4b:s4+s20], $0x80, $0x38;
	[tilespmem:$0x1AD80] =	vst v63  }
0x1ee: {  	_ =	swait.ge [sflag:s18], $0x80  }
0x1ef: {  	[sflag:s18] =	ssyncset.done $0x0  }
0x1f0: {  	[sflag:s18] =	ssyncadd.s32 $0xFFFFFF80  }
0x1f1: {  	v1 =	vld [tilespmem:$0xF300];
	_ =	sdelay $0x5  }
0x1f2: {  	v2 =	vld [tilespmem:$0xF500]  }
0x1f3: {  	v3 =	vld [tilespmem:$0xF310]  }
0x1f4: {  	v1 =	vld.idx.msk [tilespmem:v1+s28+$0x0], $0xffff;
	_ =	sdelay $0x4  }
0x1f5: {  	v1 =	vmul.f32 v2, v1;
	_ =	sdelay $0x1  }
0x1f6: {  	v2 =	vld [tilespmem:$0xF510];
	[tilespmem:$0xF500] =	vst v1  }
0x1f7: {  	v1 =	vld.idx.msk [tilespmem:v3+s28+$0x0], $0xffff  }
0x1f8: {  	v3 =	vld [tilespmem:$0xF320];
	_ =	sdelay $0x4  }
0x1f9: {  	v1 =	vmul.f32 v2, v1;
	_ =	sdelay $0x1  }
0x1fa: {  	v2 =	vld [tilespmem:$0xF520];
	[tilespmem:$0xF510] =	vst v1  }
0x1fb: {  	v1 =	vld.idx.msk [tilespmem:v3+s28+$0x0], $0xffff  }
0x1fc: {  	v3 =	vld [tilespmem:$0xF330];
	_ =	sdelay $0x4  }
0x1fd: {  	v1 =	vmul.f32 v2, v1;
	_ =	sdelay $0x1  }
0x1fe: {  	v2 =	vld [tilespmem:$0xF530];
	[tilespmem:$0xF520] =	vst v1  }
0x1ff: {  	v1 =	vld.idx.msk [tilespmem:v3+s28+$0x0], $0xffff  }
0x200: {  	v3 =	vld [tilespmem:$0xF340];
	_ =	sdelay $0x4  }
0x201: {  	v1 =	vmul.f32 v2, v1;
	_ =	sdelay $0x1  }
0x202: {  	v2 =	vld [tilespmem:$0xF540];
	[tilespmem:$0xF530] =	vst v1  }
0x203: {  	v1 =	vld.idx.msk [tilespmem:v3+s28+$0x0], $0xffff  }
0x204: {  	v3 =	vld [tilespmem:$0xF350];
	_ =	sdelay $0x4  }
0x205: {  	v1 =	vmul.f32 v2, v1;
	_ =	sdelay $0x1  }
0x206: {  	v2 =	vld [tilespmem:$0xF550];
	[tilespmem:$0xF540] =	vst v1  }
0x207: {  	v1 =	vld.idx.msk [tilespmem:v3+s28+$0x0], $0xffff  }
0x208: {  	v3 =	vld [tilespmem:$0xF360];
	_ =	sdelay $0x4  }
0x209: {  	v1 =	vmul.f32 v2, v1;
	_ =	sdelay $0x1  }
0x20a: {  	v2 =	vld [tilespmem:$0xF560];
	[tilespmem:$0xF550] =	vst v1  }
0x20b: {  	v1 =	vld.idx.msk [tilespmem:v3+s28+$0x0], $0xffff  }
0x20c: {  	v3 =	vld [tilespmem:$0xF370];
	_ =	sdelay $0x4  }
0x20d: {  	v1 =	vmul.f32 v2, v1;
	_ =	sdelay $0x1  }
0x20e: {  	v2 =	vld [tilespmem:$0xF570];
	[tilespmem:$0xF560] =	vst v1  }
0x20f: {  	v1 =	vld.idx.msk [tilespmem:v3+s28+$0x0], $0xffff;
	_ =	sdelay $0x2  }
0x210: {  	v3 =	vmov s20;
	_ =	sdelay $0x1  }
0x211: {  	v1 =	vmul.f32 v2, v1;
	_ =	sdelay $0x1  }
0x212: {  	[tilespmem:$0xF570] =	vst v1  }
0x213: {  	s4 =	simm.s32 $0x10590;
	v1 =	vld.idx.msk [tilespmem:v3+s26+$0x0], $0xffff  }
0x214: {  	v2 =	vld [tilespmem:s4+$0xFFFFFFF0];
	_ =	sdelay $0x4  }
0x215: {  	v2 =	vmul.f32 v2, v1  }
0x216: {  	s20 =	simm.s32 $0x12590  }
0x217: {  	[tilespmem:s20+$0xFFFFFFF0] =	vst v2  }
0x218: {  	v3 =	vld [tilespmem:s4+$0x0];
	_ =	sdelay $0x1  }
0x219: {  	s23 =	simm.s32 $0x1  }
0x21a: {  	v2 =	vmov s23;
	s23 =	simm.s32 $0x2  }
.LBB2_21:
0x21b: {  	p0 =	sne.s32 s23, $0x7F  }
0x21c: {  	v1 =	vmul.f32 v3, v1;
	_ =	sdelay $0x1  }
0x21d: {  	[tilespmem:s20+$0x0] =	vst v1  }
0x21e: {  	s4 =	sadd.s32 $0x20, s4;
	v1 =	vld.idx.msk [tilespmem:v2+s26+$0x0], $0xffff  }
0x21f: {  	v2 =	vld [tilespmem:s4+$0xFFFFFFF0];
	_ =	sdelay $0x4  }
0x220: {  	v2 =	vmul.f32 v2, v1  }
0x221: {  	s20 =	sadd.s32 $0x20, s20  }
.Ltmp9:
0x222: {  	[tilespmem:s20+$0xFFFFFFF0] =	vst v2;
	(pc) =	sbr.rel @p0 .LBB2_21-.Ltmp9, $2  }
0x223: {  	v3 =	vld [tilespmem:s4+$0x0];
	_ =	sdelay $0x2  }
0x224: {  	v2 =	vmov s23;
	s23 =	sadd.s32 $0x1, s23  }
0x225: {  	_ = 	snop  }
0x226: {  	v1 =	vmul.f32 v3, v1;
	_ =	sdelay $0x1  }
0x227: {  	[tilespmem:s20+$0x0] =	vst v1  }
0x228: {  	s4 =	sadd.s32 $0x20, s4;
	v1 =	vld.idx.msk [tilespmem:v2+s26+$0x0], $0xffff  }
0x229: {  	v2 =	vld [tilespmem:s4+$0xFFFFFFF0];
	_ =	sdelay $0x4  }
0x22a: {  	v2 =	vmul.f32 v2, v1  }
0x22b: {  	s23 =	sadd.s32 $0x20, s20  }
0x22c: {  	[tilespmem:s23+$0xFFFFFFF0] =	vst v2  }
0x22d: {  	v2 =	vld [tilespmem:s4+$0x0];
	_ =	sdelay $0x4  }
0x22e: {  	v1 =	vmul.f32 v2, v1  }
0x22f: {  	s22 =	sadd.s32 s22, s10  }
0x230: {  	s13 =	sadd.s32 $0x1, s13;
	s20 =	simm.s32 $0x12580;
	s4 =	sshrl.u32 s22, $0x3;
	[tilespmem:s23+$0x0] =	vst v1  }
0x231: {  	[spmem:s1] =	stream.indirect.scatter.add.f32 [tilespmem:s20], [sflag:$0x4], $0x20, s11, s19, $0xb8;
	[tilespmem:$0x1AD80] =	vst v63  }
0x232: {  	p0 =	sne.s32 s13, $0x27;
	s4 =	sadd.s32 s6, s4  }
0x233: {  	[tilespmem:s21], [sflag:$0x5] =	stream.linear.gather [hbm4b:s4+s12], $0x80, $0x38;
	[tilespmem:$0x1AD80] =	vst v63  }
.Ltmp10:
0x234: {  	_ = 	snop;
	(pc) =	sbr.rel @p0 .LBB2_18-.Ltmp10, $4  }
0x235: {  	_ =	swait.ge [sflag:s18], $0x80  }
0x236: {  	[sflag:s18] =	ssyncset.done $0x0  }
0x237: {  	s23 =	simm.s32 $0x10580;
	[sflag:s18] =	ssyncadd.s32 $0xFFFFFF80  }
0x238: {  	[tilespmem:s23], [sflag:$0x2] =	stream.indirect.gather [hbm4b:s5+s19], $0x20, s21, s19, $0xb8;
	[tilespmem:$0x1AD80] =	vst v63  }
0x239: {  	_ =	swait.ge [sflag:s29], $0x1000  }
0x23a: {  	[sflag:s29] =	ssyncset.done $0x0  }
0x23b: {  	[sflag:s29] =	ssyncadd.s32 $0xFFFFF000  }
0x23c: {  	_ =	swait.ge [sflag:s14], $0x1000  }
0x23d: {  	[sflag:s14] =	ssyncset.done $0x0  }
0x23e: {  	s4 =	simm.s32 $0x0;
	s12 =	rddreg [dreg:$0xe];
	[sflag:s14] =	ssyncadd.s32 $0xFFFFF000  }
0x23f: {  	[tilespmem:s30], [sflag:$0x5] =	stream.linear.gather [hbm4b:s12+s4], $0x80, $0x38;
	[tilespmem:$0x1AD80] =	vst v63  }
0x240: {  	_ =	swait.ge [sflag:s18], $0x80  }
0x241: {  	[sflag:s18] =	ssyncset.done $0x0  }
0x242: {  	s23 =	rddreg [dreg:$0xf];
	[sflag:s18] =	ssyncadd.s32 $0xFFFFFF80  }
0x243: {  	[tilespmem:s31], [sflag:$0x5] =	stream.linear.gather [hbm4b:s23+s4], $0x80, $0x38;
	[tilespmem:$0x1AD80] =	vst v63  }
0x244: {  	_ =	swait.ge [sflag:s18], $0x80  }
0x245: {  	[sflag:s18] =	ssyncset.done $0x0  }
0x246: {  	[sflag:s18] =	ssyncadd.s32 $0xFFFFFF80  }
0x247: {  	v1 =	vld [tilespmem:$0xF280];
	_ =	sdelay $0x5  }
0x248: {  	v2 =	vld [tilespmem:$0xF480]  }
0x249: {  	v3 =	vld [tilespmem:$0xF290]  }
0x24a: {  	v1 =	vld.idx.msk [tilespmem:v1+s28+$0x0], $0xffff;
	_ =	sdelay $0x4  }
0x24b: {  	v1 =	vmul.f32 v2, v1;
	_ =	sdelay $0x1  }
0x24c: {  	v2 =	vld [tilespmem:$0xF490];
	[tilespmem:$0xF480] =	vst v1  }
0x24d: {  	v1 =	vld.idx.msk [tilespmem:v3+s28+$0x0], $0xffff  }
0x24e: {  	v3 =	vld [tilespmem:$0xF2A0];
	_ =	sdelay $0x4  }
0x24f: {  	v1 =	vmul.f32 v2, v1;
	_ =	sdelay $0x1  }
0x250: {  	v2 =	vld [tilespmem:$0xF4A0];
	[tilespmem:$0xF490] =	vst v1  }
0x251: {  	v1 =	vld.idx.msk [tilespmem:v3+s28+$0x0], $0xffff  }
0x252: {  	v3 =	vld [tilespmem:$0xF2B0];
	_ =	sdelay $0x4  }
0x253: {  	v1 =	vmul.f32 v2, v1;
	_ =	sdelay $0x1  }
0x254: {  	v2 =	vld [tilespmem:$0xF4B0];
	[tilespmem:$0xF4A0] =	vst v1  }
0x255: {  	v1 =	vld.idx.msk [tilespmem:v3+s28+$0x0], $0xffff  }
0x256: {  	v3 =	vld [tilespmem:$0xF2C0];
	_ =	sdelay $0x4  }
0x257: {  	v1 =	vmul.f32 v2, v1;
	_ =	sdelay $0x1  }
0x258: {  	v2 =	vld [tilespmem:$0xF4C0];
	[tilespmem:$0xF4B0] =	vst v1  }
0x259: {  	v1 =	vld.idx.msk [tilespmem:v3+s28+$0x0], $0xffff  }
0x25a: {  	v3 =	vld [tilespmem:$0xF2D0];
	_ =	sdelay $0x4  }
0x25b: {  	v1 =	vmul.f32 v2, v1;
	_ =	sdelay $0x1  }
0x25c: {  	v2 =	vld [tilespmem:$0xF4D0];
	[tilespmem:$0xF4C0] =	vst v1  }
0x25d: {  	v1 =	vld.idx.msk [tilespmem:v3+s28+$0x0], $0xffff  }
0x25e: {  	v3 =	vld [tilespmem:$0xF2E0];
	_ =	sdelay $0x4  }
0x25f: {  	v1 =	vmul.f32 v2, v1;
	_ =	sdelay $0x1  }
0x260: {  	v2 =	vld [tilespmem:$0xF4E0];
	[tilespmem:$0xF4D0] =	vst v1  }
0x261: {  	v1 =	vld.idx.msk [tilespmem:v3+s28+$0x0], $0xffff  }
0x262: {  	v3 =	vld [tilespmem:$0xF2F0];
	_ =	sdelay $0x4  }
0x263: {  	v1 =	vmul.f32 v2, v1;
	_ =	sdelay $0x1  }
0x264: {  	v2 =	vld [tilespmem:$0xF4F0];
	[tilespmem:$0xF4E0] =	vst v1  }
0x265: {  	v1 =	vld.idx.msk [tilespmem:v3+s28+$0x0], $0xffff;
	_ =	sdelay $0x2  }
0x266: {  	v3 =	vmov s4;
	_ =	sdelay $0x1  }
0x267: {  	v1 =	vmul.f32 v2, v1;
	_ =	sdelay $0x1  }
0x268: {  	[tilespmem:$0xF4F0] =	vst v1  }
0x269: {  	s4 =	simm.s32 $0xF590;
	v1 =	vld.idx.msk [tilespmem:v3+s30+$0x0], $0xffff  }
0x26a: {  	v2 =	vld [tilespmem:s4+$0xFFFFFFF0];
	_ =	sdelay $0x4  }
0x26b: {  	v2 =	vmul.f32 v2, v1  }
0x26c: {  	s13 =	simm.s32 $0x11590  }
0x26d: {  	[tilespmem:s13+$0xFFFFFFF0] =	vst v2  }
0x26e: {  	v3 =	vld [tilespmem:s4+$0x0];
	_ =	sdelay $0x1  }
0x26f: {  	s20 =	simm.s32 $0x1  }
0x270: {  	v2 =	vmov s20;
	s20 =	simm.s32 $0x2  }
.LBB2_24:
0x271: {  	p0 =	sne.s32 s20, $0x7F  }
0x272: {  	v1 =	vmul.f32 v3, v1;
	_ =	sdelay $0x1  }
0x273: {  	[tilespmem:s13+$0x0] =	vst v1  }
0x274: {  	s4 =	sadd.s32 $0x20, s4;
	v1 =	vld.idx.msk [tilespmem:v2+s30+$0x0], $0xffff  }
0x275: {  	v2 =	vld [tilespmem:s4+$0xFFFFFFF0];
	_ =	sdelay $0x4  }
0x276: {  	v2 =	vmul.f32 v2, v1  }
0x277: {  	s13 =	sadd.s32 $0x20, s13  }
.Ltmp11:
0x278: {  	[tilespmem:s13+$0xFFFFFFF0] =	vst v2;
	(pc) =	sbr.rel @p0 .LBB2_24-.Ltmp11, $2  }
0x279: {  	v3 =	vld [tilespmem:s4+$0x0];
	_ =	sdelay $0x2  }
0x27a: {  	v2 =	vmov s20;
	s20 =	sadd.s32 $0x1, s20  }
0x27b: {  	_ = 	snop  }
0x27c: {  	v1 =	vmul.f32 v3, v1;
	_ =	sdelay $0x1  }
0x27d: {  	[tilespmem:s13+$0x0] =	vst v1  }
0x27e: {  	s4 =	sadd.s32 $0x20, s4;
	v1 =	vld.idx.msk [tilespmem:v2+s30+$0x0], $0xffff  }
0x27f: {  	v2 =	vld [tilespmem:s4+$0xFFFFFFF0];
	_ =	sdelay $0x4  }
0x280: {  	v2 =	vmul.f32 v2, v1  }
0x281: {  	s20 =	sadd.s32 $0x20, s13  }
0x282: {  	[tilespmem:s20+$0xFFFFFFF0] =	vst v2  }
0x283: {  	v2 =	vld [tilespmem:s4+$0x0];
	_ =	sdelay $0x4  }
0x284: {  	v1 =	vmul.f32 v2, v1;
	_ =	sdelay $0x1  }
0x285: {  	[tilespmem:s20+$0x0] =	vst v1  }
0x286: {  	[spmem:s1] =	stream.indirect.scatter.add.f32 [tilespmem:s25], [sflag:$0x3], $0x20, s31, s19, $0xb8;
	[tilespmem:$0x1AD80] =	vst v63  }
0x287: {  	_ =	swait.ge [sflag:s0], $0x1000  }
0x288: {  	[sflag:s0] =	ssyncset.done $0x0  }
0x289: {  	[sflag:s0] =	ssyncadd.s32 $0xFFFFF000  }
0x28a: {  	_ =	swait.ge [sflag:s16], $0x1000  }
0x28b: {  	[sflag:s16] =	ssyncset.done $0x0  }
0x28c: {  	s22 =	simm.s32 $0x0;
	s12 =	rddreg [dreg:$0x13];
	[sflag:s16] =	ssyncadd.s32 $0xFFFFF000  }
0x28d: {  	[tilespmem:s26], [sflag:$0x5] =	stream.linear.gather [hbm4b:s12+s22], $0x80, $0x38;
	[tilespmem:$0x1AD80] =	vst v63  }
0x28e: {  	_ =	swait.ge [sflag:s18], $0x80  }
0x28f: {  	[sflag:s18] =	ssyncset.done $0x0  }
0x290: {  	s23 =	rddreg [dreg:$0x14];
	[sflag:s18] =	ssyncadd.s32 $0xFFFFFF80  }
0x291: {  	[tilespmem:s11], [sflag:$0x5] =	stream.linear.gather [hbm4b:s23+s22], $0x80, $0x38;
	[tilespmem:$0x1AD80] =	vst v63  }
0x292: {  	_ =	swait.ge [sflag:s18], $0x80  }
0x293: {  	[sflag:s18] =	ssyncset.done $0x0  }
0x294: {  	[sflag:s18] =	ssyncadd.s32 $0xFFFFFF80  }
0x295: {  	v1 =	vld [tilespmem:$0xF300];
	_ =	sdelay $0x5  }
0x296: {  	v2 =	vld [tilespmem:$0xF500]  }
0x297: {  	v3 =	vld [tilespmem:$0xF310]  }
0x298: {  	v1 =	vld.idx.msk [tilespmem:v1+s28+$0x0], $0xffff;
	_ =	sdelay $0x4  }
0x299: {  	v1 =	vmul.f32 v2, v1;
	_ =	sdelay $0x1  }
0x29a: {  	v2 =	vld [tilespmem:$0xF510];
	[tilespmem:$0xF500] =	vst v1  }
0x29b: {  	v1 =	vld.idx.msk [tilespmem:v3+s28+$0x0], $0xffff  }
0x29c: {  	v3 =	vld [tilespmem:$0xF320];
	_ =	sdelay $0x4  }
0x29d: {  	v1 =	vmul.f32 v2, v1;
	_ =	sdelay $0x1  }
0x29e: {  	v2 =	vld [tilespmem:$0xF520];
	[tilespmem:$0xF510] =	vst v1  }
0x29f: {  	v1 =	vld.idx.msk [tilespmem:v3+s28+$0x0], $0xffff  }
0x2a0: {  	v3 =	vld [tilespmem:$0xF330];
	_ =	sdelay $0x4  }
0x2a1: {  	v1 =	vmul.f32 v2, v1;
	_ =	sdelay $0x1  }
0x2a2: {  	v2 =	vld [tilespmem:$0xF530];
	[tilespmem:$0xF520] =	vst v1  }
0x2a3: {  	v1 =	vld.idx.msk [tilespmem:v3+s28+$0x0], $0xffff  }
0x2a4: {  	v3 =	vld [tilespmem:$0xF340];
	_ =	sdelay $0x4  }
0x2a5: {  	v1 =	vmul.f32 v2, v1;
	_ =	sdelay $0x1  }
0x2a6: {  	v2 =	vld [tilespmem:$0xF540];
	[tilespmem:$0xF530] =	vst v1  }
0x2a7: {  	v1 =	vld.idx.msk [tilespmem:v3+s28+$0x0], $0xffff  }
0x2a8: {  	v3 =	vld [tilespmem:$0xF350];
	_ =	sdelay $0x4  }
0x2a9: {  	v1 =	vmul.f32 v2, v1;
	_ =	sdelay $0x1  }
0x2aa: {  	v2 =	vld [tilespmem:$0xF550];
	[tilespmem:$0xF540] =	vst v1  }
0x2ab: {  	v1 =	vld.idx.msk [tilespmem:v3+s28+$0x0], $0xffff  }
0x2ac: {  	v3 =	vld [tilespmem:$0xF360];
	_ =	sdelay $0x4  }
0x2ad: {  	v1 =	vmul.f32 v2, v1;
	_ =	sdelay $0x1  }
0x2ae: {  	v2 =	vld [tilespmem:$0xF560];
	[tilespmem:$0xF550] =	vst v1  }
0x2af: {  	v1 =	vld.idx.msk [tilespmem:v3+s28+$0x0], $0xffff  }
0x2b0: {  	v3 =	vld [tilespmem:$0xF370];
	_ =	sdelay $0x4  }
0x2b1: {  	v1 =	vmul.f32 v2, v1;
	_ =	sdelay $0x1  }
0x2b2: {  	v2 =	vld [tilespmem:$0xF570];
	[tilespmem:$0xF560] =	vst v1  }
0x2b3: {  	v1 =	vld.idx.msk [tilespmem:v3+s28+$0x0], $0xffff;
	_ =	sdelay $0x2  }
0x2b4: {  	v3 =	vmov s22;
	_ =	sdelay $0x1  }
0x2b5: {  	v1 =	vmul.f32 v2, v1;
	_ =	sdelay $0x1  }
0x2b6: {  	[tilespmem:$0xF570] =	vst v1  }
0x2b7: {  	s4 =	simm.s32 $0x10590;
	v1 =	vld.idx.msk [tilespmem:v3+s26+$0x0], $0xffff  }
0x2b8: {  	v2 =	vld [tilespmem:s4+$0xFFFFFFF0];
	_ =	sdelay $0x4  }
0x2b9: {  	v2 =	vmul.f32 v2, v1  }
0x2ba: {  	s13 =	simm.s32 $0x12590  }
0x2bb: {  	[tilespmem:s13+$0xFFFFFFF0] =	vst v2  }
0x2bc: {  	v3 =	vld [tilespmem:s4+$0x0];
	_ =	sdelay $0x1  }
0x2bd: {  	s20 =	simm.s32 $0x1  }
0x2be: {  	v2 =	vmov s20;
	s20 =	simm.s32 $0x2  }
.LBB2_26:
0x2bf: {  	p0 =	sne.s32 s20, $0x7F  }
0x2c0: {  	v1 =	vmul.f32 v3, v1;
	_ =	sdelay $0x1  }
0x2c1: {  	[tilespmem:s13+$0x0] =	vst v1  }
0x2c2: {  	s4 =	sadd.s32 $0x20, s4;
	v1 =	vld.idx.msk [tilespmem:v2+s26+$0x0], $0xffff  }
0x2c3: {  	v2 =	vld [tilespmem:s4+$0xFFFFFFF0];
	_ =	sdelay $0x4  }
0x2c4: {  	v2 =	vmul.f32 v2, v1  }
0x2c5: {  	s13 =	sadd.s32 $0x20, s13  }
.Ltmp12:
0x2c6: {  	[tilespmem:s13+$0xFFFFFFF0] =	vst v2;
	(pc) =	sbr.rel @p0 .LBB2_26-.Ltmp12, $2  }
0x2c7: {  	v3 =	vld [tilespmem:s4+$0x0];
	_ =	sdelay $0x2  }
0x2c8: {  	v2 =	vmov s20;
	s20 =	sadd.s32 $0x1, s20  }
0x2c9: {  	_ = 	snop  }
0x2ca: {  	v1 =	vmul.f32 v3, v1;
	_ =	sdelay $0x1  }
0x2cb: {  	[tilespmem:s13+$0x0] =	vst v1  }
0x2cc: {  	s4 =	sadd.s32 $0x20, s4;
	v1 =	vld.idx.msk [tilespmem:v2+s26+$0x0], $0xffff  }
0x2cd: {  	v2 =	vld [tilespmem:s4+$0xFFFFFFF0];
	_ =	sdelay $0x4  }
0x2ce: {  	v2 =	vmul.f32 v2, v1  }
0x2cf: {  	s23 =	sadd.s32 $0x20, s13  }
0x2d0: {  	[tilespmem:s23+$0xFFFFFFF0] =	vst v2  }
0x2d1: {  	v2 =	vld [tilespmem:s4+$0x0];
	_ =	sdelay $0x4  }
0x2d2: {  	v1 =	vmul.f32 v2, v1;
	_ =	sdelay $0x1  }
0x2d3: {  	s12 =	simm.s32 $0x12580;
	[tilespmem:s23+$0x0] =	vst v1  }
0x2d4: {  	[spmem:s1] =	stream.indirect.scatter.add.f32 [tilespmem:s12], [sflag:$0x4], $0x20, s11, s19, $0xb8;
	[tilespmem:$0x1AD80] =	vst v63  }
0x2d5: {  	_ =	swait.ge [sflag:s14], $0x1000  }
0x2d6: {  	[sflag:s14] =	ssyncset.done $0x0  }
0x2d7: {  	[sflag:s14] =	ssyncadd.s32 $0xFFFFF000  }
0x2d8: {  	_ =	swait.ge [sflag:s16], $0x1000  }
0x2d9: {  	[sflag:s16] =	ssyncset.done $0x0  }
0x2da: {  	[sflag:s16] =	ssyncadd.s32 $0xFFFFF000  }
0x2db: {  	s13 =	stileid.u32;
	[bflag:$0x0] =	sbarrier.arrive $0xFFFF  }
0x2dc: {  	s4 =	sshll.u32 s13, $0x6;
	s12 =	rddreg [dreg:$0x15]  }
0x2dd: {  	s4 =	sor.u32 $0x1C05, s4;
	s20 =	rddreg [dreg:$0x17]  }
0x2de: {  	[hbm:s12], [sflag:s4] =	dma.local [spmem:s20], $0xA00  }
0x2df: {  	_ =	swait.ge [sflag:s18], $0xA00  }
0x2e0: {  	s22 =	rddreg [dreg:$0x1e]  }
0x2e1: {  	s23 =	rddreg [dreg:$0x16];
	s12 =	sadd.s32 $0x1, s22  }
0x2e2: {  	p0 =	sne.s32 s12, s23  }
.Ltmp13:
0x2e3: {  	_ = 	snop;
	(pc) =	sbr.rel @p0 .LBB2_1-.Ltmp13, $3  }
0x2e4: {  	_ =	sdelay $0x1  }
0x2e5: {  	[sflag:s18] =	ssyncset.done $0x0  }
0x2e6: {  	[sflag:s18] =	ssyncadd.s32 $0xFFFFF600  }
0x2e7: {  	_ =	sfence.sel $0x180000  }
0x2e8: {  	[bflag:$0x0] =	sbarrier.arrive $0xFFFF  }
0x2e9: {  	_ =	strace $0x90000047  }
0x2ea: {  	s0 =	stileid.u32;
	[bflag:$0x2] =	sbarrier.arrive $0xFFFF  }
0x2eb: {  	p0 =	sne.s32 s0, $0x0;
	s0 =	rddreg [dreg:$0x4]  }
0x2ec: {  	s0 =	sadd.s32 @!p0 $0x100000, s0  }
0x2ed: {  	[sflag:s0] =	ssyncadd.tile.s32 @!p0 $0x1;
	_ =	shalt  }
.Lfunc_end2:
_tile_overlayer_lowered:
.L_overlay_start_2:
0x2ee: {  	(tag) =	ssettag $0x2  }
0x2ef: {  	s0 =	rddreg [dreg:$0x0];
	s2 =	stileid.u32  }
0x2f0: {  	s1 =	rddreg [dreg:$0x1];
	p0 =	sne.s32 s2, $0x0  }
0x2f1: {  	s3 =	rddreg [dreg:$0x2];
	[bflag:$0x3] =	sbarrier.arrive $0xFFFF;
	s2 =	simm.s32 @!p0 $0x1C05  }
0x2f2: {  	[timem:s3], [sflag:s2] =	dma.local @!p0 [hbm:s0], s1  }
0x2f3: {  	s0 =	simm.s32 @!p0 $0x5  }
0x2f4: {  	_ =	swait.ge @!p0 [sflag:s0], s1  }
0x2f5: {  	s1 =	ssub.s32 @!p0 $0x0, s1;
	[sflag:s0] =	ssyncset.done @!p0 $0x0  }
0x2f6: {  	[sflag:s0] =	ssyncadd.s32 @!p0 s1  }
0x2f7: {  	[bflag:$0x3] =	sbarrier.arrive $0xFFFF  }
0x2f8: {  	_ =	shalt  }

</sc_bundles>
